<compile_context>
chip_gen: v7x
topology: tpu7x:2x2x1
jax: 0.10.2.dev20260603
libtpu: 0.0.44.dev20260713+nightly
codegen_flags: <defaults>
</compile_context>

<pallas_src>
import functools

import jax
import jax.numpy as jnp
from jax import lax
from jax.experimental import pallas as pl
from jax.experimental.pallas import tpu as pltpu
from jax.experimental.pallas import tpu_sc as plsc

BATCH = 16384
DIM = 32
_TC_N = 3584
_SC_N = BATCH - _TC_N

_info = plsc.get_sparse_core_info()
_NC, _NS, _L = _info.num_cores, _info.num_subcores, _info.num_lanes
_NW = _NC * _NS
_BPW = _SC_N // _NW
_CHUNKS = _BPW // _L
_K = 8
_LOOK = 7

_TK = 8
_TLOOK = 6


def _sc_body(user_ids_hbm, item_ids_hbm, ut_hbm, it_hbm, out_hbm,
             uidx_v, iidx_v, tu_v, wu_v, ti_v, wi_v,
             u_ring, i_ring, out_v, sem_u, sem_i):
    wid = lax.axis_index("s") * _NC + lax.axis_index("c")
    base = wid * _BPW

    pltpu.sync_copy(user_ids_hbm.at[pl.ds(base, _BPW)], uidx_v)
    pltpu.sync_copy(item_ids_hbm.at[pl.ds(base, _BPW)], iidx_v)

    def pre_body(c, carry):
        sl = pl.ds(c * _L, _L)
        ju = uidx_v[sl]
        ji = iidx_v[sl]
        tu_v[sl] = lax.shift_right_logical(ju, 7)
        wu_v[sl] = lax.bitwise_and(ju, 127)
        ti_v[sl] = lax.shift_right_logical(ji, 7)
        wi_v[sl] = lax.bitwise_and(ji, 127)
        return carry

    lax.fori_loop(0, _CHUNKS, pre_body, 0)

    lane = lax.iota(jnp.int32, _L)
    lane_hi = lane + _L

    def fire(tu, ti, slot):
        pltpu.async_copy(
            ut_hbm.at[:, pl.ds(pl.multiple_of(tu * 128, 128), 128)],
            u_ring.at[:, pl.ds(slot * 128, 128)], sem_u.at[slot])
        pltpu.async_copy(
            it_hbm.at[:, pl.ds(pl.multiple_of(ti * 128, 128), 128)],
            i_ring.at[:, pl.ds(slot * 128, 128)], sem_i.at[slot])

    def drain(slot):
        pltpu.make_async_copy(
            ut_hbm.at[:, pl.ds(0, 128)],
            u_ring.at[:, pl.ds(slot * 128, 128)], sem_u.at[slot]).wait()
        pltpu.make_async_copy(
            it_hbm.at[:, pl.ds(0, 128)],
            i_ring.at[:, pl.ds(slot * 128, 128)], sem_i.at[slot]).wait()

    def extract(wu, wi, slot):
        cu = jnp.full((_L,), slot * 128 + wu, jnp.int32)
        ci = jnp.full((_L,), slot * 128 + wi, jnp.int32)
        u_lo = plsc.load_gather(u_ring, [lane, cu])
        u_hi = plsc.load_gather(u_ring, [lane_hi, cu])
        i_lo = plsc.load_gather(i_ring, [lane, ci])
        i_hi = plsc.load_gather(i_ring, [lane_hi, ci])
        return jnp.sum(u_lo * i_lo + u_hi * i_hi)

    tu0 = tu_v[pl.ds(0, _L)]
    ti0 = ti_v[pl.ds(0, _L)]
    for l in range(_LOOK):
        fire(tu0[l], ti0[l], l % _K)

    def chunk_body(c, carry):
        sl = pl.ds(c * _L, _L)
        wu_cur = wu_v[sl]
        wi_cur = wi_v[sl]
        tu_cur = tu_v[sl]
        ti_cur = ti_v[sl]
        nxt = pl.ds(jnp.minimum(c + 1, _CHUNKS - 1) * _L, _L)
        tu_nxt = tu_v[nxt]
        ti_nxt = ti_v[nxt]
        acc = jnp.zeros((_L,), jnp.float32)
        for l in range(_L):
            lf = l + _LOOK
            if lf < _L:
                fire(tu_cur[lf], ti_cur[lf], lf % _K)
            else:
                tun = tu_nxt[lf - _L]
                tin = ti_nxt[lf - _L]
                pl.when(c < _CHUNKS - 1)(
                    lambda tun=tun, tin=tin, lf=lf: fire(tun, tin, lf % _K))
            slot = l % _K
            drain(slot)
            s = extract(wu_cur[l], wi_cur[l], slot)
            acc = jnp.where(lane == l, s, acc)
        out_v[sl] = acc
        return carry

    lax.fori_loop(0, _CHUNKS, chunk_body, 0)

    pltpu.sync_copy(out_v, out_hbm.at[pl.ds(base, _BPW)])


def _tc_body(uids_ref, iids_ref, ut_ref, it_ref, out_ref,
             uwin, iwin, sem_u, sem_i):
    lane = lax.broadcasted_iota(jnp.int32, (1, 128), 1)
    col = lax.broadcasted_iota(jnp.int32, (DIM, 128), 1)

    def fire(q):
        slot = lax.rem(q, _TK)
        ju = uids_ref[q]
        ji = iids_ref[q]
        pltpu.make_async_copy(
            ut_ref.at[:, pl.ds(pl.multiple_of(
                lax.shift_right_logical(ju, 7) * 128, 128), 128)],
            uwin.at[slot], sem_u.at[slot]).start()
        pltpu.make_async_copy(
            it_ref.at[:, pl.ds(pl.multiple_of(
                lax.shift_right_logical(ji, 7) * 128, 128), 128)],
            iwin.at[slot], sem_i.at[slot]).start()

    def body(q, acc):
        pl.when(q < _TC_N)(lambda: fire(q))

        p = q - _TLOOK

        def do_extract():
            slot = lax.rem(p, _TK)
            pltpu.make_async_copy(
                ut_ref.at[:, pl.ds(0, 128)], uwin.at[slot],
                sem_u.at[slot]).wait()
            pltpu.make_async_copy(
                it_ref.at[:, pl.ds(0, 128)], iwin.at[slot],
                sem_i.at[slot]).wait()
            wu = lax.bitwise_and(uids_ref[p], 127)
            wi = lax.bitwise_and(iids_ref[p], 127)
            u = uwin[slot]
            i = iwin[slot]
            us = jnp.sum(jnp.where(col == wu, u, 0.0), axis=1, keepdims=True)
            is_ = jnp.sum(jnp.where(col == wi, i, 0.0), axis=1, keepdims=True)
            s = jnp.sum(us * is_)
            acc2 = jnp.where(lane == lax.rem(p, 128), s, acc)

            def flush():
                out_ref[pl.ds(lax.div(p, 128), 1), :] = acc2

            pl.when(lax.rem(p, 128) == 127)(flush)
            return jnp.where(lax.rem(p, 128) == 127,
                             jnp.zeros_like(acc2), acc2)

        return lax.cond(p >= 0, do_extract, lambda: acc)

    lax.fori_loop(0, _TC_N + _TLOOK, body, jnp.zeros((1, 128), jnp.float32))


@jax.jit
def _two_tower(user_ids, item_ids, user_emb, item_emb):
    ut = user_emb.T
    it = item_emb.T

    mesh = plsc.VectorSubcoreMesh(core_axis_name="c", subcore_axis_name="s")
    sc_kern = pl.kernel(
        _sc_body,
        mesh=mesh,
        compiler_params=pltpu.CompilerParams(
            needs_layout_passes=False, use_tc_tiling_on_sc=True),
        out_type=jax.ShapeDtypeStruct((_SC_N,), jnp.float32),
        scratch_types=[
            pltpu.VMEM((_BPW,), jnp.int32),
            pltpu.VMEM((_BPW,), jnp.int32),
            pltpu.VMEM((_BPW,), jnp.int32),
            pltpu.VMEM((_BPW,), jnp.int32),
            pltpu.VMEM((_BPW,), jnp.int32),
            pltpu.VMEM((_BPW,), jnp.int32),
            pltpu.VMEM((DIM, _K * 128), jnp.float32),
            pltpu.VMEM((DIM, _K * 128), jnp.float32),
            pltpu.VMEM((_BPW,), jnp.float32),
            pltpu.SemaphoreType.DMA((_K,)),
            pltpu.SemaphoreType.DMA((_K,)),
        ],
    )
    sc_out = sc_kern(user_ids[:_SC_N], item_ids[:_SC_N], ut, it)

    tc_out = pl.pallas_call(
        _tc_body,
        out_shape=jax.ShapeDtypeStruct((_TC_N // 128, 128), jnp.float32),
        in_specs=[
            pl.BlockSpec(memory_space=pltpu.SMEM),
            pl.BlockSpec(memory_space=pltpu.SMEM),
            pl.BlockSpec(memory_space=pltpu.HBM),
            pl.BlockSpec(memory_space=pltpu.HBM),
        ],
        scratch_shapes=[
            pltpu.VMEM((_TK, DIM, 128), jnp.float32),
            pltpu.VMEM((_TK, DIM, 128), jnp.float32),
            pltpu.SemaphoreType.DMA((_TK,)),
            pltpu.SemaphoreType.DMA((_TK,)),
        ],
    )(user_ids[_SC_N:], item_ids[_SC_N:], ut, it)

    return jnp.concatenate([sc_out, tc_out.reshape(_TC_N)])


def kernel(user_ids, item_ids, user_emb, item_emb):
    return _two_tower(user_ids.astype(jnp.int32), item_ids.astype(jnp.int32),
                      user_emb, item_emb)

# --- scband reference (transcript-rebuilt; emitter-appended) ---
"""Pipeline reference for scband-two-tower-14774687498413 (READ-ONLY COPY).

The authoritative reference and input builder live on the scoring server;
editing this copy changes nothing except your own understanding.
"""

import jax, jax.numpy as jnp
import numpy as np

N_USERS = 1000000
N_ITEMS = 1000000
DIM = 32
BATCH = 16384

def setup_inputs(seed: int = 0) -> dict:
    key = jax.random.key(seed)
    k1, k2, k3, k4 = jax.random.split(key, 4)
    user_ids = jax.random.randint(k1, (BATCH,), 0, 1000000, dtype=jnp.int64 if jax.config.jax_enable_x64 else jnp.int32)
    item_ids = jax.random.randint(k2, (BATCH,), 0, 1000000, dtype=jnp.int64 if jax.config.jax_enable_x64 else jnp.int32)
    user_emb = jax.random.normal(k3, (N_USERS + 1, DIM), dtype=jnp.float32) * 0.02
    item_emb = jax.random.normal(k4, (N_ITEMS + 1, DIM), dtype=jnp.float32) * 0.02
    return {"user_ids": user_ids, "item_ids": item_ids, "user_emb": user_emb, "item_emb": item_emb}

def reference(user_ids, item_ids, user_emb, item_emb):
    u = jnp.take(user_emb, user_ids, axis=0)
    i = jnp.take(item_emb, item_ids, axis=0)
    return (u * i).sum(axis=-1)

if __name__ == "__main__":
    import jax
    _d = setup_inputs()
    print(jax.jit(kernel)(*tuple(_d.values())))

</pallas_src>

<mosaic_0001>
#map = affine_map<(d0, d1) -> (0)>
#map1 = affine_map<(d0, d1) -> (0, 0)>
module attributes {stable_mosaic.version = 14 : i64} {
  func.func @_sc_body(%arg0: i32, %arg1: i32, %arg2: memref<12800xi32, #tpu.memory_space<hbm>>, %arg3: memref<12800xi32, #tpu.memory_space<hbm>>, %arg4: memref<32x1000001xf32, #tpu.memory_space<hbm>>, %arg5: memref<32x1000001xf32, #tpu.memory_space<hbm>>, %arg6: memref<12800xf32, #tpu.memory_space<hbm>>, %arg7: memref<400xi32, #tpu.memory_space<vmem>>, %arg8: memref<400xi32, #tpu.memory_space<vmem>>, %arg9: memref<400xi32, #tpu.memory_space<vmem>>, %arg10: memref<400xi32, #tpu.memory_space<vmem>>, %arg11: memref<400xi32, #tpu.memory_space<vmem>>, %arg12: memref<400xi32, #tpu.memory_space<vmem>>, %arg13: memref<32x1024xf32, #tpu.memory_space<vmem>>, %arg14: memref<32x1024xf32, #tpu.memory_space<vmem>>, %arg15: memref<400xf32, #tpu.memory_space<vmem>>, %arg16: memref<8x!tpu.dma_semaphore, #tpu.memory_space<semaphore_mem>>, %arg17: memref<8x!tpu.dma_semaphore, #tpu.memory_space<semaphore_mem>>) attributes {dimension_semantics = [#tpu.dimension_semantics<core_parallel>, #tpu.dimension_semantics<subcore_parallel>], iteration_bounds = array<i64: 2, 16>, scalar_prefetch = 0 : i64, scratch_operands = 11 : i64, tpu.core_type = #tpu.core_type<sc_vector_subcore>, window_params = [{transform_indices = #map}, {transform_indices = #map}, {transform_indices = #map1}, {transform_indices = #map1}, {transform_indices = #map}]} {
    %mul3A = arith.constant 2 : i32
    %mul3A_0 = arith.muli %arg1, %mul3A : i32
    %add3A = arith.addi %mul3A_0, %arg0 : i32
    %mul3A_1 = arith.constant 400 : i32
    %mul3A_2 = arith.muli %add3A, %mul3A_1 : i32
    "tpu.region"() ({
      %run_scoped3A = tpu.sem_alloc : memref<!tpu.dma_semaphore, #tpu.memory_space<semaphore_mem>>
      %dma_start3A_268 = tpu.memref_slice %arg2[%mul3A_2] : memref<12800xi32, #tpu.memory_space<hbm>> -> memref<400xi32, #tpu.memory_space<hbm>>
      %dma_start3A_269 = tpu.memref_slice %arg2[%mul3A_2] : memref<12800xi32, #tpu.memory_space<hbm>> -> memref<400xi32, #tpu.memory_space<hbm>>
      tpu.enqueue_dma source(%dma_start3A_269 : memref<400xi32, #tpu.memory_space<hbm>>) target(%arg7 : memref<400xi32, #tpu.memory_space<vmem>>) target_semaphore(%run_scoped3A : memref<!tpu.dma_semaphore, #tpu.memory_space<semaphore_mem>>)
      %dma_wait3A = tpu.memref_slice %arg2[%mul3A_2] : memref<12800xi32, #tpu.memory_space<hbm>> -> memref<400xi32, #tpu.memory_space<hbm>>
      %dma_wait3A_270 = tpu.memref_slice %arg2[%mul3A_2] : memref<12800xi32, #tpu.memory_space<hbm>> -> memref<400xi32, #tpu.memory_space<hbm>>
      tpu.wait_dma2 semaphore(%run_scoped3A : memref<!tpu.dma_semaphore, #tpu.memory_space<semaphore_mem>>) src(%dma_wait3A_270 : memref<400xi32, #tpu.memory_space<hbm>>) dst(%arg7 : memref<400xi32, #tpu.memory_space<vmem>>)
      tpu.yield
    }) : () -> ()
    "tpu.region"() ({
      %run_scoped3A = tpu.sem_alloc : memref<!tpu.dma_semaphore, #tpu.memory_space<semaphore_mem>>
      %dma_start3A_268 = tpu.memref_slice %arg3[%mul3A_2] : memref<12800xi32, #tpu.memory_space<hbm>> -> memref<400xi32, #tpu.memory_space<hbm>>
      %dma_start3A_269 = tpu.memref_slice %arg3[%mul3A_2] : memref<12800xi32, #tpu.memory_space<hbm>> -> memref<400xi32, #tpu.memory_space<hbm>>
      tpu.enqueue_dma source(%dma_start3A_269 : memref<400xi32, #tpu.memory_space<hbm>>) target(%arg8 : memref<400xi32, #tpu.memory_space<vmem>>) target_semaphore(%run_scoped3A : memref<!tpu.dma_semaphore, #tpu.memory_space<semaphore_mem>>)
      %dma_wait3A = tpu.memref_slice %arg3[%mul3A_2] : memref<12800xi32, #tpu.memory_space<hbm>> -> memref<400xi32, #tpu.memory_space<hbm>>
      %dma_wait3A_270 = tpu.memref_slice %arg3[%mul3A_2] : memref<12800xi32, #tpu.memory_space<hbm>> -> memref<400xi32, #tpu.memory_space<hbm>>
      tpu.wait_dma2 semaphore(%run_scoped3A : memref<!tpu.dma_semaphore, #tpu.memory_space<semaphore_mem>>) src(%dma_wait3A_270 : memref<400xi32, #tpu.memory_space<hbm>>) dst(%arg8 : memref<400xi32, #tpu.memory_space<vmem>>)
      tpu.yield
    }) : () -> ()
    %scan3A = arith.constant 0 : i32
    %scan3A_3 = arith.constant 0 : i32
    %scan3A_4 = arith.constant 25 : i32
    %scan3A_5 = arith.addi %scan3A_3, %scan3A_4 : i32
    %scan3A_6 = arith.constant 1 : i32
    scf.for %scan3A_268 = %scan3A_3 to %scan3A_5 step %scan3A_6  : i32 {
      %mul3A_269 = arith.constant 16 : i32
      %mul3A_270 = arith.muli %scan3A_268, %mul3A_269 : i32
      %get3A_271 = arith.index_cast %mul3A_270 : i32 to index
      %get3A_272 = tpu.vector_load %arg7[%get3A_271] {strides = array<i32>} : memref<400xi32, #tpu.memory_space<vmem>>, vector<16xi32>,
      %get3A_273 = arith.index_cast %mul3A_270 : i32 to index
      %get3A_274 = tpu.vector_load %arg8[%get3A_273] {strides = array<i32>} : memref<400xi32, #tpu.memory_space<vmem>>, vector<16xi32>,
      %shift_right_logical3A = arith.constant 7 : i32
      %shift_right_logical3A_275 = vector.broadcast %shift_right_logical3A : i32 to vector<16xi32>
      %shift_right_logical3A_276 = arith.shrui %get3A_272, %shift_right_logical3A_275 : vector<16xi32>
      %swap3A = arith.index_cast %mul3A_270 : i32 to index
      %swap3A_277 = tpu.vector_load %arg9[%swap3A] {strides = array<i32>} : memref<400xi32, #tpu.memory_space<vmem>>, vector<16xi32>,
      tpu.vector_store %arg9[%swap3A], %shift_right_logical3A_276 {strides = array<i32>} : memref<400xi32, #tpu.memory_space<vmem>>, vector<16xi32>,
      %and3A = arith.constant 127 : i32
      %and3A_278 = vector.broadcast %and3A : i32 to vector<16xi32>
      %and3A_279 = arith.andi %get3A_272, %and3A_278 : vector<16xi32>
      %swap3A_280 = arith.index_cast %mul3A_270 : i32 to index
      %swap3A_281 = tpu.vector_load %arg10[%swap3A_280] {strides = array<i32>} : memref<400xi32, #tpu.memory_space<vmem>>, vector<16xi32>,
      tpu.vector_store %arg10[%swap3A_280], %and3A_279 {strides = array<i32>} : memref<400xi32, #tpu.memory_space<vmem>>, vector<16xi32>,
      %shift_right_logical3A_282 = arith.constant 7 : i32
      %shift_right_logical3A_283 = vector.broadcast %shift_right_logical3A_282 : i32 to vector<16xi32>
      %shift_right_logical3A_284 = arith.shrui %get3A_274, %shift_right_logical3A_283 : vector<16xi32>
      %swap3A_285 = arith.index_cast %mul3A_270 : i32 to index
      %swap3A_286 = tpu.vector_load %arg11[%swap3A_285] {strides = array<i32>} : memref<400xi32, #tpu.memory_space<vmem>>, vector<16xi32>,
      tpu.vector_store %arg11[%swap3A_285], %shift_right_logical3A_284 {strides = array<i32>} : memref<400xi32, #tpu.memory_space<vmem>>, vector<16xi32>,
      %and3A_287 = arith.constant 127 : i32
      %and3A_288 = vector.broadcast %and3A_287 : i32 to vector<16xi32>
      %and3A_289 = arith.andi %get3A_274, %and3A_288 : vector<16xi32>
      %swap3A_290 = arith.index_cast %mul3A_270 : i32 to index
      %swap3A_291 = tpu.vector_load %arg12[%swap3A_290] {strides = array<i32>} : memref<400xi32, #tpu.memory_space<vmem>>, vector<16xi32>,
      tpu.vector_store %arg12[%swap3A_290], %and3A_289 {strides = array<i32>} : memref<400xi32, #tpu.memory_space<vmem>>, vector<16xi32>,
    }
    %scan3A_7 = arith.constant 25 : i32
    %iota3A = tpu.iota {dimensions = array<i32: 0>} : vector<16xi32>
    %add3A_8 = arith.constant 16 : i32
    %add3A_9 = vector.broadcast %add3A_8 : i32 to vector<16xi32>
    %add3A_10 = arith.addi %iota3A, %add3A_9 : vector<16xi32>
    %get3A = arith.constant 0 : index
    %get3A_11 = tpu.vector_load %arg9[%get3A] {strides = array<i32>} : memref<400xi32, #tpu.memory_space<vmem>>, vector<16xi32>,
    %get3A_12 = arith.constant 0 : index
    %get3A_13 = tpu.vector_load %arg11[%get3A_12] {strides = array<i32>} : memref<400xi32, #tpu.memory_space<vmem>>, vector<16xi32>,
    %slice3A = vector.extract_strided_slice %get3A_11 {offsets = [0], sizes = [1], strides = [1]} : vector<16xi32> to vector<1xi32>
    %squeeze3A = vector.extract %slice3A[0] : i32 from vector<1xi32>
    %slice3A_14 = vector.extract_strided_slice %get3A_13 {offsets = [0], sizes = [1], strides = [1]} : vector<16xi32> to vector<1xi32>
    %squeeze3A_15 = vector.extract %slice3A_14[0] : i32 from vector<1xi32>
    %mul3A_16 = arith.constant 128 : i32
    %mul3A_17 = arith.muli %squeeze3A, %mul3A_16 : i32
    %multiple_of3A = tpu.assume_multiple %mul3A_17, 128 : i32
    %dma_start3A = arith.constant 0 : i32
    %dma_start3A_18 = arith.constant 0 : i32
    %dma_start3A_19 = arith.constant 0 : i32
    %dma_start3A_20 = tpu.memref_slice %arg13[%dma_start3A_18, %dma_start3A_19] : memref<32x1024xf32, #tpu.memory_space<vmem>> -> memref<32x128xf32, #tpu.memory_space<vmem>>
    %dma_start3A_21 = arith.constant 0 : i32
    %dma_start3A_22 = tpu.memref_slice %arg4[%dma_start3A_21, %multiple_of3A] : memref<32x1000001xf32, #tpu.memory_space<hbm>> -> memref<32x128xf32, #tpu.memory_space<hbm>>
    %dma_start3A_23 = tpu.memref_slice %arg16[%dma_start3A] : memref<8x!tpu.dma_semaphore, #tpu.memory_space<semaphore_mem>> -> memref<1x!tpu.dma_semaphore, #tpu.memory_space<semaphore_mem>>
    %dma_start3A_24 = tpu.memref_squeeze %dma_start3A_23 : memref<1x!tpu.dma_semaphore, #tpu.memory_space<semaphore_mem>> -> memref<!tpu.dma_semaphore, #tpu.memory_space<semaphore_mem>>
    %dma_start3A_25 = arith.constant 0 : i32
    %dma_start3A_26 = arith.constant 0 : i32
    %dma_start3A_27 = tpu.memref_slice %arg13[%dma_start3A_25, %dma_start3A_26] : memref<32x1024xf32, #tpu.memory_space<vmem>> -> memref<32x128xf32, #tpu.memory_space<vmem>>
    %dma_start3A_28 = arith.constant 0 : i32
    %dma_start3A_29 = tpu.memref_slice %arg4[%dma_start3A_28, %multiple_of3A] : memref<32x1000001xf32, #tpu.memory_space<hbm>> -> memref<32x128xf32, #tpu.memory_space<hbm>>
    tpu.enqueue_dma source(%dma_start3A_29 : memref<32x128xf32, #tpu.memory_space<hbm>>) target(%dma_start3A_27 : memref<32x128xf32, #tpu.memory_space<vmem>>) target_semaphore(%dma_start3A_24 : memref<!tpu.dma_semaphore, #tpu.memory_space<semaphore_mem>>)
    %mul3A_30 = arith.constant 128 : i32
    %mul3A_31 = arith.muli %squeeze3A_15, %mul3A_30 : i32
    %multiple_of3A_32 = tpu.assume_multiple %mul3A_31, 128 : i32
    %dma_start3A_33 = arith.constant 0 : i32
    %dma_start3A_34 = arith.constant 0 : i32
    %dma_start3A_35 = arith.constant 0 : i32
    %dma_start3A_36 = tpu.memref_slice %arg14[%dma_start3A_34, %dma_start3A_35] : memref<32x1024xf32, #tpu.memory_space<vmem>> -> memref<32x128xf32, #tpu.memory_space<vmem>>
    %dma_start3A_37 = arith.constant 0 : i32
    %dma_start3A_38 = tpu.memref_slice %arg5[%dma_start3A_37, %multiple_of3A_32] : memref<32x1000001xf32, #tpu.memory_space<hbm>> -> memref<32x128xf32, #tpu.memory_space<hbm>>
    %dma_start3A_39 = tpu.memref_slice %arg17[%dma_start3A_33] : memref<8x!tpu.dma_semaphore, #tpu.memory_space<semaphore_mem>> -> memref<1x!tpu.dma_semaphore, #tpu.memory_space<semaphore_mem>>
    %dma_start3A_40 = tpu.memref_squeeze %dma_start3A_39 : memref<1x!tpu.dma_semaphore, #tpu.memory_space<semaphore_mem>> -> memref<!tpu.dma_semaphore, #tpu.memory_space<semaphore_mem>>
    %dma_start3A_41 = arith.constant 0 : i32
    %dma_start3A_42 = arith.constant 0 : i32
    %dma_start3A_43 = tpu.memref_slice %arg14[%dma_start3A_41, %dma_start3A_42] : memref<32x1024xf32, #tpu.memory_space<vmem>> -> memref<32x128xf32, #tpu.memory_space<vmem>>
    %dma_start3A_44 = arith.constant 0 : i32
    %dma_start3A_45 = tpu.memref_slice %arg5[%dma_start3A_44, %multiple_of3A_32] : memref<32x1000001xf32, #tpu.memory_space<hbm>> -> memref<32x128xf32, #tpu.memory_space<hbm>>
    tpu.enqueue_dma source(%dma_start3A_45 : memref<32x128xf32, #tpu.memory_space<hbm>>) target(%dma_start3A_43 : memref<32x128xf32, #tpu.memory_space<vmem>>) target_semaphore(%dma_start3A_40 : memref<!tpu.dma_semaphore, #tpu.memory_space<semaphore_mem>>)
    %slice3A_46 = vector.extract_strided_slice %get3A_11 {offsets = [1], sizes = [1], strides = [1]} : vector<16xi32> to vector<1xi32>
    %squeeze3A_47 = vector.extract %slice3A_46[0] : i32 from vector<1xi32>
    %slice3A_48 = vector.extract_strided_slice %get3A_13 {offsets = [1], sizes = [1], strides = [1]} : vector<16xi32> to vector<1xi32>
    %squeeze3A_49 = vector.extract %slice3A_48[0] : i32 from vector<1xi32>
    %mul3A_50 = arith.constant 128 : i32
    %mul3A_51 = arith.muli %squeeze3A_47, %mul3A_50 : i32
    %multiple_of3A_52 = tpu.assume_multiple %mul3A_51, 128 : i32
    %dma_start3A_53 = arith.constant 1 : i32
    %dma_start3A_54 = arith.constant 0 : i32
    %dma_start3A_55 = arith.constant 128 : i32
    %dma_start3A_56 = tpu.memref_slice %arg13[%dma_start3A_54, %dma_start3A_55] : memref<32x1024xf32, #tpu.memory_space<vmem>> -> memref<32x128xf32, #tpu.memory_space<vmem>>
    %dma_start3A_57 = arith.constant 0 : i32
    %dma_start3A_58 = tpu.memref_slice %arg4[%dma_start3A_57, %multiple_of3A_52] : memref<32x1000001xf32, #tpu.memory_space<hbm>> -> memref<32x128xf32, #tpu.memory_space<hbm>>
    %dma_start3A_59 = tpu.memref_slice %arg16[%dma_start3A_53] : memref<8x!tpu.dma_semaphore, #tpu.memory_space<semaphore_mem>> -> memref<1x!tpu.dma_semaphore, #tpu.memory_space<semaphore_mem>>
    %dma_start3A_60 = tpu.memref_squeeze %dma_start3A_59 : memref<1x!tpu.dma_semaphore, #tpu.memory_space<semaphore_mem>> -> memref<!tpu.dma_semaphore, #tpu.memory_space<semaphore_mem>>
    %dma_start3A_61 = arith.constant 0 : i32
    %dma_start3A_62 = arith.constant 128 : i32
    %dma_start3A_63 = tpu.memref_slice %arg13[%dma_start3A_61, %dma_start3A_62] : memref<32x1024xf32, #tpu.memory_space<vmem>> -> memref<32x128xf32, #tpu.memory_space<vmem>>
    %dma_start3A_64 = arith.constant 0 : i32
    %dma_start3A_65 = tpu.memref_slice %arg4[%dma_start3A_64, %multiple_of3A_52] : memref<32x1000001xf32, #tpu.memory_space<hbm>> -> memref<32x128xf32, #tpu.memory_space<hbm>>
    tpu.enqueue_dma source(%dma_start3A_65 : memref<32x128xf32, #tpu.memory_space<hbm>>) target(%dma_start3A_63 : memref<32x128xf32, #tpu.memory_space<vmem>>) target_semaphore(%dma_start3A_60 : memref<!tpu.dma_semaphore, #tpu.memory_space<semaphore_mem>>)
    %mul3A_66 = arith.constant 128 : i32
    %mul3A_67 = arith.muli %squeeze3A_49, %mul3A_66 : i32
    %multiple_of3A_68 = tpu.assume_multiple %mul3A_67, 128 : i32
    %dma_start3A_69 = arith.constant 1 : i32
    %dma_start3A_70 = arith.constant 0 : i32
    %dma_start3A_71 = arith.constant 128 : i32
    %dma_start3A_72 = tpu.memref_slice %arg14[%dma_start3A_70, %dma_start3A_71] : memref<32x1024xf32, #tpu.memory_space<vmem>> -> memref<32x128xf32, #tpu.memory_space<vmem>>
    %dma_start3A_73 = arith.constant 0 : i32
    %dma_start3A_74 = tpu.memref_slice %arg5[%dma_start3A_73, %multiple_of3A_68] : memref<32x1000001xf32, #tpu.memory_space<hbm>> -> memref<32x128xf32, #tpu.memory_space<hbm>>
    %dma_start3A_75 = tpu.memref_slice %arg17[%dma_start3A_69] : memref<8x!tpu.dma_semaphore, #tpu.memory_space<semaphore_mem>> -> memref<1x!tpu.dma_semaphore, #tpu.memory_space<semaphore_mem>>
    %dma_start3A_76 = tpu.memref_squeeze %dma_start3A_75 : memref<1x!tpu.dma_semaphore, #tpu.memory_space<semaphore_mem>> -> memref<!tpu.dma_semaphore, #tpu.memory_space<semaphore_mem>>
    %dma_start3A_77 = arith.constant 0 : i32
    %dma_start3A_78 = arith.constant 128 : i32
    %dma_start3A_79 = tpu.memref_slice %arg14[%dma_start3A_77, %dma_start3A_78] : memref<32x1024xf32, #tpu.memory_space<vmem>> -> memref<32x128xf32, #tpu.memory_space<vmem>>
    %dma_start3A_80 = arith.constant 0 : i32
    %dma_start3A_81 = tpu.memref_slice %arg5[%dma_start3A_80, %multiple_of3A_68] : memref<32x1000001xf32, #tpu.memory_space<hbm>> -> memref<32x128xf32, #tpu.memory_space<hbm>>
    tpu.enqueue_dma source(%dma_start3A_81 : memref<32x128xf32, #tpu.memory_space<hbm>>) target(%dma_start3A_79 : memref<32x128xf32, #tpu.memory_space<vmem>>) target_semaphore(%dma_start3A_76 : memref<!tpu.dma_semaphore, #tpu.memory_space<semaphore_mem>>)
    %slice3A_82 = vector.extract_strided_slice %get3A_11 {offsets = [2], sizes = [1], strides = [1]} : vector<16xi32> to vector<1xi32>
    %squeeze3A_83 = vector.extract %slice3A_82[0] : i32 from vector<1xi32>
    %slice3A_84 = vector.extract_strided_slice %get3A_13 {offsets = [2], sizes = [1], strides = [1]} : vector<16xi32> to vector<1xi32>
    %squeeze3A_85 = vector.extract %slice3A_84[0] : i32 from vector<1xi32>
    %mul3A_86 = arith.constant 128 : i32
    %mul3A_87 = arith.muli %squeeze3A_83, %mul3A_86 : i32
    %multiple_of3A_88 = tpu.assume_multiple %mul3A_87, 128 : i32
    %dma_start3A_89 = arith.constant 2 : i32
    %dma_start3A_90 = arith.constant 0 : i32
    %dma_start3A_91 = arith.constant 256 : i32
    %dma_start3A_92 = tpu.memref_slice %arg13[%dma_start3A_90, %dma_start3A_91] : memref<32x1024xf32, #tpu.memory_space<vmem>> -> memref<32x128xf32, #tpu.memory_space<vmem>>
    %dma_start3A_93 = arith.constant 0 : i32
    %dma_start3A_94 = tpu.memref_slice %arg4[%dma_start3A_93, %multiple_of3A_88] : memref<32x1000001xf32, #tpu.memory_space<hbm>> -> memref<32x128xf32, #tpu.memory_space<hbm>>
    %dma_start3A_95 = tpu.memref_slice %arg16[%dma_start3A_89] : memref<8x!tpu.dma_semaphore, #tpu.memory_space<semaphore_mem>> -> memref<1x!tpu.dma_semaphore, #tpu.memory_space<semaphore_mem>>
    %dma_start3A_96 = tpu.memref_squeeze %dma_start3A_95 : memref<1x!tpu.dma_semaphore, #tpu.memory_space<semaphore_mem>> -> memref<!tpu.dma_semaphore, #tpu.memory_space<semaphore_mem>>
    %dma_start3A_97 = arith.constant 0 : i32
    %dma_start3A_98 = arith.constant 256 : i32
    %dma_start3A_99 = tpu.memref_slice %arg13[%dma_start3A_97, %dma_start3A_98] : memref<32x1024xf32, #tpu.memory_space<vmem>> -> memref<32x128xf32, #tpu.memory_space<vmem>>
    %dma_start3A_100 = arith.constant 0 : i32
    %dma_start3A_101 = tpu.memref_slice %arg4[%dma_start3A_100, %multiple_of3A_88] : memref<32x1000001xf32, #tpu.memory_space<hbm>> -> memref<32x128xf32, #tpu.memory_space<hbm>>
    tpu.enqueue_dma source(%dma_start3A_101 : memref<32x128xf32, #tpu.memory_space<hbm>>) target(%dma_start3A_99 : memref<32x128xf32, #tpu.memory_space<vmem>>) target_semaphore(%dma_start3A_96 : memref<!tpu.dma_semaphore, #tpu.memory_space<semaphore_mem>>)
    %mul3A_102 = arith.constant 128 : i32
    %mul3A_103 = arith.muli %squeeze3A_85, %mul3A_102 : i32
    %multiple_of3A_104 = tpu.assume_multiple %mul3A_103, 128 : i32
    %dma_start3A_105 = arith.constant 2 : i32
    %dma_start3A_106 = arith.constant 0 : i32
    %dma_start3A_107 = arith.constant 256 : i32
    %dma_start3A_108 = tpu.memref_slice %arg14[%dma_start3A_106, %dma_start3A_107] : memref<32x1024xf32, #tpu.memory_space<vmem>> -> memref<32x128xf32, #tpu.memory_space<vmem>>
    %dma_start3A_109 = arith.constant 0 : i32
    %dma_start3A_110 = tpu.memref_slice %arg5[%dma_start3A_109, %multiple_of3A_104] : memref<32x1000001xf32, #tpu.memory_space<hbm>> -> memref<32x128xf32, #tpu.memory_space<hbm>>
    %dma_start3A_111 = tpu.memref_slice %arg17[%dma_start3A_105] : memref<8x!tpu.dma_semaphore, #tpu.memory_space<semaphore_mem>> -> memref<1x!tpu.dma_semaphore, #tpu.memory_space<semaphore_mem>>
    %dma_start3A_112 = tpu.memref_squeeze %dma_start3A_111 : memref<1x!tpu.dma_semaphore, #tpu.memory_space<semaphore_mem>> -> memref<!tpu.dma_semaphore, #tpu.memory_space<semaphore_mem>>
    %dma_start3A_113 = arith.constant 0 : i32
    %dma_start3A_114 = arith.constant 256 : i32
    %dma_start3A_115 = tpu.memref_slice %arg14[%dma_start3A_113, %dma_start3A_114] : memref<32x1024xf32, #tpu.memory_space<vmem>> -> memref<32x128xf32, #tpu.memory_space<vmem>>
    %dma_start3A_116 = arith.constant 0 : i32
    %dma_start3A_117 = tpu.memref_slice %arg5[%dma_start3A_116, %multiple_of3A_104] : memref<32x1000001xf32, #tpu.memory_space<hbm>> -> memref<32x128xf32, #tpu.memory_space<hbm>>
    tpu.enqueue_dma source(%dma_start3A_117 : memref<32x128xf32, #tpu.memory_space<hbm>>) target(%dma_start3A_115 : memref<32x128xf32, #tpu.memory_space<vmem>>) target_semaphore(%dma_start3A_112 : memref<!tpu.dma_semaphore, #tpu.memory_space<semaphore_mem>>)
    %slice3A_118 = vector.extract_strided_slice %get3A_11 {offsets = [3], sizes = [1], strides = [1]} : vector<16xi32> to vector<1xi32>
    %squeeze3A_119 = vector.extract %slice3A_118[0] : i32 from vector<1xi32>
    %slice3A_120 = vector.extract_strided_slice %get3A_13 {offsets = [3], sizes = [1], strides = [1]} : vector<16xi32> to vector<1xi32>
    %squeeze3A_121 = vector.extract %slice3A_120[0] : i32 from vector<1xi32>
    %mul3A_122 = arith.constant 128 : i32
    %mul3A_123 = arith.muli %squeeze3A_119, %mul3A_122 : i32
    %multiple_of3A_124 = tpu.assume_multiple %mul3A_123, 128 : i32
    %dma_start3A_125 = arith.constant 3 : i32
    %dma_start3A_126 = arith.constant 0 : i32
    %dma_start3A_127 = arith.constant 384 : i32
    %dma_start3A_128 = tpu.memref_slice %arg13[%dma_start3A_126, %dma_start3A_127] : memref<32x1024xf32, #tpu.memory_space<vmem>> -> memref<32x128xf32, #tpu.memory_space<vmem>>
    %dma_start3A_129 = arith.constant 0 : i32
    %dma_start3A_130 = tpu.memref_slice %arg4[%dma_start3A_129, %multiple_of3A_124] : memref<32x1000001xf32, #tpu.memory_space<hbm>> -> memref<32x128xf32, #tpu.memory_space<hbm>>
    %dma_start3A_131 = tpu.memref_slice %arg16[%dma_start3A_125] : memref<8x!tpu.dma_semaphore, #tpu.memory_space<semaphore_mem>> -> memref<1x!tpu.dma_semaphore, #tpu.memory_space<semaphore_mem>>
    %dma_start3A_132 = tpu.memref_squeeze %dma_start3A_131 : memref<1x!tpu.dma_semaphore, #tpu.memory_space<semaphore_mem>> -> memref<!tpu.dma_semaphore, #tpu.memory_space<semaphore_mem>>
    %dma_start3A_133 = arith.constant 0 : i32
    %dma_start3A_134 = arith.constant 384 : i32
    %dma_start3A_135 = tpu.memref_slice %arg13[%dma_start3A_133, %dma_start3A_134] : memref<32x1024xf32, #tpu.memory_space<vmem>> -> memref<32x128xf32, #tpu.memory_space<vmem>>
    %dma_start3A_136 = arith.constant 0 : i32
    %dma_start3A_137 = tpu.memref_slice %arg4[%dma_start3A_136, %multiple_of3A_124] : memref<32x1000001xf32, #tpu.memory_space<hbm>> -> memref<32x128xf32, #tpu.memory_space<hbm>>
    tpu.enqueue_dma source(%dma_start3A_137 : memref<32x128xf32, #tpu.memory_space<hbm>>) target(%dma_start3A_135 : memref<32x128xf32, #tpu.memory_space<vmem>>) target_semaphore(%dma_start3A_132 : memref<!tpu.dma_semaphore, #tpu.memory_space<semaphore_mem>>)
    %mul3A_138 = arith.constant 128 : i32
    %mul3A_139 = arith.muli %squeeze3A_121, %mul3A_138 : i32
    %multiple_of3A_140 = tpu.assume_multiple %mul3A_139, 128 : i32
    %dma_start3A_141 = arith.constant 3 : i32
    %dma_start3A_142 = arith.constant 0 : i32
    %dma_start3A_143 = arith.constant 384 : i32
    %dma_start3A_144 = tpu.memref_slice %arg14[%dma_start3A_142, %dma_start3A_143] : memref<32x1024xf32, #tpu.memory_space<vmem>> -> memref<32x128xf32, #tpu.memory_space<vmem>>
    %dma_start3A_145 = arith.constant 0 : i32
    %dma_start3A_146 = tpu.memref_slice %arg5[%dma_start3A_145, %multiple_of3A_140] : memref<32x1000001xf32, #tpu.memory_space<hbm>> -> memref<32x128xf32, #tpu.memory_space<hbm>>
    %dma_start3A_147 = tpu.memref_slice %arg17[%dma_start3A_141] : memref<8x!tpu.dma_semaphore, #tpu.memory_space<semaphore_mem>> -> memref<1x!tpu.dma_semaphore, #tpu.memory_space<semaphore_mem>>
    %dma_start3A_148 = tpu.memref_squeeze %dma_start3A_147 : memref<1x!tpu.dma_semaphore, #tpu.memory_space<semaphore_mem>> -> memref<!tpu.dma_semaphore, #tpu.memory_space<semaphore_mem>>
    %dma_start3A_149 = arith.constant 0 : i32
    %dma_start3A_150 = arith.constant 384 : i32
    %dma_start3A_151 = tpu.memref_slice %arg14[%dma_start3A_149, %dma_start3A_150] : memref<32x1024xf32, #tpu.memory_space<vmem>> -> memref<32x128xf32, #tpu.memory_space<vmem>>
    %dma_start3A_152 = arith.constant 0 : i32
    %dma_start3A_153 = tpu.memref_slice %arg5[%dma_start3A_152, %multiple_of3A_140] : memref<32x1000001xf32, #tpu.memory_space<hbm>> -> memref<32x128xf32, #tpu.memory_space<hbm>>
    tpu.enqueue_dma source(%dma_start3A_153 : memref<32x128xf32, #tpu.memory_space<hbm>>) target(%dma_start3A_151 : memref<32x128xf32, #tpu.memory_space<vmem>>) target_semaphore(%dma_start3A_148 : memref<!tpu.dma_semaphore, #tpu.memory_space<semaphore_mem>>)
    %slice3A_154 = vector.extract_strided_slice %get3A_11 {offsets = [4], sizes = [1], strides = [1]} : vector<16xi32> to vector<1xi32>
    %squeeze3A_155 = vector.extract %slice3A_154[0] : i32 from vector<1xi32>
    %slice3A_156 = vector.extract_strided_slice %get3A_13 {offsets = [4], sizes = [1], strides = [1]} : vector<16xi32> to vector<1xi32>
    %squeeze3A_157 = vector.extract %slice3A_156[0] : i32 from vector<1xi32>
    %mul3A_158 = arith.constant 128 : i32
    %mul3A_159 = arith.muli %squeeze3A_155, %mul3A_158 : i32
    %multiple_of3A_160 = tpu.assume_multiple %mul3A_159, 128 : i32
    %dma_start3A_161 = arith.constant 4 : i32
    %dma_start3A_162 = arith.constant 0 : i32
    %dma_start3A_163 = arith.constant 512 : i32
    %dma_start3A_164 = tpu.memref_slice %arg13[%dma_start3A_162, %dma_start3A_163] : memref<32x1024xf32, #tpu.memory_space<vmem>> -> memref<32x128xf32, #tpu.memory_space<vmem>>
    %dma_start3A_165 = arith.constant 0 : i32
    %dma_start3A_166 = tpu.memref_slice %arg4[%dma_start3A_165, %multiple_of3A_160] : memref<32x1000001xf32, #tpu.memory_space<hbm>> -> memref<32x128xf32, #tpu.memory_space<hbm>>
    %dma_start3A_167 = tpu.memref_slice %arg16[%dma_start3A_161] : memref<8x!tpu.dma_semaphore, #tpu.memory_space<semaphore_mem>> -> memref<1x!tpu.dma_semaphore, #tpu.memory_space<semaphore_mem>>
    %dma_start3A_168 = tpu.memref_squeeze %dma_start3A_167 : memref<1x!tpu.dma_semaphore, #tpu.memory_space<semaphore_mem>> -> memref<!tpu.dma_semaphore, #tpu.memory_space<semaphore_mem>>
    %dma_start3A_169 = arith.constant 0 : i32
    %dma_start3A_170 = arith.constant 512 : i32
    %dma_start3A_171 = tpu.memref_slice %arg13[%dma_start3A_169, %dma_start3A_170] : memref<32x1024xf32, #tpu.memory_space<vmem>> -> memref<32x128xf32, #tpu.memory_space<vmem>>
    %dma_start3A_172 = arith.constant 0 : i32
    %dma_start3A_173 = tpu.memref_slice %arg4[%dma_start3A_172, %multiple_of3A_160] : memref<32x1000001xf32, #tpu.memory_space<hbm>> -> memref<32x128xf32, #tpu.memory_space<hbm>>
    tpu.enqueue_dma source(%dma_start3A_173 : memref<32x128xf32, #tpu.memory_space<hbm>>) target(%dma_start3A_171 : memref<32x128xf32, #tpu.memory_space<vmem>>) target_semaphore(%dma_start3A_168 : memref<!tpu.dma_semaphore, #tpu.memory_space<semaphore_mem>>)
    %mul3A_174 = arith.constant 128 : i32
    %mul3A_175 = arith.muli %squeeze3A_157, %mul3A_174 : i32
    %multiple_of3A_176 = tpu.assume_multiple %mul3A_175, 128 : i32
    %dma_start3A_177 = arith.constant 4 : i32
    %dma_start3A_178 = arith.constant 0 : i32
    %dma_start3A_179 = arith.constant 512 : i32
    %dma_start3A_180 = tpu.memref_slice %arg14[%dma_start3A_178, %dma_start3A_179] : memref<32x1024xf32, #tpu.memory_space<vmem>> -> memref<32x128xf32, #tpu.memory_space<vmem>>
    %dma_start3A_181 = arith.constant 0 : i32
    %dma_start3A_182 = tpu.memref_slice %arg5[%dma_start3A_181, %multiple_of3A_176] : memref<32x1000001xf32, #tpu.memory_space<hbm>> -> memref<32x128xf32, #tpu.memory_space<hbm>>
    %dma_start3A_183 = tpu.memref_slice %arg17[%dma_start3A_177] : memref<8x!tpu.dma_semaphore, #tpu.memory_space<semaphore_mem>> -> memref<1x!tpu.dma_semaphore, #tpu.memory_space<semaphore_mem>>
    %dma_start3A_184 = tpu.memref_squeeze %dma_start3A_183 : memref<1x!tpu.dma_semaphore, #tpu.memory_space<semaphore_mem>> -> memref<!tpu.dma_semaphore, #tpu.memory_space<semaphore_mem>>
    %dma_start3A_185 = arith.constant 0 : i32
    %dma_start3A_186 = arith.constant 512 : i32
    %dma_start3A_187 = tpu.memref_slice %arg14[%dma_start3A_185, %dma_start3A_186] : memref<32x1024xf32, #tpu.memory_space<vmem>> -> memref<32x128xf32, #tpu.memory_space<vmem>>
    %dma_start3A_188 = arith.constant 0 : i32
    %dma_start3A_189 = tpu.memref_slice %arg5[%dma_start3A_188, %multiple_of3A_176] : memref<32x1000001xf32, #tpu.memory_space<hbm>> -> memref<32x128xf32, #tpu.memory_space<hbm>>
    tpu.enqueue_dma source(%dma_start3A_189 : memref<32x128xf32, #tpu.memory_space<hbm>>) target(%dma_start3A_187 : memref<32x128xf32, #tpu.memory_space<vmem>>) target_semaphore(%dma_start3A_184 : memref<!tpu.dma_semaphore, #tpu.memory_space<semaphore_mem>>)
    %slice3A_190 = vector.extract_strided_slice %get3A_11 {offsets = [5], sizes = [1], strides = [1]} : vector<16xi32> to vector<1xi32>
    %squeeze3A_191 = vector.extract %slice3A_190[0] : i32 from vector<1xi32>
    %slice3A_192 = vector.extract_strided_slice %get3A_13 {offsets = [5], sizes = [1], strides = [1]} : vector<16xi32> to vector<1xi32>
    %squeeze3A_193 = vector.extract %slice3A_192[0] : i32 from vector<1xi32>
    %mul3A_194 = arith.constant 128 : i32
    %mul3A_195 = arith.muli %squeeze3A_191, %mul3A_194 : i32
    %multiple_of3A_196 = tpu.assume_multiple %mul3A_195, 128 : i32
    %dma_start3A_197 = arith.constant 5 : i32
    %dma_start3A_198 = arith.constant 0 : i32
    %dma_start3A_199 = arith.constant 640 : i32
    %dma_start3A_200 = tpu.memref_slice %arg13[%dma_start3A_198, %dma_start3A_199] : memref<32x1024xf32, #tpu.memory_space<vmem>> -> memref<32x128xf32, #tpu.memory_space<vmem>>
    %dma_start3A_201 = arith.constant 0 : i32
    %dma_start3A_202 = tpu.memref_slice %arg4[%dma_start3A_201, %multiple_of3A_196] : memref<32x1000001xf32, #tpu.memory_space<hbm>> -> memref<32x128xf32, #tpu.memory_space<hbm>>
    %dma_start3A_203 = tpu.memref_slice %arg16[%dma_start3A_197] : memref<8x!tpu.dma_semaphore, #tpu.memory_space<semaphore_mem>> -> memref<1x!tpu.dma_semaphore, #tpu.memory_space<semaphore_mem>>
    %dma_start3A_204 = tpu.memref_squeeze %dma_start3A_203 : memref<1x!tpu.dma_semaphore, #tpu.memory_space<semaphore_mem>> -> memref<!tpu.dma_semaphore, #tpu.memory_space<semaphore_mem>>
    %dma_start3A_205 = arith.constant 0 : i32
    %dma_start3A_206 = arith.constant 640 : i32
    %dma_start3A_207 = tpu.memref_slice %arg13[%dma_start3A_205, %dma_start3A_206] : memref<32x1024xf32, #tpu.memory_space<vmem>> -> memref<32x128xf32, #tpu.memory_space<vmem>>
    %dma_start3A_208 = arith.constant 0 : i32
    %dma_start3A_209 = tpu.memref_slice %arg4[%dma_start3A_208, %multiple_of3A_196] : memref<32x1000001xf32, #tpu.memory_space<hbm>> -> memref<32x128xf32, #tpu.memory_space<hbm>>
    tpu.enqueue_dma source(%dma_start3A_209 : memref<32x128xf32, #tpu.memory_space<hbm>>) target(%dma_start3A_207 : memref<32x128xf32, #tpu.memory_space<vmem>>) target_semaphore(%dma_start3A_204 : memref<!tpu.dma_semaphore, #tpu.memory_space<semaphore_mem>>)
    %mul3A_210 = arith.constant 128 : i32
    %mul3A_211 = arith.muli %squeeze3A_193, %mul3A_210 : i32
    %multiple_of3A_212 = tpu.assume_multiple %mul3A_211, 128 : i32
    %dma_start3A_213 = arith.constant 5 : i32
    %dma_start3A_214 = arith.constant 0 : i32
    %dma_start3A_215 = arith.constant 640 : i32
    %dma_start3A_216 = tpu.memref_slice %arg14[%dma_start3A_214, %dma_start3A_215] : memref<32x1024xf32, #tpu.memory_space<vmem>> -> memref<32x128xf32, #tpu.memory_space<vmem>>
    %dma_start3A_217 = arith.constant 0 : i32
    %dma_start3A_218 = tpu.memref_slice %arg5[%dma_start3A_217, %multiple_of3A_212] : memref<32x1000001xf32, #tpu.memory_space<hbm>> -> memref<32x128xf32, #tpu.memory_space<hbm>>
    %dma_start3A_219 = tpu.memref_slice %arg17[%dma_start3A_213] : memref<8x!tpu.dma_semaphore, #tpu.memory_space<semaphore_mem>> -> memref<1x!tpu.dma_semaphore, #tpu.memory_space<semaphore_mem>>
    %dma_start3A_220 = tpu.memref_squeeze %dma_start3A_219 : memref<1x!tpu.dma_semaphore, #tpu.memory_space<semaphore_mem>> -> memref<!tpu.dma_semaphore, #tpu.memory_space<semaphore_mem>>
    %dma_start3A_221 = arith.constant 0 : i32
    %dma_start3A_222 = arith.constant 640 : i32
    %dma_start3A_223 = tpu.memref_slice %arg14[%dma_start3A_221, %dma_start3A_222] : memref<32x1024xf32, #tpu.memory_space<vmem>> -> memref<32x128xf32, #tpu.memory_space<vmem>>
    %dma_start3A_224 = arith.constant 0 : i32
    %dma_start3A_225 = tpu.memref_slice %arg5[%dma_start3A_224, %multiple_of3A_212] : memref<32x1000001xf32, #tpu.memory_space<hbm>> -> memref<32x128xf32, #tpu.memory_space<hbm>>
    tpu.enqueue_dma source(%dma_start3A_225 : memref<32x128xf32, #tpu.memory_space<hbm>>) target(%dma_start3A_223 : memref<32x128xf32, #tpu.memory_space<vmem>>) target_semaphore(%dma_start3A_220 : memref<!tpu.dma_semaphore, #tpu.memory_space<semaphore_mem>>)
    %slice3A_226 = vector.extract_strided_slice %get3A_11 {offsets = [6], sizes = [1], strides = [1]} : vector<16xi32> to vector<1xi32>
    %squeeze3A_227 = vector.extract %slice3A_226[0] : i32 from vector<1xi32>
    %slice3A_228 = vector.extract_strided_slice %get3A_13 {offsets = [6], sizes = [1], strides = [1]} : vector<16xi32> to vector<1xi32>
    %squeeze3A_229 = vector.extract %slice3A_228[0] : i32 from vector<1xi32>
    %mul3A_230 = arith.constant 128 : i32
    %mul3A_231 = arith.muli %squeeze3A_227, %mul3A_230 : i32
    %multiple_of3A_232 = tpu.assume_multiple %mul3A_231, 128 : i32
    %dma_start3A_233 = arith.constant 6 : i32
    %dma_start3A_234 = arith.constant 0 : i32
    %dma_start3A_235 = arith.constant 768 : i32
    %dma_start3A_236 = tpu.memref_slice %arg13[%dma_start3A_234, %dma_start3A_235] : memref<32x1024xf32, #tpu.memory_space<vmem>> -> memref<32x128xf32, #tpu.memory_space<vmem>>
    %dma_start3A_237 = arith.constant 0 : i32
    %dma_start3A_238 = tpu.memref_slice %arg4[%dma_start3A_237, %multiple_of3A_232] : memref<32x1000001xf32, #tpu.memory_space<hbm>> -> memref<32x128xf32, #tpu.memory_space<hbm>>
    %dma_start3A_239 = tpu.memref_slice %arg16[%dma_start3A_233] : memref<8x!tpu.dma_semaphore, #tpu.memory_space<semaphore_mem>> -> memref<1x!tpu.dma_semaphore, #tpu.memory_space<semaphore_mem>>
    %dma_start3A_240 = tpu.memref_squeeze %dma_start3A_239 : memref<1x!tpu.dma_semaphore, #tpu.memory_space<semaphore_mem>> -> memref<!tpu.dma_semaphore, #tpu.memory_space<semaphore_mem>>
    %dma_start3A_241 = arith.constant 0 : i32
    %dma_start3A_242 = arith.constant 768 : i32
    %dma_start3A_243 = tpu.memref_slice %arg13[%dma_start3A_241, %dma_start3A_242] : memref<32x1024xf32, #tpu.memory_space<vmem>> -> memref<32x128xf32, #tpu.memory_space<vmem>>
    %dma_start3A_244 = arith.constant 0 : i32
    %dma_start3A_245 = tpu.memref_slice %arg4[%dma_start3A_244, %multiple_of3A_232] : memref<32x1000001xf32, #tpu.memory_space<hbm>> -> memref<32x128xf32, #tpu.memory_space<hbm>>
    tpu.enqueue_dma source(%dma_start3A_245 : memref<32x128xf32, #tpu.memory_space<hbm>>) target(%dma_start3A_243 : memref<32x128xf32, #tpu.memory_space<vmem>>) target_semaphore(%dma_start3A_240 : memref<!tpu.dma_semaphore, #tpu.memory_space<semaphore_mem>>)
    %mul3A_246 = arith.constant 128 : i32
    %mul3A_247 = arith.muli %squeeze3A_229, %mul3A_246 : i32
    %multiple_of3A_248 = tpu.assume_multiple %mul3A_247, 128 : i32
    %dma_start3A_249 = arith.constant 6 : i32
    %dma_start3A_250 = arith.constant 0 : i32
    %dma_start3A_251 = arith.constant 768 : i32
    %dma_start3A_252 = tpu.memref_slice %arg14[%dma_start3A_250, %dma_start3A_251] : memref<32x1024xf32, #tpu.memory_space<vmem>> -> memref<32x128xf32, #tpu.memory_space<vmem>>
    %dma_start3A_253 = arith.constant 0 : i32
    %dma_start3A_254 = tpu.memref_slice %arg5[%dma_start3A_253, %multiple_of3A_248] : memref<32x1000001xf32, #tpu.memory_space<hbm>> -> memref<32x128xf32, #tpu.memory_space<hbm>>
    %dma_start3A_255 = tpu.memref_slice %arg17[%dma_start3A_249] : memref<8x!tpu.dma_semaphore, #tpu.memory_space<semaphore_mem>> -> memref<1x!tpu.dma_semaphore, #tpu.memory_space<semaphore_mem>>
    %dma_start3A_256 = tpu.memref_squeeze %dma_start3A_255 : memref<1x!tpu.dma_semaphore, #tpu.memory_space<semaphore_mem>> -> memref<!tpu.dma_semaphore, #tpu.memory_space<semaphore_mem>>
    %dma_start3A_257 = arith.constant 0 : i32
    %dma_start3A_258 = arith.constant 768 : i32
    %dma_start3A_259 = tpu.memref_slice %arg14[%dma_start3A_257, %dma_start3A_258] : memref<32x1024xf32, #tpu.memory_space<vmem>> -> memref<32x128xf32, #tpu.memory_space<vmem>>
    %dma_start3A_260 = arith.constant 0 : i32
    %dma_start3A_261 = tpu.memref_slice %arg5[%dma_start3A_260, %multiple_of3A_248] : memref<32x1000001xf32, #tpu.memory_space<hbm>> -> memref<32x128xf32, #tpu.memory_space<hbm>>
    tpu.enqueue_dma source(%dma_start3A_261 : memref<32x128xf32, #tpu.memory_space<hbm>>) target(%dma_start3A_259 : memref<32x128xf32, #tpu.memory_space<vmem>>) target_semaphore(%dma_start3A_256 : memref<!tpu.dma_semaphore, #tpu.memory_space<semaphore_mem>>)
    %scan3A_262 = arith.constant 0 : i32
    %scan3A_263 = arith.constant 0 : i32
    %scan3A_264 = arith.constant 25 : i32
    %scan3A_265 = arith.addi %scan3A_263, %scan3A_264 : i32
    %scan3A_266 = arith.constant 1 : i32
    scf.for %scan3A_268 = %scan3A_263 to %scan3A_265 step %scan3A_266  : i32 {
      %mul3A_269 = arith.constant 16 : i32
      %mul3A_270 = arith.muli %scan3A_268, %mul3A_269 : i32
      %get3A_271 = arith.index_cast %mul3A_270 : i32 to index
      %get3A_272 = tpu.vector_load %arg10[%get3A_271] {strides = array<i32>} : memref<400xi32, #tpu.memory_space<vmem>>, vector<16xi32>,
      %get3A_273 = arith.index_cast %mul3A_270 : i32 to index
      %get3A_274 = tpu.vector_load %arg12[%get3A_273] {strides = array<i32>} : memref<400xi32, #tpu.memory_space<vmem>>, vector<16xi32>,
      %get3A_275 = arith.index_cast %mul3A_270 : i32 to index
      %get3A_276 = tpu.vector_load %arg9[%get3A_275] {strides = array<i32>} : memref<400xi32, #tpu.memory_space<vmem>>, vector<16xi32>,
      %get3A_277 = arith.index_cast %mul3A_270 : i32 to index
      %get3A_278 = tpu.vector_load %arg11[%get3A_277] {strides = array<i32>} : memref<400xi32, #tpu.memory_space<vmem>>, vector<16xi32>,
      %add3A_279 = arith.constant 1 : i32
      %add3A_280 = arith.addi %scan3A_268, %add3A_279 : i32
      %min3A = arith.constant 24 : i32
      %min3A_281 = arith.minsi %add3A_280, %min3A : i32
      %mul3A_282 = arith.constant 16 : i32
      %mul3A_283 = arith.muli %min3A_281, %mul3A_282 : i32
      %get3A_284 = arith.index_cast %mul3A_283 : i32 to index
      %get3A_285 = tpu.vector_load %arg9[%get3A_284] {strides = array<i32>} : memref<400xi32, #tpu.memory_space<vmem>>, vector<16xi32>,
      %get3A_286 = arith.index_cast %mul3A_283 : i32 to index
      %get3A_287 = tpu.vector_load %arg11[%get3A_286] {strides = array<i32>} : memref<400xi32, #tpu.memory_space<vmem>>, vector<16xi32>,
      %broadcast_in_dim3A = arith.constant 0.000000e+00 : f32
      %broadcast_in_dim3A_288 = vector.broadcast %broadcast_in_dim3A : f32 to vector<16xf32>
      %slice3A_289 = vector.extract_strided_slice %get3A_276 {offsets = [7], sizes = [1], strides = [1]} : vector<16xi32> to vector<1xi32>
      %squeeze3A_290 = vector.extract %slice3A_289[0] : i32 from vector<1xi32>
      %slice3A_291 = vector.extract_strided_slice %get3A_278 {offsets = [7], sizes = [1], strides = [1]} : vector<16xi32> to vector<1xi32>
      %squeeze3A_292 = vector.extract %slice3A_291[0] : i32 from vector<1xi32>
      %mul3A_293 = arith.constant 128 : i32
      %mul3A_294 = arith.muli %squeeze3A_290, %mul3A_293 : i32
      %multiple_of3A_295 = tpu.assume_multiple %mul3A_294, 128 : i32
      %dma_start3A_296 = arith.constant 7 : i32
      %dma_start3A_297 = arith.constant 0 : i32
      %dma_start3A_298 = arith.constant 896 : i32
      %dma_start3A_299 = tpu.memref_slice %arg13[%dma_start3A_297, %dma_start3A_298] : memref<32x1024xf32, #tpu.memory_space<vmem>> -> memref<32x128xf32, #tpu.memory_space<vmem>>
      %dma_start3A_300 = arith.constant 0 : i32
      %dma_start3A_301 = tpu.memref_slice %arg4[%dma_start3A_300, %multiple_of3A_295] : memref<32x1000001xf32, #tpu.memory_space<hbm>> -> memref<32x128xf32, #tpu.memory_space<hbm>>
      %dma_start3A_302 = tpu.memref_slice %arg16[%dma_start3A_296] : memref<8x!tpu.dma_semaphore, #tpu.memory_space<semaphore_mem>> -> memref<1x!tpu.dma_semaphore, #tpu.memory_space<semaphore_mem>>
      %dma_start3A_303 = tpu.memref_squeeze %dma_start3A_302 : memref<1x!tpu.dma_semaphore, #tpu.memory_space<semaphore_mem>> -> memref<!tpu.dma_semaphore, #tpu.memory_space<semaphore_mem>>
      %dma_start3A_304 = arith.constant 0 : i32
      %dma_start3A_305 = arith.constant 896 : i32
      %dma_start3A_306 = tpu.memref_slice %arg13[%dma_start3A_304, %dma_start3A_305] : memref<32x1024xf32, #tpu.memory_space<vmem>> -> memref<32x128xf32, #tpu.memory_space<vmem>>
      %dma_start3A_307 = arith.constant 0 : i32
      %dma_start3A_308 = tpu.memref_slice %arg4[%dma_start3A_307, %multiple_of3A_295] : memref<32x1000001xf32, #tpu.memory_space<hbm>> -> memref<32x128xf32, #tpu.memory_space<hbm>>
      tpu.enqueue_dma source(%dma_start3A_308 : memref<32x128xf32, #tpu.memory_space<hbm>>) target(%dma_start3A_306 : memref<32x128xf32, #tpu.memory_space<vmem>>) target_semaphore(%dma_start3A_303 : memref<!tpu.dma_semaphore, #tpu.memory_space<semaphore_mem>>)
      %mul3A_309 = arith.constant 128 : i32
      %mul3A_310 = arith.muli %squeeze3A_292, %mul3A_309 : i32
      %multiple_of3A_311 = tpu.assume_multiple %mul3A_310, 128 : i32
      %dma_start3A_312 = arith.constant 7 : i32
      %dma_start3A_313 = arith.constant 0 : i32
      %dma_start3A_314 = arith.constant 896 : i32
      %dma_start3A_315 = tpu.memref_slice %arg14[%dma_start3A_313, %dma_start3A_314] : memref<32x1024xf32, #tpu.memory_space<vmem>> -> memref<32x128xf32, #tpu.memory_space<vmem>>
      %dma_start3A_316 = arith.constant 0 : i32
      %dma_start3A_317 = tpu.memref_slice %arg5[%dma_start3A_316, %multiple_of3A_311] : memref<32x1000001xf32, #tpu.memory_space<hbm>> -> memref<32x128xf32, #tpu.memory_space<hbm>>
      %dma_start3A_318 = tpu.memref_slice %arg17[%dma_start3A_312] : memref<8x!tpu.dma_semaphore, #tpu.memory_space<semaphore_mem>> -> memref<1x!tpu.dma_semaphore, #tpu.memory_space<semaphore_mem>>
      %dma_start3A_319 = tpu.memref_squeeze %dma_start3A_318 : memref<1x!tpu.dma_semaphore, #tpu.memory_space<semaphore_mem>> -> memref<!tpu.dma_semaphore, #tpu.memory_space<semaphore_mem>>
      %dma_start3A_320 = arith.constant 0 : i32
      %dma_start3A_321 = arith.constant 896 : i32
      %dma_start3A_322 = tpu.memref_slice %arg14[%dma_start3A_320, %dma_start3A_321] : memref<32x1024xf32, #tpu.memory_space<vmem>> -> memref<32x128xf32, #tpu.memory_space<vmem>>
      %dma_start3A_323 = arith.constant 0 : i32
      %dma_start3A_324 = tpu.memref_slice %arg5[%dma_start3A_323, %multiple_of3A_311] : memref<32x1000001xf32, #tpu.memory_space<hbm>> -> memref<32x128xf32, #tpu.memory_space<hbm>>
      tpu.enqueue_dma source(%dma_start3A_324 : memref<32x128xf32, #tpu.memory_space<hbm>>) target(%dma_start3A_322 : memref<32x128xf32, #tpu.memory_space<vmem>>) target_semaphore(%dma_start3A_319 : memref<!tpu.dma_semaphore, #tpu.memory_space<semaphore_mem>>)
      %dma_wait3A = arith.constant 0 : i32
      %dma_wait3A_325 = arith.constant 0 : i32
      %dma_wait3A_326 = arith.constant 0 : i32
      %dma_wait3A_327 = tpu.memref_slice %arg13[%dma_wait3A_325, %dma_wait3A_326] : memref<32x1024xf32, #tpu.memory_space<vmem>> -> memref<32x128xf32, #tpu.memory_space<vmem>>
      %dma_wait3A_328 = arith.constant 0 : i32
      %dma_wait3A_329 = arith.constant 0 : i32
      %dma_wait3A_330 = tpu.memref_slice %arg4[%dma_wait3A_328, %dma_wait3A_329] : memref<32x1000001xf32, #tpu.memory_space<hbm>> -> memref<32x128xf32, #tpu.memory_space<hbm>>
      %dma_wait3A_331 = tpu.memref_slice %arg16[%dma_wait3A] : memref<8x!tpu.dma_semaphore, #tpu.memory_space<semaphore_mem>> -> memref<1x!tpu.dma_semaphore, #tpu.memory_space<semaphore_mem>>
      %dma_wait3A_332 = tpu.memref_squeeze %dma_wait3A_331 : memref<1x!tpu.dma_semaphore, #tpu.memory_space<semaphore_mem>> -> memref<!tpu.dma_semaphore, #tpu.memory_space<semaphore_mem>>
      %dma_wait3A_333 = arith.constant 0 : i32
      %dma_wait3A_334 = arith.constant 0 : i32
      %dma_wait3A_335 = tpu.memref_slice %arg13[%dma_wait3A_333, %dma_wait3A_334] : memref<32x1024xf32, #tpu.memory_space<vmem>> -> memref<32x128xf32, #tpu.memory_space<vmem>>
      %dma_wait3A_336 = arith.constant 0 : i32
      %dma_wait3A_337 = arith.constant 0 : i32
      %dma_wait3A_338 = tpu.memref_slice %arg4[%dma_wait3A_336, %dma_wait3A_337] : memref<32x1000001xf32, #tpu.memory_space<hbm>> -> memref<32x128xf32, #tpu.memory_space<hbm>>
      tpu.wait_dma2 semaphore(%dma_wait3A_332 : memref<!tpu.dma_semaphore, #tpu.memory_space<semaphore_mem>>) src(%dma_wait3A_338 : memref<32x128xf32, #tpu.memory_space<hbm>>) dst(%dma_wait3A_335 : memref<32x128xf32, #tpu.memory_space<vmem>>)
      %dma_wait3A_339 = arith.constant 0 : i32
      %dma_wait3A_340 = arith.constant 0 : i32
      %dma_wait3A_341 = arith.constant 0 : i32
      %dma_wait3A_342 = tpu.memref_slice %arg14[%dma_wait3A_340, %dma_wait3A_341] : memref<32x1024xf32, #tpu.memory_space<vmem>> -> memref<32x128xf32, #tpu.memory_space<vmem>>
      %dma_wait3A_343 = arith.constant 0 : i32
      %dma_wait3A_344 = arith.constant 0 : i32
      %dma_wait3A_345 = tpu.memref_slice %arg5[%dma_wait3A_343, %dma_wait3A_344] : memref<32x1000001xf32, #tpu.memory_space<hbm>> -> memref<32x128xf32, #tpu.memory_space<hbm>>
      %dma_wait3A_346 = tpu.memref_slice %arg17[%dma_wait3A_339] : memref<8x!tpu.dma_semaphore, #tpu.memory_space<semaphore_mem>> -> memref<1x!tpu.dma_semaphore, #tpu.memory_space<semaphore_mem>>
      %dma_wait3A_347 = tpu.memref_squeeze %dma_wait3A_346 : memref<1x!tpu.dma_semaphore, #tpu.memory_space<semaphore_mem>> -> memref<!tpu.dma_semaphore, #tpu.memory_space<semaphore_mem>>
      %dma_wait3A_348 = arith.constant 0 : i32
      %dma_wait3A_349 = arith.constant 0 : i32
      %dma_wait3A_350 = tpu.memref_slice %arg14[%dma_wait3A_348, %dma_wait3A_349] : memref<32x1024xf32, #tpu.memory_space<vmem>> -> memref<32x128xf32, #tpu.memory_space<vmem>>
      %dma_wait3A_351 = arith.constant 0 : i32
      %dma_wait3A_352 = arith.constant 0 : i32
      %dma_wait3A_353 = tpu.memref_slice %arg5[%dma_wait3A_351, %dma_wait3A_352] : memref<32x1000001xf32, #tpu.memory_space<hbm>> -> memref<32x128xf32, #tpu.memory_space<hbm>>
      tpu.wait_dma2 semaphore(%dma_wait3A_347 : memref<!tpu.dma_semaphore, #tpu.memory_space<semaphore_mem>>) src(%dma_wait3A_353 : memref<32x128xf32, #tpu.memory_space<hbm>>) dst(%dma_wait3A_350 : memref<32x128xf32, #tpu.memory_space<vmem>>)
      %slice3A_354 = vector.extract_strided_slice %get3A_272 {offsets = [0], sizes = [1], strides = [1]} : vector<16xi32> to vector<1xi32>
      %squeeze3A_355 = vector.extract %slice3A_354[0] : i32 from vector<1xi32>
      %slice3A_356 = vector.extract_strided_slice %get3A_274 {offsets = [0], sizes = [1], strides = [1]} : vector<16xi32> to vector<1xi32>
      %squeeze3A_357 = vector.extract %slice3A_356[0] : i32 from vector<1xi32>
      %add3A_358 = arith.constant 0 : i32
      %add3A_359 = arith.addi %add3A_358, %squeeze3A_355 : i32
      %broadcast_in_dim3A_360 = vector.broadcast %add3A_359 : i32 to vector<16xi32>
      %add3A_361 = arith.constant 0 : i32
      %add3A_362 = arith.addi %add3A_361, %squeeze3A_357 : i32
      %broadcast_in_dim3A_363 = vector.broadcast %add3A_362 : i32 to vector<16xi32>
      %gather3A = tpu.vector_load_idx %arg13[%iota3A, %broadcast_in_dim3A_360] : memref<32x1024xf32, #tpu.memory_space<vmem>>[vector<16xi32>, vector<16xi32>], vector<16xf32>,
      %gather3A_364 = tpu.vector_load_idx %arg13[%add3A_10, %broadcast_in_dim3A_360] : memref<32x1024xf32, #tpu.memory_space<vmem>>[vector<16xi32>, vector<16xi32>], vector<16xf32>,
      %gather3A_365 = tpu.vector_load_idx %arg14[%iota3A, %broadcast_in_dim3A_363] : memref<32x1024xf32, #tpu.memory_space<vmem>>[vector<16xi32>, vector<16xi32>], vector<16xf32>,
      %gather3A_366 = tpu.vector_load_idx %arg14[%add3A_10, %broadcast_in_dim3A_363] : memref<32x1024xf32, #tpu.memory_space<vmem>>[vector<16xi32>, vector<16xi32>], vector<16xf32>,
      %mul3A_367 = arith.mulf %gather3A, %gather3A_365 : vector<16xf32>
      %mul3A_368 = arith.mulf %gather3A_364, %gather3A_366 : vector<16xf32>
      %add3A_369 = arith.addf %mul3A_367, %mul3A_368 : vector<16xf32>
      %reduce_sum3A = arith.constant true
      %reduce_sum3A_370 = vector.broadcast %reduce_sum3A : i1 to vector<16xi1>
      %reduce_sum3A_371 = tpu.scan <sum>, %add3A_369 masked %reduce_sum3A_370 : vector<16xf32>, vector<16xi1> -> vector<16xf32>
      %reduce_sum3A_372 = vector.extract %reduce_sum3A_371[15] : f32 from vector<16xf32>
      %eq3A = arith.constant 0 : i32
      %eq3A_373 = vector.broadcast %eq3A : i32 to vector<16xi32>
      %eq3A_374 = arith.cmpi eq, %iota3A, %eq3A_373 : vector<16xi32>
      %broadcast_in_dim3A_375 = vector.broadcast %reduce_sum3A_372 : f32 to vector<16xf32>
      %select_n3A = arith.select %eq3A_374, %broadcast_in_dim3A_375, %broadcast_in_dim3A_288 : vector<16xi1>, vector<16xf32>
      %slice3A_376 = vector.extract_strided_slice %get3A_276 {offsets = [8], sizes = [1], strides = [1]} : vector<16xi32> to vector<1xi32>
      %squeeze3A_377 = vector.extract %slice3A_376[0] : i32 from vector<1xi32>
      %slice3A_378 = vector.extract_strided_slice %get3A_278 {offsets = [8], sizes = [1], strides = [1]} : vector<16xi32> to vector<1xi32>
      %squeeze3A_379 = vector.extract %slice3A_378[0] : i32 from vector<1xi32>
      %mul3A_380 = arith.constant 128 : i32
      %mul3A_381 = arith.muli %squeeze3A_377, %mul3A_380 : i32
      %multiple_of3A_382 = tpu.assume_multiple %mul3A_381, 128 : i32
      %dma_start3A_383 = arith.constant 0 : i32
      %dma_start3A_384 = arith.constant 0 : i32
      %dma_start3A_385 = arith.constant 0 : i32
      %dma_start3A_386 = tpu.memref_slice %arg13[%dma_start3A_384, %dma_start3A_385] : memref<32x1024xf32, #tpu.memory_space<vmem>> -> memref<32x128xf32, #tpu.memory_space<vmem>>
      %dma_start3A_387 = arith.constant 0 : i32
      %dma_start3A_388 = tpu.memref_slice %arg4[%dma_start3A_387, %multiple_of3A_382] : memref<32x1000001xf32, #tpu.memory_space<hbm>> -> memref<32x128xf32, #tpu.memory_space<hbm>>
      %dma_start3A_389 = tpu.memref_slice %arg16[%dma_start3A_383] : memref<8x!tpu.dma_semaphore, #tpu.memory_space<semaphore_mem>> -> memref<1x!tpu.dma_semaphore, #tpu.memory_space<semaphore_mem>>
      %dma_start3A_390 = tpu.memref_squeeze %dma_start3A_389 : memref<1x!tpu.dma_semaphore, #tpu.memory_space<semaphore_mem>> -> memref<!tpu.dma_semaphore, #tpu.memory_space<semaphore_mem>>
      %dma_start3A_391 = arith.constant 0 : i32
      %dma_start3A_392 = arith.constant 0 : i32
      %dma_start3A_393 = tpu.memref_slice %arg13[%dma_start3A_391, %dma_start3A_392] : memref<32x1024xf32, #tpu.memory_space<vmem>> -> memref<32x128xf32, #tpu.memory_space<vmem>>
      %dma_start3A_394 = arith.constant 0 : i32
      %dma_start3A_395 = tpu.memref_slice %arg4[%dma_start3A_394, %multiple_of3A_382] : memref<32x1000001xf32, #tpu.memory_space<hbm>> -> memref<32x128xf32, #tpu.memory_space<hbm>>
      tpu.enqueue_dma source(%dma_start3A_395 : memref<32x128xf32, #tpu.memory_space<hbm>>) target(%dma_start3A_393 : memref<32x128xf32, #tpu.memory_space<vmem>>) target_semaphore(%dma_start3A_390 : memref<!tpu.dma_semaphore, #tpu.memory_space<semaphore_mem>>)
      %mul3A_396 = arith.constant 128 : i32
      %mul3A_397 = arith.muli %squeeze3A_379, %mul3A_396 : i32
      %multiple_of3A_398 = tpu.assume_multiple %mul3A_397, 128 : i32
      %dma_start3A_399 = arith.constant 0 : i32
      %dma_start3A_400 = arith.constant 0 : i32
      %dma_start3A_401 = arith.constant 0 : i32
      %dma_start3A_402 = tpu.memref_slice %arg14[%dma_start3A_400, %dma_start3A_401] : memref<32x1024xf32, #tpu.memory_space<vmem>> -> memref<32x128xf32, #tpu.memory_space<vmem>>
      %dma_start3A_403 = arith.constant 0 : i32
      %dma_start3A_404 = tpu.memref_slice %arg5[%dma_start3A_403, %multiple_of3A_398] : memref<32x1000001xf32, #tpu.memory_space<hbm>> -> memref<32x128xf32, #tpu.memory_space<hbm>>
      %dma_start3A_405 = tpu.memref_slice %arg17[%dma_start3A_399] : memref<8x!tpu.dma_semaphore, #tpu.memory_space<semaphore_mem>> -> memref<1x!tpu.dma_semaphore, #tpu.memory_space<semaphore_mem>>
      %dma_start3A_406 = tpu.memref_squeeze %dma_start3A_405 : memref<1x!tpu.dma_semaphore, #tpu.memory_space<semaphore_mem>> -> memref<!tpu.dma_semaphore, #tpu.memory_space<semaphore_mem>>
      %dma_start3A_407 = arith.constant 0 : i32
      %dma_start3A_408 = arith.constant 0 : i32
      %dma_start3A_409 = tpu.memref_slice %arg14[%dma_start3A_407, %dma_start3A_408] : memref<32x1024xf32, #tpu.memory_space<vmem>> -> memref<32x128xf32, #tpu.memory_space<vmem>>
      %dma_start3A_410 = arith.constant 0 : i32
      %dma_start3A_411 = tpu.memref_slice %arg5[%dma_start3A_410, %multiple_of3A_398] : memref<32x1000001xf32, #tpu.memory_space<hbm>> -> memref<32x128xf32, #tpu.memory_space<hbm>>
      tpu.enqueue_dma source(%dma_start3A_411 : memref<32x128xf32, #tpu.memory_space<hbm>>) target(%dma_start3A_409 : memref<32x128xf32, #tpu.memory_space<vmem>>) target_semaphore(%dma_start3A_406 : memref<!tpu.dma_semaphore, #tpu.memory_space<semaphore_mem>>)
      %dma_wait3A_412 = arith.constant 1 : i32
      %dma_wait3A_413 = arith.constant 0 : i32
      %dma_wait3A_414 = arith.constant 128 : i32
      %dma_wait3A_415 = tpu.memref_slice %arg13[%dma_wait3A_413, %dma_wait3A_414] : memref<32x1024xf32, #tpu.memory_space<vmem>> -> memref<32x128xf32, #tpu.memory_space<vmem>>
      %dma_wait3A_416 = arith.constant 0 : i32
      %dma_wait3A_417 = arith.constant 0 : i32
      %dma_wait3A_418 = tpu.memref_slice %arg4[%dma_wait3A_416, %dma_wait3A_417] : memref<32x1000001xf32, #tpu.memory_space<hbm>> -> memref<32x128xf32, #tpu.memory_space<hbm>>
      %dma_wait3A_419 = tpu.memref_slice %arg16[%dma_wait3A_412] : memref<8x!tpu.dma_semaphore, #tpu.memory_space<semaphore_mem>> -> memref<1x!tpu.dma_semaphore, #tpu.memory_space<semaphore_mem>>
      %dma_wait3A_420 = tpu.memref_squeeze %dma_wait3A_419 : memref<1x!tpu.dma_semaphore, #tpu.memory_space<semaphore_mem>> -> memref<!tpu.dma_semaphore, #tpu.memory_space<semaphore_mem>>
      %dma_wait3A_421 = arith.constant 0 : i32
      %dma_wait3A_422 = arith.constant 128 : i32
      %dma_wait3A_423 = tpu.memref_slice %arg13[%dma_wait3A_421, %dma_wait3A_422] : memref<32x1024xf32, #tpu.memory_space<vmem>> -> memref<32x128xf32, #tpu.memory_space<vmem>>
      %dma_wait3A_424 = arith.constant 0 : i32
      %dma_wait3A_425 = arith.constant 0 : i32
      %dma_wait3A_426 = tpu.memref_slice %arg4[%dma_wait3A_424, %dma_wait3A_425] : memref<32x1000001xf32, #tpu.memory_space<hbm>> -> memref<32x128xf32, #tpu.memory_space<hbm>>
      tpu.wait_dma2 semaphore(%dma_wait3A_420 : memref<!tpu.dma_semaphore, #tpu.memory_space<semaphore_mem>>) src(%dma_wait3A_426 : memref<32x128xf32, #tpu.memory_space<hbm>>) dst(%dma_wait3A_423 : memref<32x128xf32, #tpu.memory_space<vmem>>)
      %dma_wait3A_427 = arith.constant 1 : i32
      %dma_wait3A_428 = arith.constant 0 : i32
      %dma_wait3A_429 = arith.constant 128 : i32
      %dma_wait3A_430 = tpu.memref_slice %arg14[%dma_wait3A_428, %dma_wait3A_429] : memref<32x1024xf32, #tpu.memory_space<vmem>> -> memref<32x128xf32, #tpu.memory_space<vmem>>
      %dma_wait3A_431 = arith.constant 0 : i32
      %dma_wait3A_432 = arith.constant 0 : i32
      %dma_wait3A_433 = tpu.memref_slice %arg5[%dma_wait3A_431, %dma_wait3A_432] : memref<32x1000001xf32, #tpu.memory_space<hbm>> -> memref<32x128xf32, #tpu.memory_space<hbm>>
      %dma_wait3A_434 = tpu.memref_slice %arg17[%dma_wait3A_427] : memref<8x!tpu.dma_semaphore, #tpu.memory_space<semaphore_mem>> -> memref<1x!tpu.dma_semaphore, #tpu.memory_space<semaphore_mem>>
      %dma_wait3A_435 = tpu.memref_squeeze %dma_wait3A_434 : memref<1x!tpu.dma_semaphore, #tpu.memory_space<semaphore_mem>> -> memref<!tpu.dma_semaphore, #tpu.memory_space<semaphore_mem>>
      %dma_wait3A_436 = arith.constant 0 : i32
      %dma_wait3A_437 = arith.constant 128 : i32
      %dma_wait3A_438 = tpu.memref_slice %arg14[%dma_wait3A_436, %dma_wait3A_437] : memref<32x1024xf32, #tpu.memory_space<vmem>> -> memref<32x128xf32, #tpu.memory_space<vmem>>
      %dma_wait3A_439 = arith.constant 0 : i32
      %dma_wait3A_440 = arith.constant 0 : i32
      %dma_wait3A_441 = tpu.memref_slice %arg5[%dma_wait3A_439, %dma_wait3A_440] : memref<32x1000001xf32, #tpu.memory_space<hbm>> -> memref<32x128xf32, #tpu.memory_space<hbm>>
      tpu.wait_dma2 semaphore(%dma_wait3A_435 : memref<!tpu.dma_semaphore, #tpu.memory_space<semaphore_mem>>) src(%dma_wait3A_441 : memref<32x128xf32, #tpu.memory_space<hbm>>) dst(%dma_wait3A_438 : memref<32x128xf32, #tpu.memory_space<vmem>>)
      %slice3A_442 = vector.extract_strided_slice %get3A_272 {offsets = [1], sizes = [1], strides = [1]} : vector<16xi32> to vector<1xi32>
      %squeeze3A_443 = vector.extract %slice3A_442[0] : i32 from vector<1xi32>
      %slice3A_444 = vector.extract_strided_slice %get3A_274 {offsets = [1], sizes = [1], strides = [1]} : vector<16xi32> to vector<1xi32>
      %squeeze3A_445 = vector.extract %slice3A_444[0] : i32 from vector<1xi32>
      %add3A_446 = arith.constant 128 : i32
      %add3A_447 = arith.addi %add3A_446, %squeeze3A_443 : i32
      %broadcast_in_dim3A_448 = vector.broadcast %add3A_447 : i32 to vector<16xi32>
      %add3A_449 = arith.constant 128 : i32
      %add3A_450 = arith.addi %add3A_449, %squeeze3A_445 : i32
      %broadcast_in_dim3A_451 = vector.broadcast %add3A_450 : i32 to vector<16xi32>
      %gather3A_452 = tpu.vector_load_idx %arg13[%iota3A, %broadcast_in_dim3A_448] : memref<32x1024xf32, #tpu.memory_space<vmem>>[vector<16xi32>, vector<16xi32>], vector<16xf32>,
      %gather3A_453 = tpu.vector_load_idx %arg13[%add3A_10, %broadcast_in_dim3A_448] : memref<32x1024xf32, #tpu.memory_space<vmem>>[vector<16xi32>, vector<16xi32>], vector<16xf32>,
      %gather3A_454 = tpu.vector_load_idx %arg14[%iota3A, %broadcast_in_dim3A_451] : memref<32x1024xf32, #tpu.memory_space<vmem>>[vector<16xi32>, vector<16xi32>], vector<16xf32>,
      %gather3A_455 = tpu.vector_load_idx %arg14[%add3A_10, %broadcast_in_dim3A_451] : memref<32x1024xf32, #tpu.memory_space<vmem>>[vector<16xi32>, vector<16xi32>], vector<16xf32>,
      %mul3A_456 = arith.mulf %gather3A_452, %gather3A_454 : vector<16xf32>
      %mul3A_457 = arith.mulf %gather3A_453, %gather3A_455 : vector<16xf32>
      %add3A_458 = arith.addf %mul3A_456, %mul3A_457 : vector<16xf32>
      %reduce_sum3A_459 = arith.constant true
      %reduce_sum3A_460 = vector.broadcast %reduce_sum3A_459 : i1 to vector<16xi1>
      %reduce_sum3A_461 = tpu.scan <sum>, %add3A_458 masked %reduce_sum3A_460 : vector<16xf32>, vector<16xi1> -> vector<16xf32>
      %reduce_sum3A_462 = vector.extract %reduce_sum3A_461[15] : f32 from vector<16xf32>
      %eq3A_463 = arith.constant 1 : i32
      %eq3A_464 = vector.broadcast %eq3A_463 : i32 to vector<16xi32>
      %eq3A_465 = arith.cmpi eq, %iota3A, %eq3A_464 : vector<16xi32>
      %broadcast_in_dim3A_466 = vector.broadcast %reduce_sum3A_462 : f32 to vector<16xf32>
      %select_n3A_467 = arith.select %eq3A_465, %broadcast_in_dim3A_466, %select_n3A : vector<16xi1>, vector<16xf32>
      %slice3A_468 = vector.extract_strided_slice %get3A_276 {offsets = [9], sizes = [1], strides = [1]} : vector<16xi32> to vector<1xi32>
      %squeeze3A_469 = vector.extract %slice3A_468[0] : i32 from vector<1xi32>
      %slice3A_470 = vector.extract_strided_slice %get3A_278 {offsets = [9], sizes = [1], strides = [1]} : vector<16xi32> to vector<1xi32>
      %squeeze3A_471 = vector.extract %slice3A_470[0] : i32 from vector<1xi32>
      %mul3A_472 = arith.constant 128 : i32
      %mul3A_473 = arith.muli %squeeze3A_469, %mul3A_472 : i32
      %multiple_of3A_474 = tpu.assume_multiple %mul3A_473, 128 : i32
      %dma_start3A_475 = arith.constant 1 : i32
      %dma_start3A_476 = arith.constant 0 : i32
      %dma_start3A_477 = arith.constant 128 : i32
      %dma_start3A_478 = tpu.memref_slice %arg13[%dma_start3A_476, %dma_start3A_477] : memref<32x1024xf32, #tpu.memory_space<vmem>> -> memref<32x128xf32, #tpu.memory_space<vmem>>
      %dma_start3A_479 = arith.constant 0 : i32
      %dma_start3A_480 = tpu.memref_slice %arg4[%dma_start3A_479, %multiple_of3A_474] : memref<32x1000001xf32, #tpu.memory_space<hbm>> -> memref<32x128xf32, #tpu.memory_space<hbm>>
      %dma_start3A_481 = tpu.memref_slice %arg16[%dma_start3A_475] : memref<8x!tpu.dma_semaphore, #tpu.memory_space<semaphore_mem>> -> memref<1x!tpu.dma_semaphore, #tpu.memory_space<semaphore_mem>>
      %dma_start3A_482 = tpu.memref_squeeze %dma_start3A_481 : memref<1x!tpu.dma_semaphore, #tpu.memory_space<semaphore_mem>> -> memref<!tpu.dma_semaphore, #tpu.memory_space<semaphore_mem>>
      %dma_start3A_483 = arith.constant 0 : i32
      %dma_start3A_484 = arith.constant 128 : i32
      %dma_start3A_485 = tpu.memref_slice %arg13[%dma_start3A_483, %dma_start3A_484] : memref<32x1024xf32, #tpu.memory_space<vmem>> -> memref<32x128xf32, #tpu.memory_space<vmem>>
      %dma_start3A_486 = arith.constant 0 : i32
      %dma_start3A_487 = tpu.memref_slice %arg4[%dma_start3A_486, %multiple_of3A_474] : memref<32x1000001xf32, #tpu.memory_space<hbm>> -> memref<32x128xf32, #tpu.memory_space<hbm>>
      tpu.enqueue_dma source(%dma_start3A_487 : memref<32x128xf32, #tpu.memory_space<hbm>>) target(%dma_start3A_485 : memref<32x128xf32, #tpu.memory_space<vmem>>) target_semaphore(%dma_start3A_482 : memref<!tpu.dma_semaphore, #tpu.memory_space<semaphore_mem>>)
      %mul3A_488 = arith.constant 128 : i32
      %mul3A_489 = arith.muli %squeeze3A_471, %mul3A_488 : i32
      %multiple_of3A_490 = tpu.assume_multiple %mul3A_489, 128 : i32
      %dma_start3A_491 = arith.constant 1 : i32
      %dma_start3A_492 = arith.constant 0 : i32
      %dma_start3A_493 = arith.constant 128 : i32
      %dma_start3A_494 = tpu.memref_slice %arg14[%dma_start3A_492, %dma_start3A_493] : memref<32x1024xf32, #tpu.memory_space<vmem>> -> memref<32x128xf32, #tpu.memory_space<vmem>>
      %dma_start3A_495 = arith.constant 0 : i32
      %dma_start3A_496 = tpu.memref_slice %arg5[%dma_start3A_495, %multiple_of3A_490] : memref<32x1000001xf32, #tpu.memory_space<hbm>> -> memref<32x128xf32, #tpu.memory_space<hbm>>
      %dma_start3A_497 = tpu.memref_slice %arg17[%dma_start3A_491] : memref<8x!tpu.dma_semaphore, #tpu.memory_space<semaphore_mem>> -> memref<1x!tpu.dma_semaphore, #tpu.memory_space<semaphore_mem>>
      %dma_start3A_498 = tpu.memref_squeeze %dma_start3A_497 : memref<1x!tpu.dma_semaphore, #tpu.memory_space<semaphore_mem>> -> memref<!tpu.dma_semaphore, #tpu.memory_space<semaphore_mem>>
      %dma_start3A_499 = arith.constant 0 : i32
      %dma_start3A_500 = arith.constant 128 : i32
      %dma_start3A_501 = tpu.memref_slice %arg14[%dma_start3A_499, %dma_start3A_500] : memref<32x1024xf32, #tpu.memory_space<vmem>> -> memref<32x128xf32, #tpu.memory_space<vmem>>
      %dma_start3A_502 = arith.constant 0 : i32
      %dma_start3A_503 = tpu.memref_slice %arg5[%dma_start3A_502, %multiple_of3A_490] : memref<32x1000001xf32, #tpu.memory_space<hbm>> -> memref<32x128xf32, #tpu.memory_space<hbm>>
      tpu.enqueue_dma source(%dma_start3A_503 : memref<32x128xf32, #tpu.memory_space<hbm>>) target(%dma_start3A_501 : memref<32x128xf32, #tpu.memory_space<vmem>>) target_semaphore(%dma_start3A_498 : memref<!tpu.dma_semaphore, #tpu.memory_space<semaphore_mem>>)
      %dma_wait3A_504 = arith.constant 2 : i32
      %dma_wait3A_505 = arith.constant 0 : i32
      %dma_wait3A_506 = arith.constant 256 : i32
      %dma_wait3A_507 = tpu.memref_slice %arg13[%dma_wait3A_505, %dma_wait3A_506] : memref<32x1024xf32, #tpu.memory_space<vmem>> -> memref<32x128xf32, #tpu.memory_space<vmem>>
      %dma_wait3A_508 = arith.constant 0 : i32
      %dma_wait3A_509 = arith.constant 0 : i32
      %dma_wait3A_510 = tpu.memref_slice %arg4[%dma_wait3A_508, %dma_wait3A_509] : memref<32x1000001xf32, #tpu.memory_space<hbm>> -> memref<32x128xf32, #tpu.memory_space<hbm>>
      %dma_wait3A_511 = tpu.memref_slice %arg16[%dma_wait3A_504] : memref<8x!tpu.dma_semaphore, #tpu.memory_space<semaphore_mem>> -> memref<1x!tpu.dma_semaphore, #tpu.memory_space<semaphore_mem>>
      %dma_wait3A_512 = tpu.memref_squeeze %dma_wait3A_511 : memref<1x!tpu.dma_semaphore, #tpu.memory_space<semaphore_mem>> -> memref<!tpu.dma_semaphore, #tpu.memory_space<semaphore_mem>>
      %dma_wait3A_513 = arith.constant 0 : i32
      %dma_wait3A_514 = arith.constant 256 : i32
      %dma_wait3A_515 = tpu.memref_slice %arg13[%dma_wait3A_513, %dma_wait3A_514] : memref<32x1024xf32, #tpu.memory_space<vmem>> -> memref<32x128xf32, #tpu.memory_space<vmem>>
      %dma_wait3A_516 = arith.constant 0 : i32
      %dma_wait3A_517 = arith.constant 0 : i32
      %dma_wait3A_518 = tpu.memref_slice %arg4[%dma_wait3A_516, %dma_wait3A_517] : memref<32x1000001xf32, #tpu.memory_space<hbm>> -> memref<32x128xf32, #tpu.memory_space<hbm>>
      tpu.wait_dma2 semaphore(%dma_wait3A_512 : memref<!tpu.dma_semaphore, #tpu.memory_space<semaphore_mem>>) src(%dma_wait3A_518 : memref<32x128xf32, #tpu.memory_space<hbm>>) dst(%dma_wait3A_515 : memref<32x128xf32, #tpu.memory_space<vmem>>)
      %dma_wait3A_519 = arith.constant 2 : i32
      %dma_wait3A_520 = arith.constant 0 : i32
      %dma_wait3A_521 = arith.constant 256 : i32
      %dma_wait3A_522 = tpu.memref_slice %arg14[%dma_wait3A_520, %dma_wait3A_521] : memref<32x1024xf32, #tpu.memory_space<vmem>> -> memref<32x128xf32, #tpu.memory_space<vmem>>
      %dma_wait3A_523 = arith.constant 0 : i32
      %dma_wait3A_524 = arith.constant 0 : i32
      %dma_wait3A_525 = tpu.memref_slice %arg5[%dma_wait3A_523, %dma_wait3A_524] : memref<32x1000001xf32, #tpu.memory_space<hbm>> -> memref<32x128xf32, #tpu.memory_space<hbm>>
      %dma_wait3A_526 = tpu.memref_slice %arg17[%dma_wait3A_519] : memref<8x!tpu.dma_semaphore, #tpu.memory_space<semaphore_mem>> -> memref<1x!tpu.dma_semaphore, #tpu.memory_space<semaphore_mem>>
      %dma_wait3A_527 = tpu.memref_squeeze %dma_wait3A_526 : memref<1x!tpu.dma_semaphore, #tpu.memory_space<semaphore_mem>> -> memref<!tpu.dma_semaphore, #tpu.memory_space<semaphore_mem>>
      %dma_wait3A_528 = arith.constant 0 : i32
      %dma_wait3A_529 = arith.constant 256 : i32
      %dma_wait3A_530 = tpu.memref_slice %arg14[%dma_wait3A_528, %dma_wait3A_529] : memref<32x1024xf32, #tpu.memory_space<vmem>> -> memref<32x128xf32, #tpu.memory_space<vmem>>
      %dma_wait3A_531 = arith.constant 0 : i32
      %dma_wait3A_532 = arith.constant 0 : i32
      %dma_wait3A_533 = tpu.memref_slice %arg5[%dma_wait3A_531, %dma_wait3A_532] : memref<32x1000001xf32, #tpu.memory_space<hbm>> -> memref<32x128xf32, #tpu.memory_space<hbm>>
      tpu.wait_dma2 semaphore(%dma_wait3A_527 : memref<!tpu.dma_semaphore, #tpu.memory_space<semaphore_mem>>) src(%dma_wait3A_533 : memref<32x128xf32, #tpu.memory_space<hbm>>) dst(%dma_wait3A_530 : memref<32x128xf32, #tpu.memory_space<vmem>>)
      %slice3A_534 = vector.extract_strided_slice %get3A_272 {offsets = [2], sizes = [1], strides = [1]} : vector<16xi32> to vector<1xi32>
      %squeeze3A_535 = vector.extract %slice3A_534[0] : i32 from vector<1xi32>
      %slice3A_536 = vector.extract_strided_slice %get3A_274 {offsets = [2], sizes = [1], strides = [1]} : vector<16xi32> to vector<1xi32>
      %squeeze3A_537 = vector.extract %slice3A_536[0] : i32 from vector<1xi32>
      %add3A_538 = arith.constant 256 : i32
      %add3A_539 = arith.addi %add3A_538, %squeeze3A_535 : i32
      %broadcast_in_dim3A_540 = vector.broadcast %add3A_539 : i32 to vector<16xi32>
      %add3A_541 = arith.constant 256 : i32
      %add3A_542 = arith.addi %add3A_541, %squeeze3A_537 : i32
      %broadcast_in_dim3A_543 = vector.broadcast %add3A_542 : i32 to vector<16xi32>
      %gather3A_544 = tpu.vector_load_idx %arg13[%iota3A, %broadcast_in_dim3A_540] : memref<32x1024xf32, #tpu.memory_space<vmem>>[vector<16xi32>, vector<16xi32>], vector<16xf32>,
      %gather3A_545 = tpu.vector_load_idx %arg13[%add3A_10, %broadcast_in_dim3A_540] : memref<32x1024xf32, #tpu.memory_space<vmem>>[vector<16xi32>, vector<16xi32>], vector<16xf32>,
      %gather3A_546 = tpu.vector_load_idx %arg14[%iota3A, %broadcast_in_dim3A_543] : memref<32x1024xf32, #tpu.memory_space<vmem>>[vector<16xi32>, vector<16xi32>], vector<16xf32>,
      %gather3A_547 = tpu.vector_load_idx %arg14[%add3A_10, %broadcast_in_dim3A_543] : memref<32x1024xf32, #tpu.memory_space<vmem>>[vector<16xi32>, vector<16xi32>], vector<16xf32>,
      %mul3A_548 = arith.mulf %gather3A_544, %gather3A_546 : vector<16xf32>
      %mul3A_549 = arith.mulf %gather3A_545, %gather3A_547 : vector<16xf32>
      %add3A_550 = arith.addf %mul3A_548, %mul3A_549 : vector<16xf32>
      %reduce_sum3A_551 = arith.constant true
      %reduce_sum3A_552 = vector.broadcast %reduce_sum3A_551 : i1 to vector<16xi1>
      %reduce_sum3A_553 = tpu.scan <sum>, %add3A_550 masked %reduce_sum3A_552 : vector<16xf32>, vector<16xi1> -> vector<16xf32>
      %reduce_sum3A_554 = vector.extract %reduce_sum3A_553[15] : f32 from vector<16xf32>
      %eq3A_555 = arith.constant 2 : i32
      %eq3A_556 = vector.broadcast %eq3A_555 : i32 to vector<16xi32>
      %eq3A_557 = arith.cmpi eq, %iota3A, %eq3A_556 : vector<16xi32>
      %broadcast_in_dim3A_558 = vector.broadcast %reduce_sum3A_554 : f32 to vector<16xf32>
      %select_n3A_559 = arith.select %eq3A_557, %broadcast_in_dim3A_558, %select_n3A_467 : vector<16xi1>, vector<16xf32>
      %slice3A_560 = vector.extract_strided_slice %get3A_276 {offsets = [10], sizes = [1], strides = [1]} : vector<16xi32> to vector<1xi32>
      %squeeze3A_561 = vector.extract %slice3A_560[0] : i32 from vector<1xi32>
      %slice3A_562 = vector.extract_strided_slice %get3A_278 {offsets = [10], sizes = [1], strides = [1]} : vector<16xi32> to vector<1xi32>
      %squeeze3A_563 = vector.extract %slice3A_562[0] : i32 from vector<1xi32>
      %mul3A_564 = arith.constant 128 : i32
      %mul3A_565 = arith.muli %squeeze3A_561, %mul3A_564 : i32
      %multiple_of3A_566 = tpu.assume_multiple %mul3A_565, 128 : i32
      %dma_start3A_567 = arith.constant 2 : i32
      %dma_start3A_568 = arith.constant 0 : i32
      %dma_start3A_569 = arith.constant 256 : i32
      %dma_start3A_570 = tpu.memref_slice %arg13[%dma_start3A_568, %dma_start3A_569] : memref<32x1024xf32, #tpu.memory_space<vmem>> -> memref<32x128xf32, #tpu.memory_space<vmem>>
      %dma_start3A_571 = arith.constant 0 : i32
      %dma_start3A_572 = tpu.memref_slice %arg4[%dma_start3A_571, %multiple_of3A_566] : memref<32x1000001xf32, #tpu.memory_space<hbm>> -> memref<32x128xf32, #tpu.memory_space<hbm>>
      %dma_start3A_573 = tpu.memref_slice %arg16[%dma_start3A_567] : memref<8x!tpu.dma_semaphore, #tpu.memory_space<semaphore_mem>> -> memref<1x!tpu.dma_semaphore, #tpu.memory_space<semaphore_mem>>
      %dma_start3A_574 = tpu.memref_squeeze %dma_start3A_573 : memref<1x!tpu.dma_semaphore, #tpu.memory_space<semaphore_mem>> -> memref<!tpu.dma_semaphore, #tpu.memory_space<semaphore_mem>>
      %dma_start3A_575 = arith.constant 0 : i32
      %dma_start3A_576 = arith.constant 256 : i32
      %dma_start3A_577 = tpu.memref_slice %arg13[%dma_start3A_575, %dma_start3A_576] : memref<32x1024xf32, #tpu.memory_space<vmem>> -> memref<32x128xf32, #tpu.memory_space<vmem>>
      %dma_start3A_578 = arith.constant 0 : i32
      %dma_start3A_579 = tpu.memref_slice %arg4[%dma_start3A_578, %multiple_of3A_566] : memref<32x1000001xf32, #tpu.memory_space<hbm>> -> memref<32x128xf32, #tpu.memory_space<hbm>>
      tpu.enqueue_dma source(%dma_start3A_579 : memref<32x128xf32, #tpu.memory_space<hbm>>) target(%dma_start3A_577 : memref<32x128xf32, #tpu.memory_space<vmem>>) target_semaphore(%dma_start3A_574 : memref<!tpu.dma_semaphore, #tpu.memory_space<semaphore_mem>>)
      %mul3A_580 = arith.constant 128 : i32
      %mul3A_581 = arith.muli %squeeze3A_563, %mul3A_580 : i32
      %multiple_of3A_582 = tpu.assume_multiple %mul3A_581, 128 : i32
      %dma_start3A_583 = arith.constant 2 : i32
      %dma_start3A_584 = arith.constant 0 : i32
      %dma_start3A_585 = arith.constant 256 : i32
      %dma_start3A_586 = tpu.memref_slice %arg14[%dma_start3A_584, %dma_start3A_585] : memref<32x1024xf32, #tpu.memory_space<vmem>> -> memref<32x128xf32, #tpu.memory_space<vmem>>
      %dma_start3A_587 = arith.constant 0 : i32
      %dma_start3A_588 = tpu.memref_slice %arg5[%dma_start3A_587, %multiple_of3A_582] : memref<32x1000001xf32, #tpu.memory_space<hbm>> -> memref<32x128xf32, #tpu.memory_space<hbm>>
      %dma_start3A_589 = tpu.memref_slice %arg17[%dma_start3A_583] : memref<8x!tpu.dma_semaphore, #tpu.memory_space<semaphore_mem>> -> memref<1x!tpu.dma_semaphore, #tpu.memory_space<semaphore_mem>>
      %dma_start3A_590 = tpu.memref_squeeze %dma_start3A_589 : memref<1x!tpu.dma_semaphore, #tpu.memory_space<semaphore_mem>> -> memref<!tpu.dma_semaphore, #tpu.memory_space<semaphore_mem>>
      %dma_start3A_591 = arith.constant 0 : i32
      %dma_start3A_592 = arith.constant 256 : i32
      %dma_start3A_593 = tpu.memref_slice %arg14[%dma_start3A_591, %dma_start3A_592] : memref<32x1024xf32, #tpu.memory_space<vmem>> -> memref<32x128xf32, #tpu.memory_space<vmem>>
      %dma_start3A_594 = arith.constant 0 : i32
      %dma_start3A_595 = tpu.memref_slice %arg5[%dma_start3A_594, %multiple_of3A_582] : memref<32x1000001xf32, #tpu.memory_space<hbm>> -> memref<32x128xf32, #tpu.memory_space<hbm>>
      tpu.enqueue_dma source(%dma_start3A_595 : memref<32x128xf32, #tpu.memory_space<hbm>>) target(%dma_start3A_593 : memref<32x128xf32, #tpu.memory_space<vmem>>) target_semaphore(%dma_start3A_590 : memref<!tpu.dma_semaphore, #tpu.memory_space<semaphore_mem>>)
      %dma_wait3A_596 = arith.constant 3 : i32
      %dma_wait3A_597 = arith.constant 0 : i32
      %dma_wait3A_598 = arith.constant 384 : i32
      %dma_wait3A_599 = tpu.memref_slice %arg13[%dma_wait3A_597, %dma_wait3A_598] : memref<32x1024xf32, #tpu.memory_space<vmem>> -> memref<32x128xf32, #tpu.memory_space<vmem>>
      %dma_wait3A_600 = arith.constant 0 : i32
      %dma_wait3A_601 = arith.constant 0 : i32
      %dma_wait3A_602 = tpu.memref_slice %arg4[%dma_wait3A_600, %dma_wait3A_601] : memref<32x1000001xf32, #tpu.memory_space<hbm>> -> memref<32x128xf32, #tpu.memory_space<hbm>>
      %dma_wait3A_603 = tpu.memref_slice %arg16[%dma_wait3A_596] : memref<8x!tpu.dma_semaphore, #tpu.memory_space<semaphore_mem>> -> memref<1x!tpu.dma_semaphore, #tpu.memory_space<semaphore_mem>>
      %dma_wait3A_604 = tpu.memref_squeeze %dma_wait3A_603 : memref<1x!tpu.dma_semaphore, #tpu.memory_space<semaphore_mem>> -> memref<!tpu.dma_semaphore, #tpu.memory_space<semaphore_mem>>
      %dma_wait3A_605 = arith.constant 0 : i32
      %dma_wait3A_606 = arith.constant 384 : i32
      %dma_wait3A_607 = tpu.memref_slice %arg13[%dma_wait3A_605, %dma_wait3A_606] : memref<32x1024xf32, #tpu.memory_space<vmem>> -> memref<32x128xf32, #tpu.memory_space<vmem>>
      %dma_wait3A_608 = arith.constant 0 : i32
      %dma_wait3A_609 = arith.constant 0 : i32
      %dma_wait3A_610 = tpu.memref_slice %arg4[%dma_wait3A_608, %dma_wait3A_609] : memref<32x1000001xf32, #tpu.memory_space<hbm>> -> memref<32x128xf32, #tpu.memory_space<hbm>>
      tpu.wait_dma2 semaphore(%dma_wait3A_604 : memref<!tpu.dma_semaphore, #tpu.memory_space<semaphore_mem>>) src(%dma_wait3A_610 : memref<32x128xf32, #tpu.memory_space<hbm>>) dst(%dma_wait3A_607 : memref<32x128xf32, #tpu.memory_space<vmem>>)
      %dma_wait3A_611 = arith.constant 3 : i32
      %dma_wait3A_612 = arith.constant 0 : i32
      %dma_wait3A_613 = arith.constant 384 : i32
      %dma_wait3A_614 = tpu.memref_slice %arg14[%dma_wait3A_612, %dma_wait3A_613] : memref<32x1024xf32, #tpu.memory_space<vmem>> -> memref<32x128xf32, #tpu.memory_space<vmem>>
      %dma_wait3A_615 = arith.constant 0 : i32
      %dma_wait3A_616 = arith.constant 0 : i32
      %dma_wait3A_617 = tpu.memref_slice %arg5[%dma_wait3A_615, %dma_wait3A_616] : memref<32x1000001xf32, #tpu.memory_space<hbm>> -> memref<32x128xf32, #tpu.memory_space<hbm>>
      %dma_wait3A_618 = tpu.memref_slice %arg17[%dma_wait3A_611] : memref<8x!tpu.dma_semaphore, #tpu.memory_space<semaphore_mem>> -> memref<1x!tpu.dma_semaphore, #tpu.memory_space<semaphore_mem>>
      %dma_wait3A_619 = tpu.memref_squeeze %dma_wait3A_618 : memref<1x!tpu.dma_semaphore, #tpu.memory_space<semaphore_mem>> -> memref<!tpu.dma_semaphore, #tpu.memory_space<semaphore_mem>>
      %dma_wait3A_620 = arith.constant 0 : i32
      %dma_wait3A_621 = arith.constant 384 : i32
      %dma_wait3A_622 = tpu.memref_slice %arg14[%dma_wait3A_620, %dma_wait3A_621] : memref<32x1024xf32, #tpu.memory_space<vmem>> -> memref<32x128xf32, #tpu.memory_space<vmem>>
      %dma_wait3A_623 = arith.constant 0 : i32
      %dma_wait3A_624 = arith.constant 0 : i32
      %dma_wait3A_625 = tpu.memref_slice %arg5[%dma_wait3A_623, %dma_wait3A_624] : memref<32x1000001xf32, #tpu.memory_space<hbm>> -> memref<32x128xf32, #tpu.memory_space<hbm>>
      tpu.wait_dma2 semaphore(%dma_wait3A_619 : memref<!tpu.dma_semaphore, #tpu.memory_space<semaphore_mem>>) src(%dma_wait3A_625 : memref<32x128xf32, #tpu.memory_space<hbm>>) dst(%dma_wait3A_622 : memref<32x128xf32, #tpu.memory_space<vmem>>)
      %slice3A_626 = vector.extract_strided_slice %get3A_272 {offsets = [3], sizes = [1], strides = [1]} : vector<16xi32> to vector<1xi32>
      %squeeze3A_627 = vector.extract %slice3A_626[0] : i32 from vector<1xi32>
      %slice3A_628 = vector.extract_strided_slice %get3A_274 {offsets = [3], sizes = [1], strides = [1]} : vector<16xi32> to vector<1xi32>
      %squeeze3A_629 = vector.extract %slice3A_628[0] : i32 from vector<1xi32>
      %add3A_630 = arith.constant 384 : i32
      %add3A_631 = arith.addi %add3A_630, %squeeze3A_627 : i32
      %broadcast_in_dim3A_632 = vector.broadcast %add3A_631 : i32 to vector<16xi32>
      %add3A_633 = arith.constant 384 : i32
      %add3A_634 = arith.addi %add3A_633, %squeeze3A_629 : i32
      %broadcast_in_dim3A_635 = vector.broadcast %add3A_634 : i32 to vector<16xi32>
      %gather3A_636 = tpu.vector_load_idx %arg13[%iota3A, %broadcast_in_dim3A_632] : memref<32x1024xf32, #tpu.memory_space<vmem>>[vector<16xi32>, vector<16xi32>], vector<16xf32>,
      %gather3A_637 = tpu.vector_load_idx %arg13[%add3A_10, %broadcast_in_dim3A_632] : memref<32x1024xf32, #tpu.memory_space<vmem>>[vector<16xi32>, vector<16xi32>], vector<16xf32>,
      %gather3A_638 = tpu.vector_load_idx %arg14[%iota3A, %broadcast_in_dim3A_635] : memref<32x1024xf32, #tpu.memory_space<vmem>>[vector<16xi32>, vector<16xi32>], vector<16xf32>,
      %gather3A_639 = tpu.vector_load_idx %arg14[%add3A_10, %broadcast_in_dim3A_635] : memref<32x1024xf32, #tpu.memory_space<vmem>>[vector<16xi32>, vector<16xi32>], vector<16xf32>,
      %mul3A_640 = arith.mulf %gather3A_636, %gather3A_638 : vector<16xf32>
      %mul3A_641 = arith.mulf %gather3A_637, %gather3A_639 : vector<16xf32>
      %add3A_642 = arith.addf %mul3A_640, %mul3A_641 : vector<16xf32>
      %reduce_sum3A_643 = arith.constant true
      %reduce_sum3A_644 = vector.broadcast %reduce_sum3A_643 : i1 to vector<16xi1>
      %reduce_sum3A_645 = tpu.scan <sum>, %add3A_642 masked %reduce_sum3A_644 : vector<16xf32>, vector<16xi1> -> vector<16xf32>
      %reduce_sum3A_646 = vector.extract %reduce_sum3A_645[15] : f32 from vector<16xf32>
      %eq3A_647 = arith.constant 3 : i32
      %eq3A_648 = vector.broadcast %eq3A_647 : i32 to vector<16xi32>
      %eq3A_649 = arith.cmpi eq, %iota3A, %eq3A_648 : vector<16xi32>
      %broadcast_in_dim3A_650 = vector.broadcast %reduce_sum3A_646 : f32 to vector<16xf32>
      %select_n3A_651 = arith.select %eq3A_649, %broadcast_in_dim3A_650, %select_n3A_559 : vector<16xi1>, vector<16xf32>
      %slice3A_652 = vector.extract_strided_slice %get3A_276 {offsets = [11], sizes = [1], strides = [1]} : vector<16xi32> to vector<1xi32>
      %squeeze3A_653 = vector.extract %slice3A_652[0] : i32 from vector<1xi32>
      %slice3A_654 = vector.extract_strided_slice %get3A_278 {offsets = [11], sizes = [1], strides = [1]} : vector<16xi32> to vector<1xi32>
      %squeeze3A_655 = vector.extract %slice3A_654[0] : i32 from vector<1xi32>
      %mul3A_656 = arith.constant 128 : i32
      %mul3A_657 = arith.muli %squeeze3A_653, %mul3A_656 : i32
      %multiple_of3A_658 = tpu.assume_multiple %mul3A_657, 128 : i32
      %dma_start3A_659 = arith.constant 3 : i32
      %dma_start3A_660 = arith.constant 0 : i32
      %dma_start3A_661 = arith.constant 384 : i32
      %dma_start3A_662 = tpu.memref_slice %arg13[%dma_start3A_660, %dma_start3A_661] : memref<32x1024xf32, #tpu.memory_space<vmem>> -> memref<32x128xf32, #tpu.memory_space<vmem>>
      %dma_start3A_663 = arith.constant 0 : i32
      %dma_start3A_664 = tpu.memref_slice %arg4[%dma_start3A_663, %multiple_of3A_658] : memref<32x1000001xf32, #tpu.memory_space<hbm>> -> memref<32x128xf32, #tpu.memory_space<hbm>>
      %dma_start3A_665 = tpu.memref_slice %arg16[%dma_start3A_659] : memref<8x!tpu.dma_semaphore, #tpu.memory_space<semaphore_mem>> -> memref<1x!tpu.dma_semaphore, #tpu.memory_space<semaphore_mem>>
      %dma_start3A_666 = tpu.memref_squeeze %dma_start3A_665 : memref<1x!tpu.dma_semaphore, #tpu.memory_space<semaphore_mem>> -> memref<!tpu.dma_semaphore, #tpu.memory_space<semaphore_mem>>
      %dma_start3A_667 = arith.constant 0 : i32
      %dma_start3A_668 = arith.constant 384 : i32
      %dma_start3A_669 = tpu.memref_slice %arg13[%dma_start3A_667, %dma_start3A_668] : memref<32x1024xf32, #tpu.memory_space<vmem>> -> memref<32x128xf32, #tpu.memory_space<vmem>>
      %dma_start3A_670 = arith.constant 0 : i32
      %dma_start3A_671 = tpu.memref_slice %arg4[%dma_start3A_670, %multiple_of3A_658] : memref<32x1000001xf32, #tpu.memory_space<hbm>> -> memref<32x128xf32, #tpu.memory_space<hbm>>
      tpu.enqueue_dma source(%dma_start3A_671 : memref<32x128xf32, #tpu.memory_space<hbm>>) target(%dma_start3A_669 : memref<32x128xf32, #tpu.memory_space<vmem>>) target_semaphore(%dma_start3A_666 : memref<!tpu.dma_semaphore, #tpu.memory_space<semaphore_mem>>)
      %mul3A_672 = arith.constant 128 : i32
      %mul3A_673 = arith.muli %squeeze3A_655, %mul3A_672 : i32
      %multiple_of3A_674 = tpu.assume_multiple %mul3A_673, 128 : i32
      %dma_start3A_675 = arith.constant 3 : i32
      %dma_start3A_676 = arith.constant 0 : i32
      %dma_start3A_677 = arith.constant 384 : i32
      %dma_start3A_678 = tpu.memref_slice %arg14[%dma_start3A_676, %dma_start3A_677] : memref<32x1024xf32, #tpu.memory_space<vmem>> -> memref<32x128xf32, #tpu.memory_space<vmem>>
      %dma_start3A_679 = arith.constant 0 : i32
      %dma_start3A_680 = tpu.memref_slice %arg5[%dma_start3A_679, %multiple_of3A_674] : memref<32x1000001xf32, #tpu.memory_space<hbm>> -> memref<32x128xf32, #tpu.memory_space<hbm>>
      %dma_start3A_681 = tpu.memref_slice %arg17[%dma_start3A_675] : memref<8x!tpu.dma_semaphore, #tpu.memory_space<semaphore_mem>> -> memref<1x!tpu.dma_semaphore, #tpu.memory_space<semaphore_mem>>
      %dma_start3A_682 = tpu.memref_squeeze %dma_start3A_681 : memref<1x!tpu.dma_semaphore, #tpu.memory_space<semaphore_mem>> -> memref<!tpu.dma_semaphore, #tpu.memory_space<semaphore_mem>>
      %dma_start3A_683 = arith.constant 0 : i32
      %dma_start3A_684 = arith.constant 384 : i32
      %dma_start3A_685 = tpu.memref_slice %arg14[%dma_start3A_683, %dma_start3A_684] : memref<32x1024xf32, #tpu.memory_space<vmem>> -> memref<32x128xf32, #tpu.memory_space<vmem>>
      %dma_start3A_686 = arith.constant 0 : i32
      %dma_start3A_687 = tpu.memref_slice %arg5[%dma_start3A_686, %multiple_of3A_674] : memref<32x1000001xf32, #tpu.memory_space<hbm>> -> memref<32x128xf32, #tpu.memory_space<hbm>>
      tpu.enqueue_dma source(%dma_start3A_687 : memref<32x128xf32, #tpu.memory_space<hbm>>) target(%dma_start3A_685 : memref<32x128xf32, #tpu.memory_space<vmem>>) target_semaphore(%dma_start3A_682 : memref<!tpu.dma_semaphore, #tpu.memory_space<semaphore_mem>>)
      %dma_wait3A_688 = arith.constant 4 : i32
      %dma_wait3A_689 = arith.constant 0 : i32
      %dma_wait3A_690 = arith.constant 512 : i32
      %dma_wait3A_691 = tpu.memref_slice %arg13[%dma_wait3A_689, %dma_wait3A_690] : memref<32x1024xf32, #tpu.memory_space<vmem>> -> memref<32x128xf32, #tpu.memory_space<vmem>>
      %dma_wait3A_692 = arith.constant 0 : i32
      %dma_wait3A_693 = arith.constant 0 : i32
      %dma_wait3A_694 = tpu.memref_slice %arg4[%dma_wait3A_692, %dma_wait3A_693] : memref<32x1000001xf32, #tpu.memory_space<hbm>> -> memref<32x128xf32, #tpu.memory_space<hbm>>
      %dma_wait3A_695 = tpu.memref_slice %arg16[%dma_wait3A_688] : memref<8x!tpu.dma_semaphore, #tpu.memory_space<semaphore_mem>> -> memref<1x!tpu.dma_semaphore, #tpu.memory_space<semaphore_mem>>
      %dma_wait3A_696 = tpu.memref_squeeze %dma_wait3A_695 : memref<1x!tpu.dma_semaphore, #tpu.memory_space<semaphore_mem>> -> memref<!tpu.dma_semaphore, #tpu.memory_space<semaphore_mem>>
      %dma_wait3A_697 = arith.constant 0 : i32
      %dma_wait3A_698 = arith.constant 512 : i32
      %dma_wait3A_699 = tpu.memref_slice %arg13[%dma_wait3A_697, %dma_wait3A_698] : memref<32x1024xf32, #tpu.memory_space<vmem>> -> memref<32x128xf32, #tpu.memory_space<vmem>>
      %dma_wait3A_700 = arith.constant 0 : i32
      %dma_wait3A_701 = arith.constant 0 : i32
      %dma_wait3A_702 = tpu.memref_slice %arg4[%dma_wait3A_700, %dma_wait3A_701] : memref<32x1000001xf32, #tpu.memory_space<hbm>> -> memref<32x128xf32, #tpu.memory_space<hbm>>
      tpu.wait_dma2 semaphore(%dma_wait3A_696 : memref<!tpu.dma_semaphore, #tpu.memory_space<semaphore_mem>>) src(%dma_wait3A_702 : memref<32x128xf32, #tpu.memory_space<hbm>>) dst(%dma_wait3A_699 : memref<32x128xf32, #tpu.memory_space<vmem>>)
      %dma_wait3A_703 = arith.constant 4 : i32
      %dma_wait3A_704 = arith.constant 0 : i32
      %dma_wait3A_705 = arith.constant 512 : i32
      %dma_wait3A_706 = tpu.memref_slice %arg14[%dma_wait3A_704, %dma_wait3A_705] : memref<32x1024xf32, #tpu.memory_space<vmem>> -> memref<32x128xf32, #tpu.memory_space<vmem>>
      %dma_wait3A_707 = arith.constant 0 : i32
      %dma_wait3A_708 = arith.constant 0 : i32
      %dma_wait3A_709 = tpu.memref_slice %arg5[%dma_wait3A_707, %dma_wait3A_708] : memref<32x1000001xf32, #tpu.memory_space<hbm>> -> memref<32x128xf32, #tpu.memory_space<hbm>>
      %dma_wait3A_710 = tpu.memref_slice %arg17[%dma_wait3A_703] : memref<8x!tpu.dma_semaphore, #tpu.memory_space<semaphore_mem>> -> memref<1x!tpu.dma_semaphore, #tpu.memory_space<semaphore_mem>>
      %dma_wait3A_711 = tpu.memref_squeeze %dma_wait3A_710 : memref<1x!tpu.dma_semaphore, #tpu.memory_space<semaphore_mem>> -> memref<!tpu.dma_semaphore, #tpu.memory_space<semaphore_mem>>
      %dma_wait3A_712 = arith.constant 0 : i32
      %dma_wait3A_713 = arith.constant 512 : i32
      %dma_wait3A_714 = tpu.memref_slice %arg14[%dma_wait3A_712, %dma_wait3A_713] : memref<32x1024xf32, #tpu.memory_space<vmem>> -> memref<32x128xf32, #tpu.memory_space<vmem>>
      %dma_wait3A_715 = arith.constant 0 : i32
      %dma_wait3A_716 = arith.constant 0 : i32
      %dma_wait3A_717 = tpu.memref_slice %arg5[%dma_wait3A_715, %dma_wait3A_716] : memref<32x1000001xf32, #tpu.memory_space<hbm>> -> memref<32x128xf32, #tpu.memory_space<hbm>>
      tpu.wait_dma2 semaphore(%dma_wait3A_711 : memref<!tpu.dma_semaphore, #tpu.memory_space<semaphore_mem>>) src(%dma_wait3A_717 : memref<32x128xf32, #tpu.memory_space<hbm>>) dst(%dma_wait3A_714 : memref<32x128xf32, #tpu.memory_space<vmem>>)
      %slice3A_718 = vector.extract_strided_slice %get3A_272 {offsets = [4], sizes = [1], strides = [1]} : vector<16xi32> to vector<1xi32>
      %squeeze3A_719 = vector.extract %slice3A_718[0] : i32 from vector<1xi32>
      %slice3A_720 = vector.extract_strided_slice %get3A_274 {offsets = [4], sizes = [1], strides = [1]} : vector<16xi32> to vector<1xi32>
      %squeeze3A_721 = vector.extract %slice3A_720[0] : i32 from vector<1xi32>
      %add3A_722 = arith.constant 512 : i32
      %add3A_723 = arith.addi %add3A_722, %squeeze3A_719 : i32
      %broadcast_in_dim3A_724 = vector.broadcast %add3A_723 : i32 to vector<16xi32>
      %add3A_725 = arith.constant 512 : i32
      %add3A_726 = arith.addi %add3A_725, %squeeze3A_721 : i32
      %broadcast_in_dim3A_727 = vector.broadcast %add3A_726 : i32 to vector<16xi32>
      %gather3A_728 = tpu.vector_load_idx %arg13[%iota3A, %broadcast_in_dim3A_724] : memref<32x1024xf32, #tpu.memory_space<vmem>>[vector<16xi32>, vector<16xi32>], vector<16xf32>,
      %gather3A_729 = tpu.vector_load_idx %arg13[%add3A_10, %broadcast_in_dim3A_724] : memref<32x1024xf32, #tpu.memory_space<vmem>>[vector<16xi32>, vector<16xi32>], vector<16xf32>,
      %gather3A_730 = tpu.vector_load_idx %arg14[%iota3A, %broadcast_in_dim3A_727] : memref<32x1024xf32, #tpu.memory_space<vmem>>[vector<16xi32>, vector<16xi32>], vector<16xf32>,
      %gather3A_731 = tpu.vector_load_idx %arg14[%add3A_10, %broadcast_in_dim3A_727] : memref<32x1024xf32, #tpu.memory_space<vmem>>[vector<16xi32>, vector<16xi32>], vector<16xf32>,
      %mul3A_732 = arith.mulf %gather3A_728, %gather3A_730 : vector<16xf32>
      %mul3A_733 = arith.mulf %gather3A_729, %gather3A_731 : vector<16xf32>
      %add3A_734 = arith.addf %mul3A_732, %mul3A_733 : vector<16xf32>
      %reduce_sum3A_735 = arith.constant true
      %reduce_sum3A_736 = vector.broadcast %reduce_sum3A_735 : i1 to vector<16xi1>
      %reduce_sum3A_737 = tpu.scan <sum>, %add3A_734 masked %reduce_sum3A_736 : vector<16xf32>, vector<16xi1> -> vector<16xf32>
      %reduce_sum3A_738 = vector.extract %reduce_sum3A_737[15] : f32 from vector<16xf32>
      %eq3A_739 = arith.constant 4 : i32
      %eq3A_740 = vector.broadcast %eq3A_739 : i32 to vector<16xi32>
      %eq3A_741 = arith.cmpi eq, %iota3A, %eq3A_740 : vector<16xi32>
      %broadcast_in_dim3A_742 = vector.broadcast %reduce_sum3A_738 : f32 to vector<16xf32>
      %select_n3A_743 = arith.select %eq3A_741, %broadcast_in_dim3A_742, %select_n3A_651 : vector<16xi1>, vector<16xf32>
      %slice3A_744 = vector.extract_strided_slice %get3A_276 {offsets = [12], sizes = [1], strides = [1]} : vector<16xi32> to vector<1xi32>
      %squeeze3A_745 = vector.extract %slice3A_744[0] : i32 from vector<1xi32>
      %slice3A_746 = vector.extract_strided_slice %get3A_278 {offsets = [12], sizes = [1], strides = [1]} : vector<16xi32> to vector<1xi32>
      %squeeze3A_747 = vector.extract %slice3A_746[0] : i32 from vector<1xi32>
      %mul3A_748 = arith.constant 128 : i32
      %mul3A_749 = arith.muli %squeeze3A_745, %mul3A_748 : i32
      %multiple_of3A_750 = tpu.assume_multiple %mul3A_749, 128 : i32
      %dma_start3A_751 = arith.constant 4 : i32
      %dma_start3A_752 = arith.constant 0 : i32
      %dma_start3A_753 = arith.constant 512 : i32
      %dma_start3A_754 = tpu.memref_slice %arg13[%dma_start3A_752, %dma_start3A_753] : memref<32x1024xf32, #tpu.memory_space<vmem>> -> memref<32x128xf32, #tpu.memory_space<vmem>>
      %dma_start3A_755 = arith.constant 0 : i32
      %dma_start3A_756 = tpu.memref_slice %arg4[%dma_start3A_755, %multiple_of3A_750] : memref<32x1000001xf32, #tpu.memory_space<hbm>> -> memref<32x128xf32, #tpu.memory_space<hbm>>
      %dma_start3A_757 = tpu.memref_slice %arg16[%dma_start3A_751] : memref<8x!tpu.dma_semaphore, #tpu.memory_space<semaphore_mem>> -> memref<1x!tpu.dma_semaphore, #tpu.memory_space<semaphore_mem>>
      %dma_start3A_758 = tpu.memref_squeeze %dma_start3A_757 : memref<1x!tpu.dma_semaphore, #tpu.memory_space<semaphore_mem>> -> memref<!tpu.dma_semaphore, #tpu.memory_space<semaphore_mem>>
      %dma_start3A_759 = arith.constant 0 : i32
      %dma_start3A_760 = arith.constant 512 : i32
      %dma_start3A_761 = tpu.memref_slice %arg13[%dma_start3A_759, %dma_start3A_760] : memref<32x1024xf32, #tpu.memory_space<vmem>> -> memref<32x128xf32, #tpu.memory_space<vmem>>
      %dma_start3A_762 = arith.constant 0 : i32
      %dma_start3A_763 = tpu.memref_slice %arg4[%dma_start3A_762, %multiple_of3A_750] : memref<32x1000001xf32, #tpu.memory_space<hbm>> -> memref<32x128xf32, #tpu.memory_space<hbm>>
      tpu.enqueue_dma source(%dma_start3A_763 : memref<32x128xf32, #tpu.memory_space<hbm>>) target(%dma_start3A_761 : memref<32x128xf32, #tpu.memory_space<vmem>>) target_semaphore(%dma_start3A_758 : memref<!tpu.dma_semaphore, #tpu.memory_space<semaphore_mem>>)
      %mul3A_764 = arith.constant 128 : i32
      %mul3A_765 = arith.muli %squeeze3A_747, %mul3A_764 : i32
      %multiple_of3A_766 = tpu.assume_multiple %mul3A_765, 128 : i32
      %dma_start3A_767 = arith.constant 4 : i32
      %dma_start3A_768 = arith.constant 0 : i32
      %dma_start3A_769 = arith.constant 512 : i32
      %dma_start3A_770 = tpu.memref_slice %arg14[%dma_start3A_768, %dma_start3A_769] : memref<32x1024xf32, #tpu.memory_space<vmem>> -> memref<32x128xf32, #tpu.memory_space<vmem>>
      %dma_start3A_771 = arith.constant 0 : i32
      %dma_start3A_772 = tpu.memref_slice %arg5[%dma_start3A_771, %multiple_of3A_766] : memref<32x1000001xf32, #tpu.memory_space<hbm>> -> memref<32x128xf32, #tpu.memory_space<hbm>>
      %dma_start3A_773 = tpu.memref_slice %arg17[%dma_start3A_767] : memref<8x!tpu.dma_semaphore, #tpu.memory_space<semaphore_mem>> -> memref<1x!tpu.dma_semaphore, #tpu.memory_space<semaphore_mem>>
      %dma_start3A_774 = tpu.memref_squeeze %dma_start3A_773 : memref<1x!tpu.dma_semaphore, #tpu.memory_space<semaphore_mem>> -> memref<!tpu.dma_semaphore, #tpu.memory_space<semaphore_mem>>
      %dma_start3A_775 = arith.constant 0 : i32
      %dma_start3A_776 = arith.constant 512 : i32
      %dma_start3A_777 = tpu.memref_slice %arg14[%dma_start3A_775, %dma_start3A_776] : memref<32x1024xf32, #tpu.memory_space<vmem>> -> memref<32x128xf32, #tpu.memory_space<vmem>>
      %dma_start3A_778 = arith.constant 0 : i32
      %dma_start3A_779 = tpu.memref_slice %arg5[%dma_start3A_778, %multiple_of3A_766] : memref<32x1000001xf32, #tpu.memory_space<hbm>> -> memref<32x128xf32, #tpu.memory_space<hbm>>
      tpu.enqueue_dma source(%dma_start3A_779 : memref<32x128xf32, #tpu.memory_space<hbm>>) target(%dma_start3A_777 : memref<32x128xf32, #tpu.memory_space<vmem>>) target_semaphore(%dma_start3A_774 : memref<!tpu.dma_semaphore, #tpu.memory_space<semaphore_mem>>)
      %dma_wait3A_780 = arith.constant 5 : i32
      %dma_wait3A_781 = arith.constant 0 : i32
      %dma_wait3A_782 = arith.constant 640 : i32
      %dma_wait3A_783 = tpu.memref_slice %arg13[%dma_wait3A_781, %dma_wait3A_782] : memref<32x1024xf32, #tpu.memory_space<vmem>> -> memref<32x128xf32, #tpu.memory_space<vmem>>
      %dma_wait3A_784 = arith.constant 0 : i32
      %dma_wait3A_785 = arith.constant 0 : i32
      %dma_wait3A_786 = tpu.memref_slice %arg4[%dma_wait3A_784, %dma_wait3A_785] : memref<32x1000001xf32, #tpu.memory_space<hbm>> -> memref<32x128xf32, #tpu.memory_space<hbm>>
      %dma_wait3A_787 = tpu.memref_slice %arg16[%dma_wait3A_780] : memref<8x!tpu.dma_semaphore, #tpu.memory_space<semaphore_mem>> -> memref<1x!tpu.dma_semaphore, #tpu.memory_space<semaphore_mem>>
      %dma_wait3A_788 = tpu.memref_squeeze %dma_wait3A_787 : memref<1x!tpu.dma_semaphore, #tpu.memory_space<semaphore_mem>> -> memref<!tpu.dma_semaphore, #tpu.memory_space<semaphore_mem>>
      %dma_wait3A_789 = arith.constant 0 : i32
      %dma_wait3A_790 = arith.constant 640 : i32
      %dma_wait3A_791 = tpu.memref_slice %arg13[%dma_wait3A_789, %dma_wait3A_790] : memref<32x1024xf32, #tpu.memory_space<vmem>> -> memref<32x128xf32, #tpu.memory_space<vmem>>
      %dma_wait3A_792 = arith.constant 0 : i32
      %dma_wait3A_793 = arith.constant 0 : i32
      %dma_wait3A_794 = tpu.memref_slice %arg4[%dma_wait3A_792, %dma_wait3A_793] : memref<32x1000001xf32, #tpu.memory_space<hbm>> -> memref<32x128xf32, #tpu.memory_space<hbm>>
      tpu.wait_dma2 semaphore(%dma_wait3A_788 : memref<!tpu.dma_semaphore, #tpu.memory_space<semaphore_mem>>) src(%dma_wait3A_794 : memref<32x128xf32, #tpu.memory_space<hbm>>) dst(%dma_wait3A_791 : memref<32x128xf32, #tpu.memory_space<vmem>>)
      %dma_wait3A_795 = arith.constant 5 : i32
      %dma_wait3A_796 = arith.constant 0 : i32
      %dma_wait3A_797 = arith.constant 640 : i32
      %dma_wait3A_798 = tpu.memref_slice %arg14[%dma_wait3A_796, %dma_wait3A_797] : memref<32x1024xf32, #tpu.memory_space<vmem>> -> memref<32x128xf32, #tpu.memory_space<vmem>>
      %dma_wait3A_799 = arith.constant 0 : i32
      %dma_wait3A_800 = arith.constant 0 : i32
      %dma_wait3A_801 = tpu.memref_slice %arg5[%dma_wait3A_799, %dma_wait3A_800] : memref<32x1000001xf32, #tpu.memory_space<hbm>> -> memref<32x128xf32, #tpu.memory_space<hbm>>
      %dma_wait3A_802 = tpu.memref_slice %arg17[%dma_wait3A_795] : memref<8x!tpu.dma_semaphore, #tpu.memory_space<semaphore_mem>> -> memref<1x!tpu.dma_semaphore, #tpu.memory_space<semaphore_mem>>
      %dma_wait3A_803 = tpu.memref_squeeze %dma_wait3A_802 : memref<1x!tpu.dma_semaphore, #tpu.memory_space<semaphore_mem>> -> memref<!tpu.dma_semaphore, #tpu.memory_space<semaphore_mem>>
      %dma_wait3A_804 = arith.constant 0 : i32
      %dma_wait3A_805 = arith.constant 640 : i32
      %dma_wait3A_806 = tpu.memref_slice %arg14[%dma_wait3A_804, %dma_wait3A_805] : memref<32x1024xf32, #tpu.memory_space<vmem>> -> memref<32x128xf32, #tpu.memory_space<vmem>>
      %dma_wait3A_807 = arith.constant 0 : i32
      %dma_wait3A_808 = arith.constant 0 : i32
      %dma_wait3A_809 = tpu.memref_slice %arg5[%dma_wait3A_807, %dma_wait3A_808] : memref<32x1000001xf32, #tpu.memory_space<hbm>> -> memref<32x128xf32, #tpu.memory_space<hbm>>
      tpu.wait_dma2 semaphore(%dma_wait3A_803 : memref<!tpu.dma_semaphore, #tpu.memory_space<semaphore_mem>>) src(%dma_wait3A_809 : memref<32x128xf32, #tpu.memory_space<hbm>>) dst(%dma_wait3A_806 : memref<32x128xf32, #tpu.memory_space<vmem>>)
      %slice3A_810 = vector.extract_strided_slice %get3A_272 {offsets = [5], sizes = [1], strides = [1]} : vector<16xi32> to vector<1xi32>
      %squeeze3A_811 = vector.extract %slice3A_810[0] : i32 from vector<1xi32>
      %slice3A_812 = vector.extract_strided_slice %get3A_274 {offsets = [5], sizes = [1], strides = [1]} : vector<16xi32> to vector<1xi32>
      %squeeze3A_813 = vector.extract %slice3A_812[0] : i32 from vector<1xi32>
      %add3A_814 = arith.constant 640 : i32
      %add3A_815 = arith.addi %add3A_814, %squeeze3A_811 : i32
      %broadcast_in_dim3A_816 = vector.broadcast %add3A_815 : i32 to vector<16xi32>
      %add3A_817 = arith.constant 640 : i32
      %add3A_818 = arith.addi %add3A_817, %squeeze3A_813 : i32
      %broadcast_in_dim3A_819 = vector.broadcast %add3A_818 : i32 to vector<16xi32>
      %gather3A_820 = tpu.vector_load_idx %arg13[%iota3A, %broadcast_in_dim3A_816] : memref<32x1024xf32, #tpu.memory_space<vmem>>[vector<16xi32>, vector<16xi32>], vector<16xf32>,
      %gather3A_821 = tpu.vector_load_idx %arg13[%add3A_10, %broadcast_in_dim3A_816] : memref<32x1024xf32, #tpu.memory_space<vmem>>[vector<16xi32>, vector<16xi32>], vector<16xf32>,
      %gather3A_822 = tpu.vector_load_idx %arg14[%iota3A, %broadcast_in_dim3A_819] : memref<32x1024xf32, #tpu.memory_space<vmem>>[vector<16xi32>, vector<16xi32>], vector<16xf32>,
      %gather3A_823 = tpu.vector_load_idx %arg14[%add3A_10, %broadcast_in_dim3A_819] : memref<32x1024xf32, #tpu.memory_space<vmem>>[vector<16xi32>, vector<16xi32>], vector<16xf32>,
      %mul3A_824 = arith.mulf %gather3A_820, %gather3A_822 : vector<16xf32>
      %mul3A_825 = arith.mulf %gather3A_821, %gather3A_823 : vector<16xf32>
      %add3A_826 = arith.addf %mul3A_824, %mul3A_825 : vector<16xf32>
      %reduce_sum3A_827 = arith.constant true
      %reduce_sum3A_828 = vector.broadcast %reduce_sum3A_827 : i1 to vector<16xi1>
      %reduce_sum3A_829 = tpu.scan <sum>, %add3A_826 masked %reduce_sum3A_828 : vector<16xf32>, vector<16xi1> -> vector<16xf32>
      %reduce_sum3A_830 = vector.extract %reduce_sum3A_829[15] : f32 from vector<16xf32>
      %eq3A_831 = arith.constant 5 : i32
      %eq3A_832 = vector.broadcast %eq3A_831 : i32 to vector<16xi32>
      %eq3A_833 = arith.cmpi eq, %iota3A, %eq3A_832 : vector<16xi32>
      %broadcast_in_dim3A_834 = vector.broadcast %reduce_sum3A_830 : f32 to vector<16xf32>
      %select_n3A_835 = arith.select %eq3A_833, %broadcast_in_dim3A_834, %select_n3A_743 : vector<16xi1>, vector<16xf32>
      %slice3A_836 = vector.extract_strided_slice %get3A_276 {offsets = [13], sizes = [1], strides = [1]} : vector<16xi32> to vector<1xi32>
      %squeeze3A_837 = vector.extract %slice3A_836[0] : i32 from vector<1xi32>
      %slice3A_838 = vector.extract_strided_slice %get3A_278 {offsets = [13], sizes = [1], strides = [1]} : vector<16xi32> to vector<1xi32>
      %squeeze3A_839 = vector.extract %slice3A_838[0] : i32 from vector<1xi32>
      %mul3A_840 = arith.constant 128 : i32
      %mul3A_841 = arith.muli %squeeze3A_837, %mul3A_840 : i32
      %multiple_of3A_842 = tpu.assume_multiple %mul3A_841, 128 : i32
      %dma_start3A_843 = arith.constant 5 : i32
      %dma_start3A_844 = arith.constant 0 : i32
      %dma_start3A_845 = arith.constant 640 : i32
      %dma_start3A_846 = tpu.memref_slice %arg13[%dma_start3A_844, %dma_start3A_845] : memref<32x1024xf32, #tpu.memory_space<vmem>> -> memref<32x128xf32, #tpu.memory_space<vmem>>
      %dma_start3A_847 = arith.constant 0 : i32
      %dma_start3A_848 = tpu.memref_slice %arg4[%dma_start3A_847, %multiple_of3A_842] : memref<32x1000001xf32, #tpu.memory_space<hbm>> -> memref<32x128xf32, #tpu.memory_space<hbm>>
      %dma_start3A_849 = tpu.memref_slice %arg16[%dma_start3A_843] : memref<8x!tpu.dma_semaphore, #tpu.memory_space<semaphore_mem>> -> memref<1x!tpu.dma_semaphore, #tpu.memory_space<semaphore_mem>>
      %dma_start3A_850 = tpu.memref_squeeze %dma_start3A_849 : memref<1x!tpu.dma_semaphore, #tpu.memory_space<semaphore_mem>> -> memref<!tpu.dma_semaphore, #tpu.memory_space<semaphore_mem>>
      %dma_start3A_851 = arith.constant 0 : i32
      %dma_start3A_852 = arith.constant 640 : i32
      %dma_start3A_853 = tpu.memref_slice %arg13[%dma_start3A_851, %dma_start3A_852] : memref<32x1024xf32, #tpu.memory_space<vmem>> -> memref<32x128xf32, #tpu.memory_space<vmem>>
      %dma_start3A_854 = arith.constant 0 : i32
      %dma_start3A_855 = tpu.memref_slice %arg4[%dma_start3A_854, %multiple_of3A_842] : memref<32x1000001xf32, #tpu.memory_space<hbm>> -> memref<32x128xf32, #tpu.memory_space<hbm>>
      tpu.enqueue_dma source(%dma_start3A_855 : memref<32x128xf32, #tpu.memory_space<hbm>>) target(%dma_start3A_853 : memref<32x128xf32, #tpu.memory_space<vmem>>) target_semaphore(%dma_start3A_850 : memref<!tpu.dma_semaphore, #tpu.memory_space<semaphore_mem>>)
      %mul3A_856 = arith.constant 128 : i32
      %mul3A_857 = arith.muli %squeeze3A_839, %mul3A_856 : i32
      %multiple_of3A_858 = tpu.assume_multiple %mul3A_857, 128 : i32
      %dma_start3A_859 = arith.constant 5 : i32
      %dma_start3A_860 = arith.constant 0 : i32
      %dma_start3A_861 = arith.constant 640 : i32
      %dma_start3A_862 = tpu.memref_slice %arg14[%dma_start3A_860, %dma_start3A_861] : memref<32x1024xf32, #tpu.memory_space<vmem>> -> memref<32x128xf32, #tpu.memory_space<vmem>>
      %dma_start3A_863 = arith.constant 0 : i32
      %dma_start3A_864 = tpu.memref_slice %arg5[%dma_start3A_863, %multiple_of3A_858] : memref<32x1000001xf32, #tpu.memory_space<hbm>> -> memref<32x128xf32, #tpu.memory_space<hbm>>
      %dma_start3A_865 = tpu.memref_slice %arg17[%dma_start3A_859] : memref<8x!tpu.dma_semaphore, #tpu.memory_space<semaphore_mem>> -> memref<1x!tpu.dma_semaphore, #tpu.memory_space<semaphore_mem>>
      %dma_start3A_866 = tpu.memref_squeeze %dma_start3A_865 : memref<1x!tpu.dma_semaphore, #tpu.memory_space<semaphore_mem>> -> memref<!tpu.dma_semaphore, #tpu.memory_space<semaphore_mem>>
      %dma_start3A_867 = arith.constant 0 : i32
      %dma_start3A_868 = arith.constant 640 : i32
      %dma_start3A_869 = tpu.memref_slice %arg14[%dma_start3A_867, %dma_start3A_868] : memref<32x1024xf32, #tpu.memory_space<vmem>> -> memref<32x128xf32, #tpu.memory_space<vmem>>
      %dma_start3A_870 = arith.constant 0 : i32
      %dma_start3A_871 = tpu.memref_slice %arg5[%dma_start3A_870, %multiple_of3A_858] : memref<32x1000001xf32, #tpu.memory_space<hbm>> -> memref<32x128xf32, #tpu.memory_space<hbm>>
      tpu.enqueue_dma source(%dma_start3A_871 : memref<32x128xf32, #tpu.memory_space<hbm>>) target(%dma_start3A_869 : memref<32x128xf32, #tpu.memory_space<vmem>>) target_semaphore(%dma_start3A_866 : memref<!tpu.dma_semaphore, #tpu.memory_space<semaphore_mem>>)
      %dma_wait3A_872 = arith.constant 6 : i32
      %dma_wait3A_873 = arith.constant 0 : i32
      %dma_wait3A_874 = arith.constant 768 : i32
      %dma_wait3A_875 = tpu.memref_slice %arg13[%dma_wait3A_873, %dma_wait3A_874] : memref<32x1024xf32, #tpu.memory_space<vmem>> -> memref<32x128xf32, #tpu.memory_space<vmem>>
      %dma_wait3A_876 = arith.constant 0 : i32
      %dma_wait3A_877 = arith.constant 0 : i32
      %dma_wait3A_878 = tpu.memref_slice %arg4[%dma_wait3A_876, %dma_wait3A_877] : memref<32x1000001xf32, #tpu.memory_space<hbm>> -> memref<32x128xf32, #tpu.memory_space<hbm>>
      %dma_wait3A_879 = tpu.memref_slice %arg16[%dma_wait3A_872] : memref<8x!tpu.dma_semaphore, #tpu.memory_space<semaphore_mem>> -> memref<1x!tpu.dma_semaphore, #tpu.memory_space<semaphore_mem>>
      %dma_wait3A_880 = tpu.memref_squeeze %dma_wait3A_879 : memref<1x!tpu.dma_semaphore, #tpu.memory_space<semaphore_mem>> -> memref<!tpu.dma_semaphore, #tpu.memory_space<semaphore_mem>>
      %dma_wait3A_881 = arith.constant 0 : i32
      %dma_wait3A_882 = arith.constant 768 : i32
      %dma_wait3A_883 = tpu.memref_slice %arg13[%dma_wait3A_881, %dma_wait3A_882] : memref<32x1024xf32, #tpu.memory_space<vmem>> -> memref<32x128xf32, #tpu.memory_space<vmem>>
      %dma_wait3A_884 = arith.constant 0 : i32
      %dma_wait3A_885 = arith.constant 0 : i32
      %dma_wait3A_886 = tpu.memref_slice %arg4[%dma_wait3A_884, %dma_wait3A_885] : memref<32x1000001xf32, #tpu.memory_space<hbm>> -> memref<32x128xf32, #tpu.memory_space<hbm>>
      tpu.wait_dma2 semaphore(%dma_wait3A_880 : memref<!tpu.dma_semaphore, #tpu.memory_space<semaphore_mem>>) src(%dma_wait3A_886 : memref<32x128xf32, #tpu.memory_space<hbm>>) dst(%dma_wait3A_883 : memref<32x128xf32, #tpu.memory_space<vmem>>)
      %dma_wait3A_887 = arith.constant 6 : i32
      %dma_wait3A_888 = arith.constant 0 : i32
      %dma_wait3A_889 = arith.constant 768 : i32
      %dma_wait3A_890 = tpu.memref_slice %arg14[%dma_wait3A_888, %dma_wait3A_889] : memref<32x1024xf32, #tpu.memory_space<vmem>> -> memref<32x128xf32, #tpu.memory_space<vmem>>
      %dma_wait3A_891 = arith.constant 0 : i32
      %dma_wait3A_892 = arith.constant 0 : i32
      %dma_wait3A_893 = tpu.memref_slice %arg5[%dma_wait3A_891, %dma_wait3A_892] : memref<32x1000001xf32, #tpu.memory_space<hbm>> -> memref<32x128xf32, #tpu.memory_space<hbm>>
      %dma_wait3A_894 = tpu.memref_slice %arg17[%dma_wait3A_887] : memref<8x!tpu.dma_semaphore, #tpu.memory_space<semaphore_mem>> -> memref<1x!tpu.dma_semaphore, #tpu.memory_space<semaphore_mem>>
      %dma_wait3A_895 = tpu.memref_squeeze %dma_wait3A_894 : memref<1x!tpu.dma_semaphore, #tpu.memory_space<semaphore_mem>> -> memref<!tpu.dma_semaphore, #tpu.memory_space<semaphore_mem>>
      %dma_wait3A_896 = arith.constant 0 : i32
      %dma_wait3A_897 = arith.constant 768 : i32
      %dma_wait3A_898 = tpu.memref_slice %arg14[%dma_wait3A_896, %dma_wait3A_897] : memref<32x1024xf32, #tpu.memory_space<vmem>> -> memref<32x128xf32, #tpu.memory_space<vmem>>
      %dma_wait3A_899 = arith.constant 0 : i32
      %dma_wait3A_900 = arith.constant 0 : i32
      %dma_wait3A_901 = tpu.memref_slice %arg5[%dma_wait3A_899, %dma_wait3A_900] : memref<32x1000001xf32, #tpu.memory_space<hbm>> -> memref<32x128xf32, #tpu.memory_space<hbm>>
      tpu.wait_dma2 semaphore(%dma_wait3A_895 : memref<!tpu.dma_semaphore, #tpu.memory_space<semaphore_mem>>) src(%dma_wait3A_901 : memref<32x128xf32, #tpu.memory_space<hbm>>) dst(%dma_wait3A_898 : memref<32x128xf32, #tpu.memory_space<vmem>>)
      %slice3A_902 = vector.extract_strided_slice %get3A_272 {offsets = [6], sizes = [1], strides = [1]} : vector<16xi32> to vector<1xi32>
      %squeeze3A_903 = vector.extract %slice3A_902[0] : i32 from vector<1xi32>
      %slice3A_904 = vector.extract_strided_slice %get3A_274 {offsets = [6], sizes = [1], strides = [1]} : vector<16xi32> to vector<1xi32>
      %squeeze3A_905 = vector.extract %slice3A_904[0] : i32 from vector<1xi32>
      %add3A_906 = arith.constant 768 : i32
      %add3A_907 = arith.addi %add3A_906, %squeeze3A_903 : i32
      %broadcast_in_dim3A_908 = vector.broadcast %add3A_907 : i32 to vector<16xi32>
      %add3A_909 = arith.constant 768 : i32
      %add3A_910 = arith.addi %add3A_909, %squeeze3A_905 : i32
      %broadcast_in_dim3A_911 = vector.broadcast %add3A_910 : i32 to vector<16xi32>
      %gather3A_912 = tpu.vector_load_idx %arg13[%iota3A, %broadcast_in_dim3A_908] : memref<32x1024xf32, #tpu.memory_space<vmem>>[vector<16xi32>, vector<16xi32>], vector<16xf32>,
      %gather3A_913 = tpu.vector_load_idx %arg13[%add3A_10, %broadcast_in_dim3A_908] : memref<32x1024xf32, #tpu.memory_space<vmem>>[vector<16xi32>, vector<16xi32>], vector<16xf32>,
      %gather3A_914 = tpu.vector_load_idx %arg14[%iota3A, %broadcast_in_dim3A_911] : memref<32x1024xf32, #tpu.memory_space<vmem>>[vector<16xi32>, vector<16xi32>], vector<16xf32>,
      %gather3A_915 = tpu.vector_load_idx %arg14[%add3A_10, %broadcast_in_dim3A_911] : memref<32x1024xf32, #tpu.memory_space<vmem>>[vector<16xi32>, vector<16xi32>], vector<16xf32>,
      %mul3A_916 = arith.mulf %gather3A_912, %gather3A_914 : vector<16xf32>
      %mul3A_917 = arith.mulf %gather3A_913, %gather3A_915 : vector<16xf32>
      %add3A_918 = arith.addf %mul3A_916, %mul3A_917 : vector<16xf32>
      %reduce_sum3A_919 = arith.constant true
      %reduce_sum3A_920 = vector.broadcast %reduce_sum3A_919 : i1 to vector<16xi1>
      %reduce_sum3A_921 = tpu.scan <sum>, %add3A_918 masked %reduce_sum3A_920 : vector<16xf32>, vector<16xi1> -> vector<16xf32>
      %reduce_sum3A_922 = vector.extract %reduce_sum3A_921[15] : f32 from vector<16xf32>
      %eq3A_923 = arith.constant 6 : i32
      %eq3A_924 = vector.broadcast %eq3A_923 : i32 to vector<16xi32>
      %eq3A_925 = arith.cmpi eq, %iota3A, %eq3A_924 : vector<16xi32>
      %broadcast_in_dim3A_926 = vector.broadcast %reduce_sum3A_922 : f32 to vector<16xf32>
      %select_n3A_927 = arith.select %eq3A_925, %broadcast_in_dim3A_926, %select_n3A_835 : vector<16xi1>, vector<16xf32>
      %slice3A_928 = vector.extract_strided_slice %get3A_276 {offsets = [14], sizes = [1], strides = [1]} : vector<16xi32> to vector<1xi32>
      %squeeze3A_929 = vector.extract %slice3A_928[0] : i32 from vector<1xi32>
      %slice3A_930 = vector.extract_strided_slice %get3A_278 {offsets = [14], sizes = [1], strides = [1]} : vector<16xi32> to vector<1xi32>
      %squeeze3A_931 = vector.extract %slice3A_930[0] : i32 from vector<1xi32>
      %mul3A_932 = arith.constant 128 : i32
      %mul3A_933 = arith.muli %squeeze3A_929, %mul3A_932 : i32
      %multiple_of3A_934 = tpu.assume_multiple %mul3A_933, 128 : i32
      %dma_start3A_935 = arith.constant 6 : i32
      %dma_start3A_936 = arith.constant 0 : i32
      %dma_start3A_937 = arith.constant 768 : i32
      %dma_start3A_938 = tpu.memref_slice %arg13[%dma_start3A_936, %dma_start3A_937] : memref<32x1024xf32, #tpu.memory_space<vmem>> -> memref<32x128xf32, #tpu.memory_space<vmem>>
      %dma_start3A_939 = arith.constant 0 : i32
      %dma_start3A_940 = tpu.memref_slice %arg4[%dma_start3A_939, %multiple_of3A_934] : memref<32x1000001xf32, #tpu.memory_space<hbm>> -> memref<32x128xf32, #tpu.memory_space<hbm>>
      %dma_start3A_941 = tpu.memref_slice %arg16[%dma_start3A_935] : memref<8x!tpu.dma_semaphore, #tpu.memory_space<semaphore_mem>> -> memref<1x!tpu.dma_semaphore, #tpu.memory_space<semaphore_mem>>
      %dma_start3A_942 = tpu.memref_squeeze %dma_start3A_941 : memref<1x!tpu.dma_semaphore, #tpu.memory_space<semaphore_mem>> -> memref<!tpu.dma_semaphore, #tpu.memory_space<semaphore_mem>>
      %dma_start3A_943 = arith.constant 0 : i32
      %dma_start3A_944 = arith.constant 768 : i32
      %dma_start3A_945 = tpu.memref_slice %arg13[%dma_start3A_943, %dma_start3A_944] : memref<32x1024xf32, #tpu.memory_space<vmem>> -> memref<32x128xf32, #tpu.memory_space<vmem>>
      %dma_start3A_946 = arith.constant 0 : i32
      %dma_start3A_947 = tpu.memref_slice %arg4[%dma_start3A_946, %multiple_of3A_934] : memref<32x1000001xf32, #tpu.memory_space<hbm>> -> memref<32x128xf32, #tpu.memory_space<hbm>>
      tpu.enqueue_dma source(%dma_start3A_947 : memref<32x128xf32, #tpu.memory_space<hbm>>) target(%dma_start3A_945 : memref<32x128xf32, #tpu.memory_space<vmem>>) target_semaphore(%dma_start3A_942 : memref<!tpu.dma_semaphore, #tpu.memory_space<semaphore_mem>>)
      %mul3A_948 = arith.constant 128 : i32
      %mul3A_949 = arith.muli %squeeze3A_931, %mul3A_948 : i32
      %multiple_of3A_950 = tpu.assume_multiple %mul3A_949, 128 : i32
      %dma_start3A_951 = arith.constant 6 : i32
      %dma_start3A_952 = arith.constant 0 : i32
      %dma_start3A_953 = arith.constant 768 : i32
      %dma_start3A_954 = tpu.memref_slice %arg14[%dma_start3A_952, %dma_start3A_953] : memref<32x1024xf32, #tpu.memory_space<vmem>> -> memref<32x128xf32, #tpu.memory_space<vmem>>
      %dma_start3A_955 = arith.constant 0 : i32
      %dma_start3A_956 = tpu.memref_slice %arg5[%dma_start3A_955, %multiple_of3A_950] : memref<32x1000001xf32, #tpu.memory_space<hbm>> -> memref<32x128xf32, #tpu.memory_space<hbm>>
      %dma_start3A_957 = tpu.memref_slice %arg17[%dma_start3A_951] : memref<8x!tpu.dma_semaphore, #tpu.memory_space<semaphore_mem>> -> memref<1x!tpu.dma_semaphore, #tpu.memory_space<semaphore_mem>>
      %dma_start3A_958 = tpu.memref_squeeze %dma_start3A_957 : memref<1x!tpu.dma_semaphore, #tpu.memory_space<semaphore_mem>> -> memref<!tpu.dma_semaphore, #tpu.memory_space<semaphore_mem>>
      %dma_start3A_959 = arith.constant 0 : i32
      %dma_start3A_960 = arith.constant 768 : i32
      %dma_start3A_961 = tpu.memref_slice %arg14[%dma_start3A_959, %dma_start3A_960] : memref<32x1024xf32, #tpu.memory_space<vmem>> -> memref<32x128xf32, #tpu.memory_space<vmem>>
      %dma_start3A_962 = arith.constant 0 : i32
      %dma_start3A_963 = tpu.memref_slice %arg5[%dma_start3A_962, %multiple_of3A_950] : memref<32x1000001xf32, #tpu.memory_space<hbm>> -> memref<32x128xf32, #tpu.memory_space<hbm>>
      tpu.enqueue_dma source(%dma_start3A_963 : memref<32x128xf32, #tpu.memory_space<hbm>>) target(%dma_start3A_961 : memref<32x128xf32, #tpu.memory_space<vmem>>) target_semaphore(%dma_start3A_958 : memref<!tpu.dma_semaphore, #tpu.memory_space<semaphore_mem>>)
      %dma_wait3A_964 = arith.constant 7 : i32
      %dma_wait3A_965 = arith.constant 0 : i32
      %dma_wait3A_966 = arith.constant 896 : i32
      %dma_wait3A_967 = tpu.memref_slice %arg13[%dma_wait3A_965, %dma_wait3A_966] : memref<32x1024xf32, #tpu.memory_space<vmem>> -> memref<32x128xf32, #tpu.memory_space<vmem>>
      %dma_wait3A_968 = arith.constant 0 : i32
      %dma_wait3A_969 = arith.constant 0 : i32
      %dma_wait3A_970 = tpu.memref_slice %arg4[%dma_wait3A_968, %dma_wait3A_969] : memref<32x1000001xf32, #tpu.memory_space<hbm>> -> memref<32x128xf32, #tpu.memory_space<hbm>>
      %dma_wait3A_971 = tpu.memref_slice %arg16[%dma_wait3A_964] : memref<8x!tpu.dma_semaphore, #tpu.memory_space<semaphore_mem>> -> memref<1x!tpu.dma_semaphore, #tpu.memory_space<semaphore_mem>>
      %dma_wait3A_972 = tpu.memref_squeeze %dma_wait3A_971 : memref<1x!tpu.dma_semaphore, #tpu.memory_space<semaphore_mem>> -> memref<!tpu.dma_semaphore, #tpu.memory_space<semaphore_mem>>
      %dma_wait3A_973 = arith.constant 0 : i32
      %dma_wait3A_974 = arith.constant 896 : i32
      %dma_wait3A_975 = tpu.memref_slice %arg13[%dma_wait3A_973, %dma_wait3A_974] : memref<32x1024xf32, #tpu.memory_space<vmem>> -> memref<32x128xf32, #tpu.memory_space<vmem>>
      %dma_wait3A_976 = arith.constant 0 : i32
      %dma_wait3A_977 = arith.constant 0 : i32
      %dma_wait3A_978 = tpu.memref_slice %arg4[%dma_wait3A_976, %dma_wait3A_977] : memref<32x1000001xf32, #tpu.memory_space<hbm>> -> memref<32x128xf32, #tpu.memory_space<hbm>>
      tpu.wait_dma2 semaphore(%dma_wait3A_972 : memref<!tpu.dma_semaphore, #tpu.memory_space<semaphore_mem>>) src(%dma_wait3A_978 : memref<32x128xf32, #tpu.memory_space<hbm>>) dst(%dma_wait3A_975 : memref<32x128xf32, #tpu.memory_space<vmem>>)
      %dma_wait3A_979 = arith.constant 7 : i32
      %dma_wait3A_980 = arith.constant 0 : i32
      %dma_wait3A_981 = arith.constant 896 : i32
      %dma_wait3A_982 = tpu.memref_slice %arg14[%dma_wait3A_980, %dma_wait3A_981] : memref<32x1024xf32, #tpu.memory_space<vmem>> -> memref<32x128xf32, #tpu.memory_space<vmem>>
      %dma_wait3A_983 = arith.constant 0 : i32
      %dma_wait3A_984 = arith.constant 0 : i32
      %dma_wait3A_985 = tpu.memref_slice %arg5[%dma_wait3A_983, %dma_wait3A_984] : memref<32x1000001xf32, #tpu.memory_space<hbm>> -> memref<32x128xf32, #tpu.memory_space<hbm>>
      %dma_wait3A_986 = tpu.memref_slice %arg17[%dma_wait3A_979] : memref<8x!tpu.dma_semaphore, #tpu.memory_space<semaphore_mem>> -> memref<1x!tpu.dma_semaphore, #tpu.memory_space<semaphore_mem>>
      %dma_wait3A_987 = tpu.memref_squeeze %dma_wait3A_986 : memref<1x!tpu.dma_semaphore, #tpu.memory_space<semaphore_mem>> -> memref<!tpu.dma_semaphore, #tpu.memory_space<semaphore_mem>>
      %dma_wait3A_988 = arith.constant 0 : i32
      %dma_wait3A_989 = arith.constant 896 : i32
      %dma_wait3A_990 = tpu.memref_slice %arg14[%dma_wait3A_988, %dma_wait3A_989] : memref<32x1024xf32, #tpu.memory_space<vmem>> -> memref<32x128xf32, #tpu.memory_space<vmem>>
      %dma_wait3A_991 = arith.constant 0 : i32
      %dma_wait3A_992 = arith.constant 0 : i32
      %dma_wait3A_993 = tpu.memref_slice %arg5[%dma_wait3A_991, %dma_wait3A_992] : memref<32x1000001xf32, #tpu.memory_space<hbm>> -> memref<32x128xf32, #tpu.memory_space<hbm>>
      tpu.wait_dma2 semaphore(%dma_wait3A_987 : memref<!tpu.dma_semaphore, #tpu.memory_space<semaphore_mem>>) src(%dma_wait3A_993 : memref<32x128xf32, #tpu.memory_space<hbm>>) dst(%dma_wait3A_990 : memref<32x128xf32, #tpu.memory_space<vmem>>)
      %slice3A_994 = vector.extract_strided_slice %get3A_272 {offsets = [7], sizes = [1], strides = [1]} : vector<16xi32> to vector<1xi32>
      %squeeze3A_995 = vector.extract %slice3A_994[0] : i32 from vector<1xi32>
      %slice3A_996 = vector.extract_strided_slice %get3A_274 {offsets = [7], sizes = [1], strides = [1]} : vector<16xi32> to vector<1xi32>
      %squeeze3A_997 = vector.extract %slice3A_996[0] : i32 from vector<1xi32>
      %add3A_998 = arith.constant 896 : i32
      %add3A_999 = arith.addi %add3A_998, %squeeze3A_995 : i32
      %broadcast_in_dim3A_1000 = vector.broadcast %add3A_999 : i32 to vector<16xi32>
      %add3A_1001 = arith.constant 896 : i32
      %add3A_1002 = arith.addi %add3A_1001, %squeeze3A_997 : i32
      %broadcast_in_dim3A_1003 = vector.broadcast %add3A_1002 : i32 to vector<16xi32>
      %gather3A_1004 = tpu.vector_load_idx %arg13[%iota3A, %broadcast_in_dim3A_1000] : memref<32x1024xf32, #tpu.memory_space<vmem>>[vector<16xi32>, vector<16xi32>], vector<16xf32>,
      %gather3A_1005 = tpu.vector_load_idx %arg13[%add3A_10, %broadcast_in_dim3A_1000] : memref<32x1024xf32, #tpu.memory_space<vmem>>[vector<16xi32>, vector<16xi32>], vector<16xf32>,
      %gather3A_1006 = tpu.vector_load_idx %arg14[%iota3A, %broadcast_in_dim3A_1003] : memref<32x1024xf32, #tpu.memory_space<vmem>>[vector<16xi32>, vector<16xi32>], vector<16xf32>,
      %gather3A_1007 = tpu.vector_load_idx %arg14[%add3A_10, %broadcast_in_dim3A_1003] : memref<32x1024xf32, #tpu.memory_space<vmem>>[vector<16xi32>, vector<16xi32>], vector<16xf32>,
      %mul3A_1008 = arith.mulf %gather3A_1004, %gather3A_1006 : vector<16xf32>
      %mul3A_1009 = arith.mulf %gather3A_1005, %gather3A_1007 : vector<16xf32>
      %add3A_1010 = arith.addf %mul3A_1008, %mul3A_1009 : vector<16xf32>
      %reduce_sum3A_1011 = arith.constant true
      %reduce_sum3A_1012 = vector.broadcast %reduce_sum3A_1011 : i1 to vector<16xi1>
      %reduce_sum3A_1013 = tpu.scan <sum>, %add3A_1010 masked %reduce_sum3A_1012 : vector<16xf32>, vector<16xi1> -> vector<16xf32>
      %reduce_sum3A_1014 = vector.extract %reduce_sum3A_1013[15] : f32 from vector<16xf32>
      %eq3A_1015 = arith.constant 7 : i32
      %eq3A_1016 = vector.broadcast %eq3A_1015 : i32 to vector<16xi32>
      %eq3A_1017 = arith.cmpi eq, %iota3A, %eq3A_1016 : vector<16xi32>
      %broadcast_in_dim3A_1018 = vector.broadcast %reduce_sum3A_1014 : f32 to vector<16xf32>
      %select_n3A_1019 = arith.select %eq3A_1017, %broadcast_in_dim3A_1018, %select_n3A_927 : vector<16xi1>, vector<16xf32>
      %slice3A_1020 = vector.extract_strided_slice %get3A_276 {offsets = [15], sizes = [1], strides = [1]} : vector<16xi32> to vector<1xi32>
      %squeeze3A_1021 = vector.extract %slice3A_1020[0] : i32 from vector<1xi32>
      %slice3A_1022 = vector.extract_strided_slice %get3A_278 {offsets = [15], sizes = [1], strides = [1]} : vector<16xi32> to vector<1xi32>
      %squeeze3A_1023 = vector.extract %slice3A_1022[0] : i32 from vector<1xi32>
      %mul3A_1024 = arith.constant 128 : i32
      %mul3A_1025 = arith.muli %squeeze3A_1021, %mul3A_1024 : i32
      %multiple_of3A_1026 = tpu.assume_multiple %mul3A_1025, 128 : i32
      %dma_start3A_1027 = arith.constant 7 : i32
      %dma_start3A_1028 = arith.constant 0 : i32
      %dma_start3A_1029 = arith.constant 896 : i32
      %dma_start3A_1030 = tpu.memref_slice %arg13[%dma_start3A_1028, %dma_start3A_1029] : memref<32x1024xf32, #tpu.memory_space<vmem>> -> memref<32x128xf32, #tpu.memory_space<vmem>>
      %dma_start3A_1031 = arith.constant 0 : i32
      %dma_start3A_1032 = tpu.memref_slice %arg4[%dma_start3A_1031, %multiple_of3A_1026] : memref<32x1000001xf32, #tpu.memory_space<hbm>> -> memref<32x128xf32, #tpu.memory_space<hbm>>
      %dma_start3A_1033 = tpu.memref_slice %arg16[%dma_start3A_1027] : memref<8x!tpu.dma_semaphore, #tpu.memory_space<semaphore_mem>> -> memref<1x!tpu.dma_semaphore, #tpu.memory_space<semaphore_mem>>
      %dma_start3A_1034 = tpu.memref_squeeze %dma_start3A_1033 : memref<1x!tpu.dma_semaphore, #tpu.memory_space<semaphore_mem>> -> memref<!tpu.dma_semaphore, #tpu.memory_space<semaphore_mem>>
      %dma_start3A_1035 = arith.constant 0 : i32
      %dma_start3A_1036 = arith.constant 896 : i32
      %dma_start3A_1037 = tpu.memref_slice %arg13[%dma_start3A_1035, %dma_start3A_1036] : memref<32x1024xf32, #tpu.memory_space<vmem>> -> memref<32x128xf32, #tpu.memory_space<vmem>>
      %dma_start3A_1038 = arith.constant 0 : i32
      %dma_start3A_1039 = tpu.memref_slice %arg4[%dma_start3A_1038, %multiple_of3A_1026] : memref<32x1000001xf32, #tpu.memory_space<hbm>> -> memref<32x128xf32, #tpu.memory_space<hbm>>
      tpu.enqueue_dma source(%dma_start3A_1039 : memref<32x128xf32, #tpu.memory_space<hbm>>) target(%dma_start3A_1037 : memref<32x128xf32, #tpu.memory_space<vmem>>) target_semaphore(%dma_start3A_1034 : memref<!tpu.dma_semaphore, #tpu.memory_space<semaphore_mem>>)
      %mul3A_1040 = arith.constant 128 : i32
      %mul3A_1041 = arith.muli %squeeze3A_1023, %mul3A_1040 : i32
      %multiple_of3A_1042 = tpu.assume_multiple %mul3A_1041, 128 : i32
      %dma_start3A_1043 = arith.constant 7 : i32
      %dma_start3A_1044 = arith.constant 0 : i32
      %dma_start3A_1045 = arith.constant 896 : i32
      %dma_start3A_1046 = tpu.memref_slice %arg14[%dma_start3A_1044, %dma_start3A_1045] : memref<32x1024xf32, #tpu.memory_space<vmem>> -> memref<32x128xf32, #tpu.memory_space<vmem>>
      %dma_start3A_1047 = arith.constant 0 : i32
      %dma_start3A_1048 = tpu.memref_slice %arg5[%dma_start3A_1047, %multiple_of3A_1042] : memref<32x1000001xf32, #tpu.memory_space<hbm>> -> memref<32x128xf32, #tpu.memory_space<hbm>>
      %dma_start3A_1049 = tpu.memref_slice %arg17[%dma_start3A_1043] : memref<8x!tpu.dma_semaphore, #tpu.memory_space<semaphore_mem>> -> memref<1x!tpu.dma_semaphore, #tpu.memory_space<semaphore_mem>>
      %dma_start3A_1050 = tpu.memref_squeeze %dma_start3A_1049 : memref<1x!tpu.dma_semaphore, #tpu.memory_space<semaphore_mem>> -> memref<!tpu.dma_semaphore, #tpu.memory_space<semaphore_mem>>
      %dma_start3A_1051 = arith.constant 0 : i32
      %dma_start3A_1052 = arith.constant 896 : i32
      %dma_start3A_1053 = tpu.memref_slice %arg14[%dma_start3A_1051, %dma_start3A_1052] : memref<32x1024xf32, #tpu.memory_space<vmem>> -> memref<32x128xf32, #tpu.memory_space<vmem>>
      %dma_start3A_1054 = arith.constant 0 : i32
      %dma_start3A_1055 = tpu.memref_slice %arg5[%dma_start3A_1054, %multiple_of3A_1042] : memref<32x1000001xf32, #tpu.memory_space<hbm>> -> memref<32x128xf32, #tpu.memory_space<hbm>>
      tpu.enqueue_dma source(%dma_start3A_1055 : memref<32x128xf32, #tpu.memory_space<hbm>>) target(%dma_start3A_1053 : memref<32x128xf32, #tpu.memory_space<vmem>>) target_semaphore(%dma_start3A_1050 : memref<!tpu.dma_semaphore, #tpu.memory_space<semaphore_mem>>)
      %dma_wait3A_1056 = arith.constant 0 : i32
      %dma_wait3A_1057 = arith.constant 0 : i32
      %dma_wait3A_1058 = arith.constant 0 : i32
      %dma_wait3A_1059 = tpu.memref_slice %arg13[%dma_wait3A_1057, %dma_wait3A_1058] : memref<32x1024xf32, #tpu.memory_space<vmem>> -> memref<32x128xf32, #tpu.memory_space<vmem>>
      %dma_wait3A_1060 = arith.constant 0 : i32
      %dma_wait3A_1061 = arith.constant 0 : i32
      %dma_wait3A_1062 = tpu.memref_slice %arg4[%dma_wait3A_1060, %dma_wait3A_1061] : memref<32x1000001xf32, #tpu.memory_space<hbm>> -> memref<32x128xf32, #tpu.memory_space<hbm>>
      %dma_wait3A_1063 = tpu.memref_slice %arg16[%dma_wait3A_1056] : memref<8x!tpu.dma_semaphore, #tpu.memory_space<semaphore_mem>> -> memref<1x!tpu.dma_semaphore, #tpu.memory_space<semaphore_mem>>
      %dma_wait3A_1064 = tpu.memref_squeeze %dma_wait3A_1063 : memref<1x!tpu.dma_semaphore, #tpu.memory_space<semaphore_mem>> -> memref<!tpu.dma_semaphore, #tpu.memory_space<semaphore_mem>>
      %dma_wait3A_1065 = arith.constant 0 : i32
      %dma_wait3A_1066 = arith.constant 0 : i32
      %dma_wait3A_1067 = tpu.memref_slice %arg13[%dma_wait3A_1065, %dma_wait3A_1066] : memref<32x1024xf32, #tpu.memory_space<vmem>> -> memref<32x128xf32, #tpu.memory_space<vmem>>
      %dma_wait3A_1068 = arith.constant 0 : i32
      %dma_wait3A_1069 = arith.constant 0 : i32
      %dma_wait3A_1070 = tpu.memref_slice %arg4[%dma_wait3A_1068, %dma_wait3A_1069] : memref<32x1000001xf32, #tpu.memory_space<hbm>> -> memref<32x128xf32, #tpu.memory_space<hbm>>
      tpu.wait_dma2 semaphore(%dma_wait3A_1064 : memref<!tpu.dma_semaphore, #tpu.memory_space<semaphore_mem>>) src(%dma_wait3A_1070 : memref<32x128xf32, #tpu.memory_space<hbm>>) dst(%dma_wait3A_1067 : memref<32x128xf32, #tpu.memory_space<vmem>>)
      %dma_wait3A_1071 = arith.constant 0 : i32
      %dma_wait3A_1072 = arith.constant 0 : i32
      %dma_wait3A_1073 = arith.constant 0 : i32
      %dma_wait3A_1074 = tpu.memref_slice %arg14[%dma_wait3A_1072, %dma_wait3A_1073] : memref<32x1024xf32, #tpu.memory_space<vmem>> -> memref<32x128xf32, #tpu.memory_space<vmem>>
      %dma_wait3A_1075 = arith.constant 0 : i32
      %dma_wait3A_1076 = arith.constant 0 : i32
      %dma_wait3A_1077 = tpu.memref_slice %arg5[%dma_wait3A_1075, %dma_wait3A_1076] : memref<32x1000001xf32, #tpu.memory_space<hbm>> -> memref<32x128xf32, #tpu.memory_space<hbm>>
      %dma_wait3A_1078 = tpu.memref_slice %arg17[%dma_wait3A_1071] : memref<8x!tpu.dma_semaphore, #tpu.memory_space<semaphore_mem>> -> memref<1x!tpu.dma_semaphore, #tpu.memory_space<semaphore_mem>>
      %dma_wait3A_1079 = tpu.memref_squeeze %dma_wait3A_1078 : memref<1x!tpu.dma_semaphore, #tpu.memory_space<semaphore_mem>> -> memref<!tpu.dma_semaphore, #tpu.memory_space<semaphore_mem>>
      %dma_wait3A_1080 = arith.constant 0 : i32
      %dma_wait3A_1081 = arith.constant 0 : i32
      %dma_wait3A_1082 = tpu.memref_slice %arg14[%dma_wait3A_1080, %dma_wait3A_1081] : memref<32x1024xf32, #tpu.memory_space<vmem>> -> memref<32x128xf32, #tpu.memory_space<vmem>>
      %dma_wait3A_1083 = arith.constant 0 : i32
      %dma_wait3A_1084 = arith.constant 0 : i32
      %dma_wait3A_1085 = tpu.memref_slice %arg5[%dma_wait3A_1083, %dma_wait3A_1084] : memref<32x1000001xf32, #tpu.memory_space<hbm>> -> memref<32x128xf32, #tpu.memory_space<hbm>>
      tpu.wait_dma2 semaphore(%dma_wait3A_1079 : memref<!tpu.dma_semaphore, #tpu.memory_space<semaphore_mem>>) src(%dma_wait3A_1085 : memref<32x128xf32, #tpu.memory_space<hbm>>) dst(%dma_wait3A_1082 : memref<32x128xf32, #tpu.memory_space<vmem>>)
      %slice3A_1086 = vector.extract_strided_slice %get3A_272 {offsets = [8], sizes = [1], strides = [1]} : vector<16xi32> to vector<1xi32>
      %squeeze3A_1087 = vector.extract %slice3A_1086[0] : i32 from vector<1xi32>
      %slice3A_1088 = vector.extract_strided_slice %get3A_274 {offsets = [8], sizes = [1], strides = [1]} : vector<16xi32> to vector<1xi32>
      %squeeze3A_1089 = vector.extract %slice3A_1088[0] : i32 from vector<1xi32>
      %add3A_1090 = arith.constant 0 : i32
      %add3A_1091 = arith.addi %add3A_1090, %squeeze3A_1087 : i32
      %broadcast_in_dim3A_1092 = vector.broadcast %add3A_1091 : i32 to vector<16xi32>
      %add3A_1093 = arith.constant 0 : i32
      %add3A_1094 = arith.addi %add3A_1093, %squeeze3A_1089 : i32
      %broadcast_in_dim3A_1095 = vector.broadcast %add3A_1094 : i32 to vector<16xi32>
      %gather3A_1096 = tpu.vector_load_idx %arg13[%iota3A, %broadcast_in_dim3A_1092] : memref<32x1024xf32, #tpu.memory_space<vmem>>[vector<16xi32>, vector<16xi32>], vector<16xf32>,
      %gather3A_1097 = tpu.vector_load_idx %arg13[%add3A_10, %broadcast_in_dim3A_1092] : memref<32x1024xf32, #tpu.memory_space<vmem>>[vector<16xi32>, vector<16xi32>], vector<16xf32>,
      %gather3A_1098 = tpu.vector_load_idx %arg14[%iota3A, %broadcast_in_dim3A_1095] : memref<32x1024xf32, #tpu.memory_space<vmem>>[vector<16xi32>, vector<16xi32>], vector<16xf32>,
      %gather3A_1099 = tpu.vector_load_idx %arg14[%add3A_10, %broadcast_in_dim3A_1095] : memref<32x1024xf32, #tpu.memory_space<vmem>>[vector<16xi32>, vector<16xi32>], vector<16xf32>,
      %mul3A_1100 = arith.mulf %gather3A_1096, %gather3A_1098 : vector<16xf32>
      %mul3A_1101 = arith.mulf %gather3A_1097, %gather3A_1099 : vector<16xf32>
      %add3A_1102 = arith.addf %mul3A_1100, %mul3A_1101 : vector<16xf32>
      %reduce_sum3A_1103 = arith.constant true
      %reduce_sum3A_1104 = vector.broadcast %reduce_sum3A_1103 : i1 to vector<16xi1>
      %reduce_sum3A_1105 = tpu.scan <sum>, %add3A_1102 masked %reduce_sum3A_1104 : vector<16xf32>, vector<16xi1> -> vector<16xf32>
      %reduce_sum3A_1106 = vector.extract %reduce_sum3A_1105[15] : f32 from vector<16xf32>
      %eq3A_1107 = arith.constant 8 : i32
      %eq3A_1108 = vector.broadcast %eq3A_1107 : i32 to vector<16xi32>
      %eq3A_1109 = arith.cmpi eq, %iota3A, %eq3A_1108 : vector<16xi32>
      %broadcast_in_dim3A_1110 = vector.broadcast %reduce_sum3A_1106 : f32 to vector<16xf32>
      %select_n3A_1111 = arith.select %eq3A_1109, %broadcast_in_dim3A_1110, %select_n3A_1019 : vector<16xi1>, vector<16xf32>
      %slice3A_1112 = vector.extract_strided_slice %get3A_285 {offsets = [0], sizes = [1], strides = [1]} : vector<16xi32> to vector<1xi32>
      %squeeze3A_1113 = vector.extract %slice3A_1112[0] : i32 from vector<1xi32>
      %slice3A_1114 = vector.extract_strided_slice %get3A_287 {offsets = [0], sizes = [1], strides = [1]} : vector<16xi32> to vector<1xi32>
      %squeeze3A_1115 = vector.extract %slice3A_1114[0] : i32 from vector<1xi32>
      %lt3A = arith.constant 24 : i32
      %lt3A_1116 = arith.cmpi slt, %scan3A_268, %lt3A : i32
      %convert_element_type3A = arith.extui %lt3A_1116 : i1 to i32
      %cond3A = arith.constant 0 : i32
      %cond3A_1117 = arith.cmpi ne, %convert_element_type3A, %cond3A : i32
      scf.if %cond3A_1117 {
        %mul3A_1565 = arith.constant 128 : i32
        %mul3A_1566 = arith.muli %squeeze3A_1113, %mul3A_1565 : i32
        %multiple_of3A_1567 = tpu.assume_multiple %mul3A_1566, 128 : i32
        %dma_start3A_1568 = arith.constant 0 : i32
        %dma_start3A_1569 = arith.constant 0 : i32
        %dma_start3A_1570 = arith.constant 0 : i32
        %dma_start3A_1571 = tpu.memref_slice %arg13[%dma_start3A_1569, %dma_start3A_1570] : memref<32x1024xf32, #tpu.memory_space<vmem>> -> memref<32x128xf32, #tpu.memory_space<vmem>>
        %dma_start3A_1572 = arith.constant 0 : i32
        %dma_start3A_1573 = tpu.memref_slice %arg4[%dma_start3A_1572, %multiple_of3A_1567] : memref<32x1000001xf32, #tpu.memory_space<hbm>> -> memref<32x128xf32, #tpu.memory_space<hbm>>
        %dma_start3A_1574 = tpu.memref_slice %arg16[%dma_start3A_1568] : memref<8x!tpu.dma_semaphore, #tpu.memory_space<semaphore_mem>> -> memref<1x!tpu.dma_semaphore, #tpu.memory_space<semaphore_mem>>
        %dma_start3A_1575 = tpu.memref_squeeze %dma_start3A_1574 : memref<1x!tpu.dma_semaphore, #tpu.memory_space<semaphore_mem>> -> memref<!tpu.dma_semaphore, #tpu.memory_space<semaphore_mem>>
        %dma_start3A_1576 = arith.constant 0 : i32
        %dma_start3A_1577 = arith.constant 0 : i32
        %dma_start3A_1578 = tpu.memref_slice %arg13[%dma_start3A_1576, %dma_start3A_1577] : memref<32x1024xf32, #tpu.memory_space<vmem>> -> memref<32x128xf32, #tpu.memory_space<vmem>>
        %dma_start3A_1579 = arith.constant 0 : i32
        %dma_start3A_1580 = tpu.memref_slice %arg4[%dma_start3A_1579, %multiple_of3A_1567] : memref<32x1000001xf32, #tpu.memory_space<hbm>> -> memref<32x128xf32, #tpu.memory_space<hbm>>
        tpu.enqueue_dma source(%dma_start3A_1580 : memref<32x128xf32, #tpu.memory_space<hbm>>) target(%dma_start3A_1578 : memref<32x128xf32, #tpu.memory_space<vmem>>) target_semaphore(%dma_start3A_1575 : memref<!tpu.dma_semaphore, #tpu.memory_space<semaphore_mem>>)
        %mul3A_1581 = arith.constant 128 : i32
        %mul3A_1582 = arith.muli %squeeze3A_1115, %mul3A_1581 : i32
        %multiple_of3A_1583 = tpu.assume_multiple %mul3A_1582, 128 : i32
        %dma_start3A_1584 = arith.constant 0 : i32
        %dma_start3A_1585 = arith.constant 0 : i32
        %dma_start3A_1586 = arith.constant 0 : i32
        %dma_start3A_1587 = tpu.memref_slice %arg14[%dma_start3A_1585, %dma_start3A_1586] : memref<32x1024xf32, #tpu.memory_space<vmem>> -> memref<32x128xf32, #tpu.memory_space<vmem>>
        %dma_start3A_1588 = arith.constant 0 : i32
        %dma_start3A_1589 = tpu.memref_slice %arg5[%dma_start3A_1588, %multiple_of3A_1583] : memref<32x1000001xf32, #tpu.memory_space<hbm>> -> memref<32x128xf32, #tpu.memory_space<hbm>>
        %dma_start3A_1590 = tpu.memref_slice %arg17[%dma_start3A_1584] : memref<8x!tpu.dma_semaphore, #tpu.memory_space<semaphore_mem>> -> memref<1x!tpu.dma_semaphore, #tpu.memory_space<semaphore_mem>>
        %dma_start3A_1591 = tpu.memref_squeeze %dma_start3A_1590 : memref<1x!tpu.dma_semaphore, #tpu.memory_space<semaphore_mem>> -> memref<!tpu.dma_semaphore, #tpu.memory_space<semaphore_mem>>
        %dma_start3A_1592 = arith.constant 0 : i32
        %dma_start3A_1593 = arith.constant 0 : i32
        %dma_start3A_1594 = tpu.memref_slice %arg14[%dma_start3A_1592, %dma_start3A_1593] : memref<32x1024xf32, #tpu.memory_space<vmem>> -> memref<32x128xf32, #tpu.memory_space<vmem>>
        %dma_start3A_1595 = arith.constant 0 : i32
        %dma_start3A_1596 = tpu.memref_slice %arg5[%dma_start3A_1595, %multiple_of3A_1583] : memref<32x1000001xf32, #tpu.memory_space<hbm>> -> memref<32x128xf32, #tpu.memory_space<hbm>>
        tpu.enqueue_dma source(%dma_start3A_1596 : memref<32x128xf32, #tpu.memory_space<hbm>>) target(%dma_start3A_1594 : memref<32x128xf32, #tpu.memory_space<vmem>>) target_semaphore(%dma_start3A_1591 : memref<!tpu.dma_semaphore, #tpu.memory_space<semaphore_mem>>)
      } else {
      }
      %dma_wait3A_1118 = arith.constant 1 : i32
      %dma_wait3A_1119 = arith.constant 0 : i32
      %dma_wait3A_1120 = arith.constant 128 : i32
      %dma_wait3A_1121 = tpu.memref_slice %arg13[%dma_wait3A_1119, %dma_wait3A_1120] : memref<32x1024xf32, #tpu.memory_space<vmem>> -> memref<32x128xf32, #tpu.memory_space<vmem>>
      %dma_wait3A_1122 = arith.constant 0 : i32
      %dma_wait3A_1123 = arith.constant 0 : i32
      %dma_wait3A_1124 = tpu.memref_slice %arg4[%dma_wait3A_1122, %dma_wait3A_1123] : memref<32x1000001xf32, #tpu.memory_space<hbm>> -> memref<32x128xf32, #tpu.memory_space<hbm>>
      %dma_wait3A_1125 = tpu.memref_slice %arg16[%dma_wait3A_1118] : memref<8x!tpu.dma_semaphore, #tpu.memory_space<semaphore_mem>> -> memref<1x!tpu.dma_semaphore, #tpu.memory_space<semaphore_mem>>
      %dma_wait3A_1126 = tpu.memref_squeeze %dma_wait3A_1125 : memref<1x!tpu.dma_semaphore, #tpu.memory_space<semaphore_mem>> -> memref<!tpu.dma_semaphore, #tpu.memory_space<semaphore_mem>>
      %dma_wait3A_1127 = arith.constant 0 : i32
      %dma_wait3A_1128 = arith.constant 128 : i32
      %dma_wait3A_1129 = tpu.memref_slice %arg13[%dma_wait3A_1127, %dma_wait3A_1128] : memref<32x1024xf32, #tpu.memory_space<vmem>> -> memref<32x128xf32, #tpu.memory_space<vmem>>
      %dma_wait3A_1130 = arith.constant 0 : i32
      %dma_wait3A_1131 = arith.constant 0 : i32
      %dma_wait3A_1132 = tpu.memref_slice %arg4[%dma_wait3A_1130, %dma_wait3A_1131] : memref<32x1000001xf32, #tpu.memory_space<hbm>> -> memref<32x128xf32, #tpu.memory_space<hbm>>
      tpu.wait_dma2 semaphore(%dma_wait3A_1126 : memref<!tpu.dma_semaphore, #tpu.memory_space<semaphore_mem>>) src(%dma_wait3A_1132 : memref<32x128xf32, #tpu.memory_space<hbm>>) dst(%dma_wait3A_1129 : memref<32x128xf32, #tpu.memory_space<vmem>>)
      %dma_wait3A_1133 = arith.constant 1 : i32
      %dma_wait3A_1134 = arith.constant 0 : i32
      %dma_wait3A_1135 = arith.constant 128 : i32
      %dma_wait3A_1136 = tpu.memref_slice %arg14[%dma_wait3A_1134, %dma_wait3A_1135] : memref<32x1024xf32, #tpu.memory_space<vmem>> -> memref<32x128xf32, #tpu.memory_space<vmem>>
      %dma_wait3A_1137 = arith.constant 0 : i32
      %dma_wait3A_1138 = arith.constant 0 : i32
      %dma_wait3A_1139 = tpu.memref_slice %arg5[%dma_wait3A_1137, %dma_wait3A_1138] : memref<32x1000001xf32, #tpu.memory_space<hbm>> -> memref<32x128xf32, #tpu.memory_space<hbm>>
      %dma_wait3A_1140 = tpu.memref_slice %arg17[%dma_wait3A_1133] : memref<8x!tpu.dma_semaphore, #tpu.memory_space<semaphore_mem>> -> memref<1x!tpu.dma_semaphore, #tpu.memory_space<semaphore_mem>>
      %dma_wait3A_1141 = tpu.memref_squeeze %dma_wait3A_1140 : memref<1x!tpu.dma_semaphore, #tpu.memory_space<semaphore_mem>> -> memref<!tpu.dma_semaphore, #tpu.memory_space<semaphore_mem>>
      %dma_wait3A_1142 = arith.constant 0 : i32
      %dma_wait3A_1143 = arith.constant 128 : i32
      %dma_wait3A_1144 = tpu.memref_slice %arg14[%dma_wait3A_1142, %dma_wait3A_1143] : memref<32x1024xf32, #tpu.memory_space<vmem>> -> memref<32x128xf32, #tpu.memory_space<vmem>>
      %dma_wait3A_1145 = arith.constant 0 : i32
      %dma_wait3A_1146 = arith.constant 0 : i32
      %dma_wait3A_1147 = tpu.memref_slice %arg5[%dma_wait3A_1145, %dma_wait3A_1146] : memref<32x1000001xf32, #tpu.memory_space<hbm>> -> memref<32x128xf32, #tpu.memory_space<hbm>>
      tpu.wait_dma2 semaphore(%dma_wait3A_1141 : memref<!tpu.dma_semaphore, #tpu.memory_space<semaphore_mem>>) src(%dma_wait3A_1147 : memref<32x128xf32, #tpu.memory_space<hbm>>) dst(%dma_wait3A_1144 : memref<32x128xf32, #tpu.memory_space<vmem>>)
      %slice3A_1148 = vector.extract_strided_slice %get3A_272 {offsets = [9], sizes = [1], strides = [1]} : vector<16xi32> to vector<1xi32>
      %squeeze3A_1149 = vector.extract %slice3A_1148[0] : i32 from vector<1xi32>
      %slice3A_1150 = vector.extract_strided_slice %get3A_274 {offsets = [9], sizes = [1], strides = [1]} : vector<16xi32> to vector<1xi32>
      %squeeze3A_1151 = vector.extract %slice3A_1150[0] : i32 from vector<1xi32>
      %add3A_1152 = arith.constant 128 : i32
      %add3A_1153 = arith.addi %add3A_1152, %squeeze3A_1149 : i32
      %broadcast_in_dim3A_1154 = vector.broadcast %add3A_1153 : i32 to vector<16xi32>
      %add3A_1155 = arith.constant 128 : i32
      %add3A_1156 = arith.addi %add3A_1155, %squeeze3A_1151 : i32
      %broadcast_in_dim3A_1157 = vector.broadcast %add3A_1156 : i32 to vector<16xi32>
      %gather3A_1158 = tpu.vector_load_idx %arg13[%iota3A, %broadcast_in_dim3A_1154] : memref<32x1024xf32, #tpu.memory_space<vmem>>[vector<16xi32>, vector<16xi32>], vector<16xf32>,
      %gather3A_1159 = tpu.vector_load_idx %arg13[%add3A_10, %broadcast_in_dim3A_1154] : memref<32x1024xf32, #tpu.memory_space<vmem>>[vector<16xi32>, vector<16xi32>], vector<16xf32>,
      %gather3A_1160 = tpu.vector_load_idx %arg14[%iota3A, %broadcast_in_dim3A_1157] : memref<32x1024xf32, #tpu.memory_space<vmem>>[vector<16xi32>, vector<16xi32>], vector<16xf32>,
      %gather3A_1161 = tpu.vector_load_idx %arg14[%add3A_10, %broadcast_in_dim3A_1157] : memref<32x1024xf32, #tpu.memory_space<vmem>>[vector<16xi32>, vector<16xi32>], vector<16xf32>,
      %mul3A_1162 = arith.mulf %gather3A_1158, %gather3A_1160 : vector<16xf32>
      %mul3A_1163 = arith.mulf %gather3A_1159, %gather3A_1161 : vector<16xf32>
      %add3A_1164 = arith.addf %mul3A_1162, %mul3A_1163 : vector<16xf32>
      %reduce_sum3A_1165 = arith.constant true
      %reduce_sum3A_1166 = vector.broadcast %reduce_sum3A_1165 : i1 to vector<16xi1>
      %reduce_sum3A_1167 = tpu.scan <sum>, %add3A_1164 masked %reduce_sum3A_1166 : vector<16xf32>, vector<16xi1> -> vector<16xf32>
      %reduce_sum3A_1168 = vector.extract %reduce_sum3A_1167[15] : f32 from vector<16xf32>
      %eq3A_1169 = arith.constant 9 : i32
      %eq3A_1170 = vector.broadcast %eq3A_1169 : i32 to vector<16xi32>
      %eq3A_1171 = arith.cmpi eq, %iota3A, %eq3A_1170 : vector<16xi32>
      %broadcast_in_dim3A_1172 = vector.broadcast %reduce_sum3A_1168 : f32 to vector<16xf32>
      %select_n3A_1173 = arith.select %eq3A_1171, %broadcast_in_dim3A_1172, %select_n3A_1111 : vector<16xi1>, vector<16xf32>
      %slice3A_1174 = vector.extract_strided_slice %get3A_285 {offsets = [1], sizes = [1], strides = [1]} : vector<16xi32> to vector<1xi32>
      %squeeze3A_1175 = vector.extract %slice3A_1174[0] : i32 from vector<1xi32>
      %slice3A_1176 = vector.extract_strided_slice %get3A_287 {offsets = [1], sizes = [1], strides = [1]} : vector<16xi32> to vector<1xi32>
      %squeeze3A_1177 = vector.extract %slice3A_1176[0] : i32 from vector<1xi32>
      %lt3A_1178 = arith.constant 24 : i32
      %lt3A_1179 = arith.cmpi slt, %scan3A_268, %lt3A_1178 : i32
      %convert_element_type3A_1180 = arith.extui %lt3A_1179 : i1 to i32
      %cond3A_1181 = arith.constant 0 : i32
      %cond3A_1182 = arith.cmpi ne, %convert_element_type3A_1180, %cond3A_1181 : i32
      scf.if %cond3A_1182 {
        %mul3A_1565 = arith.constant 128 : i32
        %mul3A_1566 = arith.muli %squeeze3A_1175, %mul3A_1565 : i32
        %multiple_of3A_1567 = tpu.assume_multiple %mul3A_1566, 128 : i32
        %dma_start3A_1568 = arith.constant 1 : i32
        %dma_start3A_1569 = arith.constant 0 : i32
        %dma_start3A_1570 = arith.constant 128 : i32
        %dma_start3A_1571 = tpu.memref_slice %arg13[%dma_start3A_1569, %dma_start3A_1570] : memref<32x1024xf32, #tpu.memory_space<vmem>> -> memref<32x128xf32, #tpu.memory_space<vmem>>
        %dma_start3A_1572 = arith.constant 0 : i32
        %dma_start3A_1573 = tpu.memref_slice %arg4[%dma_start3A_1572, %multiple_of3A_1567] : memref<32x1000001xf32, #tpu.memory_space<hbm>> -> memref<32x128xf32, #tpu.memory_space<hbm>>
        %dma_start3A_1574 = tpu.memref_slice %arg16[%dma_start3A_1568] : memref<8x!tpu.dma_semaphore, #tpu.memory_space<semaphore_mem>> -> memref<1x!tpu.dma_semaphore, #tpu.memory_space<semaphore_mem>>
        %dma_start3A_1575 = tpu.memref_squeeze %dma_start3A_1574 : memref<1x!tpu.dma_semaphore, #tpu.memory_space<semaphore_mem>> -> memref<!tpu.dma_semaphore, #tpu.memory_space<semaphore_mem>>
        %dma_start3A_1576 = arith.constant 0 : i32
        %dma_start3A_1577 = arith.constant 128 : i32
        %dma_start3A_1578 = tpu.memref_slice %arg13[%dma_start3A_1576, %dma_start3A_1577] : memref<32x1024xf32, #tpu.memory_space<vmem>> -> memref<32x128xf32, #tpu.memory_space<vmem>>
        %dma_start3A_1579 = arith.constant 0 : i32
        %dma_start3A_1580 = tpu.memref_slice %arg4[%dma_start3A_1579, %multiple_of3A_1567] : memref<32x1000001xf32, #tpu.memory_space<hbm>> -> memref<32x128xf32, #tpu.memory_space<hbm>>
        tpu.enqueue_dma source(%dma_start3A_1580 : memref<32x128xf32, #tpu.memory_space<hbm>>) target(%dma_start3A_1578 : memref<32x128xf32, #tpu.memory_space<vmem>>) target_semaphore(%dma_start3A_1575 : memref<!tpu.dma_semaphore, #tpu.memory_space<semaphore_mem>>)
        %mul3A_1581 = arith.constant 128 : i32
        %mul3A_1582 = arith.muli %squeeze3A_1177, %mul3A_1581 : i32
        %multiple_of3A_1583 = tpu.assume_multiple %mul3A_1582, 128 : i32
        %dma_start3A_1584 = arith.constant 1 : i32
        %dma_start3A_1585 = arith.constant 0 : i32
        %dma_start3A_1586 = arith.constant 128 : i32
        %dma_start3A_1587 = tpu.memref_slice %arg14[%dma_start3A_1585, %dma_start3A_1586] : memref<32x1024xf32, #tpu.memory_space<vmem>> -> memref<32x128xf32, #tpu.memory_space<vmem>>
        %dma_start3A_1588 = arith.constant 0 : i32
        %dma_start3A_1589 = tpu.memref_slice %arg5[%dma_start3A_1588, %multiple_of3A_1583] : memref<32x1000001xf32, #tpu.memory_space<hbm>> -> memref<32x128xf32, #tpu.memory_space<hbm>>
        %dma_start3A_1590 = tpu.memref_slice %arg17[%dma_start3A_1584] : memref<8x!tpu.dma_semaphore, #tpu.memory_space<semaphore_mem>> -> memref<1x!tpu.dma_semaphore, #tpu.memory_space<semaphore_mem>>
        %dma_start3A_1591 = tpu.memref_squeeze %dma_start3A_1590 : memref<1x!tpu.dma_semaphore, #tpu.memory_space<semaphore_mem>> -> memref<!tpu.dma_semaphore, #tpu.memory_space<semaphore_mem>>
        %dma_start3A_1592 = arith.constant 0 : i32
        %dma_start3A_1593 = arith.constant 128 : i32
        %dma_start3A_1594 = tpu.memref_slice %arg14[%dma_start3A_1592, %dma_start3A_1593] : memref<32x1024xf32, #tpu.memory_space<vmem>> -> memref<32x128xf32, #tpu.memory_space<vmem>>
        %dma_start3A_1595 = arith.constant 0 : i32
        %dma_start3A_1596 = tpu.memref_slice %arg5[%dma_start3A_1595, %multiple_of3A_1583] : memref<32x1000001xf32, #tpu.memory_space<hbm>> -> memref<32x128xf32, #tpu.memory_space<hbm>>
        tpu.enqueue_dma source(%dma_start3A_1596 : memref<32x128xf32, #tpu.memory_space<hbm>>) target(%dma_start3A_1594 : memref<32x128xf32, #tpu.memory_space<vmem>>) target_semaphore(%dma_start3A_1591 : memref<!tpu.dma_semaphore, #tpu.memory_space<semaphore_mem>>)
      } else {
      }
      %dma_wait3A_1183 = arith.constant 2 : i32
      %dma_wait3A_1184 = arith.constant 0 : i32
      %dma_wait3A_1185 = arith.constant 256 : i32
      %dma_wait3A_1186 = tpu.memref_slice %arg13[%dma_wait3A_1184, %dma_wait3A_1185] : memref<32x1024xf32, #tpu.memory_space<vmem>> -> memref<32x128xf32, #tpu.memory_space<vmem>>
      %dma_wait3A_1187 = arith.constant 0 : i32
      %dma_wait3A_1188 = arith.constant 0 : i32
      %dma_wait3A_1189 = tpu.memref_slice %arg4[%dma_wait3A_1187, %dma_wait3A_1188] : memref<32x1000001xf32, #tpu.memory_space<hbm>> -> memref<32x128xf32, #tpu.memory_space<hbm>>
      %dma_wait3A_1190 = tpu.memref_slice %arg16[%dma_wait3A_1183] : memref<8x!tpu.dma_semaphore, #tpu.memory_space<semaphore_mem>> -> memref<1x!tpu.dma_semaphore, #tpu.memory_space<semaphore_mem>>
      %dma_wait3A_1191 = tpu.memref_squeeze %dma_wait3A_1190 : memref<1x!tpu.dma_semaphore, #tpu.memory_space<semaphore_mem>> -> memref<!tpu.dma_semaphore, #tpu.memory_space<semaphore_mem>>
      %dma_wait3A_1192 = arith.constant 0 : i32
      %dma_wait3A_1193 = arith.constant 256 : i32
      %dma_wait3A_1194 = tpu.memref_slice %arg13[%dma_wait3A_1192, %dma_wait3A_1193] : memref<32x1024xf32, #tpu.memory_space<vmem>> -> memref<32x128xf32, #tpu.memory_space<vmem>>
      %dma_wait3A_1195 = arith.constant 0 : i32
      %dma_wait3A_1196 = arith.constant 0 : i32
      %dma_wait3A_1197 = tpu.memref_slice %arg4[%dma_wait3A_1195, %dma_wait3A_1196] : memref<32x1000001xf32, #tpu.memory_space<hbm>> -> memref<32x128xf32, #tpu.memory_space<hbm>>
      tpu.wait_dma2 semaphore(%dma_wait3A_1191 : memref<!tpu.dma_semaphore, #tpu.memory_space<semaphore_mem>>) src(%dma_wait3A_1197 : memref<32x128xf32, #tpu.memory_space<hbm>>) dst(%dma_wait3A_1194 : memref<32x128xf32, #tpu.memory_space<vmem>>)
      %dma_wait3A_1198 = arith.constant 2 : i32
      %dma_wait3A_1199 = arith.constant 0 : i32
      %dma_wait3A_1200 = arith.constant 256 : i32
      %dma_wait3A_1201 = tpu.memref_slice %arg14[%dma_wait3A_1199, %dma_wait3A_1200] : memref<32x1024xf32, #tpu.memory_space<vmem>> -> memref<32x128xf32, #tpu.memory_space<vmem>>
      %dma_wait3A_1202 = arith.constant 0 : i32
      %dma_wait3A_1203 = arith.constant 0 : i32
      %dma_wait3A_1204 = tpu.memref_slice %arg5[%dma_wait3A_1202, %dma_wait3A_1203] : memref<32x1000001xf32, #tpu.memory_space<hbm>> -> memref<32x128xf32, #tpu.memory_space<hbm>>
      %dma_wait3A_1205 = tpu.memref_slice %arg17[%dma_wait3A_1198] : memref<8x!tpu.dma_semaphore, #tpu.memory_space<semaphore_mem>> -> memref<1x!tpu.dma_semaphore, #tpu.memory_space<semaphore_mem>>
      %dma_wait3A_1206 = tpu.memref_squeeze %dma_wait3A_1205 : memref<1x!tpu.dma_semaphore, #tpu.memory_space<semaphore_mem>> -> memref<!tpu.dma_semaphore, #tpu.memory_space<semaphore_mem>>
      %dma_wait3A_1207 = arith.constant 0 : i32
      %dma_wait3A_1208 = arith.constant 256 : i32
      %dma_wait3A_1209 = tpu.memref_slice %arg14[%dma_wait3A_1207, %dma_wait3A_1208] : memref<32x1024xf32, #tpu.memory_space<vmem>> -> memref<32x128xf32, #tpu.memory_space<vmem>>
      %dma_wait3A_1210 = arith.constant 0 : i32
      %dma_wait3A_1211 = arith.constant 0 : i32
      %dma_wait3A_1212 = tpu.memref_slice %arg5[%dma_wait3A_1210, %dma_wait3A_1211] : memref<32x1000001xf32, #tpu.memory_space<hbm>> -> memref<32x128xf32, #tpu.memory_space<hbm>>
      tpu.wait_dma2 semaphore(%dma_wait3A_1206 : memref<!tpu.dma_semaphore, #tpu.memory_space<semaphore_mem>>) src(%dma_wait3A_1212 : memref<32x128xf32, #tpu.memory_space<hbm>>) dst(%dma_wait3A_1209 : memref<32x128xf32, #tpu.memory_space<vmem>>)
      %slice3A_1213 = vector.extract_strided_slice %get3A_272 {offsets = [10], sizes = [1], strides = [1]} : vector<16xi32> to vector<1xi32>
      %squeeze3A_1214 = vector.extract %slice3A_1213[0] : i32 from vector<1xi32>
      %slice3A_1215 = vector.extract_strided_slice %get3A_274 {offsets = [10], sizes = [1], strides = [1]} : vector<16xi32> to vector<1xi32>
      %squeeze3A_1216 = vector.extract %slice3A_1215[0] : i32 from vector<1xi32>
      %add3A_1217 = arith.constant 256 : i32
      %add3A_1218 = arith.addi %add3A_1217, %squeeze3A_1214 : i32
      %broadcast_in_dim3A_1219 = vector.broadcast %add3A_1218 : i32 to vector<16xi32>
      %add3A_1220 = arith.constant 256 : i32
      %add3A_1221 = arith.addi %add3A_1220, %squeeze3A_1216 : i32
      %broadcast_in_dim3A_1222 = vector.broadcast %add3A_1221 : i32 to vector<16xi32>
      %gather3A_1223 = tpu.vector_load_idx %arg13[%iota3A, %broadcast_in_dim3A_1219] : memref<32x1024xf32, #tpu.memory_space<vmem>>[vector<16xi32>, vector<16xi32>], vector<16xf32>,
      %gather3A_1224 = tpu.vector_load_idx %arg13[%add3A_10, %broadcast_in_dim3A_1219] : memref<32x1024xf32, #tpu.memory_space<vmem>>[vector<16xi32>, vector<16xi32>], vector<16xf32>,
      %gather3A_1225 = tpu.vector_load_idx %arg14[%iota3A, %broadcast_in_dim3A_1222] : memref<32x1024xf32, #tpu.memory_space<vmem>>[vector<16xi32>, vector<16xi32>], vector<16xf32>,
      %gather3A_1226 = tpu.vector_load_idx %arg14[%add3A_10, %broadcast_in_dim3A_1222] : memref<32x1024xf32, #tpu.memory_space<vmem>>[vector<16xi32>, vector<16xi32>], vector<16xf32>,
      %mul3A_1227 = arith.mulf %gather3A_1223, %gather3A_1225 : vector<16xf32>
      %mul3A_1228 = arith.mulf %gather3A_1224, %gather3A_1226 : vector<16xf32>
      %add3A_1229 = arith.addf %mul3A_1227, %mul3A_1228 : vector<16xf32>
      %reduce_sum3A_1230 = arith.constant true
      %reduce_sum3A_1231 = vector.broadcast %reduce_sum3A_1230 : i1 to vector<16xi1>
      %reduce_sum3A_1232 = tpu.scan <sum>, %add3A_1229 masked %reduce_sum3A_1231 : vector<16xf32>, vector<16xi1> -> vector<16xf32>
      %reduce_sum3A_1233 = vector.extract %reduce_sum3A_1232[15] : f32 from vector<16xf32>
      %eq3A_1234 = arith.constant 10 : i32
      %eq3A_1235 = vector.broadcast %eq3A_1234 : i32 to vector<16xi32>
      %eq3A_1236 = arith.cmpi eq, %iota3A, %eq3A_1235 : vector<16xi32>
      %broadcast_in_dim3A_1237 = vector.broadcast %reduce_sum3A_1233 : f32 to vector<16xf32>
      %select_n3A_1238 = arith.select %eq3A_1236, %broadcast_in_dim3A_1237, %select_n3A_1173 : vector<16xi1>, vector<16xf32>
      %slice3A_1239 = vector.extract_strided_slice %get3A_285 {offsets = [2], sizes = [1], strides = [1]} : vector<16xi32> to vector<1xi32>
      %squeeze3A_1240 = vector.extract %slice3A_1239[0] : i32 from vector<1xi32>
      %slice3A_1241 = vector.extract_strided_slice %get3A_287 {offsets = [2], sizes = [1], strides = [1]} : vector<16xi32> to vector<1xi32>
      %squeeze3A_1242 = vector.extract %slice3A_1241[0] : i32 from vector<1xi32>
      %lt3A_1243 = arith.constant 24 : i32
      %lt3A_1244 = arith.cmpi slt, %scan3A_268, %lt3A_1243 : i32
      %convert_element_type3A_1245 = arith.extui %lt3A_1244 : i1 to i32
      %cond3A_1246 = arith.constant 0 : i32
      %cond3A_1247 = arith.cmpi ne, %convert_element_type3A_1245, %cond3A_1246 : i32
      scf.if %cond3A_1247 {
        %mul3A_1565 = arith.constant 128 : i32
        %mul3A_1566 = arith.muli %squeeze3A_1240, %mul3A_1565 : i32
        %multiple_of3A_1567 = tpu.assume_multiple %mul3A_1566, 128 : i32
        %dma_start3A_1568 = arith.constant 2 : i32
        %dma_start3A_1569 = arith.constant 0 : i32
        %dma_start3A_1570 = arith.constant 256 : i32
        %dma_start3A_1571 = tpu.memref_slice %arg13[%dma_start3A_1569, %dma_start3A_1570] : memref<32x1024xf32, #tpu.memory_space<vmem>> -> memref<32x128xf32, #tpu.memory_space<vmem>>
        %dma_start3A_1572 = arith.constant 0 : i32
        %dma_start3A_1573 = tpu.memref_slice %arg4[%dma_start3A_1572, %multiple_of3A_1567] : memref<32x1000001xf32, #tpu.memory_space<hbm>> -> memref<32x128xf32, #tpu.memory_space<hbm>>
        %dma_start3A_1574 = tpu.memref_slice %arg16[%dma_start3A_1568] : memref<8x!tpu.dma_semaphore, #tpu.memory_space<semaphore_mem>> -> memref<1x!tpu.dma_semaphore, #tpu.memory_space<semaphore_mem>>
        %dma_start3A_1575 = tpu.memref_squeeze %dma_start3A_1574 : memref<1x!tpu.dma_semaphore, #tpu.memory_space<semaphore_mem>> -> memref<!tpu.dma_semaphore, #tpu.memory_space<semaphore_mem>>
        %dma_start3A_1576 = arith.constant 0 : i32
        %dma_start3A_1577 = arith.constant 256 : i32
        %dma_start3A_1578 = tpu.memref_slice %arg13[%dma_start3A_1576, %dma_start3A_1577] : memref<32x1024xf32, #tpu.memory_space<vmem>> -> memref<32x128xf32, #tpu.memory_space<vmem>>
        %dma_start3A_1579 = arith.constant 0 : i32
        %dma_start3A_1580 = tpu.memref_slice %arg4[%dma_start3A_1579, %multiple_of3A_1567] : memref<32x1000001xf32, #tpu.memory_space<hbm>> -> memref<32x128xf32, #tpu.memory_space<hbm>>
        tpu.enqueue_dma source(%dma_start3A_1580 : memref<32x128xf32, #tpu.memory_space<hbm>>) target(%dma_start3A_1578 : memref<32x128xf32, #tpu.memory_space<vmem>>) target_semaphore(%dma_start3A_1575 : memref<!tpu.dma_semaphore, #tpu.memory_space<semaphore_mem>>)
        %mul3A_1581 = arith.constant 128 : i32
        %mul3A_1582 = arith.muli %squeeze3A_1242, %mul3A_1581 : i32
        %multiple_of3A_1583 = tpu.assume_multiple %mul3A_1582, 128 : i32
        %dma_start3A_1584 = arith.constant 2 : i32
        %dma_start3A_1585 = arith.constant 0 : i32
        %dma_start3A_1586 = arith.constant 256 : i32
        %dma_start3A_1587 = tpu.memref_slice %arg14[%dma_start3A_1585, %dma_start3A_1586] : memref<32x1024xf32, #tpu.memory_space<vmem>> -> memref<32x128xf32, #tpu.memory_space<vmem>>
        %dma_start3A_1588 = arith.constant 0 : i32
        %dma_start3A_1589 = tpu.memref_slice %arg5[%dma_start3A_1588, %multiple_of3A_1583] : memref<32x1000001xf32, #tpu.memory_space<hbm>> -> memref<32x128xf32, #tpu.memory_space<hbm>>
        %dma_start3A_1590 = tpu.memref_slice %arg17[%dma_start3A_1584] : memref<8x!tpu.dma_semaphore, #tpu.memory_space<semaphore_mem>> -> memref<1x!tpu.dma_semaphore, #tpu.memory_space<semaphore_mem>>
        %dma_start3A_1591 = tpu.memref_squeeze %dma_start3A_1590 : memref<1x!tpu.dma_semaphore, #tpu.memory_space<semaphore_mem>> -> memref<!tpu.dma_semaphore, #tpu.memory_space<semaphore_mem>>
        %dma_start3A_1592 = arith.constant 0 : i32
        %dma_start3A_1593 = arith.constant 256 : i32
        %dma_start3A_1594 = tpu.memref_slice %arg14[%dma_start3A_1592, %dma_start3A_1593] : memref<32x1024xf32, #tpu.memory_space<vmem>> -> memref<32x128xf32, #tpu.memory_space<vmem>>
        %dma_start3A_1595 = arith.constant 0 : i32
        %dma_start3A_1596 = tpu.memref_slice %arg5[%dma_start3A_1595, %multiple_of3A_1583] : memref<32x1000001xf32, #tpu.memory_space<hbm>> -> memref<32x128xf32, #tpu.memory_space<hbm>>
        tpu.enqueue_dma source(%dma_start3A_1596 : memref<32x128xf32, #tpu.memory_space<hbm>>) target(%dma_start3A_1594 : memref<32x128xf32, #tpu.memory_space<vmem>>) target_semaphore(%dma_start3A_1591 : memref<!tpu.dma_semaphore, #tpu.memory_space<semaphore_mem>>)
      } else {
      }
      %dma_wait3A_1248 = arith.constant 3 : i32
      %dma_wait3A_1249 = arith.constant 0 : i32
      %dma_wait3A_1250 = arith.constant 384 : i32
      %dma_wait3A_1251 = tpu.memref_slice %arg13[%dma_wait3A_1249, %dma_wait3A_1250] : memref<32x1024xf32, #tpu.memory_space<vmem>> -> memref<32x128xf32, #tpu.memory_space<vmem>>
      %dma_wait3A_1252 = arith.constant 0 : i32
      %dma_wait3A_1253 = arith.constant 0 : i32
      %dma_wait3A_1254 = tpu.memref_slice %arg4[%dma_wait3A_1252, %dma_wait3A_1253] : memref<32x1000001xf32, #tpu.memory_space<hbm>> -> memref<32x128xf32, #tpu.memory_space<hbm>>
      %dma_wait3A_1255 = tpu.memref_slice %arg16[%dma_wait3A_1248] : memref<8x!tpu.dma_semaphore, #tpu.memory_space<semaphore_mem>> -> memref<1x!tpu.dma_semaphore, #tpu.memory_space<semaphore_mem>>
      %dma_wait3A_1256 = tpu.memref_squeeze %dma_wait3A_1255 : memref<1x!tpu.dma_semaphore, #tpu.memory_space<semaphore_mem>> -> memref<!tpu.dma_semaphore, #tpu.memory_space<semaphore_mem>>
      %dma_wait3A_1257 = arith.constant 0 : i32
      %dma_wait3A_1258 = arith.constant 384 : i32
      %dma_wait3A_1259 = tpu.memref_slice %arg13[%dma_wait3A_1257, %dma_wait3A_1258] : memref<32x1024xf32, #tpu.memory_space<vmem>> -> memref<32x128xf32, #tpu.memory_space<vmem>>
      %dma_wait3A_1260 = arith.constant 0 : i32
      %dma_wait3A_1261 = arith.constant 0 : i32
      %dma_wait3A_1262 = tpu.memref_slice %arg4[%dma_wait3A_1260, %dma_wait3A_1261] : memref<32x1000001xf32, #tpu.memory_space<hbm>> -> memref<32x128xf32, #tpu.memory_space<hbm>>
      tpu.wait_dma2 semaphore(%dma_wait3A_1256 : memref<!tpu.dma_semaphore, #tpu.memory_space<semaphore_mem>>) src(%dma_wait3A_1262 : memref<32x128xf32, #tpu.memory_space<hbm>>) dst(%dma_wait3A_1259 : memref<32x128xf32, #tpu.memory_space<vmem>>)
      %dma_wait3A_1263 = arith.constant 3 : i32
      %dma_wait3A_1264 = arith.constant 0 : i32
      %dma_wait3A_1265 = arith.constant 384 : i32
      %dma_wait3A_1266 = tpu.memref_slice %arg14[%dma_wait3A_1264, %dma_wait3A_1265] : memref<32x1024xf32, #tpu.memory_space<vmem>> -> memref<32x128xf32, #tpu.memory_space<vmem>>
      %dma_wait3A_1267 = arith.constant 0 : i32
      %dma_wait3A_1268 = arith.constant 0 : i32
      %dma_wait3A_1269 = tpu.memref_slice %arg5[%dma_wait3A_1267, %dma_wait3A_1268] : memref<32x1000001xf32, #tpu.memory_space<hbm>> -> memref<32x128xf32, #tpu.memory_space<hbm>>
      %dma_wait3A_1270 = tpu.memref_slice %arg17[%dma_wait3A_1263] : memref<8x!tpu.dma_semaphore, #tpu.memory_space<semaphore_mem>> -> memref<1x!tpu.dma_semaphore, #tpu.memory_space<semaphore_mem>>
      %dma_wait3A_1271 = tpu.memref_squeeze %dma_wait3A_1270 : memref<1x!tpu.dma_semaphore, #tpu.memory_space<semaphore_mem>> -> memref<!tpu.dma_semaphore, #tpu.memory_space<semaphore_mem>>
      %dma_wait3A_1272 = arith.constant 0 : i32
      %dma_wait3A_1273 = arith.constant 384 : i32
      %dma_wait3A_1274 = tpu.memref_slice %arg14[%dma_wait3A_1272, %dma_wait3A_1273] : memref<32x1024xf32, #tpu.memory_space<vmem>> -> memref<32x128xf32, #tpu.memory_space<vmem>>
      %dma_wait3A_1275 = arith.constant 0 : i32
      %dma_wait3A_1276 = arith.constant 0 : i32
      %dma_wait3A_1277 = tpu.memref_slice %arg5[%dma_wait3A_1275, %dma_wait3A_1276] : memref<32x1000001xf32, #tpu.memory_space<hbm>> -> memref<32x128xf32, #tpu.memory_space<hbm>>
      tpu.wait_dma2 semaphore(%dma_wait3A_1271 : memref<!tpu.dma_semaphore, #tpu.memory_space<semaphore_mem>>) src(%dma_wait3A_1277 : memref<32x128xf32, #tpu.memory_space<hbm>>) dst(%dma_wait3A_1274 : memref<32x128xf32, #tpu.memory_space<vmem>>)
      %slice3A_1278 = vector.extract_strided_slice %get3A_272 {offsets = [11], sizes = [1], strides = [1]} : vector<16xi32> to vector<1xi32>
      %squeeze3A_1279 = vector.extract %slice3A_1278[0] : i32 from vector<1xi32>
      %slice3A_1280 = vector.extract_strided_slice %get3A_274 {offsets = [11], sizes = [1], strides = [1]} : vector<16xi32> to vector<1xi32>
      %squeeze3A_1281 = vector.extract %slice3A_1280[0] : i32 from vector<1xi32>
      %add3A_1282 = arith.constant 384 : i32
      %add3A_1283 = arith.addi %add3A_1282, %squeeze3A_1279 : i32
      %broadcast_in_dim3A_1284 = vector.broadcast %add3A_1283 : i32 to vector<16xi32>
      %add3A_1285 = arith.constant 384 : i32
      %add3A_1286 = arith.addi %add3A_1285, %squeeze3A_1281 : i32
      %broadcast_in_dim3A_1287 = vector.broadcast %add3A_1286 : i32 to vector<16xi32>
      %gather3A_1288 = tpu.vector_load_idx %arg13[%iota3A, %broadcast_in_dim3A_1284] : memref<32x1024xf32, #tpu.memory_space<vmem>>[vector<16xi32>, vector<16xi32>], vector<16xf32>,
      %gather3A_1289 = tpu.vector_load_idx %arg13[%add3A_10, %broadcast_in_dim3A_1284] : memref<32x1024xf32, #tpu.memory_space<vmem>>[vector<16xi32>, vector<16xi32>], vector<16xf32>,
      %gather3A_1290 = tpu.vector_load_idx %arg14[%iota3A, %broadcast_in_dim3A_1287] : memref<32x1024xf32, #tpu.memory_space<vmem>>[vector<16xi32>, vector<16xi32>], vector<16xf32>,
      %gather3A_1291 = tpu.vector_load_idx %arg14[%add3A_10, %broadcast_in_dim3A_1287] : memref<32x1024xf32, #tpu.memory_space<vmem>>[vector<16xi32>, vector<16xi32>], vector<16xf32>,
      %mul3A_1292 = arith.mulf %gather3A_1288, %gather3A_1290 : vector<16xf32>
      %mul3A_1293 = arith.mulf %gather3A_1289, %gather3A_1291 : vector<16xf32>
      %add3A_1294 = arith.addf %mul3A_1292, %mul3A_1293 : vector<16xf32>
      %reduce_sum3A_1295 = arith.constant true
      %reduce_sum3A_1296 = vector.broadcast %reduce_sum3A_1295 : i1 to vector<16xi1>
      %reduce_sum3A_1297 = tpu.scan <sum>, %add3A_1294 masked %reduce_sum3A_1296 : vector<16xf32>, vector<16xi1> -> vector<16xf32>
      %reduce_sum3A_1298 = vector.extract %reduce_sum3A_1297[15] : f32 from vector<16xf32>
      %eq3A_1299 = arith.constant 11 : i32
      %eq3A_1300 = vector.broadcast %eq3A_1299 : i32 to vector<16xi32>
      %eq3A_1301 = arith.cmpi eq, %iota3A, %eq3A_1300 : vector<16xi32>
      %broadcast_in_dim3A_1302 = vector.broadcast %reduce_sum3A_1298 : f32 to vector<16xf32>
      %select_n3A_1303 = arith.select %eq3A_1301, %broadcast_in_dim3A_1302, %select_n3A_1238 : vector<16xi1>, vector<16xf32>
      %slice3A_1304 = vector.extract_strided_slice %get3A_285 {offsets = [3], sizes = [1], strides = [1]} : vector<16xi32> to vector<1xi32>
      %squeeze3A_1305 = vector.extract %slice3A_1304[0] : i32 from vector<1xi32>
      %slice3A_1306 = vector.extract_strided_slice %get3A_287 {offsets = [3], sizes = [1], strides = [1]} : vector<16xi32> to vector<1xi32>
      %squeeze3A_1307 = vector.extract %slice3A_1306[0] : i32 from vector<1xi32>
      %lt3A_1308 = arith.constant 24 : i32
      %lt3A_1309 = arith.cmpi slt, %scan3A_268, %lt3A_1308 : i32
      %convert_element_type3A_1310 = arith.extui %lt3A_1309 : i1 to i32
      %cond3A_1311 = arith.constant 0 : i32
      %cond3A_1312 = arith.cmpi ne, %convert_element_type3A_1310, %cond3A_1311 : i32
      scf.if %cond3A_1312 {
        %mul3A_1565 = arith.constant 128 : i32
        %mul3A_1566 = arith.muli %squeeze3A_1305, %mul3A_1565 : i32
        %multiple_of3A_1567 = tpu.assume_multiple %mul3A_1566, 128 : i32
        %dma_start3A_1568 = arith.constant 3 : i32
        %dma_start3A_1569 = arith.constant 0 : i32
        %dma_start3A_1570 = arith.constant 384 : i32
        %dma_start3A_1571 = tpu.memref_slice %arg13[%dma_start3A_1569, %dma_start3A_1570] : memref<32x1024xf32, #tpu.memory_space<vmem>> -> memref<32x128xf32, #tpu.memory_space<vmem>>
        %dma_start3A_1572 = arith.constant 0 : i32
        %dma_start3A_1573 = tpu.memref_slice %arg4[%dma_start3A_1572, %multiple_of3A_1567] : memref<32x1000001xf32, #tpu.memory_space<hbm>> -> memref<32x128xf32, #tpu.memory_space<hbm>>
        %dma_start3A_1574 = tpu.memref_slice %arg16[%dma_start3A_1568] : memref<8x!tpu.dma_semaphore, #tpu.memory_space<semaphore_mem>> -> memref<1x!tpu.dma_semaphore, #tpu.memory_space<semaphore_mem>>
        %dma_start3A_1575 = tpu.memref_squeeze %dma_start3A_1574 : memref<1x!tpu.dma_semaphore, #tpu.memory_space<semaphore_mem>> -> memref<!tpu.dma_semaphore, #tpu.memory_space<semaphore_mem>>
        %dma_start3A_1576 = arith.constant 0 : i32
        %dma_start3A_1577 = arith.constant 384 : i32
        %dma_start3A_1578 = tpu.memref_slice %arg13[%dma_start3A_1576, %dma_start3A_1577] : memref<32x1024xf32, #tpu.memory_space<vmem>> -> memref<32x128xf32, #tpu.memory_space<vmem>>
        %dma_start3A_1579 = arith.constant 0 : i32
        %dma_start3A_1580 = tpu.memref_slice %arg4[%dma_start3A_1579, %multiple_of3A_1567] : memref<32x1000001xf32, #tpu.memory_space<hbm>> -> memref<32x128xf32, #tpu.memory_space<hbm>>
        tpu.enqueue_dma source(%dma_start3A_1580 : memref<32x128xf32, #tpu.memory_space<hbm>>) target(%dma_start3A_1578 : memref<32x128xf32, #tpu.memory_space<vmem>>) target_semaphore(%dma_start3A_1575 : memref<!tpu.dma_semaphore, #tpu.memory_space<semaphore_mem>>)
        %mul3A_1581 = arith.constant 128 : i32
        %mul3A_1582 = arith.muli %squeeze3A_1307, %mul3A_1581 : i32
        %multiple_of3A_1583 = tpu.assume_multiple %mul3A_1582, 128 : i32
        %dma_start3A_1584 = arith.constant 3 : i32
        %dma_start3A_1585 = arith.constant 0 : i32
        %dma_start3A_1586 = arith.constant 384 : i32
        %dma_start3A_1587 = tpu.memref_slice %arg14[%dma_start3A_1585, %dma_start3A_1586] : memref<32x1024xf32, #tpu.memory_space<vmem>> -> memref<32x128xf32, #tpu.memory_space<vmem>>
        %dma_start3A_1588 = arith.constant 0 : i32
        %dma_start3A_1589 = tpu.memref_slice %arg5[%dma_start3A_1588, %multiple_of3A_1583] : memref<32x1000001xf32, #tpu.memory_space<hbm>> -> memref<32x128xf32, #tpu.memory_space<hbm>>
        %dma_start3A_1590 = tpu.memref_slice %arg17[%dma_start3A_1584] : memref<8x!tpu.dma_semaphore, #tpu.memory_space<semaphore_mem>> -> memref<1x!tpu.dma_semaphore, #tpu.memory_space<semaphore_mem>>
        %dma_start3A_1591 = tpu.memref_squeeze %dma_start3A_1590 : memref<1x!tpu.dma_semaphore, #tpu.memory_space<semaphore_mem>> -> memref<!tpu.dma_semaphore, #tpu.memory_space<semaphore_mem>>
        %dma_start3A_1592 = arith.constant 0 : i32
        %dma_start3A_1593 = arith.constant 384 : i32
        %dma_start3A_1594 = tpu.memref_slice %arg14[%dma_start3A_1592, %dma_start3A_1593] : memref<32x1024xf32, #tpu.memory_space<vmem>> -> memref<32x128xf32, #tpu.memory_space<vmem>>
        %dma_start3A_1595 = arith.constant 0 : i32
        %dma_start3A_1596 = tpu.memref_slice %arg5[%dma_start3A_1595, %multiple_of3A_1583] : memref<32x1000001xf32, #tpu.memory_space<hbm>> -> memref<32x128xf32, #tpu.memory_space<hbm>>
        tpu.enqueue_dma source(%dma_start3A_1596 : memref<32x128xf32, #tpu.memory_space<hbm>>) target(%dma_start3A_1594 : memref<32x128xf32, #tpu.memory_space<vmem>>) target_semaphore(%dma_start3A_1591 : memref<!tpu.dma_semaphore, #tpu.memory_space<semaphore_mem>>)
      } else {
      }
      %dma_wait3A_1313 = arith.constant 4 : i32
      %dma_wait3A_1314 = arith.constant 0 : i32
      %dma_wait3A_1315 = arith.constant 512 : i32
      %dma_wait3A_1316 = tpu.memref_slice %arg13[%dma_wait3A_1314, %dma_wait3A_1315] : memref<32x1024xf32, #tpu.memory_space<vmem>> -> memref<32x128xf32, #tpu.memory_space<vmem>>
      %dma_wait3A_1317 = arith.constant 0 : i32
      %dma_wait3A_1318 = arith.constant 0 : i32
      %dma_wait3A_1319 = tpu.memref_slice %arg4[%dma_wait3A_1317, %dma_wait3A_1318] : memref<32x1000001xf32, #tpu.memory_space<hbm>> -> memref<32x128xf32, #tpu.memory_space<hbm>>
      %dma_wait3A_1320 = tpu.memref_slice %arg16[%dma_wait3A_1313] : memref<8x!tpu.dma_semaphore, #tpu.memory_space<semaphore_mem>> -> memref<1x!tpu.dma_semaphore, #tpu.memory_space<semaphore_mem>>
      %dma_wait3A_1321 = tpu.memref_squeeze %dma_wait3A_1320 : memref<1x!tpu.dma_semaphore, #tpu.memory_space<semaphore_mem>> -> memref<!tpu.dma_semaphore, #tpu.memory_space<semaphore_mem>>
      %dma_wait3A_1322 = arith.constant 0 : i32
      %dma_wait3A_1323 = arith.constant 512 : i32
      %dma_wait3A_1324 = tpu.memref_slice %arg13[%dma_wait3A_1322, %dma_wait3A_1323] : memref<32x1024xf32, #tpu.memory_space<vmem>> -> memref<32x128xf32, #tpu.memory_space<vmem>>
      %dma_wait3A_1325 = arith.constant 0 : i32
      %dma_wait3A_1326 = arith.constant 0 : i32
      %dma_wait3A_1327 = tpu.memref_slice %arg4[%dma_wait3A_1325, %dma_wait3A_1326] : memref<32x1000001xf32, #tpu.memory_space<hbm>> -> memref<32x128xf32, #tpu.memory_space<hbm>>
      tpu.wait_dma2 semaphore(%dma_wait3A_1321 : memref<!tpu.dma_semaphore, #tpu.memory_space<semaphore_mem>>) src(%dma_wait3A_1327 : memref<32x128xf32, #tpu.memory_space<hbm>>) dst(%dma_wait3A_1324 : memref<32x128xf32, #tpu.memory_space<vmem>>)
      %dma_wait3A_1328 = arith.constant 4 : i32
      %dma_wait3A_1329 = arith.constant 0 : i32
      %dma_wait3A_1330 = arith.constant 512 : i32
      %dma_wait3A_1331 = tpu.memref_slice %arg14[%dma_wait3A_1329, %dma_wait3A_1330] : memref<32x1024xf32, #tpu.memory_space<vmem>> -> memref<32x128xf32, #tpu.memory_space<vmem>>
      %dma_wait3A_1332 = arith.constant 0 : i32
      %dma_wait3A_1333 = arith.constant 0 : i32
      %dma_wait3A_1334 = tpu.memref_slice %arg5[%dma_wait3A_1332, %dma_wait3A_1333] : memref<32x1000001xf32, #tpu.memory_space<hbm>> -> memref<32x128xf32, #tpu.memory_space<hbm>>
      %dma_wait3A_1335 = tpu.memref_slice %arg17[%dma_wait3A_1328] : memref<8x!tpu.dma_semaphore, #tpu.memory_space<semaphore_mem>> -> memref<1x!tpu.dma_semaphore, #tpu.memory_space<semaphore_mem>>
      %dma_wait3A_1336 = tpu.memref_squeeze %dma_wait3A_1335 : memref<1x!tpu.dma_semaphore, #tpu.memory_space<semaphore_mem>> -> memref<!tpu.dma_semaphore, #tpu.memory_space<semaphore_mem>>
      %dma_wait3A_1337 = arith.constant 0 : i32
      %dma_wait3A_1338 = arith.constant 512 : i32
      %dma_wait3A_1339 = tpu.memref_slice %arg14[%dma_wait3A_1337, %dma_wait3A_1338] : memref<32x1024xf32, #tpu.memory_space<vmem>> -> memref<32x128xf32, #tpu.memory_space<vmem>>
      %dma_wait3A_1340 = arith.constant 0 : i32
      %dma_wait3A_1341 = arith.constant 0 : i32
      %dma_wait3A_1342 = tpu.memref_slice %arg5[%dma_wait3A_1340, %dma_wait3A_1341] : memref<32x1000001xf32, #tpu.memory_space<hbm>> -> memref<32x128xf32, #tpu.memory_space<hbm>>
      tpu.wait_dma2 semaphore(%dma_wait3A_1336 : memref<!tpu.dma_semaphore, #tpu.memory_space<semaphore_mem>>) src(%dma_wait3A_1342 : memref<32x128xf32, #tpu.memory_space<hbm>>) dst(%dma_wait3A_1339 : memref<32x128xf32, #tpu.memory_space<vmem>>)
      %slice3A_1343 = vector.extract_strided_slice %get3A_272 {offsets = [12], sizes = [1], strides = [1]} : vector<16xi32> to vector<1xi32>
      %squeeze3A_1344 = vector.extract %slice3A_1343[0] : i32 from vector<1xi32>
      %slice3A_1345 = vector.extract_strided_slice %get3A_274 {offsets = [12], sizes = [1], strides = [1]} : vector<16xi32> to vector<1xi32>
      %squeeze3A_1346 = vector.extract %slice3A_1345[0] : i32 from vector<1xi32>
      %add3A_1347 = arith.constant 512 : i32
      %add3A_1348 = arith.addi %add3A_1347, %squeeze3A_1344 : i32
      %broadcast_in_dim3A_1349 = vector.broadcast %add3A_1348 : i32 to vector<16xi32>
      %add3A_1350 = arith.constant 512 : i32
      %add3A_1351 = arith.addi %add3A_1350, %squeeze3A_1346 : i32
      %broadcast_in_dim3A_1352 = vector.broadcast %add3A_1351 : i32 to vector<16xi32>
      %gather3A_1353 = tpu.vector_load_idx %arg13[%iota3A, %broadcast_in_dim3A_1349] : memref<32x1024xf32, #tpu.memory_space<vmem>>[vector<16xi32>, vector<16xi32>], vector<16xf32>,
      %gather3A_1354 = tpu.vector_load_idx %arg13[%add3A_10, %broadcast_in_dim3A_1349] : memref<32x1024xf32, #tpu.memory_space<vmem>>[vector<16xi32>, vector<16xi32>], vector<16xf32>,
      %gather3A_1355 = tpu.vector_load_idx %arg14[%iota3A, %broadcast_in_dim3A_1352] : memref<32x1024xf32, #tpu.memory_space<vmem>>[vector<16xi32>, vector<16xi32>], vector<16xf32>,
      %gather3A_1356 = tpu.vector_load_idx %arg14[%add3A_10, %broadcast_in_dim3A_1352] : memref<32x1024xf32, #tpu.memory_space<vmem>>[vector<16xi32>, vector<16xi32>], vector<16xf32>,
      %mul3A_1357 = arith.mulf %gather3A_1353, %gather3A_1355 : vector<16xf32>
      %mul3A_1358 = arith.mulf %gather3A_1354, %gather3A_1356 : vector<16xf32>
      %add3A_1359 = arith.addf %mul3A_1357, %mul3A_1358 : vector<16xf32>
      %reduce_sum3A_1360 = arith.constant true
      %reduce_sum3A_1361 = vector.broadcast %reduce_sum3A_1360 : i1 to vector<16xi1>
      %reduce_sum3A_1362 = tpu.scan <sum>, %add3A_1359 masked %reduce_sum3A_1361 : vector<16xf32>, vector<16xi1> -> vector<16xf32>
      %reduce_sum3A_1363 = vector.extract %reduce_sum3A_1362[15] : f32 from vector<16xf32>
      %eq3A_1364 = arith.constant 12 : i32
      %eq3A_1365 = vector.broadcast %eq3A_1364 : i32 to vector<16xi32>
      %eq3A_1366 = arith.cmpi eq, %iota3A, %eq3A_1365 : vector<16xi32>
      %broadcast_in_dim3A_1367 = vector.broadcast %reduce_sum3A_1363 : f32 to vector<16xf32>
      %select_n3A_1368 = arith.select %eq3A_1366, %broadcast_in_dim3A_1367, %select_n3A_1303 : vector<16xi1>, vector<16xf32>
      %slice3A_1369 = vector.extract_strided_slice %get3A_285 {offsets = [4], sizes = [1], strides = [1]} : vector<16xi32> to vector<1xi32>
      %squeeze3A_1370 = vector.extract %slice3A_1369[0] : i32 from vector<1xi32>
      %slice3A_1371 = vector.extract_strided_slice %get3A_287 {offsets = [4], sizes = [1], strides = [1]} : vector<16xi32> to vector<1xi32>
      %squeeze3A_1372 = vector.extract %slice3A_1371[0] : i32 from vector<1xi32>
      %lt3A_1373 = arith.constant 24 : i32
      %lt3A_1374 = arith.cmpi slt, %scan3A_268, %lt3A_1373 : i32
      %convert_element_type3A_1375 = arith.extui %lt3A_1374 : i1 to i32
      %cond3A_1376 = arith.constant 0 : i32
      %cond3A_1377 = arith.cmpi ne, %convert_element_type3A_1375, %cond3A_1376 : i32
      scf.if %cond3A_1377 {
        %mul3A_1565 = arith.constant 128 : i32
        %mul3A_1566 = arith.muli %squeeze3A_1370, %mul3A_1565 : i32
        %multiple_of3A_1567 = tpu.assume_multiple %mul3A_1566, 128 : i32
        %dma_start3A_1568 = arith.constant 4 : i32
        %dma_start3A_1569 = arith.constant 0 : i32
        %dma_start3A_1570 = arith.constant 512 : i32
        %dma_start3A_1571 = tpu.memref_slice %arg13[%dma_start3A_1569, %dma_start3A_1570] : memref<32x1024xf32, #tpu.memory_space<vmem>> -> memref<32x128xf32, #tpu.memory_space<vmem>>
        %dma_start3A_1572 = arith.constant 0 : i32
        %dma_start3A_1573 = tpu.memref_slice %arg4[%dma_start3A_1572, %multiple_of3A_1567] : memref<32x1000001xf32, #tpu.memory_space<hbm>> -> memref<32x128xf32, #tpu.memory_space<hbm>>
        %dma_start3A_1574 = tpu.memref_slice %arg16[%dma_start3A_1568] : memref<8x!tpu.dma_semaphore, #tpu.memory_space<semaphore_mem>> -> memref<1x!tpu.dma_semaphore, #tpu.memory_space<semaphore_mem>>
        %dma_start3A_1575 = tpu.memref_squeeze %dma_start3A_1574 : memref<1x!tpu.dma_semaphore, #tpu.memory_space<semaphore_mem>> -> memref<!tpu.dma_semaphore, #tpu.memory_space<semaphore_mem>>
        %dma_start3A_1576 = arith.constant 0 : i32
        %dma_start3A_1577 = arith.constant 512 : i32
        %dma_start3A_1578 = tpu.memref_slice %arg13[%dma_start3A_1576, %dma_start3A_1577] : memref<32x1024xf32, #tpu.memory_space<vmem>> -> memref<32x128xf32, #tpu.memory_space<vmem>>
        %dma_start3A_1579 = arith.constant 0 : i32
        %dma_start3A_1580 = tpu.memref_slice %arg4[%dma_start3A_1579, %multiple_of3A_1567] : memref<32x1000001xf32, #tpu.memory_space<hbm>> -> memref<32x128xf32, #tpu.memory_space<hbm>>
        tpu.enqueue_dma source(%dma_start3A_1580 : memref<32x128xf32, #tpu.memory_space<hbm>>) target(%dma_start3A_1578 : memref<32x128xf32, #tpu.memory_space<vmem>>) target_semaphore(%dma_start3A_1575 : memref<!tpu.dma_semaphore, #tpu.memory_space<semaphore_mem>>)
        %mul3A_1581 = arith.constant 128 : i32
        %mul3A_1582 = arith.muli %squeeze3A_1372, %mul3A_1581 : i32
        %multiple_of3A_1583 = tpu.assume_multiple %mul3A_1582, 128 : i32
        %dma_start3A_1584 = arith.constant 4 : i32
        %dma_start3A_1585 = arith.constant 0 : i32
        %dma_start3A_1586 = arith.constant 512 : i32
        %dma_start3A_1587 = tpu.memref_slice %arg14[%dma_start3A_1585, %dma_start3A_1586] : memref<32x1024xf32, #tpu.memory_space<vmem>> -> memref<32x128xf32, #tpu.memory_space<vmem>>
        %dma_start3A_1588 = arith.constant 0 : i32
        %dma_start3A_1589 = tpu.memref_slice %arg5[%dma_start3A_1588, %multiple_of3A_1583] : memref<32x1000001xf32, #tpu.memory_space<hbm>> -> memref<32x128xf32, #tpu.memory_space<hbm>>
        %dma_start3A_1590 = tpu.memref_slice %arg17[%dma_start3A_1584] : memref<8x!tpu.dma_semaphore, #tpu.memory_space<semaphore_mem>> -> memref<1x!tpu.dma_semaphore, #tpu.memory_space<semaphore_mem>>
        %dma_start3A_1591 = tpu.memref_squeeze %dma_start3A_1590 : memref<1x!tpu.dma_semaphore, #tpu.memory_space<semaphore_mem>> -> memref<!tpu.dma_semaphore, #tpu.memory_space<semaphore_mem>>
        %dma_start3A_1592 = arith.constant 0 : i32
        %dma_start3A_1593 = arith.constant 512 : i32
        %dma_start3A_1594 = tpu.memref_slice %arg14[%dma_start3A_1592, %dma_start3A_1593] : memref<32x1024xf32, #tpu.memory_space<vmem>> -> memref<32x128xf32, #tpu.memory_space<vmem>>
        %dma_start3A_1595 = arith.constant 0 : i32
        %dma_start3A_1596 = tpu.memref_slice %arg5[%dma_start3A_1595, %multiple_of3A_1583] : memref<32x1000001xf32, #tpu.memory_space<hbm>> -> memref<32x128xf32, #tpu.memory_space<hbm>>
        tpu.enqueue_dma source(%dma_start3A_1596 : memref<32x128xf32, #tpu.memory_space<hbm>>) target(%dma_start3A_1594 : memref<32x128xf32, #tpu.memory_space<vmem>>) target_semaphore(%dma_start3A_1591 : memref<!tpu.dma_semaphore, #tpu.memory_space<semaphore_mem>>)
      } else {
      }
      %dma_wait3A_1378 = arith.constant 5 : i32
      %dma_wait3A_1379 = arith.constant 0 : i32
      %dma_wait3A_1380 = arith.constant 640 : i32
      %dma_wait3A_1381 = tpu.memref_slice %arg13[%dma_wait3A_1379, %dma_wait3A_1380] : memref<32x1024xf32, #tpu.memory_space<vmem>> -> memref<32x128xf32, #tpu.memory_space<vmem>>
      %dma_wait3A_1382 = arith.constant 0 : i32
      %dma_wait3A_1383 = arith.constant 0 : i32
      %dma_wait3A_1384 = tpu.memref_slice %arg4[%dma_wait3A_1382, %dma_wait3A_1383] : memref<32x1000001xf32, #tpu.memory_space<hbm>> -> memref<32x128xf32, #tpu.memory_space<hbm>>
      %dma_wait3A_1385 = tpu.memref_slice %arg16[%dma_wait3A_1378] : memref<8x!tpu.dma_semaphore, #tpu.memory_space<semaphore_mem>> -> memref<1x!tpu.dma_semaphore, #tpu.memory_space<semaphore_mem>>
      %dma_wait3A_1386 = tpu.memref_squeeze %dma_wait3A_1385 : memref<1x!tpu.dma_semaphore, #tpu.memory_space<semaphore_mem>> -> memref<!tpu.dma_semaphore, #tpu.memory_space<semaphore_mem>>
      %dma_wait3A_1387 = arith.constant 0 : i32
      %dma_wait3A_1388 = arith.constant 640 : i32
      %dma_wait3A_1389 = tpu.memref_slice %arg13[%dma_wait3A_1387, %dma_wait3A_1388] : memref<32x1024xf32, #tpu.memory_space<vmem>> -> memref<32x128xf32, #tpu.memory_space<vmem>>
      %dma_wait3A_1390 = arith.constant 0 : i32
      %dma_wait3A_1391 = arith.constant 0 : i32
      %dma_wait3A_1392 = tpu.memref_slice %arg4[%dma_wait3A_1390, %dma_wait3A_1391] : memref<32x1000001xf32, #tpu.memory_space<hbm>> -> memref<32x128xf32, #tpu.memory_space<hbm>>
      tpu.wait_dma2 semaphore(%dma_wait3A_1386 : memref<!tpu.dma_semaphore, #tpu.memory_space<semaphore_mem>>) src(%dma_wait3A_1392 : memref<32x128xf32, #tpu.memory_space<hbm>>) dst(%dma_wait3A_1389 : memref<32x128xf32, #tpu.memory_space<vmem>>)
      %dma_wait3A_1393 = arith.constant 5 : i32
      %dma_wait3A_1394 = arith.constant 0 : i32
      %dma_wait3A_1395 = arith.constant 640 : i32
      %dma_wait3A_1396 = tpu.memref_slice %arg14[%dma_wait3A_1394, %dma_wait3A_1395] : memref<32x1024xf32, #tpu.memory_space<vmem>> -> memref<32x128xf32, #tpu.memory_space<vmem>>
      %dma_wait3A_1397 = arith.constant 0 : i32
      %dma_wait3A_1398 = arith.constant 0 : i32
      %dma_wait3A_1399 = tpu.memref_slice %arg5[%dma_wait3A_1397, %dma_wait3A_1398] : memref<32x1000001xf32, #tpu.memory_space<hbm>> -> memref<32x128xf32, #tpu.memory_space<hbm>>
      %dma_wait3A_1400 = tpu.memref_slice %arg17[%dma_wait3A_1393] : memref<8x!tpu.dma_semaphore, #tpu.memory_space<semaphore_mem>> -> memref<1x!tpu.dma_semaphore, #tpu.memory_space<semaphore_mem>>
      %dma_wait3A_1401 = tpu.memref_squeeze %dma_wait3A_1400 : memref<1x!tpu.dma_semaphore, #tpu.memory_space<semaphore_mem>> -> memref<!tpu.dma_semaphore, #tpu.memory_space<semaphore_mem>>
      %dma_wait3A_1402 = arith.constant 0 : i32
      %dma_wait3A_1403 = arith.constant 640 : i32
      %dma_wait3A_1404 = tpu.memref_slice %arg14[%dma_wait3A_1402, %dma_wait3A_1403] : memref<32x1024xf32, #tpu.memory_space<vmem>> -> memref<32x128xf32, #tpu.memory_space<vmem>>
      %dma_wait3A_1405 = arith.constant 0 : i32
      %dma_wait3A_1406 = arith.constant 0 : i32
      %dma_wait3A_1407 = tpu.memref_slice %arg5[%dma_wait3A_1405, %dma_wait3A_1406] : memref<32x1000001xf32, #tpu.memory_space<hbm>> -> memref<32x128xf32, #tpu.memory_space<hbm>>
      tpu.wait_dma2 semaphore(%dma_wait3A_1401 : memref<!tpu.dma_semaphore, #tpu.memory_space<semaphore_mem>>) src(%dma_wait3A_1407 : memref<32x128xf32, #tpu.memory_space<hbm>>) dst(%dma_wait3A_1404 : memref<32x128xf32, #tpu.memory_space<vmem>>)
      %slice3A_1408 = vector.extract_strided_slice %get3A_272 {offsets = [13], sizes = [1], strides = [1]} : vector<16xi32> to vector<1xi32>
      %squeeze3A_1409 = vector.extract %slice3A_1408[0] : i32 from vector<1xi32>
      %slice3A_1410 = vector.extract_strided_slice %get3A_274 {offsets = [13], sizes = [1], strides = [1]} : vector<16xi32> to vector<1xi32>
      %squeeze3A_1411 = vector.extract %slice3A_1410[0] : i32 from vector<1xi32>
      %add3A_1412 = arith.constant 640 : i32
      %add3A_1413 = arith.addi %add3A_1412, %squeeze3A_1409 : i32
      %broadcast_in_dim3A_1414 = vector.broadcast %add3A_1413 : i32 to vector<16xi32>
      %add3A_1415 = arith.constant 640 : i32
      %add3A_1416 = arith.addi %add3A_1415, %squeeze3A_1411 : i32
      %broadcast_in_dim3A_1417 = vector.broadcast %add3A_1416 : i32 to vector<16xi32>
      %gather3A_1418 = tpu.vector_load_idx %arg13[%iota3A, %broadcast_in_dim3A_1414] : memref<32x1024xf32, #tpu.memory_space<vmem>>[vector<16xi32>, vector<16xi32>], vector<16xf32>,
      %gather3A_1419 = tpu.vector_load_idx %arg13[%add3A_10, %broadcast_in_dim3A_1414] : memref<32x1024xf32, #tpu.memory_space<vmem>>[vector<16xi32>, vector<16xi32>], vector<16xf32>,
      %gather3A_1420 = tpu.vector_load_idx %arg14[%iota3A, %broadcast_in_dim3A_1417] : memref<32x1024xf32, #tpu.memory_space<vmem>>[vector<16xi32>, vector<16xi32>], vector<16xf32>,
      %gather3A_1421 = tpu.vector_load_idx %arg14[%add3A_10, %broadcast_in_dim3A_1417] : memref<32x1024xf32, #tpu.memory_space<vmem>>[vector<16xi32>, vector<16xi32>], vector<16xf32>,
      %mul3A_1422 = arith.mulf %gather3A_1418, %gather3A_1420 : vector<16xf32>
      %mul3A_1423 = arith.mulf %gather3A_1419, %gather3A_1421 : vector<16xf32>
      %add3A_1424 = arith.addf %mul3A_1422, %mul3A_1423 : vector<16xf32>
      %reduce_sum3A_1425 = arith.constant true
      %reduce_sum3A_1426 = vector.broadcast %reduce_sum3A_1425 : i1 to vector<16xi1>
      %reduce_sum3A_1427 = tpu.scan <sum>, %add3A_1424 masked %reduce_sum3A_1426 : vector<16xf32>, vector<16xi1> -> vector<16xf32>
      %reduce_sum3A_1428 = vector.extract %reduce_sum3A_1427[15] : f32 from vector<16xf32>
      %eq3A_1429 = arith.constant 13 : i32
      %eq3A_1430 = vector.broadcast %eq3A_1429 : i32 to vector<16xi32>
      %eq3A_1431 = arith.cmpi eq, %iota3A, %eq3A_1430 : vector<16xi32>
      %broadcast_in_dim3A_1432 = vector.broadcast %reduce_sum3A_1428 : f32 to vector<16xf32>
      %select_n3A_1433 = arith.select %eq3A_1431, %broadcast_in_dim3A_1432, %select_n3A_1368 : vector<16xi1>, vector<16xf32>
      %slice3A_1434 = vector.extract_strided_slice %get3A_285 {offsets = [5], sizes = [1], strides = [1]} : vector<16xi32> to vector<1xi32>
      %squeeze3A_1435 = vector.extract %slice3A_1434[0] : i32 from vector<1xi32>
      %slice3A_1436 = vector.extract_strided_slice %get3A_287 {offsets = [5], sizes = [1], strides = [1]} : vector<16xi32> to vector<1xi32>
      %squeeze3A_1437 = vector.extract %slice3A_1436[0] : i32 from vector<1xi32>
      %lt3A_1438 = arith.constant 24 : i32
      %lt3A_1439 = arith.cmpi slt, %scan3A_268, %lt3A_1438 : i32
      %convert_element_type3A_1440 = arith.extui %lt3A_1439 : i1 to i32
      %cond3A_1441 = arith.constant 0 : i32
      %cond3A_1442 = arith.cmpi ne, %convert_element_type3A_1440, %cond3A_1441 : i32
      scf.if %cond3A_1442 {
        %mul3A_1565 = arith.constant 128 : i32
        %mul3A_1566 = arith.muli %squeeze3A_1435, %mul3A_1565 : i32
        %multiple_of3A_1567 = tpu.assume_multiple %mul3A_1566, 128 : i32
        %dma_start3A_1568 = arith.constant 5 : i32
        %dma_start3A_1569 = arith.constant 0 : i32
        %dma_start3A_1570 = arith.constant 640 : i32
        %dma_start3A_1571 = tpu.memref_slice %arg13[%dma_start3A_1569, %dma_start3A_1570] : memref<32x1024xf32, #tpu.memory_space<vmem>> -> memref<32x128xf32, #tpu.memory_space<vmem>>
        %dma_start3A_1572 = arith.constant 0 : i32
        %dma_start3A_1573 = tpu.memref_slice %arg4[%dma_start3A_1572, %multiple_of3A_1567] : memref<32x1000001xf32, #tpu.memory_space<hbm>> -> memref<32x128xf32, #tpu.memory_space<hbm>>
        %dma_start3A_1574 = tpu.memref_slice %arg16[%dma_start3A_1568] : memref<8x!tpu.dma_semaphore, #tpu.memory_space<semaphore_mem>> -> memref<1x!tpu.dma_semaphore, #tpu.memory_space<semaphore_mem>>
        %dma_start3A_1575 = tpu.memref_squeeze %dma_start3A_1574 : memref<1x!tpu.dma_semaphore, #tpu.memory_space<semaphore_mem>> -> memref<!tpu.dma_semaphore, #tpu.memory_space<semaphore_mem>>
        %dma_start3A_1576 = arith.constant 0 : i32
        %dma_start3A_1577 = arith.constant 640 : i32
        %dma_start3A_1578 = tpu.memref_slice %arg13[%dma_start3A_1576, %dma_start3A_1577] : memref<32x1024xf32, #tpu.memory_space<vmem>> -> memref<32x128xf32, #tpu.memory_space<vmem>>
        %dma_start3A_1579 = arith.constant 0 : i32
        %dma_start3A_1580 = tpu.memref_slice %arg4[%dma_start3A_1579, %multiple_of3A_1567] : memref<32x1000001xf32, #tpu.memory_space<hbm>> -> memref<32x128xf32, #tpu.memory_space<hbm>>
        tpu.enqueue_dma source(%dma_start3A_1580 : memref<32x128xf32, #tpu.memory_space<hbm>>) target(%dma_start3A_1578 : memref<32x128xf32, #tpu.memory_space<vmem>>) target_semaphore(%dma_start3A_1575 : memref<!tpu.dma_semaphore, #tpu.memory_space<semaphore_mem>>)
        %mul3A_1581 = arith.constant 128 : i32
        %mul3A_1582 = arith.muli %squeeze3A_1437, %mul3A_1581 : i32
        %multiple_of3A_1583 = tpu.assume_multiple %mul3A_1582, 128 : i32
        %dma_start3A_1584 = arith.constant 5 : i32
        %dma_start3A_1585 = arith.constant 0 : i32
        %dma_start3A_1586 = arith.constant 640 : i32
        %dma_start3A_1587 = tpu.memref_slice %arg14[%dma_start3A_1585, %dma_start3A_1586] : memref<32x1024xf32, #tpu.memory_space<vmem>> -> memref<32x128xf32, #tpu.memory_space<vmem>>
        %dma_start3A_1588 = arith.constant 0 : i32
        %dma_start3A_1589 = tpu.memref_slice %arg5[%dma_start3A_1588, %multiple_of3A_1583] : memref<32x1000001xf32, #tpu.memory_space<hbm>> -> memref<32x128xf32, #tpu.memory_space<hbm>>
        %dma_start3A_1590 = tpu.memref_slice %arg17[%dma_start3A_1584] : memref<8x!tpu.dma_semaphore, #tpu.memory_space<semaphore_mem>> -> memref<1x!tpu.dma_semaphore, #tpu.memory_space<semaphore_mem>>
        %dma_start3A_1591 = tpu.memref_squeeze %dma_start3A_1590 : memref<1x!tpu.dma_semaphore, #tpu.memory_space<semaphore_mem>> -> memref<!tpu.dma_semaphore, #tpu.memory_space<semaphore_mem>>
        %dma_start3A_1592 = arith.constant 0 : i32
        %dma_start3A_1593 = arith.constant 640 : i32
        %dma_start3A_1594 = tpu.memref_slice %arg14[%dma_start3A_1592, %dma_start3A_1593] : memref<32x1024xf32, #tpu.memory_space<vmem>> -> memref<32x128xf32, #tpu.memory_space<vmem>>
        %dma_start3A_1595 = arith.constant 0 : i32
        %dma_start3A_1596 = tpu.memref_slice %arg5[%dma_start3A_1595, %multiple_of3A_1583] : memref<32x1000001xf32, #tpu.memory_space<hbm>> -> memref<32x128xf32, #tpu.memory_space<hbm>>
        tpu.enqueue_dma source(%dma_start3A_1596 : memref<32x128xf32, #tpu.memory_space<hbm>>) target(%dma_start3A_1594 : memref<32x128xf32, #tpu.memory_space<vmem>>) target_semaphore(%dma_start3A_1591 : memref<!tpu.dma_semaphore, #tpu.memory_space<semaphore_mem>>)
      } else {
      }
      %dma_wait3A_1443 = arith.constant 6 : i32
      %dma_wait3A_1444 = arith.constant 0 : i32
      %dma_wait3A_1445 = arith.constant 768 : i32
      %dma_wait3A_1446 = tpu.memref_slice %arg13[%dma_wait3A_1444, %dma_wait3A_1445] : memref<32x1024xf32, #tpu.memory_space<vmem>> -> memref<32x128xf32, #tpu.memory_space<vmem>>
      %dma_wait3A_1447 = arith.constant 0 : i32
      %dma_wait3A_1448 = arith.constant 0 : i32
      %dma_wait3A_1449 = tpu.memref_slice %arg4[%dma_wait3A_1447, %dma_wait3A_1448] : memref<32x1000001xf32, #tpu.memory_space<hbm>> -> memref<32x128xf32, #tpu.memory_space<hbm>>
      %dma_wait3A_1450 = tpu.memref_slice %arg16[%dma_wait3A_1443] : memref<8x!tpu.dma_semaphore, #tpu.memory_space<semaphore_mem>> -> memref<1x!tpu.dma_semaphore, #tpu.memory_space<semaphore_mem>>
      %dma_wait3A_1451 = tpu.memref_squeeze %dma_wait3A_1450 : memref<1x!tpu.dma_semaphore, #tpu.memory_space<semaphore_mem>> -> memref<!tpu.dma_semaphore, #tpu.memory_space<semaphore_mem>>
      %dma_wait3A_1452 = arith.constant 0 : i32
      %dma_wait3A_1453 = arith.constant 768 : i32
      %dma_wait3A_1454 = tpu.memref_slice %arg13[%dma_wait3A_1452, %dma_wait3A_1453] : memref<32x1024xf32, #tpu.memory_space<vmem>> -> memref<32x128xf32, #tpu.memory_space<vmem>>
      %dma_wait3A_1455 = arith.constant 0 : i32
      %dma_wait3A_1456 = arith.constant 0 : i32
      %dma_wait3A_1457 = tpu.memref_slice %arg4[%dma_wait3A_1455, %dma_wait3A_1456] : memref<32x1000001xf32, #tpu.memory_space<hbm>> -> memref<32x128xf32, #tpu.memory_space<hbm>>
      tpu.wait_dma2 semaphore(%dma_wait3A_1451 : memref<!tpu.dma_semaphore, #tpu.memory_space<semaphore_mem>>) src(%dma_wait3A_1457 : memref<32x128xf32, #tpu.memory_space<hbm>>) dst(%dma_wait3A_1454 : memref<32x128xf32, #tpu.memory_space<vmem>>)
      %dma_wait3A_1458 = arith.constant 6 : i32
      %dma_wait3A_1459 = arith.constant 0 : i32
      %dma_wait3A_1460 = arith.constant 768 : i32
      %dma_wait3A_1461 = tpu.memref_slice %arg14[%dma_wait3A_1459, %dma_wait3A_1460] : memref<32x1024xf32, #tpu.memory_space<vmem>> -> memref<32x128xf32, #tpu.memory_space<vmem>>
      %dma_wait3A_1462 = arith.constant 0 : i32
      %dma_wait3A_1463 = arith.constant 0 : i32
      %dma_wait3A_1464 = tpu.memref_slice %arg5[%dma_wait3A_1462, %dma_wait3A_1463] : memref<32x1000001xf32, #tpu.memory_space<hbm>> -> memref<32x128xf32, #tpu.memory_space<hbm>>
      %dma_wait3A_1465 = tpu.memref_slice %arg17[%dma_wait3A_1458] : memref<8x!tpu.dma_semaphore, #tpu.memory_space<semaphore_mem>> -> memref<1x!tpu.dma_semaphore, #tpu.memory_space<semaphore_mem>>
      %dma_wait3A_1466 = tpu.memref_squeeze %dma_wait3A_1465 : memref<1x!tpu.dma_semaphore, #tpu.memory_space<semaphore_mem>> -> memref<!tpu.dma_semaphore, #tpu.memory_space<semaphore_mem>>
      %dma_wait3A_1467 = arith.constant 0 : i32
      %dma_wait3A_1468 = arith.constant 768 : i32
      %dma_wait3A_1469 = tpu.memref_slice %arg14[%dma_wait3A_1467, %dma_wait3A_1468] : memref<32x1024xf32, #tpu.memory_space<vmem>> -> memref<32x128xf32, #tpu.memory_space<vmem>>
      %dma_wait3A_1470 = arith.constant 0 : i32
      %dma_wait3A_1471 = arith.constant 0 : i32
      %dma_wait3A_1472 = tpu.memref_slice %arg5[%dma_wait3A_1470, %dma_wait3A_1471] : memref<32x1000001xf32, #tpu.memory_space<hbm>> -> memref<32x128xf32, #tpu.memory_space<hbm>>
      tpu.wait_dma2 semaphore(%dma_wait3A_1466 : memref<!tpu.dma_semaphore, #tpu.memory_space<semaphore_mem>>) src(%dma_wait3A_1472 : memref<32x128xf32, #tpu.memory_space<hbm>>) dst(%dma_wait3A_1469 : memref<32x128xf32, #tpu.memory_space<vmem>>)
      %slice3A_1473 = vector.extract_strided_slice %get3A_272 {offsets = [14], sizes = [1], strides = [1]} : vector<16xi32> to vector<1xi32>
      %squeeze3A_1474 = vector.extract %slice3A_1473[0] : i32 from vector<1xi32>
      %slice3A_1475 = vector.extract_strided_slice %get3A_274 {offsets = [14], sizes = [1], strides = [1]} : vector<16xi32> to vector<1xi32>
      %squeeze3A_1476 = vector.extract %slice3A_1475[0] : i32 from vector<1xi32>
      %add3A_1477 = arith.constant 768 : i32
      %add3A_1478 = arith.addi %add3A_1477, %squeeze3A_1474 : i32
      %broadcast_in_dim3A_1479 = vector.broadcast %add3A_1478 : i32 to vector<16xi32>
      %add3A_1480 = arith.constant 768 : i32
      %add3A_1481 = arith.addi %add3A_1480, %squeeze3A_1476 : i32
      %broadcast_in_dim3A_1482 = vector.broadcast %add3A_1481 : i32 to vector<16xi32>
      %gather3A_1483 = tpu.vector_load_idx %arg13[%iota3A, %broadcast_in_dim3A_1479] : memref<32x1024xf32, #tpu.memory_space<vmem>>[vector<16xi32>, vector<16xi32>], vector<16xf32>,
      %gather3A_1484 = tpu.vector_load_idx %arg13[%add3A_10, %broadcast_in_dim3A_1479] : memref<32x1024xf32, #tpu.memory_space<vmem>>[vector<16xi32>, vector<16xi32>], vector<16xf32>,
      %gather3A_1485 = tpu.vector_load_idx %arg14[%iota3A, %broadcast_in_dim3A_1482] : memref<32x1024xf32, #tpu.memory_space<vmem>>[vector<16xi32>, vector<16xi32>], vector<16xf32>,
      %gather3A_1486 = tpu.vector_load_idx %arg14[%add3A_10, %broadcast_in_dim3A_1482] : memref<32x1024xf32, #tpu.memory_space<vmem>>[vector<16xi32>, vector<16xi32>], vector<16xf32>,
      %mul3A_1487 = arith.mulf %gather3A_1483, %gather3A_1485 : vector<16xf32>
      %mul3A_1488 = arith.mulf %gather3A_1484, %gather3A_1486 : vector<16xf32>
      %add3A_1489 = arith.addf %mul3A_1487, %mul3A_1488 : vector<16xf32>
      %reduce_sum3A_1490 = arith.constant true
      %reduce_sum3A_1491 = vector.broadcast %reduce_sum3A_1490 : i1 to vector<16xi1>
      %reduce_sum3A_1492 = tpu.scan <sum>, %add3A_1489 masked %reduce_sum3A_1491 : vector<16xf32>, vector<16xi1> -> vector<16xf32>
      %reduce_sum3A_1493 = vector.extract %reduce_sum3A_1492[15] : f32 from vector<16xf32>
      %eq3A_1494 = arith.constant 14 : i32
      %eq3A_1495 = vector.broadcast %eq3A_1494 : i32 to vector<16xi32>
      %eq3A_1496 = arith.cmpi eq, %iota3A, %eq3A_1495 : vector<16xi32>
      %broadcast_in_dim3A_1497 = vector.broadcast %reduce_sum3A_1493 : f32 to vector<16xf32>
      %select_n3A_1498 = arith.select %eq3A_1496, %broadcast_in_dim3A_1497, %select_n3A_1433 : vector<16xi1>, vector<16xf32>
      %slice3A_1499 = vector.extract_strided_slice %get3A_285 {offsets = [6], sizes = [1], strides = [1]} : vector<16xi32> to vector<1xi32>
      %squeeze3A_1500 = vector.extract %slice3A_1499[0] : i32 from vector<1xi32>
      %slice3A_1501 = vector.extract_strided_slice %get3A_287 {offsets = [6], sizes = [1], strides = [1]} : vector<16xi32> to vector<1xi32>
      %squeeze3A_1502 = vector.extract %slice3A_1501[0] : i32 from vector<1xi32>
      %lt3A_1503 = arith.constant 24 : i32
      %lt3A_1504 = arith.cmpi slt, %scan3A_268, %lt3A_1503 : i32
      %convert_element_type3A_1505 = arith.extui %lt3A_1504 : i1 to i32
      %cond3A_1506 = arith.constant 0 : i32
      %cond3A_1507 = arith.cmpi ne, %convert_element_type3A_1505, %cond3A_1506 : i32
      scf.if %cond3A_1507 {
        %mul3A_1565 = arith.constant 128 : i32
        %mul3A_1566 = arith.muli %squeeze3A_1500, %mul3A_1565 : i32
        %multiple_of3A_1567 = tpu.assume_multiple %mul3A_1566, 128 : i32
        %dma_start3A_1568 = arith.constant 6 : i32
        %dma_start3A_1569 = arith.constant 0 : i32
        %dma_start3A_1570 = arith.constant 768 : i32
        %dma_start3A_1571 = tpu.memref_slice %arg13[%dma_start3A_1569, %dma_start3A_1570] : memref<32x1024xf32, #tpu.memory_space<vmem>> -> memref<32x128xf32, #tpu.memory_space<vmem>>
        %dma_start3A_1572 = arith.constant 0 : i32
        %dma_start3A_1573 = tpu.memref_slice %arg4[%dma_start3A_1572, %multiple_of3A_1567] : memref<32x1000001xf32, #tpu.memory_space<hbm>> -> memref<32x128xf32, #tpu.memory_space<hbm>>
        %dma_start3A_1574 = tpu.memref_slice %arg16[%dma_start3A_1568] : memref<8x!tpu.dma_semaphore, #tpu.memory_space<semaphore_mem>> -> memref<1x!tpu.dma_semaphore, #tpu.memory_space<semaphore_mem>>
        %dma_start3A_1575 = tpu.memref_squeeze %dma_start3A_1574 : memref<1x!tpu.dma_semaphore, #tpu.memory_space<semaphore_mem>> -> memref<!tpu.dma_semaphore, #tpu.memory_space<semaphore_mem>>
        %dma_start3A_1576 = arith.constant 0 : i32
        %dma_start3A_1577 = arith.constant 768 : i32
        %dma_start3A_1578 = tpu.memref_slice %arg13[%dma_start3A_1576, %dma_start3A_1577] : memref<32x1024xf32, #tpu.memory_space<vmem>> -> memref<32x128xf32, #tpu.memory_space<vmem>>
        %dma_start3A_1579 = arith.constant 0 : i32
        %dma_start3A_1580 = tpu.memref_slice %arg4[%dma_start3A_1579, %multiple_of3A_1567] : memref<32x1000001xf32, #tpu.memory_space<hbm>> -> memref<32x128xf32, #tpu.memory_space<hbm>>
        tpu.enqueue_dma source(%dma_start3A_1580 : memref<32x128xf32, #tpu.memory_space<hbm>>) target(%dma_start3A_1578 : memref<32x128xf32, #tpu.memory_space<vmem>>) target_semaphore(%dma_start3A_1575 : memref<!tpu.dma_semaphore, #tpu.memory_space<semaphore_mem>>)
        %mul3A_1581 = arith.constant 128 : i32
        %mul3A_1582 = arith.muli %squeeze3A_1502, %mul3A_1581 : i32
        %multiple_of3A_1583 = tpu.assume_multiple %mul3A_1582, 128 : i32
        %dma_start3A_1584 = arith.constant 6 : i32
        %dma_start3A_1585 = arith.constant 0 : i32
        %dma_start3A_1586 = arith.constant 768 : i32
        %dma_start3A_1587 = tpu.memref_slice %arg14[%dma_start3A_1585, %dma_start3A_1586] : memref<32x1024xf32, #tpu.memory_space<vmem>> -> memref<32x128xf32, #tpu.memory_space<vmem>>
        %dma_start3A_1588 = arith.constant 0 : i32
        %dma_start3A_1589 = tpu.memref_slice %arg5[%dma_start3A_1588, %multiple_of3A_1583] : memref<32x1000001xf32, #tpu.memory_space<hbm>> -> memref<32x128xf32, #tpu.memory_space<hbm>>
        %dma_start3A_1590 = tpu.memref_slice %arg17[%dma_start3A_1584] : memref<8x!tpu.dma_semaphore, #tpu.memory_space<semaphore_mem>> -> memref<1x!tpu.dma_semaphore, #tpu.memory_space<semaphore_mem>>
        %dma_start3A_1591 = tpu.memref_squeeze %dma_start3A_1590 : memref<1x!tpu.dma_semaphore, #tpu.memory_space<semaphore_mem>> -> memref<!tpu.dma_semaphore, #tpu.memory_space<semaphore_mem>>
        %dma_start3A_1592 = arith.constant 0 : i32
        %dma_start3A_1593 = arith.constant 768 : i32
        %dma_start3A_1594 = tpu.memref_slice %arg14[%dma_start3A_1592, %dma_start3A_1593] : memref<32x1024xf32, #tpu.memory_space<vmem>> -> memref<32x128xf32, #tpu.memory_space<vmem>>
        %dma_start3A_1595 = arith.constant 0 : i32
        %dma_start3A_1596 = tpu.memref_slice %arg5[%dma_start3A_1595, %multiple_of3A_1583] : memref<32x1000001xf32, #tpu.memory_space<hbm>> -> memref<32x128xf32, #tpu.memory_space<hbm>>
        tpu.enqueue_dma source(%dma_start3A_1596 : memref<32x128xf32, #tpu.memory_space<hbm>>) target(%dma_start3A_1594 : memref<32x128xf32, #tpu.memory_space<vmem>>) target_semaphore(%dma_start3A_1591 : memref<!tpu.dma_semaphore, #tpu.memory_space<semaphore_mem>>)
      } else {
      }
      %dma_wait3A_1508 = arith.constant 7 : i32
      %dma_wait3A_1509 = arith.constant 0 : i32
      %dma_wait3A_1510 = arith.constant 896 : i32
      %dma_wait3A_1511 = tpu.memref_slice %arg13[%dma_wait3A_1509, %dma_wait3A_1510] : memref<32x1024xf32, #tpu.memory_space<vmem>> -> memref<32x128xf32, #tpu.memory_space<vmem>>
      %dma_wait3A_1512 = arith.constant 0 : i32
      %dma_wait3A_1513 = arith.constant 0 : i32
      %dma_wait3A_1514 = tpu.memref_slice %arg4[%dma_wait3A_1512, %dma_wait3A_1513] : memref<32x1000001xf32, #tpu.memory_space<hbm>> -> memref<32x128xf32, #tpu.memory_space<hbm>>
      %dma_wait3A_1515 = tpu.memref_slice %arg16[%dma_wait3A_1508] : memref<8x!tpu.dma_semaphore, #tpu.memory_space<semaphore_mem>> -> memref<1x!tpu.dma_semaphore, #tpu.memory_space<semaphore_mem>>
      %dma_wait3A_1516 = tpu.memref_squeeze %dma_wait3A_1515 : memref<1x!tpu.dma_semaphore, #tpu.memory_space<semaphore_mem>> -> memref<!tpu.dma_semaphore, #tpu.memory_space<semaphore_mem>>
      %dma_wait3A_1517 = arith.constant 0 : i32
      %dma_wait3A_1518 = arith.constant 896 : i32
      %dma_wait3A_1519 = tpu.memref_slice %arg13[%dma_wait3A_1517, %dma_wait3A_1518] : memref<32x1024xf32, #tpu.memory_space<vmem>> -> memref<32x128xf32, #tpu.memory_space<vmem>>
      %dma_wait3A_1520 = arith.constant 0 : i32
      %dma_wait3A_1521 = arith.constant 0 : i32
      %dma_wait3A_1522 = tpu.memref_slice %arg4[%dma_wait3A_1520, %dma_wait3A_1521] : memref<32x1000001xf32, #tpu.memory_space<hbm>> -> memref<32x128xf32, #tpu.memory_space<hbm>>
      tpu.wait_dma2 semaphore(%dma_wait3A_1516 : memref<!tpu.dma_semaphore, #tpu.memory_space<semaphore_mem>>) src(%dma_wait3A_1522 : memref<32x128xf32, #tpu.memory_space<hbm>>) dst(%dma_wait3A_1519 : memref<32x128xf32, #tpu.memory_space<vmem>>)
      %dma_wait3A_1523 = arith.constant 7 : i32
      %dma_wait3A_1524 = arith.constant 0 : i32
      %dma_wait3A_1525 = arith.constant 896 : i32
      %dma_wait3A_1526 = tpu.memref_slice %arg14[%dma_wait3A_1524, %dma_wait3A_1525] : memref<32x1024xf32, #tpu.memory_space<vmem>> -> memref<32x128xf32, #tpu.memory_space<vmem>>
      %dma_wait3A_1527 = arith.constant 0 : i32
      %dma_wait3A_1528 = arith.constant 0 : i32
      %dma_wait3A_1529 = tpu.memref_slice %arg5[%dma_wait3A_1527, %dma_wait3A_1528] : memref<32x1000001xf32, #tpu.memory_space<hbm>> -> memref<32x128xf32, #tpu.memory_space<hbm>>
      %dma_wait3A_1530 = tpu.memref_slice %arg17[%dma_wait3A_1523] : memref<8x!tpu.dma_semaphore, #tpu.memory_space<semaphore_mem>> -> memref<1x!tpu.dma_semaphore, #tpu.memory_space<semaphore_mem>>
      %dma_wait3A_1531 = tpu.memref_squeeze %dma_wait3A_1530 : memref<1x!tpu.dma_semaphore, #tpu.memory_space<semaphore_mem>> -> memref<!tpu.dma_semaphore, #tpu.memory_space<semaphore_mem>>
      %dma_wait3A_1532 = arith.constant 0 : i32
      %dma_wait3A_1533 = arith.constant 896 : i32
      %dma_wait3A_1534 = tpu.memref_slice %arg14[%dma_wait3A_1532, %dma_wait3A_1533] : memref<32x1024xf32, #tpu.memory_space<vmem>> -> memref<32x128xf32, #tpu.memory_space<vmem>>
      %dma_wait3A_1535 = arith.constant 0 : i32
      %dma_wait3A_1536 = arith.constant 0 : i32
      %dma_wait3A_1537 = tpu.memref_slice %arg5[%dma_wait3A_1535, %dma_wait3A_1536] : memref<32x1000001xf32, #tpu.memory_space<hbm>> -> memref<32x128xf32, #tpu.memory_space<hbm>>
      tpu.wait_dma2 semaphore(%dma_wait3A_1531 : memref<!tpu.dma_semaphore, #tpu.memory_space<semaphore_mem>>) src(%dma_wait3A_1537 : memref<32x128xf32, #tpu.memory_space<hbm>>) dst(%dma_wait3A_1534 : memref<32x128xf32, #tpu.memory_space<vmem>>)
      %slice3A_1538 = vector.extract_strided_slice %get3A_272 {offsets = [15], sizes = [1], strides = [1]} : vector<16xi32> to vector<1xi32>
      %squeeze3A_1539 = vector.extract %slice3A_1538[0] : i32 from vector<1xi32>
      %slice3A_1540 = vector.extract_strided_slice %get3A_274 {offsets = [15], sizes = [1], strides = [1]} : vector<16xi32> to vector<1xi32>
      %squeeze3A_1541 = vector.extract %slice3A_1540[0] : i32 from vector<1xi32>
      %add3A_1542 = arith.constant 896 : i32
      %add3A_1543 = arith.addi %add3A_1542, %squeeze3A_1539 : i32
      %broadcast_in_dim3A_1544 = vector.broadcast %add3A_1543 : i32 to vector<16xi32>
      %add3A_1545 = arith.constant 896 : i32
      %add3A_1546 = arith.addi %add3A_1545, %squeeze3A_1541 : i32
      %broadcast_in_dim3A_1547 = vector.broadcast %add3A_1546 : i32 to vector<16xi32>
      %gather3A_1548 = tpu.vector_load_idx %arg13[%iota3A, %broadcast_in_dim3A_1544] : memref<32x1024xf32, #tpu.memory_space<vmem>>[vector<16xi32>, vector<16xi32>], vector<16xf32>,
      %gather3A_1549 = tpu.vector_load_idx %arg13[%add3A_10, %broadcast_in_dim3A_1544] : memref<32x1024xf32, #tpu.memory_space<vmem>>[vector<16xi32>, vector<16xi32>], vector<16xf32>,
      %gather3A_1550 = tpu.vector_load_idx %arg14[%iota3A, %broadcast_in_dim3A_1547] : memref<32x1024xf32, #tpu.memory_space<vmem>>[vector<16xi32>, vector<16xi32>], vector<16xf32>,
      %gather3A_1551 = tpu.vector_load_idx %arg14[%add3A_10, %broadcast_in_dim3A_1547] : memref<32x1024xf32, #tpu.memory_space<vmem>>[vector<16xi32>, vector<16xi32>], vector<16xf32>,
      %mul3A_1552 = arith.mulf %gather3A_1548, %gather3A_1550 : vector<16xf32>
      %mul3A_1553 = arith.mulf %gather3A_1549, %gather3A_1551 : vector<16xf32>
      %add3A_1554 = arith.addf %mul3A_1552, %mul3A_1553 : vector<16xf32>
      %reduce_sum3A_1555 = arith.constant true
      %reduce_sum3A_1556 = vector.broadcast %reduce_sum3A_1555 : i1 to vector<16xi1>
      %reduce_sum3A_1557 = tpu.scan <sum>, %add3A_1554 masked %reduce_sum3A_1556 : vector<16xf32>, vector<16xi1> -> vector<16xf32>
      %reduce_sum3A_1558 = vector.extract %reduce_sum3A_1557[15] : f32 from vector<16xf32>
      %eq3A_1559 = arith.constant 15 : i32
      %eq3A_1560 = vector.broadcast %eq3A_1559 : i32 to vector<16xi32>
      %eq3A_1561 = arith.cmpi eq, %iota3A, %eq3A_1560 : vector<16xi32>
      %broadcast_in_dim3A_1562 = vector.broadcast %reduce_sum3A_1558 : f32 to vector<16xf32>
      %select_n3A_1563 = arith.select %eq3A_1561, %broadcast_in_dim3A_1562, %select_n3A_1498 : vector<16xi1>, vector<16xf32>
      %swap3A = arith.index_cast %mul3A_270 : i32 to index
      %swap3A_1564 = tpu.vector_load %arg15[%swap3A] {strides = array<i32>} : memref<400xf32, #tpu.memory_space<vmem>>, vector<16xf32>,
      tpu.vector_store %arg15[%swap3A], %select_n3A_1563 {strides = array<i32>} : memref<400xf32, #tpu.memory_space<vmem>>, vector<16xf32>,
    }
    %scan3A_267 = arith.constant 25 : i32
    "tpu.region"() ({
      %run_scoped3A = tpu.sem_alloc : memref<!tpu.dma_semaphore, #tpu.memory_space<semaphore_mem>>
      %dma_start3A_268 = tpu.memref_slice %arg6[%mul3A_2] : memref<12800xf32, #tpu.memory_space<hbm>> -> memref<400xf32, #tpu.memory_space<hbm>>
      %dma_start3A_269 = tpu.memref_slice %arg6[%mul3A_2] : memref<12800xf32, #tpu.memory_space<hbm>> -> memref<400xf32, #tpu.memory_space<hbm>>
      tpu.enqueue_dma source(%arg15 : memref<400xf32, #tpu.memory_space<vmem>>) target(%dma_start3A_269 : memref<400xf32, #tpu.memory_space<hbm>>) target_semaphore(%run_scoped3A : memref<!tpu.dma_semaphore, #tpu.memory_space<semaphore_mem>>)
      %dma_wait3A = tpu.memref_slice %arg6[%mul3A_2] : memref<12800xf32, #tpu.memory_space<hbm>> -> memref<400xf32, #tpu.memory_space<hbm>>
      %dma_wait3A_270 = tpu.memref_slice %arg6[%mul3A_2] : memref<12800xf32, #tpu.memory_space<hbm>> -> memref<400xf32, #tpu.memory_space<hbm>>
      tpu.wait_dma2 semaphore(%run_scoped3A : memref<!tpu.dma_semaphore, #tpu.memory_space<semaphore_mem>>) src(%arg15 : memref<400xf32, #tpu.memory_space<vmem>>) dst(%dma_wait3A_270 : memref<400xf32, #tpu.memory_space<hbm>>)
      tpu.yield
    }) : () -> ()
    return
  }
}

module attributes {stable_mosaic.version = 14 : i64} {
  func.func @_tc_body(%arg0: memref<3584xi32, #tpu.memory_space<smem>>, %arg1: memref<3584xi32, #tpu.memory_space<smem>>, %arg2: memref<32x1000001xf32, #tpu.memory_space<hbm>>, %arg3: memref<32x1000001xf32, #tpu.memory_space<hbm>>, %arg4: memref<28x128xf32, #tpu.memory_space<vmem>>, %arg5: memref<8x32x128xf32, #tpu.memory_space<vmem>>, %arg6: memref<8x32x128xf32, #tpu.memory_space<vmem>>, %arg7: memref<8x!tpu.dma_semaphore, #tpu.memory_space<semaphore_mem>>, %arg8: memref<8x!tpu.dma_semaphore, #tpu.memory_space<semaphore_mem>>) attributes {dimension_semantics = [], scalar_prefetch = 0 : i64, scratch_operands = 4 : i64, tpu.core_type = #tpu.core_type<tc>} {
    %iota3A = tpu.iota {dimensions = array<i32: 1>} : vector<1x128xi32>
    %iota3A_0 = tpu.iota {dimensions = array<i32: 1>} : vector<32x128xi32>
    %broadcast_in_dim3A = arith.constant 0.000000e+00 : f32
    %broadcast_in_dim3A_1 = vector.broadcast %broadcast_in_dim3A : f32 to vector<1x128xf32>
    %scan3A = arith.constant 0 : i32
    %scan3A_2 = arith.constant 3590 : i32
    %scan3A_3 = arith.addi %scan3A, %scan3A_2 : i32
    %scan3A_4 = arith.constant 1 : i32
    %scan3A_5 = scf.for %scan3A_7 = %scan3A to %scan3A_3 step %scan3A_4 iter_args(%scan3A_8 = %broadcast_in_dim3A_1) -> (vector<1x128xf32>)  : i32 {
      %lt3A = arith.constant 3584 : i32
      %lt3A_9 = arith.cmpi slt, %scan3A_7, %lt3A : i32
      %convert_element_type3A = arith.extui %lt3A_9 : i1 to i32
      %cond3A = arith.constant 0 : i32
      %cond3A_10 = arith.cmpi ne, %convert_element_type3A, %cond3A : i32
      scf.if %cond3A_10 {
        %rem3A = arith.constant 8 : i32
        %rem3A_17 = arith.remsi %scan3A_7, %rem3A : i32
        %get3A = arith.index_cast %scan3A_7 : i32 to index
        %get3A_18 = memref.load %arg0[%get3A] : memref<3584xi32, #tpu.memory_space<smem>>
        %get3A_19 = arith.index_cast %scan3A_7 : i32 to index
        %get3A_20 = memref.load %arg1[%get3A_19] : memref<3584xi32, #tpu.memory_space<smem>>
        %shift_right_logical3A = arith.constant 7 : i32
        %shift_right_logical3A_21 = arith.shrui %get3A_18, %shift_right_logical3A : i32
        %mul3A = arith.constant 128 : i32
        %mul3A_22 = arith.muli %shift_right_logical3A_21, %mul3A : i32
        %multiple_of3A = tpu.assume_multiple %mul3A_22, 128 : i32
        %dma_start3A = tpu.memref_slice %arg7[%rem3A_17] : memref<8x!tpu.dma_semaphore, #tpu.memory_space<semaphore_mem>> -> memref<1x!tpu.dma_semaphore, #tpu.memory_space<semaphore_mem>>
        %dma_start3A_23 = tpu.memref_squeeze %dma_start3A : memref<1x!tpu.dma_semaphore, #tpu.memory_space<semaphore_mem>> -> memref<!tpu.dma_semaphore, #tpu.memory_space<semaphore_mem>>
        %dma_start3A_24 = arith.constant 0 : i32
        %dma_start3A_25 = arith.constant 0 : i32
        %dma_start3A_26 = tpu.memref_slice %arg5[%rem3A_17, %dma_start3A_24, %dma_start3A_25] : memref<8x32x128xf32, #tpu.memory_space<vmem>> -> memref<1x32x128xf32, #tpu.memory_space<vmem>>
        %dma_start3A_27 = tpu.memref_squeeze %dma_start3A_26 : memref<1x32x128xf32, #tpu.memory_space<vmem>> -> memref<32x128xf32, #tpu.memory_space<vmem>>
        %dma_start3A_28 = arith.constant 0 : i32
        %dma_start3A_29 = tpu.memref_slice %arg2[%dma_start3A_28, %multiple_of3A] : memref<32x1000001xf32, #tpu.memory_space<hbm>> -> memref<32x128xf32, #tpu.memory_space<hbm>>
        tpu.enqueue_dma source(%dma_start3A_29 : memref<32x128xf32, #tpu.memory_space<hbm>>) target(%dma_start3A_27 : memref<32x128xf32, #tpu.memory_space<vmem>>) target_semaphore(%dma_start3A_23 : memref<!tpu.dma_semaphore, #tpu.memory_space<semaphore_mem>>)
        %shift_right_logical3A_30 = arith.constant 7 : i32
        %shift_right_logical3A_31 = arith.shrui %get3A_20, %shift_right_logical3A_30 : i32
        %mul3A_32 = arith.constant 128 : i32
        %mul3A_33 = arith.muli %shift_right_logical3A_31, %mul3A_32 : i32
        %multiple_of3A_34 = tpu.assume_multiple %mul3A_33, 128 : i32
        %dma_start3A_35 = tpu.memref_slice %arg8[%rem3A_17] : memref<8x!tpu.dma_semaphore, #tpu.memory_space<semaphore_mem>> -> memref<1x!tpu.dma_semaphore, #tpu.memory_space<semaphore_mem>>
        %dma_start3A_36 = tpu.memref_squeeze %dma_start3A_35 : memref<1x!tpu.dma_semaphore, #tpu.memory_space<semaphore_mem>> -> memref<!tpu.dma_semaphore, #tpu.memory_space<semaphore_mem>>
        %dma_start3A_37 = arith.constant 0 : i32
        %dma_start3A_38 = arith.constant 0 : i32
        %dma_start3A_39 = tpu.memref_slice %arg6[%rem3A_17, %dma_start3A_37, %dma_start3A_38] : memref<8x32x128xf32, #tpu.memory_space<vmem>> -> memref<1x32x128xf32, #tpu.memory_space<vmem>>
        %dma_start3A_40 = tpu.memref_squeeze %dma_start3A_39 : memref<1x32x128xf32, #tpu.memory_space<vmem>> -> memref<32x128xf32, #tpu.memory_space<vmem>>
        %dma_start3A_41 = arith.constant 0 : i32
        %dma_start3A_42 = tpu.memref_slice %arg3[%dma_start3A_41, %multiple_of3A_34] : memref<32x1000001xf32, #tpu.memory_space<hbm>> -> memref<32x128xf32, #tpu.memory_space<hbm>>
        tpu.enqueue_dma source(%dma_start3A_42 : memref<32x128xf32, #tpu.memory_space<hbm>>) target(%dma_start3A_40 : memref<32x128xf32, #tpu.memory_space<vmem>>) target_semaphore(%dma_start3A_36 : memref<!tpu.dma_semaphore, #tpu.memory_space<semaphore_mem>>)
      } else {
      }
      %sub3A = arith.constant 6 : i32
      %sub3A_11 = arith.subi %scan3A_7, %sub3A : i32
      %ge3A = arith.constant 0 : i32
      %ge3A_12 = arith.cmpi sge, %sub3A_11, %ge3A : i32
      %convert_element_type3A_13 = arith.extui %ge3A_12 : i1 to i32
      %cond3A_14 = arith.constant 0 : i32
      %cond3A_15 = arith.cmpi ne, %convert_element_type3A_13, %cond3A_14 : i32
      %cond3A_16 = scf.if %cond3A_15 -> (vector<1x128xf32>) {
        %rem3A = arith.constant 8 : i32
        %rem3A_17 = arith.remsi %sub3A_11, %rem3A : i32
        %dma_wait3A = tpu.memref_slice %arg7[%rem3A_17] : memref<8x!tpu.dma_semaphore, #tpu.memory_space<semaphore_mem>> -> memref<1x!tpu.dma_semaphore, #tpu.memory_space<semaphore_mem>>
        %dma_wait3A_18 = tpu.memref_squeeze %dma_wait3A : memref<1x!tpu.dma_semaphore, #tpu.memory_space<semaphore_mem>> -> memref<!tpu.dma_semaphore, #tpu.memory_space<semaphore_mem>>
        %dma_wait3A_19 = arith.constant 0 : i32
        %dma_wait3A_20 = arith.constant 0 : i32
        %dma_wait3A_21 = tpu.memref_slice %arg5[%rem3A_17, %dma_wait3A_19, %dma_wait3A_20] : memref<8x32x128xf32, #tpu.memory_space<vmem>> -> memref<1x32x128xf32, #tpu.memory_space<vmem>>
        %dma_wait3A_22 = tpu.memref_squeeze %dma_wait3A_21 : memref<1x32x128xf32, #tpu.memory_space<vmem>> -> memref<32x128xf32, #tpu.memory_space<vmem>>
        %dma_wait3A_23 = arith.constant 0 : i32
        %dma_wait3A_24 = arith.constant 0 : i32
        %dma_wait3A_25 = tpu.memref_slice %arg2[%dma_wait3A_23, %dma_wait3A_24] : memref<32x1000001xf32, #tpu.memory_space<hbm>> -> memref<32x128xf32, #tpu.memory_space<hbm>>
        tpu.wait_dma2 semaphore(%dma_wait3A_18 : memref<!tpu.dma_semaphore, #tpu.memory_space<semaphore_mem>>) src(%dma_wait3A_25 : memref<32x128xf32, #tpu.memory_space<hbm>>) dst(%dma_wait3A_22 : memref<32x128xf32, #tpu.memory_space<vmem>>)
        %dma_wait3A_26 = tpu.memref_slice %arg8[%rem3A_17] : memref<8x!tpu.dma_semaphore, #tpu.memory_space<semaphore_mem>> -> memref<1x!tpu.dma_semaphore, #tpu.memory_space<semaphore_mem>>
        %dma_wait3A_27 = tpu.memref_squeeze %dma_wait3A_26 : memref<1x!tpu.dma_semaphore, #tpu.memory_space<semaphore_mem>> -> memref<!tpu.dma_semaphore, #tpu.memory_space<semaphore_mem>>
        %dma_wait3A_28 = arith.constant 0 : i32
        %dma_wait3A_29 = arith.constant 0 : i32
        %dma_wait3A_30 = tpu.memref_slice %arg6[%rem3A_17, %dma_wait3A_28, %dma_wait3A_29] : memref<8x32x128xf32, #tpu.memory_space<vmem>> -> memref<1x32x128xf32, #tpu.memory_space<vmem>>
        %dma_wait3A_31 = tpu.memref_squeeze %dma_wait3A_30 : memref<1x32x128xf32, #tpu.memory_space<vmem>> -> memref<32x128xf32, #tpu.memory_space<vmem>>
        %dma_wait3A_32 = arith.constant 0 : i32
        %dma_wait3A_33 = arith.constant 0 : i32
        %dma_wait3A_34 = tpu.memref_slice %arg3[%dma_wait3A_32, %dma_wait3A_33] : memref<32x1000001xf32, #tpu.memory_space<hbm>> -> memref<32x128xf32, #tpu.memory_space<hbm>>
        tpu.wait_dma2 semaphore(%dma_wait3A_27 : memref<!tpu.dma_semaphore, #tpu.memory_space<semaphore_mem>>) src(%dma_wait3A_34 : memref<32x128xf32, #tpu.memory_space<hbm>>) dst(%dma_wait3A_31 : memref<32x128xf32, #tpu.memory_space<vmem>>)
        %get3A = arith.index_cast %sub3A_11 : i32 to index
        %get3A_35 = memref.load %arg0[%get3A] : memref<3584xi32, #tpu.memory_space<smem>>
        %and3A = arith.constant 127 : i32
        %and3A_36 = arith.andi %get3A_35, %and3A : i32
        %get3A_37 = arith.index_cast %sub3A_11 : i32 to index
        %get3A_38 = memref.load %arg1[%get3A_37] : memref<3584xi32, #tpu.memory_space<smem>>
        %and3A_39 = arith.constant 127 : i32
        %and3A_40 = arith.andi %get3A_38, %and3A_39 : i32
        %get3A_41 = arith.index_cast %rem3A_17 : i32 to index
        %get3A_42 = arith.constant 0 : index
        %get3A_43 = arith.constant 0 : index
        %get3A_44 = vector.load %arg5[%get3A_41, %get3A_42, %get3A_43] : memref<8x32x128xf32, #tpu.memory_space<vmem>>, vector<1x32x128xf32>
        %get3A_45 = vector.shape_cast %get3A_44 : vector<1x32x128xf32> to vector<32x128xf32>
        %get3A_46 = arith.index_cast %rem3A_17 : i32 to index
        %get3A_47 = arith.constant 0 : index
        %get3A_48 = arith.constant 0 : index
        %get3A_49 = vector.load %arg6[%get3A_46, %get3A_47, %get3A_48] : memref<8x32x128xf32, #tpu.memory_space<vmem>>, vector<1x32x128xf32>
        %get3A_50 = vector.shape_cast %get3A_49 : vector<1x32x128xf32> to vector<32x128xf32>
        %eq3A = vector.broadcast %and3A_36 : i32 to vector<32x128xi32>
        %eq3A_51 = arith.cmpi eq, %iota3A_0, %eq3A : vector<32x128xi32>
        %jit3A = arith.constant 0.000000e+00 : f32
        %broadcast_in_dim3A_52 = vector.broadcast %jit3A : f32 to vector<32x128xf32>
        %select_n3A = arith.select %eq3A_51, %get3A_45, %broadcast_in_dim3A_52 : vector<32x128xi1>, vector<32x128xf32>
        %reduce_sum3A = arith.constant dense<0.000000e+00> : vector<32xf32>
        %reduce_sum3A_53 = vector.multi_reduction <add>, %select_n3A, %reduce_sum3A [1] : vector<32x128xf32> to vector<32xf32>
        %broadcast_in_dim3A_54 = vector.shape_cast %reduce_sum3A_53 : vector<32xf32> to vector<32x1xf32>
        %eq3A_55 = vector.broadcast %and3A_40 : i32 to vector<32x128xi32>
        %eq3A_56 = arith.cmpi eq, %iota3A_0, %eq3A_55 : vector<32x128xi32>
        %jit3A_57 = arith.constant 0.000000e+00 : f32
        %broadcast_in_dim3A_58 = vector.broadcast %jit3A_57 : f32 to vector<32x128xf32>
        %select_n3A_59 = arith.select %eq3A_56, %get3A_50, %broadcast_in_dim3A_58 : vector<32x128xi1>, vector<32x128xf32>
        %reduce_sum3A_60 = arith.constant dense<0.000000e+00> : vector<32xf32>
        %reduce_sum3A_61 = vector.multi_reduction <add>, %select_n3A_59, %reduce_sum3A_60 [1] : vector<32x128xf32> to vector<32xf32>
        %broadcast_in_dim3A_62 = vector.shape_cast %reduce_sum3A_61 : vector<32xf32> to vector<32x1xf32>
        %mul3A = arith.mulf %broadcast_in_dim3A_54, %broadcast_in_dim3A_62 : vector<32x1xf32>
        %reduce_sum3A_63 = vector.shape_cast %mul3A : vector<32x1xf32> to vector<1x32x1xf32>
        %reduce_sum3A_64 = arith.constant dense<0.000000e+00> : vector<1xf32>
        %reduce_sum3A_65 = vector.multi_reduction <add>, %reduce_sum3A_63, %reduce_sum3A_64 [1, 2] : vector<1x32x1xf32> to vector<1xf32>
        %reduce_sum3A_66 = vector.shape_cast %reduce_sum3A_65 : vector<1xf32> to vector<1x1x1xf32>
        %reduce_sum3A_67 = vector.extract %reduce_sum3A_66[0, 0, 0] : f32 from vector<1x1x1xf32>
        %rem3A_68 = arith.constant 128 : i32
        %rem3A_69 = arith.remsi %sub3A_11, %rem3A_68 : i32
        %eq3A_70 = vector.broadcast %rem3A_69 : i32 to vector<1x128xi32>
        %eq3A_71 = arith.cmpi eq, %iota3A, %eq3A_70 : vector<1x128xi32>
        %broadcast_in_dim3A_72 = vector.broadcast %reduce_sum3A_67 : f32 to vector<1x128xf32>
        %select_n3A_73 = arith.select %eq3A_71, %broadcast_in_dim3A_72, %scan3A_8 : vector<1x128xi1>, vector<1x128xf32>
        %rem3A_74 = arith.constant 128 : i32
        %rem3A_75 = arith.remsi %sub3A_11, %rem3A_74 : i32
        %eq3A_76 = arith.constant 127 : i32
        %eq3A_77 = arith.cmpi eq, %rem3A_75, %eq3A_76 : i32
        %convert_element_type3A_78 = arith.extui %eq3A_77 : i1 to i32
        %cond3A_79 = arith.constant 0 : i32
        %cond3A_80 = arith.cmpi ne, %convert_element_type3A_78, %cond3A_79 : i32
        scf.if %cond3A_80 {
          %div3A = arith.constant 128 : i32
          %div3A_88 = arith.divsi %sub3A_11, %div3A : i32
          %swap3A = arith.index_cast %div3A_88 : i32 to index
          %swap3A_89 = arith.constant 0 : index
          %swap3A_90 = vector.load %arg4[%swap3A, %swap3A_89] : memref<28x128xf32, #tpu.memory_space<vmem>>, vector<1x128xf32>
          tpu.vector_store %arg4[%swap3A, %swap3A_89], %select_n3A_73 {strides = array<i32>} : memref<28x128xf32, #tpu.memory_space<vmem>>, vector<1x128xf32>,
        } else {
        }
        %rem3A_81 = arith.constant 128 : i32
        %rem3A_82 = arith.remsi %sub3A_11, %rem3A_81 : i32
        %eq3A_83 = arith.constant 127 : i32
        %eq3A_84 = arith.cmpi eq, %rem3A_82, %eq3A_83 : i32
        %broadcast_in_dim3A_85 = arith.constant 0.000000e+00 : f32
        %broadcast_in_dim3A_86 = vector.broadcast %broadcast_in_dim3A_85 : f32 to vector<1x128xf32>
        %select_n3A_87 = arith.select %eq3A_84, %broadcast_in_dim3A_86, %select_n3A_73 : vector<1x128xf32>
        scf.yield %select_n3A_87 : vector<1x128xf32>
      } else {
        scf.yield %scan3A_8 : vector<1x128xf32>
      }
      scf.yield %cond3A_16 : vector<1x128xf32>
    }
    %scan3A_6 = arith.constant 3590 : i32
    return
  }
}

</mosaic_0001>

<sc_bundles>
// kernel: _two_tower.4.cloned.1.call-start
scs
__scs_entry_jumppad:
0x0: {  	(pc) =	sbr.rel $0x88, $3  }
0x1: {  	(tag) =	ssettag $0x0;
	lr =	simm.s32 $0x1  }
0x2: {  	[smem:$0x3F9D] =	sst lr;
	_ =	strace $0xD0000000  }
0x3: {  	_ = 	snop  }
0x4: {  	_ = 	snop  }
0x5: {  	_ = 	snop  }
0x6: {  	_ = 	snop  }
0x7: {  	_ = 	snop  }
__scs_overlays_trampoline_lowered:
0x8: {  	[smem:$0x3FAC] =	sst s0  }
0x9: {  	[smem:$0x3FAD] =	sst s1  }
0xa: {  	[smem:$0x3FAE] =	sst s2  }
0xb: {  	[smem:$0x3FAF] =	sst s3  }
0xc: {  	[smem:$0x3FB0] =	sst s4  }
0xd: {  	[smem:$0x3FB1] =	sst s5  }
0xe: {  	[smem:$0x3FB2] =	sst s6  }
0xf: {  	[smem:$0x3FB3] =	sst s7  }
0x10: {  	[smem:$0x3FB4] =	sst s8  }
0x11: {  	[smem:$0x3FB5] =	sst s9;
	s0 =	simm.s32 @!p0 $0x0  }
0x12: {  	s1 =	sld [smem:$0x3F9B];
	s0 =	simm.s32 @p0 $0x1  }
0x13: {  	[smem:$0x3FB6] =	sst s0;
	s0 =	simm.s32 @!p1 $0x0  }
0x14: {  	s2 =	sld [smem:$0x3F9A];
	s0 =	simm.s32 @p1 $0x1  }
0x15: {  	[smem:$0x3FB7] =	sst s0;
	s0 =	simm.s32 @!p2 $0x0  }
0x16: {  	s3 =	sld [smem:$0x3FDB];
	s0 =	simm.s32 @p2 $0x1  }
0x17: {  	s4 =	simm.s32 $0x1BF5;
	[smem:$0x3FB9] =	sst s0  }
0x18: {  	s0 =	sld [smem:$0x3F9C];
	_ =	swait.ge [sflag:s4], $0x0  }
0x19: {  	s7 =	sld [smem:$0x3F9D]  }
0x1a: {  	s8 =	sadd.s32 $0xFFFFE003, lr  }
0x1b: {  	s9 =	sadd.s32 $0xFFFFFEF7, lr;
	s5 =	simm.s32 $0xFFFFFFFF;
	p2 =	slt.u32 s8, $0xFFFFF086  }
0x1c: {  	p1 =	slt.u32 s9, $0xF7A;
	s5 =	simm.s32 @!p2 $0x0  }
0x1d: {  	s5 =	simm.s32 @p1 $0x1;
	p0 =	seq.s32 s7, s2  }
0x1e: {  	s7 =	smul.u32 @!p0 $0xF7A, s2;
	p2 =	seq.s32 @!p0 s5, $0x0  }
0x1f: {  	s9 =	smul.u32 $0xF7A, s1;
	s8 =	simm.s32 @!p0 $0x1BF5;
	p2 =	por !p2, p0  }
0x20: {  	[sflag:s8] =	ssyncset.s32 @!p0 $0xFFFFF086;
	s6 =	sadd.s32 @!p0 s3, s7;
	s7 =	simm.s32 @!p0 $0x108  }
0x21: {  	s3 =	sadd.s32 s3, s9;
	s6 =	sadd.s32 @!p0 $0x88, s6;
	s7 =	simm.s32 @p2 $0x1082  }
0x22: {  	[simem:s7], [sflag:s8] =	dma.local @!p0 [hbm:s6], $0xF7A  }
0x23: {  	s9 =	sor.u32 $0xD0000000, s2;
	s6 =	simm.s32 $0x108;
	_ =	swait.ge @!p0 [sflag:s8], $0x0  }
0x24: {  	s3 =	sadd.s32 $0x88, s3;
	s6 =	simm.s32 @!p1 $0x1082;
	[sflag:s4] =	ssyncset.s32 $0xFFFFF086  }
0x25: {  	[simem:s6], [sflag:s4] =	dma.local [hbm:s3], $0xF7A  }
0x26: {  	[smem:$0x3F9D] =	sst s1;
	(tag) =	ssettag s2;
	_ =	strace s9  }
0x27: {  	s1 =	sld [smem:$0x3FAD]  }
0x28: {  	s2 =	sld [smem:$0x3FAE]  }
0x29: {  	s4 =	sld [smem:$0x3FB0]  }
0x2a: {  	p0 =	seq.s32 s5, $0x0;
	s5 =	sld [smem:$0x3FB1]  }
0x2b: {  	s6 =	sld [smem:$0x3FB2]  }
0x2c: {  	s7 =	sld [smem:$0x3FB3]  }
0x2d: {  	s3 =	simm.s32 $0x108;
	s8 =	sld [smem:$0x3FB4]  }
0x2e: {  	s3 =	simm.s32 @!p0 $0x1082;
	s9 =	sld [smem:$0x3FB5]  }
0x2f: {  	lr =	sadd.s32 s0, s3;
	s0 =	sld [smem:$0x3FAC]  }
0x30: {  	s3 =	sld [smem:$0x3FAF]  }
0x31: {  	[smem:$0x3FB8] =	sst s10  }
0x32: {  	s10 =	sld [smem:$0x3FB6];
	_ =	sdelay $0x3  }
0x33: {  	p0 =	seq.s32 s10, $0x1;
	s10 =	sld [smem:$0x3FB8];
	_ =	sdelay $0x3  }
0x34: {  	[smem:$0x3FB8] =	sst s10  }
0x35: {  	s10 =	sld [smem:$0x3FB7];
	_ =	sdelay $0x3  }
0x36: {  	p1 =	seq.s32 s10, $0x1;
	s10 =	sld [smem:$0x3FB8];
	_ =	sdelay $0x3  }
0x37: {  	[smem:$0x3FB8] =	sst s10  }
0x38: {  	s10 =	sld [smem:$0x3FB9]  }
0x39: {  	_ = 	snop;
	(pc) =	sbr.ind lr, $3  }
0x3a: {  	_ = 	snop  }
0x3b: {  	_ = 	snop  }
0x3c: {  	p2 =	seq.s32 s10, $0x1;
	s10 =	sld [smem:$0x3FB8]  }
0x3d: {  	_ =	shalt  }
0x3e: {  	_ =	shalt  }
0x3f: {  	_ =	shalt  }
0x40: {  	_ =	shalt  }
0x41: {  	_ =	shalt  }
0x42: {  	_ =	shalt  }
0x43: {  	_ =	shalt  }
0x44: {  	_ =	shalt  }
0x45: {  	_ =	shalt  }
0x46: {  	_ =	shalt  }
0x47: {  	_ =	shalt  }
0x48: {  	_ =	shalt  }
0x49: {  	_ =	shalt  }
0x4a: {  	_ =	shalt  }
0x4b: {  	_ =	shalt  }
0x4c: {  	_ =	shalt  }
0x4d: {  	_ =	shalt  }
0x4e: {  	_ =	shalt  }
0x4f: {  	_ =	shalt  }
0x50: {  	_ =	shalt  }
0x51: {  	_ =	shalt  }
0x52: {  	_ =	shalt  }
0x53: {  	_ =	shalt  }
0x54: {  	_ =	shalt  }
0x55: {  	_ =	shalt  }
0x56: {  	_ =	shalt  }
0x57: {  	_ =	shalt  }
0x58: {  	_ =	shalt  }
0x59: {  	_ =	shalt  }
0x5a: {  	_ =	shalt  }
0x5b: {  	_ =	shalt  }
0x5c: {  	_ =	shalt  }
0x5d: {  	_ =	shalt  }
0x5e: {  	_ =	shalt  }
0x5f: {  	_ =	shalt  }
0x60: {  	_ =	shalt  }
0x61: {  	_ =	shalt  }
0x62: {  	_ =	shalt  }
0x63: {  	_ =	shalt  }
0x64: {  	_ =	shalt  }
0x65: {  	_ =	shalt  }
0x66: {  	_ =	shalt  }
0x67: {  	_ =	shalt  }
0x68: {  	_ =	shalt  }
0x69: {  	_ =	shalt  }
0x6a: {  	_ =	shalt  }
0x6b: {  	_ =	shalt  }
0x6c: {  	_ =	shalt  }
0x6d: {  	_ =	shalt  }
0x6e: {  	_ =	shalt  }
0x6f: {  	_ =	shalt  }
0x70: {  	_ =	shalt  }
0x71: {  	_ =	shalt  }
0x72: {  	_ =	shalt  }
0x73: {  	_ =	shalt  }
0x74: {  	_ =	shalt  }
0x75: {  	_ =	shalt  }
0x76: {  	_ =	shalt  }
0x77: {  	_ =	shalt  }
0x78: {  	_ =	shalt  }
0x79: {  	_ =	shalt  }
0x7a: {  	_ =	shalt  }
0x7b: {  	_ =	shalt  }
0x7c: {  	_ =	shalt  }
0x7d: {  	_ =	shalt  }
0x7e: {  	_ =	shalt  }
0x7f: {  	_ =	shalt  }
0x80: {  	_ =	shalt  }
0x81: {  	_ =	shalt  }
0x82: {  	_ =	shalt  }
0x83: {  	_ =	shalt  }
0x84: {  	_ =	shalt  }
0x85: {  	_ =	shalt  }
0x86: {  	_ =	shalt  }
0x87: {  	_ =	shalt  }
.Lfunc_end0:
.L_simem_size_0:
called_computation_lowered:
.L_overlay_start_0:
0x88: {  	s2 =	sld [smem:$0x3FD9]  }
0x89: {  	s3 =	sld [smem:$0x3FFE];
	_ =	sdelay $0x1  }
0x8a: {  	s1 =	srdreg.scid  }
0x8b: {  	s0 =	sand.u32 $0x1, s1  }
0x8c: {  	s17 =	sshll.u32 s0, $0xA;
	s2 =	sadd.s32 s3, s2  }
0x8d: {  	s2 =	sadd.s32 s2, s17  }
0x8e: {  	[smem:$0x3FC4] =	sst s2  }
0x8f: {  	_ = 	snop  }
0x90: {  	s2 =	sld [smem:$0x3FC7]  }
0x91: {  	s18 =	sld [smem:$0x3FC6]  }
0x92: {  	s4 =	sld [smem:$0x3FD0];
	(tm) =	ssettm $0x1  }
0x93: {  	s5 =	sld [smem:$0x3FFB];
	_ =	sdelay $0x3  }
0x94: {  	_ =	strace s5  }
0x95: {  	s5 =	sld [smem:$0x3FFC];
	_ =	sdelay $0x3  }
0x96: {  	_ =	strace s5  }
0x97: {  	s5 =	sld [smem:$0x3FFD];
	_ =	sdelay $0x3  }
0x98: {  	_ =	strace s5  }
0x99: {  	_ =	strace $0x8FFFFFFF  }
0x9a: {  	s19 =	sld [smem:$0x3FDB];
	_ =	sdelay $0x1  }
0x9b: {  	s6 =	simm.s32 $_scs_section_size  }
0x9c: {  	s7 =	simm.s32 $_size__tile_overlayer_lowered;
	s8 =	simm.s32 $_tile_overlayer_lowered  }
0x9d: {  	s22 =	simm.s32 $0x1BFF;
	s21 =	sshll.u32 s8, $0x1;
	s5 =	sadd.s32 s6, s19  }
0x9e: {  	s9 =	simm.s32 $0x0;
	s20 =	sshll.u32 s7, $0x1;
	s7 =	sadd.s32 s21, s5  }
0x9f: {  	[timem:s9], [sflag:s22] =	dma.local [hbm:s7], s20  }
0xa0: {  	_ =	swait.ge [sflag:s22], s20  }
0xa1: {  	s6 =	ssub.s32 $0x0, s20;
	[sflag:s22] =	ssyncset.done $0x0  }
0xa2: {  	[sflag:s22] =	ssyncadd.s32 s6;
	_ =	sdelay $0x1  }
0xa3: {  	s23 =	simm.s32 $0x1B8B  }
0xa4: {  	_ =	swait.ge [sflag:s23], $0x1  }
0xa5: {  	[sflag:s23] =	ssyncset.done $0x0  }
0xa6: {  	s25 =	simm.s32 $0x1B8E;
	s24 =	sld [smem:$0x3FFE];
	[sflag:s23] =	ssyncadd.s32 $0xFFFFFFFF  }
0xa7: {  	s26 =	simm.s32 $execute0_lowered;
	[smem:$0x3FD2] =	sst s25  }
0xa8: {  	s7 =	sshll.u32 s26, $0x1;
	_ =	strace $0x80000046;
	[dreg:$0x1] =	wrdreg $0xFFFFFFFF  }
0xa9: {  	s28 =	simm.s32 $_size_execute0_lowered;
	s5 =	sadd.s32 s5, s7;
	[dreg:$0x0] =	wrdreg $0x0  }
0xaa: {  	s7 =	sshll.u32 s28, $0x1;
	[dreg:$0x2] =	wrdreg s5  }
0xab: {  	[dreg:$0x3] =	wrdreg s7  }
0xac: {  	[dreg:$0x4] =	wrdreg $0xC0  }
0xad: {  	_ =	task [dreg:s9], $0x5FFFF  }
0xae: {  	[dreg:$0x1] =	wrdreg $0xFFFFFFFF  }
0xaf: {  	[dreg:$0x0] =	wrdreg $0x60  }
0xb0: {  	[dreg:$0x2] =	wrdreg s4  }
0xb1: {  	[dreg:$0x3] =	wrdreg s24  }
0xb2: {  	[dreg:$0x4] =	wrdreg s2  }
0xb3: {  	[dreg:$0x5] =	wrdreg s18  }
0xb4: {  	[dreg:$0x6] =	wrdreg $0x9  }
0xb5: {  	_ =	task.clear_ibuf [dreg:s9], $0x7FFFF;
	_ =	strace $0x90000046  }
0xb6: {  	s29 =	simm.s32 $0x9;
	_ =	strace $0x80000048  }
0xb7: {  	_ =	swait.ge [sflag:s29], $0x1  }
0xb8: {  	[sflag:s29] =	ssyncadd.s32 $0xFFFFFFFF  }
0xb9: {  	_ =	strace $0x90000048  }
0xba: {  	_ =	sfence  }
0xbb: {  	s30 =	sld [smem:$0x0];
	_ =	sdelay $0x2  }
0xbc: {  	s31 =	sshll.u32 s1, $0xD;
	s1 =	sshrl.u32 s1, $0x2  }
0xbd: {  	s3 =	sand.u32 $0x4000, s31;
	s1 =	sadd.s32 s1, s30  }
0xbe: {  	s0 =	sor.u32 s3, s0;
	s1 =	sshll.u32 s1, $0x11  }
0xbf: {  	s0 =	sor.u32 s1, s0  }
0xc0: {  	s0 =	sadd.s32 $0x8F2B, s0  }
0xc1: {  	[sflag:s0] =	ssyncadd.remote.s32 $0x1  }
0xc2: {  	_ =	sfence.sel $0xFFFF  }
0xc3: {  	[dreg:$0x0] =	wrdreg $0xFFFFFFFF;
	(pc) =	sbr.abs _section_cstart, $3  }
0xc4: {  	[dreg:$0x1] =	wrdreg $0xFFFFFFFF  }
0xc5: {  	_ =	task.clear_ibuf [dreg:s9], $0x2FFFF;
	_ =	strace $0x9FFFFFFF  }
0xc6: {  	(tm) =	ssettm $0x7FFFFFFF  }
0xc7: {  	_ =	shalt  }
tec
execute0_lowered:
.L_overlay_start_1:
0x0: {  	(tag) =	ssettag $0x1  }
0x1: {  	v0 =	vimm.s32 $0x2380;
	vm0 =	vcmask $0x300  }
0x2: {  	v1 =	vimm.s32 $0x6380;
	vm1 =	vcmask $0x704;
	vm2 =	vcmask $0x2320  }
0x3: {  	s0 =	rddreg [dreg:$0x0];
	vm3 =	vcmask $0x3330;
	vm4 =	vcmask $0x3734;
	vm5 =	vcmask $0x3B38  }
0x4: {  	s1 =	rddreg [dreg:$0x1];
	vm6 =	vmmov $0x1;
	vm7 =	vmmov $0x3;
	vm8 =	vmmov $0x7  }
0x5: {  	s2 =	rddreg [dreg:$0x2];
	vm9 =	vmmov $0xf;
	v0 =	vsel vm0, $0x0, v0;
	v1 =	vsel vm0, $0x4000, v1  }
0x6: {  	s4 =	srdreg.scid;
	s6 =	stileid.u32;
	vm0 =	vcmask $0xB08;
	v0 =	vsel vm1, $0x80, v0;
	v1 =	vsel vm1, $0x4080, v1  }
0x7: {  	s3 =	rddreg [dreg:$0x3];
	s13 =	simm.s32 $0x11;
	s11 =	simm.s32 $0xC00;
	vm1 =	vcmask $0xF0C;
	v0 =	vsel vm0, $0x100, v0;
	v1 =	vsel vm0, $0x4100, v1  }
0x8: {  	s18 =	simm.s32 $0x2C00;
	s19 =	simm.s32 $0x4C00;
	s20 =	simm.s32 $0x6C00;
	vm0 =	vcmask $0x1310;
	v0 =	vsel vm1, $0x180, v0;
	v1 =	vsel vm1, $0x4180, v1  }
0x9: {  	s15 =	simm.s32 $0x8C00;
	s16 =	simm.s32 $0xAC00;
	s17 =	simm.s32 $0xCC00;
	vm1 =	vcmask $0x1714;
	v0 =	vsel vm0, $0x200, v0;
	v1 =	vsel vm0, $0x4200, v1  }
0xa: {  	s8 =	simm.s32 $0x8;
	s9 =	simm.s32 $0x10;
	s14 =	simm.s32 $0x0;
	vm0 =	vcmask $0x1B18;
	v0 =	vsel vm1, $0x280, v0;
	v1 =	vsel vm1, $0x4280, v1  }
0xb: {  	s25 =	simm.s32 $0x4800;
	s5 =	sand.u32 $0x1, s4;
	s6 =	sshll.u32 s6, $0x1;
	vm1 =	vcmask $0x1F1C;
	v0 =	vsel vm0, $0x300, v0;
	v1 =	vsel vm0, $0x4300, v1  }
0xc: {  	vm10 =	vmmov $0x1f;
	s28 =	simm.s32 $0x6800;
	s30 =	simm.s32 $0x8800;
	s6 =	sor.u32 s5, s6;
	v0 =	vsel vm1, $0x380, v0;
	v1 =	vsel vm1, $0x4380, v1  }
0xd: {  	s4 =	simm.s32 $0x0;
	s5 =	ssub.s32 $0x2, s5;
	s6 =	smul.u32 $0x32, s6;
	vm0 =	vcmask $0x2724;
	v0 =	vsel vm2, $0x2000, v0;
	v1 =	vsel vm2, $0x6000, v1  }
0xe: {  	s10 =	simm.s32 $0xC800;
	[smem:$0x7FF] =	sst s4;
	s7 =	sshrl.u32 s5, $0x1;
	vm1 =	vcmask $0x2B28;
	v0 =	vsel vm0, $0x2080, v0;
	v1 =	vsel vm0, $0x6080, v1  }
0xf: {  	_ =	strace $0x80000047;
	s5 =	ssub.s32 s5, s7;
	s0 =	sadd.s32 s0, s6;
	vm2 =	vcmask $0x2F2C;
	v0 =	vsel vm1, $0x2100, v0;
	v1 =	vsel vm1, $0x6100, v1  }
0x10: {  	vm11 =	vmmov $0x3f;
	s1 =	sadd.s32 s6, s1;
	s31 =	smax.u32 s5, $0x1;
	[dreg:$0x5] =	wrdreg s0;
	v0 =	vsel vm2, $0x2180, v0;
	v1 =	vsel vm2, $0x6180, v1  }
0x11: {  	vm12 =	vmmov $0x7f;
	s22 =	simm.s32 $0xE800;
	s26 =	sadd.s32 $0x400, s1;
	[dreg:$0x8] =	wrdreg s31;
	v0 =	vsel vm3, $0x2200, v0;
	v1 =	vsel vm3, $0x6200, v1  }
0x12: {  	vm13 =	vmmov $0xff;
	s23 =	simm.s32 $0x10800;
	s29 =	sadd.s32 $0xC00, s1;
	[dreg:$0x6] =	wrdreg s26;
	v0 =	vsel vm4, $0x2280, v0;
	v1 =	vsel vm4, $0x6280, v1  }
0x13: {  	vm14 =	vmmov $0x7fff;
	s7 =	simm.s32 $0xF;
	s6 =	simm.s32 $0x7;
	[dreg:$0x7] =	wrdreg s29;
	v0 =	vsel vm5, $0x2300, v0;
	v1 =	vsel vm5, $0x6300, v1  }
.LBB2_1:
0x14: {  	[dreg:$0x9] =	wrdreg s14  }
0x15: {  	s12 =	rddreg [dreg:$0x5]  }
0x16: {  	[tilespmem:s4], [sflag:$0x11] =	stream.linear.gather [hbm4b:s12+s4], $0x190, $0x38;
	[tilespmem:$0x10E00] =	vst v63  }
0x17: {  	_ =	swait.ge [sflag:s13], $0x190  }
0x18: {  	[sflag:s13] =	ssyncset.done $0x0  }
0x19: {  	s31 =	simm.s32 $0x200;
	s29 =	rddreg [dreg:$0x6];
	[sflag:s13] =	ssyncadd.s32 $0xFFFFFE70  }
0x1a: {  	[tilespmem:s31], [sflag:$0x11] =	stream.linear.gather [hbm4b:s29+s4], $0x190, $0x38;
	[tilespmem:$0x10E00] =	vst v63  }
0x1b: {  	_ =	swait.ge [sflag:s13], $0x190  }
0x1c: {  	[sflag:s13] =	ssyncset.done $0x0  }
0x1d: {  	s12 =	simm.s32 $0x0;
	[sflag:s13] =	ssyncadd.s32 $0xFFFFFE70  }
0x1e: {  	v2 =	vld [tilespmem:s12+$0x200]  }
0x1f: {  	v3 =	vld [tilespmem:s12+$0x0];
	_ =	sdelay $0x1  }
0x20: {  	s13 =	simm.s32 $0x40  }
.LBB2_2:
0x21: {  	p0 =	sne.s32 s13, $0x600  }
.Ltmp0:
0x22: {  	s14 =	sshra.s32 s13, $0x2;
	s13 =	sadd.s32 $0x40, s13;
	v4 =	vshrl.u32 v2, $0x7;
	v5 =	vand.u32 $0x7F, v2;
	(pc) =	sbr.rel @p0 .LBB2_2-.Ltmp0, $4  }
0x23: {  	v2 =	vld [tilespmem:s14+$0x200];
	v6 =	vshrl.u32 v3, $0x7;
	v7 =	vand.u32 $0x7F, v3;
	[tilespmem:s12+$0xA00] =	vst v5  }
0x24: {  	v3 =	vld [tilespmem:s14+$0x0];
	[tilespmem:s12+$0x400] =	vst v6  }
0x25: {  	[tilespmem:s12+$0x600] =	vst v7  }
0x26: {  	[tilespmem:s12+$0x800] =	vst v4;
	s12 =	smov.u32 s14  }
0x27: {  	_ = 	snop  }
0x28: {  	v4 =	vand.u32 $0x7F, v2  }
0x29: {  	v2 =	vshrl.u32 v2, $0x7;
	[tilespmem:s12+$0xA00] =	vst v4  }
0x2a: {  	v5 =	vshrl.u32 v3, $0x7;
	[tilespmem:s12+$0x800] =	vst v2  }
0x2b: {  	v3 =	vand.u32 $0x7F, v3;
	[tilespmem:s12+$0x400] =	vst v5  }
0x2c: {  	[tilespmem:s12+$0x600] =	vst v3  }
0x2d: {  	v2 =	vld [tilespmem:$0x400];
	_ =	sdelay $0x4  }
0x2e: {  	v3 =	vshll.u32 v2, $0x7  }
0x2f: {  	(v2sf) =	vpush v3, $0x0;
	_ =	sdelay $0x1  }
0x30: {  	v2 =	vld [tilespmem:$0x800];
	_ =	sdelay $0x4  }
0x31: {  	v2 =	vshll.u32 v2, $0x7  }
0x32: {  	(v2sf) =	vpush v2, $0x0;
	_ =	sdelay $0x6  }
0x33: {  	s31 =	spop (v2sf)  }
0x34: {  	s12 =	sand.u32 $0x1FFFFF80, s31  }
0x35: {  	(v2sf) =	vpush v3, $0x1;
	s13 =	sadd.s32 s2, s12;
	s12 =	simm.s32 $0x0  }
0x36: {  	[tilespmem:s11], [sflag:$0x1] =	stream.linear.gather [hbm4b:s13+s12], $0x400, $0x38;
	[tilespmem:$0x10E00] =	vst v63  }
0x37: {  	s14 =	sadd.s32 $0xF4280, s13  }
0x38: {  	[tilespmem:s18], [sflag:$0x1] =	stream.linear.gather [hbm4b:s14+s12], $0x400, $0x38;
	[tilespmem:$0x10E00] =	vst v63  }
0x39: {  	s0 =	sadd.s32 $0x1E8500, s13  }
0x3a: {  	[tilespmem:s19], [sflag:$0x1] =	stream.linear.gather [hbm4b:s0+s12], $0x400, $0x38;
	[tilespmem:$0x10E00] =	vst v63  }
0x3b: {  	s13 =	sadd.s32 $0x2DC780, s13;
	s1 =	spop (v2sf)  }
0x3c: {  	[tilespmem:s20], [sflag:$0x1] =	stream.linear.gather [hbm4b:s13+s12], $0x400, $0x38;
	[tilespmem:$0x10E00] =	vst v63  }
0x3d: {  	s13 =	sand.u32 $0x1FFFFF80, s1  }
0x3e: {  	(v2sf) =	vpush v2, $0x1;
	s13 =	sadd.s32 s3, s13  }
0x3f: {  	[tilespmem:s15], [sflag:$0x9] =	stream.linear.gather [hbm4b:s13+s12], $0x400, $0x38;
	[tilespmem:$0x10E00] =	vst v63  }
0x40: {  	s5 =	sadd.s32 $0xF4280, s13  }
0x41: {  	[tilespmem:s16], [sflag:$0x9] =	stream.linear.gather [hbm4b:s5+s12], $0x400, $0x38;
	[tilespmem:$0x10E00] =	vst v63  }
0x42: {  	s16 =	sadd.s32 $0x1E8500, s13  }
0x43: {  	[tilespmem:s17], [sflag:$0x9] =	stream.linear.gather [hbm4b:s16+s12], $0x400, $0x38;
	[tilespmem:$0x10E00] =	vst v63  }
0x44: {  	s21 =	simm.s32 $0xEC00;
	s13 =	sadd.s32 $0x2DC780, s13;
	s24 =	spop (v2sf)  }
0x45: {  	[tilespmem:s21], [sflag:$0x9] =	stream.linear.gather [hbm4b:s13+s12], $0x400, $0x38;
	[tilespmem:$0x10E00] =	vst v63  }
0x46: {  	s13 =	sand.u32 $0x1FFFFF80, s24  }
0x47: {  	s26 =	simm.s32 $0x1000;
	(v2sf) =	vpush v3, $0x2;
	s13 =	sadd.s32 s2, s13  }
0x48: {  	[tilespmem:s26], [sflag:$0x2] =	stream.linear.gather [hbm4b:s13+s12], $0x400, $0x38;
	[tilespmem:$0x10E00] =	vst v63  }
0x49: {  	s31 =	simm.s32 $0x3000;
	s29 =	sadd.s32 $0xF4280, s13  }
0x4a: {  	[tilespmem:s31], [sflag:$0x2] =	stream.linear.gather [hbm4b:s29+s12], $0x400, $0x38;
	[tilespmem:$0x10E00] =	vst v63  }
0x4b: {  	s1 =	simm.s32 $0x5000;
	s0 =	sadd.s32 $0x1E8500, s13  }
0x4c: {  	[tilespmem:s1], [sflag:$0x2] =	stream.linear.gather [hbm4b:s0+s12], $0x400, $0x38;
	[tilespmem:$0x10E00] =	vst v63  }
0x4d: {  	s5 =	simm.s32 $0x7000;
	s13 =	sadd.s32 $0x2DC780, s13;
	s14 =	spop (v2sf)  }
0x4e: {  	[tilespmem:s5], [sflag:$0x2] =	stream.linear.gather [hbm4b:s13+s12], $0x400, $0x38;
	[tilespmem:$0x10E00] =	vst v63  }
0x4f: {  	s13 =	sand.u32 $0x1FFFFF80, s14  }
0x50: {  	s16 =	simm.s32 $0x9000;
	(v2sf) =	vpush v2, $0x2;
	s13 =	sadd.s32 s3, s13  }
0x51: {  	[tilespmem:s16], [sflag:$0xA] =	stream.linear.gather [hbm4b:s13+s12], $0x400, $0x38;
	[tilespmem:$0x10E00] =	vst v63  }
0x52: {  	s21 =	simm.s32 $0xB000;
	s17 =	sadd.s32 $0xF4280, s13  }
0x53: {  	[tilespmem:s21], [sflag:$0xA] =	stream.linear.gather [hbm4b:s17+s12], $0x400, $0x38;
	[tilespmem:$0x10E00] =	vst v63  }
0x54: {  	s26 =	simm.s32 $0xD000;
	s24 =	sadd.s32 $0x1E8500, s13  }
0x55: {  	[tilespmem:s26], [sflag:$0xA] =	stream.linear.gather [hbm4b:s24+s12], $0x400, $0x38;
	[tilespmem:$0x10E00] =	vst v63  }
0x56: {  	s29 =	simm.s32 $0xF000;
	s13 =	sadd.s32 $0x2DC780, s13;
	s31 =	spop (v2sf)  }
0x57: {  	[tilespmem:s29], [sflag:$0xA] =	stream.linear.gather [hbm4b:s13+s12], $0x400, $0x38;
	[tilespmem:$0x10E00] =	vst v63  }
0x58: {  	s13 =	sand.u32 $0x1FFFFF80, s31  }
0x59: {  	s0 =	simm.s32 $0x1400;
	(v2sf) =	vpush v3, $0x3;
	s13 =	sadd.s32 s2, s13  }
0x5a: {  	[tilespmem:s0], [sflag:$0x3] =	stream.linear.gather [hbm4b:s13+s12], $0x400, $0x38;
	[tilespmem:$0x10E00] =	vst v63  }
0x5b: {  	s5 =	simm.s32 $0x3400;
	s1 =	sadd.s32 $0xF4280, s13  }
0x5c: {  	[tilespmem:s5], [sflag:$0x3] =	stream.linear.gather [hbm4b:s1+s12], $0x400, $0x38;
	[tilespmem:$0x10E00] =	vst v63  }
0x5d: {  	s17 =	simm.s32 $0x5400;
	s16 =	sadd.s32 $0x1E8500, s13  }
0x5e: {  	[tilespmem:s17], [sflag:$0x3] =	stream.linear.gather [hbm4b:s16+s12], $0x400, $0x38;
	[tilespmem:$0x10E00] =	vst v63  }
0x5f: {  	s21 =	simm.s32 $0x7400;
	s13 =	sadd.s32 $0x2DC780, s13;
	s24 =	spop (v2sf)  }
0x60: {  	[tilespmem:s21], [sflag:$0x3] =	stream.linear.gather [hbm4b:s13+s12], $0x400, $0x38;
	[tilespmem:$0x10E00] =	vst v63  }
0x61: {  	s13 =	sand.u32 $0x1FFFFF80, s24  }
0x62: {  	s26 =	simm.s32 $0x9400;
	(v2sf) =	vpush v2, $0x3;
	s13 =	sadd.s32 s3, s13  }
0x63: {  	[tilespmem:s26], [sflag:$0xB] =	stream.linear.gather [hbm4b:s13+s12], $0x400, $0x38;
	[tilespmem:$0x10E00] =	vst v63  }
0x64: {  	s31 =	simm.s32 $0xB400;
	s29 =	sadd.s32 $0xF4280, s13  }
0x65: {  	[tilespmem:s31], [sflag:$0xB] =	stream.linear.gather [hbm4b:s29+s12], $0x400, $0x38;
	[tilespmem:$0x10E00] =	vst v63  }
0x66: {  	s1 =	simm.s32 $0xD400;
	s0 =	sadd.s32 $0x1E8500, s13  }
0x67: {  	[tilespmem:s1], [sflag:$0xB] =	stream.linear.gather [hbm4b:s0+s12], $0x400, $0x38;
	[tilespmem:$0x10E00] =	vst v63  }
0x68: {  	s5 =	simm.s32 $0xF400;
	s13 =	sadd.s32 $0x2DC780, s13;
	s14 =	spop (v2sf)  }
0x69: {  	[tilespmem:s5], [sflag:$0xB] =	stream.linear.gather [hbm4b:s13+s12], $0x400, $0x38;
	[tilespmem:$0x10E00] =	vst v63  }
0x6a: {  	s13 =	sand.u32 $0x1FFFFF80, s14  }
0x6b: {  	s16 =	simm.s32 $0x1800;
	(v2sf) =	vpush v3, $0x4;
	s13 =	sadd.s32 s2, s13  }
0x6c: {  	[tilespmem:s16], [sflag:$0x4] =	stream.linear.gather [hbm4b:s13+s12], $0x400, $0x38;
	[tilespmem:$0x10E00] =	vst v63  }
0x6d: {  	s21 =	simm.s32 $0x3800;
	s17 =	sadd.s32 $0xF4280, s13  }
0x6e: {  	[tilespmem:s21], [sflag:$0x4] =	stream.linear.gather [hbm4b:s17+s12], $0x400, $0x38;
	[tilespmem:$0x10E00] =	vst v63  }
0x6f: {  	s26 =	simm.s32 $0x5800;
	s24 =	sadd.s32 $0x1E8500, s13  }
0x70: {  	[tilespmem:s26], [sflag:$0x4] =	stream.linear.gather [hbm4b:s24+s12], $0x400, $0x38;
	[tilespmem:$0x10E00] =	vst v63  }
0x71: {  	s29 =	simm.s32 $0x7800;
	s31 =	spop (v2sf);
	s13 =	sadd.s32 $0x2DC780, s13  }
0x72: {  	[tilespmem:s29], [sflag:$0x4] =	stream.linear.gather [hbm4b:s13+s12], $0x400, $0x38;
	[tilespmem:$0x10E00] =	vst v63  }
0x73: {  	s13 =	sand.u32 $0x1FFFFF80, s31  }
0x74: {  	s0 =	simm.s32 $0x9800;
	(v2sf) =	vpush v2, $0x4;
	s13 =	sadd.s32 s3, s13  }
0x75: {  	[tilespmem:s0], [sflag:$0xC] =	stream.linear.gather [hbm4b:s13+s12], $0x400, $0x38;
	[tilespmem:$0x10E00] =	vst v63  }
0x76: {  	s5 =	simm.s32 $0xB800;
	s1 =	sadd.s32 $0xF4280, s13  }
0x77: {  	[tilespmem:s5], [sflag:$0xC] =	stream.linear.gather [hbm4b:s1+s12], $0x400, $0x38;
	[tilespmem:$0x10E00] =	vst v63  }
0x78: {  	s17 =	simm.s32 $0xD800;
	s16 =	sadd.s32 $0x1E8500, s13  }
0x79: {  	[tilespmem:s17], [sflag:$0xC] =	stream.linear.gather [hbm4b:s16+s12], $0x400, $0x38;
	[tilespmem:$0x10E00] =	vst v63  }
0x7a: {  	s21 =	simm.s32 $0xF800;
	s13 =	sadd.s32 $0x2DC780, s13;
	s24 =	spop (v2sf)  }
0x7b: {  	[tilespmem:s21], [sflag:$0xC] =	stream.linear.gather [hbm4b:s13+s12], $0x400, $0x38;
	[tilespmem:$0x10E00] =	vst v63  }
0x7c: {  	s13 =	sand.u32 $0x1FFFFF80, s24  }
0x7d: {  	s26 =	simm.s32 $0x1C00;
	(v2sf) =	vpush v3, $0x5;
	s13 =	sadd.s32 s2, s13  }
0x7e: {  	[tilespmem:s26], [sflag:$0x5] =	stream.linear.gather [hbm4b:s13+s12], $0x400, $0x38;
	[tilespmem:$0x10E00] =	vst v63  }
0x7f: {  	s31 =	simm.s32 $0x3C00;
	s29 =	sadd.s32 $0xF4280, s13  }
0x80: {  	[tilespmem:s31], [sflag:$0x5] =	stream.linear.gather [hbm4b:s29+s12], $0x400, $0x38;
	[tilespmem:$0x10E00] =	vst v63  }
0x81: {  	s1 =	simm.s32 $0x5C00;
	s0 =	sadd.s32 $0x1E8500, s13  }
0x82: {  	[tilespmem:s1], [sflag:$0x5] =	stream.linear.gather [hbm4b:s0+s12], $0x400, $0x38;
	[tilespmem:$0x10E00] =	vst v63  }
0x83: {  	s5 =	simm.s32 $0x7C00;
	s14 =	spop (v2sf);
	s13 =	sadd.s32 $0x2DC780, s13  }
0x84: {  	[tilespmem:s5], [sflag:$0x5] =	stream.linear.gather [hbm4b:s13+s12], $0x400, $0x38;
	[tilespmem:$0x10E00] =	vst v63  }
0x85: {  	s13 =	sand.u32 $0x1FFFFF80, s14  }
0x86: {  	s16 =	simm.s32 $0x9C00;
	(v2sf) =	vpush v2, $0x5;
	s13 =	sadd.s32 s3, s13  }
0x87: {  	[tilespmem:s16], [sflag:$0xD] =	stream.linear.gather [hbm4b:s13+s12], $0x400, $0x38;
	[tilespmem:$0x10E00] =	vst v63  }
0x88: {  	s21 =	simm.s32 $0xBC00;
	s17 =	sadd.s32 $0xF4280, s13  }
0x89: {  	[tilespmem:s21], [sflag:$0xD] =	stream.linear.gather [hbm4b:s17+s12], $0x400, $0x38;
	[tilespmem:$0x10E00] =	vst v63  }
0x8a: {  	s26 =	simm.s32 $0xDC00;
	s24 =	sadd.s32 $0x1E8500, s13  }
0x8b: {  	[tilespmem:s26], [sflag:$0xD] =	stream.linear.gather [hbm4b:s24+s12], $0x400, $0x38;
	[tilespmem:$0x10E00] =	vst v63  }
0x8c: {  	s29 =	simm.s32 $0xFC00;
	s13 =	sadd.s32 $0x2DC780, s13;
	s31 =	spop (v2sf)  }
0x8d: {  	(v2sf) =	vpush v3, $0x6;
	[tilespmem:s29], [sflag:$0xD] =	stream.linear.gather [hbm4b:s13+s12], $0x400, $0x38;
	[tilespmem:$0x10E00] =	vst v63  }
0x8e: {  	s13 =	sand.u32 $0x1FFFFF80, s31  }
0x8f: {  	s0 =	simm.s32 $0x2000;
	s13 =	sadd.s32 s2, s13  }
0x90: {  	[tilespmem:s0], [sflag:$0x6] =	stream.linear.gather [hbm4b:s13+s12], $0x400, $0x38;
	[tilespmem:$0x10E00] =	vst v63  }
0x91: {  	s5 =	simm.s32 $0x4000;
	s1 =	sadd.s32 $0xF4280, s13  }
0x92: {  	[tilespmem:s5], [sflag:$0x6] =	stream.linear.gather [hbm4b:s1+s12], $0x400, $0x38;
	[tilespmem:$0x10E00] =	vst v63  }
0x93: {  	s21 =	simm.s32 $0x6000;
	s17 =	sadd.s32 $0x1E8500, s13  }
0x94: {  	[tilespmem:s21], [sflag:$0x6] =	stream.linear.gather [hbm4b:s17+s12], $0x400, $0x38;
	[tilespmem:$0x10E00] =	vst v63  }
0x95: {  	s24 =	simm.s32 $0x8000;
	s26 =	spop (v2sf);
	s13 =	sadd.s32 $0x2DC780, s13  }
0x96: {  	[tilespmem:s24], [sflag:$0x6] =	stream.linear.gather [hbm4b:s13+s12], $0x400, $0x38;
	[tilespmem:$0x10E00] =	vst v63  }
0x97: {  	(v2sf) =	vpush v2, $0x6;
	s13 =	sand.u32 $0x1FFFFF80, s26  }
0x98: {  	s29 =	simm.s32 $0xA000;
	s13 =	sadd.s32 s3, s13  }
0x99: {  	[tilespmem:s29], [sflag:$0xE] =	stream.linear.gather [hbm4b:s13+s12], $0x400, $0x38;
	[tilespmem:$0x10E00] =	vst v63  }
0x9a: {  	s0 =	simm.s32 $0xC000;
	s5 =	simm.s32 $0xE000;
	s31 =	sadd.s32 $0xF4280, s13  }
0x9b: {  	[tilespmem:s0], [sflag:$0xE] =	stream.linear.gather [hbm4b:s31+s12], $0x400, $0x38;
	[tilespmem:$0x10E00] =	vst v63  }
0x9c: {  	s21 =	simm.s32 $0x10000;
	s17 =	spop (v2sf);
	s1 =	sadd.s32 $0x1E8500, s13  }
0x9d: {  	[tilespmem:s5], [sflag:$0xE] =	stream.linear.gather [hbm4b:s1+s12], $0x400, $0x38;
	[tilespmem:$0x10E00] =	vst v63  }
0x9e: {  	s13 =	sadd.s32 $0x2DC780, s13;
	s24 =	sand.u32 $0x1FFFFF80, s17  }
0x9f: {  	[tilespmem:s21], [sflag:$0xE] =	stream.linear.gather [hbm4b:s13+s12], $0x400, $0x38;
	[tilespmem:$0x10E00] =	vst v63  }
0xa0: {  	s26 =	simm.s32 $0x2400;
	s13 =	sadd.s32 s2, s24  }
0xa1: {  	[tilespmem:s26], [sflag:$0x7] =	stream.linear.gather [hbm4b:s13+s12], $0x400, $0x38;
	[tilespmem:$0x10E00] =	vst v63  }
0xa2: {  	s31 =	simm.s32 $0x4400;
	s29 =	sadd.s32 $0xF4280, s13  }
0xa3: {  	[tilespmem:s31], [sflag:$0x7] =	stream.linear.gather [hbm4b:s29+s12], $0x400, $0x38;
	[tilespmem:$0x10E00] =	vst v63  }
0xa4: {  	s1 =	simm.s32 $0x6400;
	s0 =	sadd.s32 $0x1E8500, s13  }
0xa5: {  	[tilespmem:s1], [sflag:$0x7] =	stream.linear.gather [hbm4b:s0+s12], $0x400, $0x38;
	[tilespmem:$0x10E00] =	vst v63  }
0xa6: {  	s5 =	simm.s32 $0x8400;
	s16 =	spop (v2sf);
	s13 =	sadd.s32 $0x2DC780, s13  }
0xa7: {  	[tilespmem:s5], [sflag:$0x7] =	stream.linear.gather [hbm4b:s13+s12], $0x400, $0x38;
	[tilespmem:$0x10E00] =	vst v63  }
0xa8: {  	s13 =	sand.u32 $0x1FFFFF80, s16  }
0xa9: {  	s17 =	simm.s32 $0xA400;
	s13 =	sadd.s32 s3, s13  }
0xaa: {  	[tilespmem:s17], [sflag:$0xF] =	stream.linear.gather [hbm4b:s13+s12], $0x400, $0x38;
	[tilespmem:$0x10E00] =	vst v63  }
0xab: {  	s24 =	simm.s32 $0xC400;
	s21 =	sadd.s32 $0xF4280, s13  }
0xac: {  	[tilespmem:s24], [sflag:$0xF] =	stream.linear.gather [hbm4b:s21+s12], $0x400, $0x38;
	[tilespmem:$0x10E00] =	vst v63  }
0xad: {  	s29 =	simm.s32 $0xE400;
	s26 =	sadd.s32 $0x1E8500, s13  }
0xae: {  	[tilespmem:s29], [sflag:$0xF] =	stream.linear.gather [hbm4b:s26+s12], $0x400, $0x38;
	[tilespmem:$0x10E00] =	vst v63  }
0xaf: {  	s31 =	simm.s32 $0x10400;
	s13 =	sadd.s32 $0x2DC780, s13  }
0xb0: {  	[tilespmem:s31], [sflag:$0xF] =	stream.linear.gather [hbm4b:s13+s12], $0x400, $0x38;
	[tilespmem:$0x10E00] =	vst v63  }
0xb1: {  	s13 =	simm.s32 $0x1  }
.LBB2_4:
0xb2: {  	s14 =	sshra.s32 s12, $0x2  }
0xb3: {  	v2 =	vld [tilespmem:s14+$0x400];
	_ =	sdelay $0x4  }
0xb4: {  	v7 =	vshll.u32 v2, $0x7  }
0xb5: {  	(v2sf) =	vpush v7, $0x7;
	_ =	sdelay $0x1  }
0xb6: {  	v2 =	vld [tilespmem:s14+$0x800];
	_ =	sdelay $0x4  }
0xb7: {  	v6 =	vshll.u32 v2, $0x7  }
0xb8: {  	(v2sf) =	vpush v6, $0x7;
	_ =	sdelay $0x5  }
0xb9: {  	s16 =	smin.u32 s13, $0x18  }
0xba: {  	v3 =	vld [tilespmem:s14+$0xA00];
	s16 =	sshll.u32 s16, $0x4;
	s17 =	spop (v2sf)  }
0xbb: {  	v4 =	vld [tilespmem:s16+$0x400];
	s17 =	sand.u32 $0x1FFFFF80, s17  }
0xbc: {  	s21 =	simm.s32 $0x2800;
	v5 =	vld [tilespmem:s16+$0x800];
	s0 =	sadd.s32 s2, s17  }
0xbd: {  	v2 =	vld [tilespmem:s14+$0x600];
	[tilespmem:s21], [sflag:$0x8] =	stream.linear.gather [hbm4b:s0+s4], $0x400, $0x38  }
0xbe: {  	s17 =	sadd.s32 $0xF4280, s0  }
0xbf: {  	[tilespmem:s25], [sflag:$0x8] =	stream.linear.gather [hbm4b:s17+s4], $0x400, $0x38;
	[tilespmem:$0x10E00] =	vst v63  }
0xc0: {  	s1 =	sadd.s32 $0x1E8500, s0  }
0xc1: {  	[tilespmem:s28], [sflag:$0x8] =	stream.linear.gather [hbm4b:s1+s4], $0x400, $0x38;
	[tilespmem:$0x10E00] =	vst v63  }
0xc2: {  	s16 =	sadd.s32 $0x2DC780, s0;
	s5 =	spop (v2sf)  }
0xc3: {  	[tilespmem:s30], [sflag:$0x8] =	stream.linear.gather [hbm4b:s16+s4], $0x400, $0x38;
	[tilespmem:$0x10E00] =	vst v63  }
0xc4: {  	s16 =	sand.u32 $0x1FFFFF80, s5  }
0xc5: {  	s1 =	simm.s32 $0xA800;
	s16 =	sadd.s32 s3, s16  }
0xc6: {  	[tilespmem:s1], [sflag:$0x10] =	stream.linear.gather [hbm4b:s16+s4], $0x400, $0x38;
	[tilespmem:$0x10E00] =	vst v63  }
0xc7: {  	s17 =	sadd.s32 $0xF4280, s16  }
0xc8: {  	[tilespmem:s10], [sflag:$0x10] =	stream.linear.gather [hbm4b:s17+s4], $0x400, $0x38;
	[tilespmem:$0x10E00] =	vst v63  }
0xc9: {  	s17 =	sadd.s32 $0x1E8500, s16  }
0xca: {  	[tilespmem:s22], [sflag:$0x10] =	stream.linear.gather [hbm4b:s17+s4], $0x400, $0x38;
	[tilespmem:$0x10E00] =	vst v63  }
0xcb: {  	s24 =	simm.s32 $0x1;
	s16 =	sadd.s32 $0x2DC780, s16  }
0xcc: {  	[tilespmem:s23], [sflag:$0x10] =	stream.linear.gather [hbm4b:s16+s4], $0x400, $0x38;
	[tilespmem:$0x10E00] =	vst v63  }
0xcd: {  	_ =	swait.ge [sflag:s24], $0x1000  }
0xce: {  	[sflag:s24] =	ssyncset.done $0x0  }
0xcf: {  	[sflag:s24] =	ssyncadd.s32 $0xFFFFF000;
	s24 =	simm.s32 $0x9  }
0xd0: {  	_ =	swait.ge [sflag:s24], $0x1000  }
0xd1: {  	(v2sf) =	vpush v7, $0x8;
	_ =	sdelay $0x4  }
0xd2: {  	v8 =	vbroadcast v2, $0x0;
	_ =	sdelay $0x1  }
0xd3: {  	v9 =	vbroadcast v3, $0x0;
	v10 =	vshll.u32 v8, $0x3  }
0xd4: {  	v8 =	vand.u32 $0x7F, v8;
	v10 =	vand.u32 $0xFFFFFC00, v10;
	(v2sf) =	vpush v6, $0x8  }
0xd5: {  	v60 =	vshll.u32 v9, $0x3;
	v8 =	vor.u32 v8, v10  }
0xd6: {  	v9 =	vand.u32 $0x7F, v9;
	v10 =	vand.u32 $0xFFFFFC00, v60;
	v11 =	vadd.s32 v0, v8  }
0xd7: {  	v12 =	vadd.s32 v1, v8;
	v61 =	vor.u32 v9, v10  }
0xd8: {  	v10 =	vadd.s32 v0, v61  }
0xd9: {  	v13 =	vadd.s32 v1, v61;
	[sflag:s24] =	ssyncset.done $0x0  }
0xda: {  	[sflag:s24] =	ssyncadd.s32 $0xFFFFF000  }
0xdb: {  	v62 =	vld.idx.msk [tilespmem:v11+s11+$0x0], $0xffff;
	s17 =	spop (v2sf)  }
0xdc: {  	v9 =	vld.idx.msk [tilespmem:v12+s11+$0x0], $0xffff;
	s16 =	sand.u32 $0x1FFFFF80, s17  }
0xdd: {  	v10 =	vld.idx.msk [tilespmem:v10+s15+$0x0], $0xffff;
	s16 =	sadd.s32 s2, s16  }
0xde: {  	v63 =	vld.idx.msk [tilespmem:v13+s15+$0x0], $0xffff;
	[tilespmem:s11], [sflag:$0x1] =	stream.linear.gather [hbm4b:s16+s4], $0x400, $0x38  }
0xdf: {  	s17 =	sadd.s32 $0xF4280, s16  }
0xe0: {  	[tilespmem:s18], [sflag:$0x1] =	stream.linear.gather [hbm4b:s17+s4], $0x400, $0x38;
	[tilespmem:$0x10E00] =	vst v63  }
0xe1: {  	s18 =	sadd.s32 $0x1E8500, s16  }
0xe2: {  	[tilespmem:s19], [sflag:$0x1] =	stream.linear.gather [hbm4b:s18+s4], $0x400, $0x38;
	[tilespmem:$0x10E00] =	vst v63  }
0xe3: {  	s16 =	sadd.s32 $0x2DC780, s16;
	s18 =	spop (v2sf)  }
0xe4: {  	[tilespmem:s20], [sflag:$0x1] =	stream.linear.gather [hbm4b:s16+s4], $0x400, $0x38;
	[tilespmem:$0x10E00] =	vst v63  }
0xe5: {  	s16 =	sand.u32 $0x1FFFFF80, s18  }
0xe6: {  	s16 =	sadd.s32 s3, s16  }
0xe7: {  	[tilespmem:s15], [sflag:$0x9] =	stream.linear.gather [hbm4b:s16+s4], $0x400, $0x38;
	[tilespmem:$0x10E00] =	vst v63  }
0xe8: {  	s20 =	simm.s32 $0xAC00;
	s19 =	sadd.s32 $0xF4280, s16  }
0xe9: {  	[tilespmem:s20], [sflag:$0x9] =	stream.linear.gather [hbm4b:s19+s4], $0x400, $0x38;
	[tilespmem:$0x10E00] =	vst v63  }
0xea: {  	s18 =	sadd.s32 $0x1E8500, s16;
	s19 =	simm.s32 $0xCC00  }
0xeb: {  	[tilespmem:s19], [sflag:$0x9] =	stream.linear.gather [hbm4b:s18+s4], $0x400, $0x38;
	[tilespmem:$0x10E00] =	vst v63  }
0xec: {  	s26 =	simm.s32 $0x2;
	s16 =	sadd.s32 $0x2DC780, s16;
	s20 =	simm.s32 $0xEC00  }
0xed: {  	[tilespmem:s20], [sflag:$0x9] =	stream.linear.gather [hbm4b:s16+s4], $0x400, $0x38;
	[tilespmem:$0x10E00] =	vst v63  }
0xee: {  	_ =	swait.ge [sflag:s26], $0x1000  }
0xef: {  	[sflag:s26] =	ssyncset.done $0x0  }
0xf0: {  	[sflag:s26] =	ssyncadd.s32 $0xFFFFF000;
	s26 =	simm.s32 $0xA  }
0xf1: {  	_ =	swait.ge [sflag:s26], $0x1000  }
0xf2: {  	(v2sf) =	vpush v2, $0x1;
	_ =	sdelay $0x1  }
0xf3: {  	(v2sf) =	vpush v3, $0x1;
	_ =	sdelay $0x8  }
0xf4: {  	(v2sf) =	vpush v7, $0x9;
	_ =	sdelay $0x3  }
0xf5: {  	s18 =	spop (v2sf)  }
0xf6: {  	s16 =	sadd.s32 $0x80, s18  }
0xf7: {  	s19 =	spop (v2sf);
	v31 =	vmov s16  }
0xf8: {  	(v2sf) =	vpush v6, $0x9;
	s20 =	sadd.s32 $0x80, s19;
	v32 =	vshll.u32 v31, $0x3  }
0xf9: {  	v14 =	vmov s20;
	v12 =	vand.u32 $0x7F, v31;
	v13 =	vand.u32 $0xFFFFFC00, v32  }
0xfa: {  	v33 =	vshll.u32 v14, $0x3;
	v12 =	vor.u32 v12, v13  }
0xfb: {  	v14 =	vand.u32 $0x7F, v14;
	v13 =	vand.u32 $0xFFFFFC00, v33;
	v15 =	vadd.s32 v0, v12  }
0xfc: {  	v16 =	vadd.s32 v1, v12;
	v34 =	vor.u32 v14, v13  }
0xfd: {  	v14 =	vadd.s32 v0, v34  }
0xfe: {  	[sflag:s26] =	ssyncset.done $0x0;
	v17 =	vadd.s32 v1, v34  }
0xff: {  	[sflag:s26] =	ssyncadd.s32 $0xFFFFF000  }
0x100: {  	s17 =	spop (v2sf);
	v12 =	vld.idx.msk [tilespmem:v15+s11+$0x0], $0xffff  }
0x101: {  	s16 =	sand.u32 $0x1FFFFF80, s17;
	v13 =	vld.idx.msk [tilespmem:v16+s11+$0x0], $0xffff  }
0x102: {  	s18 =	simm.s32 $0x1000;
	s16 =	sadd.s32 s2, s16;
	v14 =	vld.idx.msk [tilespmem:v14+s15+$0x0], $0xffff  }
0x103: {  	v15 =	vld.idx.msk [tilespmem:v17+s15+$0x0], $0xffff;
	[tilespmem:s18], [sflag:$0x2] =	stream.linear.gather [hbm4b:s16+s4], $0x400, $0x38  }
0x104: {  	s20 =	simm.s32 $0x3000;
	s19 =	sadd.s32 $0xF4280, s16  }
0x105: {  	[tilespmem:s20], [sflag:$0x2] =	stream.linear.gather [hbm4b:s19+s4], $0x400, $0x38;
	[tilespmem:$0x10E00] =	vst v63  }
0x106: {  	s18 =	sadd.s32 $0x1E8500, s16;
	s19 =	simm.s32 $0x5000  }
0x107: {  	[tilespmem:s19], [sflag:$0x2] =	stream.linear.gather [hbm4b:s18+s4], $0x400, $0x38;
	[tilespmem:$0x10E00] =	vst v63  }
0x108: {  	s16 =	sadd.s32 $0x2DC780, s16;
	s20 =	simm.s32 $0x7000;
	s17 =	spop (v2sf)  }
0x109: {  	[tilespmem:s20], [sflag:$0x2] =	stream.linear.gather [hbm4b:s16+s4], $0x400, $0x38;
	[tilespmem:$0x10E00] =	vst v63  }
0x10a: {  	s16 =	sand.u32 $0x1FFFFF80, s17  }
0x10b: {  	s18 =	simm.s32 $0x9000;
	s16 =	sadd.s32 s3, s16  }
0x10c: {  	[tilespmem:s18], [sflag:$0xA] =	stream.linear.gather [hbm4b:s16+s4], $0x400, $0x38;
	[tilespmem:$0x10E00] =	vst v63  }
0x10d: {  	s20 =	simm.s32 $0xB000;
	s19 =	sadd.s32 $0xF4280, s16  }
0x10e: {  	[tilespmem:s20], [sflag:$0xA] =	stream.linear.gather [hbm4b:s19+s4], $0x400, $0x38;
	[tilespmem:$0x10E00] =	vst v63  }
0x10f: {  	s18 =	sadd.s32 $0x1E8500, s16;
	s19 =	simm.s32 $0xD000  }
0x110: {  	[tilespmem:s19], [sflag:$0xA] =	stream.linear.gather [hbm4b:s18+s4], $0x400, $0x38;
	[tilespmem:$0x10E00] =	vst v63  }
0x111: {  	s29 =	simm.s32 $0x3;
	s16 =	sadd.s32 $0x2DC780, s16;
	s20 =	simm.s32 $0xF000  }
0x112: {  	[tilespmem:s20], [sflag:$0xA] =	stream.linear.gather [hbm4b:s16+s4], $0x400, $0x38;
	[tilespmem:$0x10E00] =	vst v63  }
0x113: {  	_ =	swait.ge [sflag:s29], $0x1000  }
0x114: {  	[sflag:s29] =	ssyncset.done $0x0  }
0x115: {  	[sflag:s29] =	ssyncadd.s32 $0xFFFFF000;
	s29 =	simm.s32 $0xB  }
0x116: {  	_ =	swait.ge [sflag:s29], $0x1000  }
0x117: {  	(v2sf) =	vpush v2, $0x2;
	_ =	sdelay $0x1  }
0x118: {  	(v2sf) =	vpush v3, $0x2;
	_ =	sdelay $0x8  }
0x119: {  	(v2sf) =	vpush v7, $0xA;
	_ =	sdelay $0x3  }
0x11a: {  	s18 =	spop (v2sf)  }
0x11b: {  	s16 =	sadd.s32 $0x100, s18  }
0x11c: {  	s19 =	spop (v2sf);
	v35 =	vmov s16  }
0x11d: {  	(v2sf) =	vpush v6, $0xA;
	s20 =	sadd.s32 $0x100, s19;
	v36 =	vshll.u32 v35, $0x3  }
0x11e: {  	v18 =	vmov s20;
	v16 =	vand.u32 $0x7F, v35;
	v17 =	vand.u32 $0xFFFFFC00, v36  }
0x11f: {  	v37 =	vshll.u32 v18, $0x3;
	v16 =	vor.u32 v16, v17  }
0x120: {  	v18 =	vand.u32 $0x7F, v18;
	v17 =	vand.u32 $0xFFFFFC00, v37;
	v19 =	vadd.s32 v0, v16  }
0x121: {  	v20 =	vadd.s32 v1, v16;
	v38 =	vor.u32 v18, v17  }
0x122: {  	v18 =	vadd.s32 v0, v38  }
0x123: {  	[sflag:s29] =	ssyncset.done $0x0;
	v21 =	vadd.s32 v1, v38  }
0x124: {  	[sflag:s29] =	ssyncadd.s32 $0xFFFFF000  }
0x125: {  	s17 =	spop (v2sf);
	v16 =	vld.idx.msk [tilespmem:v19+s11+$0x0], $0xffff  }
0x126: {  	s16 =	sand.u32 $0x1FFFFF80, s17;
	v17 =	vld.idx.msk [tilespmem:v20+s11+$0x0], $0xffff  }
0x127: {  	s18 =	simm.s32 $0x1400;
	s16 =	sadd.s32 s2, s16;
	v18 =	vld.idx.msk [tilespmem:v18+s15+$0x0], $0xffff  }
0x128: {  	v19 =	vld.idx.msk [tilespmem:v21+s15+$0x0], $0xffff;
	[tilespmem:s18], [sflag:$0x3] =	stream.linear.gather [hbm4b:s16+s4], $0x400, $0x38  }
0x129: {  	s20 =	simm.s32 $0x3400;
	s19 =	sadd.s32 $0xF4280, s16  }
0x12a: {  	[tilespmem:s20], [sflag:$0x3] =	stream.linear.gather [hbm4b:s19+s4], $0x400, $0x38;
	[tilespmem:$0x10E00] =	vst v63  }
0x12b: {  	s18 =	sadd.s32 $0x1E8500, s16;
	s19 =	simm.s32 $0x5400  }
0x12c: {  	[tilespmem:s19], [sflag:$0x3] =	stream.linear.gather [hbm4b:s18+s4], $0x400, $0x38;
	[tilespmem:$0x10E00] =	vst v63  }
0x12d: {  	s16 =	sadd.s32 $0x2DC780, s16;
	s20 =	simm.s32 $0x7400;
	s17 =	spop (v2sf)  }
0x12e: {  	[tilespmem:s20], [sflag:$0x3] =	stream.linear.gather [hbm4b:s16+s4], $0x400, $0x38;
	[tilespmem:$0x10E00] =	vst v63  }
0x12f: {  	s16 =	sand.u32 $0x1FFFFF80, s17  }
0x130: {  	s18 =	simm.s32 $0x9400;
	s16 =	sadd.s32 s3, s16  }
0x131: {  	[tilespmem:s18], [sflag:$0xB] =	stream.linear.gather [hbm4b:s16+s4], $0x400, $0x38;
	[tilespmem:$0x10E00] =	vst v63  }
0x132: {  	s20 =	simm.s32 $0xB400;
	s19 =	sadd.s32 $0xF4280, s16  }
0x133: {  	[tilespmem:s20], [sflag:$0xB] =	stream.linear.gather [hbm4b:s19+s4], $0x400, $0x38;
	[tilespmem:$0x10E00] =	vst v63  }
0x134: {  	s18 =	sadd.s32 $0x1E8500, s16;
	s19 =	simm.s32 $0xD400  }
0x135: {  	[tilespmem:s19], [sflag:$0xB] =	stream.linear.gather [hbm4b:s18+s4], $0x400, $0x38;
	[tilespmem:$0x10E00] =	vst v63  }
0x136: {  	s31 =	simm.s32 $0x4;
	s16 =	sadd.s32 $0x2DC780, s16;
	s20 =	simm.s32 $0xF400  }
0x137: {  	[tilespmem:s20], [sflag:$0xB] =	stream.linear.gather [hbm4b:s16+s4], $0x400, $0x38;
	[tilespmem:$0x10E00] =	vst v63  }
0x138: {  	_ =	swait.ge [sflag:s31], $0x1000  }
0x139: {  	[sflag:s31] =	ssyncset.done $0x0  }
0x13a: {  	[sflag:s31] =	ssyncadd.s32 $0xFFFFF000;
	s31 =	simm.s32 $0xC  }
0x13b: {  	_ =	swait.ge [sflag:s31], $0x1000  }
0x13c: {  	(v2sf) =	vpush v2, $0x3;
	_ =	sdelay $0x1  }
0x13d: {  	(v2sf) =	vpush v3, $0x3;
	_ =	sdelay $0x8  }
0x13e: {  	(v2sf) =	vpush v7, $0xB;
	_ =	sdelay $0x3  }
0x13f: {  	s18 =	spop (v2sf)  }
0x140: {  	s16 =	sadd.s32 $0x180, s18  }
0x141: {  	s19 =	spop (v2sf);
	v39 =	vmov s16  }
0x142: {  	(v2sf) =	vpush v6, $0xB;
	s20 =	sadd.s32 $0x180, s19;
	v40 =	vshll.u32 v39, $0x3  }
0x143: {  	v22 =	vmov s20;
	v20 =	vand.u32 $0x7F, v39;
	v21 =	vand.u32 $0xFFFFFC00, v40  }
0x144: {  	v41 =	vshll.u32 v22, $0x3;
	v20 =	vor.u32 v20, v21  }
0x145: {  	v22 =	vand.u32 $0x7F, v22;
	v21 =	vand.u32 $0xFFFFFC00, v41;
	v23 =	vadd.s32 v0, v20  }
0x146: {  	v24 =	vadd.s32 v1, v20;
	v42 =	vor.u32 v22, v21  }
0x147: {  	v22 =	vadd.s32 v0, v42  }
0x148: {  	[sflag:s31] =	ssyncset.done $0x0;
	v25 =	vadd.s32 v1, v42  }
0x149: {  	[sflag:s31] =	ssyncadd.s32 $0xFFFFF000  }
0x14a: {  	s17 =	spop (v2sf);
	v20 =	vld.idx.msk [tilespmem:v23+s11+$0x0], $0xffff  }
0x14b: {  	s16 =	sand.u32 $0x1FFFFF80, s17;
	v21 =	vld.idx.msk [tilespmem:v24+s11+$0x0], $0xffff  }
0x14c: {  	s18 =	simm.s32 $0x1800;
	s16 =	sadd.s32 s2, s16;
	v22 =	vld.idx.msk [tilespmem:v22+s15+$0x0], $0xffff  }
0x14d: {  	v23 =	vld.idx.msk [tilespmem:v25+s15+$0x0], $0xffff;
	[tilespmem:s18], [sflag:$0x4] =	stream.linear.gather [hbm4b:s16+s4], $0x400, $0x38  }
0x14e: {  	s20 =	simm.s32 $0x3800;
	s19 =	sadd.s32 $0xF4280, s16  }
0x14f: {  	[tilespmem:s20], [sflag:$0x4] =	stream.linear.gather [hbm4b:s19+s4], $0x400, $0x38;
	[tilespmem:$0x10E00] =	vst v63  }
0x150: {  	s18 =	sadd.s32 $0x1E8500, s16;
	s19 =	simm.s32 $0x5800  }
0x151: {  	[tilespmem:s19], [sflag:$0x4] =	stream.linear.gather [hbm4b:s18+s4], $0x400, $0x38;
	[tilespmem:$0x10E00] =	vst v63  }
0x152: {  	s16 =	sadd.s32 $0x2DC780, s16;
	s20 =	simm.s32 $0x7800;
	s17 =	spop (v2sf)  }
0x153: {  	[tilespmem:s20], [sflag:$0x4] =	stream.linear.gather [hbm4b:s16+s4], $0x400, $0x38;
	[tilespmem:$0x10E00] =	vst v63  }
0x154: {  	s16 =	sand.u32 $0x1FFFFF80, s17  }
0x155: {  	s18 =	simm.s32 $0x9800;
	s16 =	sadd.s32 s3, s16  }
0x156: {  	[tilespmem:s18], [sflag:$0xC] =	stream.linear.gather [hbm4b:s16+s4], $0x400, $0x38;
	[tilespmem:$0x10E00] =	vst v63  }
0x157: {  	s20 =	simm.s32 $0xB800;
	s19 =	sadd.s32 $0xF4280, s16  }
0x158: {  	[tilespmem:s20], [sflag:$0xC] =	stream.linear.gather [hbm4b:s19+s4], $0x400, $0x38;
	[tilespmem:$0x10E00] =	vst v63  }
0x159: {  	s18 =	sadd.s32 $0x1E8500, s16;
	s19 =	simm.s32 $0xD800  }
0x15a: {  	[tilespmem:s19], [sflag:$0xC] =	stream.linear.gather [hbm4b:s18+s4], $0x400, $0x38;
	[tilespmem:$0x10E00] =	vst v63  }
0x15b: {  	s0 =	simm.s32 $0x5;
	s16 =	sadd.s32 $0x2DC780, s16;
	s20 =	simm.s32 $0xF800  }
0x15c: {  	[tilespmem:s20], [sflag:$0xC] =	stream.linear.gather [hbm4b:s16+s4], $0x400, $0x38;
	[tilespmem:$0x10E00] =	vst v63  }
0x15d: {  	_ =	swait.ge [sflag:s0], $0x1000  }
0x15e: {  	[sflag:s0] =	ssyncset.done $0x0  }
0x15f: {  	[sflag:s0] =	ssyncadd.s32 $0xFFFFF000;
	s0 =	simm.s32 $0xD  }
0x160: {  	_ =	swait.ge [sflag:s0], $0x1000  }
0x161: {  	(v2sf) =	vpush v2, $0x4;
	_ =	sdelay $0x1  }
0x162: {  	(v2sf) =	vpush v3, $0x4;
	_ =	sdelay $0x8  }
0x163: {  	(v2sf) =	vpush v7, $0xC;
	_ =	sdelay $0x3  }
0x164: {  	s18 =	spop (v2sf)  }
0x165: {  	s16 =	sadd.s32 $0x200, s18  }
0x166: {  	s19 =	spop (v2sf);
	v43 =	vmov s16  }
0x167: {  	(v2sf) =	vpush v6, $0xC;
	s20 =	sadd.s32 $0x200, s19;
	v44 =	vshll.u32 v43, $0x3  }
0x168: {  	v26 =	vmov s20;
	v24 =	vand.u32 $0x7F, v43;
	v25 =	vand.u32 $0xFFFFFC00, v44  }
0x169: {  	v45 =	vshll.u32 v26, $0x3;
	v24 =	vor.u32 v24, v25  }
0x16a: {  	v26 =	vand.u32 $0x7F, v26;
	v25 =	vand.u32 $0xFFFFFC00, v45;
	v27 =	vadd.s32 v0, v24  }
0x16b: {  	v28 =	vadd.s32 v1, v24;
	v46 =	vor.u32 v26, v25  }
0x16c: {  	v26 =	vadd.s32 v0, v46  }
0x16d: {  	[sflag:s0] =	ssyncset.done $0x0;
	v29 =	vadd.s32 v1, v46  }
0x16e: {  	[sflag:s0] =	ssyncadd.s32 $0xFFFFF000  }
0x16f: {  	s17 =	spop (v2sf);
	v47 =	vld.idx.msk [tilespmem:v27+s11+$0x0], $0xffff  }
0x170: {  	s16 =	sand.u32 $0x1FFFFF80, s17;
	v48 =	vld.idx.msk [tilespmem:v28+s11+$0x0], $0xffff  }
0x171: {  	s18 =	simm.s32 $0x1C00;
	s16 =	sadd.s32 s2, s16;
	v26 =	vld.idx.msk [tilespmem:v26+s15+$0x0], $0xffff  }
0x172: {  	v49 =	vld.idx.msk [tilespmem:v29+s15+$0x0], $0xffff;
	[tilespmem:s18], [sflag:$0x5] =	stream.linear.gather [hbm4b:s16+s4], $0x400, $0x38  }
0x173: {  	s20 =	simm.s32 $0x3C00;
	s19 =	sadd.s32 $0xF4280, s16  }
0x174: {  	[tilespmem:s20], [sflag:$0x5] =	stream.linear.gather [hbm4b:s19+s4], $0x400, $0x38;
	[tilespmem:$0x10E00] =	vst v63  }
0x175: {  	s18 =	sadd.s32 $0x1E8500, s16;
	s19 =	simm.s32 $0x5C00  }
0x176: {  	[tilespmem:s19], [sflag:$0x5] =	stream.linear.gather [hbm4b:s18+s4], $0x400, $0x38;
	[tilespmem:$0x10E00] =	vst v63  }
0x177: {  	s16 =	sadd.s32 $0x2DC780, s16;
	s20 =	simm.s32 $0x7C00;
	s17 =	spop (v2sf)  }
0x178: {  	[tilespmem:s20], [sflag:$0x5] =	stream.linear.gather [hbm4b:s16+s4], $0x400, $0x38;
	[tilespmem:$0x10E00] =	vst v63  }
0x179: {  	s16 =	sand.u32 $0x1FFFFF80, s17  }
0x17a: {  	s18 =	simm.s32 $0x9C00;
	s16 =	sadd.s32 s3, s16  }
0x17b: {  	[tilespmem:s18], [sflag:$0xD] =	stream.linear.gather [hbm4b:s16+s4], $0x400, $0x38;
	[tilespmem:$0x10E00] =	vst v63  }
0x17c: {  	s20 =	simm.s32 $0xBC00;
	s19 =	sadd.s32 $0xF4280, s16  }
0x17d: {  	[tilespmem:s20], [sflag:$0xD] =	stream.linear.gather [hbm4b:s19+s4], $0x400, $0x38;
	[tilespmem:$0x10E00] =	vst v63  }
0x17e: {  	s18 =	sadd.s32 $0x1E8500, s16;
	s19 =	simm.s32 $0xDC00  }
0x17f: {  	[tilespmem:s19], [sflag:$0xD] =	stream.linear.gather [hbm4b:s18+s4], $0x400, $0x38;
	[tilespmem:$0x10E00] =	vst v63  }
0x180: {  	s5 =	simm.s32 $0x6;
	s16 =	sadd.s32 $0x2DC780, s16;
	s20 =	simm.s32 $0xFC00  }
0x181: {  	[tilespmem:s20], [sflag:$0xD] =	stream.linear.gather [hbm4b:s16+s4], $0x400, $0x38;
	[tilespmem:$0x10E00] =	vst v63  }
0x182: {  	_ =	swait.ge [sflag:s5], $0x1000  }
0x183: {  	[sflag:s5] =	ssyncset.done $0x0  }
0x184: {  	[sflag:s5] =	ssyncadd.s32 $0xFFFFF000;
	s5 =	simm.s32 $0xE  }
0x185: {  	_ =	swait.ge [sflag:s5], $0x1000  }
0x186: {  	(v2sf) =	vpush v2, $0x5;
	_ =	sdelay $0x1  }
0x187: {  	(v2sf) =	vpush v3, $0x5;
	_ =	sdelay $0x8  }
0x188: {  	(v2sf) =	vpush v7, $0xD;
	_ =	sdelay $0x3  }
0x189: {  	s18 =	spop (v2sf)  }
0x18a: {  	s16 =	sadd.s32 $0x280, s18  }
0x18b: {  	s19 =	spop (v2sf);
	v50 =	vmov s16  }
0x18c: {  	(v2sf) =	vpush v6, $0xD;
	s20 =	sadd.s32 $0x280, s19;
	v51 =	vshll.u32 v50, $0x3  }
0x18d: {  	v30 =	vmov s20;
	v28 =	vand.u32 $0x7F, v50;
	v29 =	vand.u32 $0xFFFFFC00, v51  }
0x18e: {  	v52 =	vshll.u32 v30, $0x3;
	v28 =	vor.u32 v28, v29  }
0x18f: {  	v30 =	vand.u32 $0x7F, v30;
	v29 =	vand.u32 $0xFFFFFC00, v52;
	v31 =	vadd.s32 v0, v28  }
0x190: {  	v32 =	vadd.s32 v1, v28;
	v53 =	vor.u32 v30, v29  }
0x191: {  	v30 =	vadd.s32 v0, v53  }
0x192: {  	[sflag:s5] =	ssyncset.done $0x0;
	v33 =	vadd.s32 v1, v53  }
0x193: {  	[sflag:s5] =	ssyncadd.s32 $0xFFFFF000  }
0x194: {  	s17 =	spop (v2sf);
	v54 =	vld.idx.msk [tilespmem:v31+s11+$0x0], $0xffff  }
0x195: {  	s16 =	sand.u32 $0x1FFFFF80, s17;
	v55 =	vld.idx.msk [tilespmem:v32+s11+$0x0], $0xffff  }
0x196: {  	s18 =	simm.s32 $0x2000;
	s16 =	sadd.s32 s2, s16;
	v30 =	vld.idx.msk [tilespmem:v30+s15+$0x0], $0xffff  }
0x197: {  	v56 =	vld.idx.msk [tilespmem:v33+s15+$0x0], $0xffff;
	[tilespmem:s18], [sflag:$0x6] =	stream.linear.gather [hbm4b:s16+s4], $0x400, $0x38  }
0x198: {  	s20 =	simm.s32 $0x4000;
	s19 =	sadd.s32 $0xF4280, s16  }
0x199: {  	[tilespmem:s20], [sflag:$0x6] =	stream.linear.gather [hbm4b:s19+s4], $0x400, $0x38;
	[tilespmem:$0x10E00] =	vst v63  }
0x19a: {  	s18 =	sadd.s32 $0x1E8500, s16;
	s19 =	simm.s32 $0x6000  }
0x19b: {  	[tilespmem:s19], [sflag:$0x6] =	stream.linear.gather [hbm4b:s18+s4], $0x400, $0x38;
	[tilespmem:$0x10E00] =	vst v63  }
0x19c: {  	s16 =	sadd.s32 $0x2DC780, s16;
	s20 =	simm.s32 $0x8000;
	s17 =	spop (v2sf)  }
0x19d: {  	[tilespmem:s20], [sflag:$0x6] =	stream.linear.gather [hbm4b:s16+s4], $0x400, $0x38;
	[tilespmem:$0x10E00] =	vst v63  }
0x19e: {  	s16 =	sand.u32 $0x1FFFFF80, s17  }
0x19f: {  	s18 =	simm.s32 $0xA000;
	s16 =	sadd.s32 s3, s16  }
0x1a0: {  	[tilespmem:s18], [sflag:$0xE] =	stream.linear.gather [hbm4b:s16+s4], $0x400, $0x38;
	[tilespmem:$0x10E00] =	vst v63  }
0x1a1: {  	s20 =	simm.s32 $0xC000;
	s19 =	sadd.s32 $0xF4280, s16  }
0x1a2: {  	[tilespmem:s20], [sflag:$0xE] =	stream.linear.gather [hbm4b:s19+s4], $0x400, $0x38;
	[tilespmem:$0x10E00] =	vst v63  }
0x1a3: {  	s18 =	sadd.s32 $0x1E8500, s16;
	s19 =	simm.s32 $0xE000  }
0x1a4: {  	[tilespmem:s19], [sflag:$0xE] =	stream.linear.gather [hbm4b:s18+s4], $0x400, $0x38;
	[tilespmem:$0x10E00] =	vst v63  }
0x1a5: {  	s16 =	sadd.s32 $0x2DC780, s16;
	s20 =	simm.s32 $0x10000  }
0x1a6: {  	[tilespmem:s20], [sflag:$0xE] =	stream.linear.gather [hbm4b:s16+s4], $0x400, $0x38;
	[tilespmem:$0x10E00] =	vst v63  }
0x1a7: {  	_ =	swait.ge [sflag:s6], $0x1000  }
0x1a8: {  	[sflag:s6] =	ssyncset.done $0x0  }
0x1a9: {  	[sflag:s6] =	ssyncadd.s32 $0xFFFFF000  }
0x1aa: {  	_ =	swait.ge [sflag:s7], $0x1000  }
0x1ab: {  	(v2sf) =	vpush v2, $0x6;
	_ =	sdelay $0x1  }
0x1ac: {  	(v2sf) =	vpush v3, $0x6;
	_ =	sdelay $0x8  }
0x1ad: {  	(v2sf) =	vpush v7, $0xE;
	_ =	sdelay $0x3  }
0x1ae: {  	s18 =	spop (v2sf)  }
0x1af: {  	s16 =	sadd.s32 $0x300, s18  }
0x1b0: {  	s19 =	spop (v2sf);
	v57 =	vmov s16  }
0x1b1: {  	(v2sf) =	vpush v6, $0xE;
	s20 =	sadd.s32 $0x300, s19;
	v58 =	vshll.u32 v57, $0x3  }
0x1b2: {  	v34 =	vmov s20;
	v32 =	vand.u32 $0x7F, v57;
	v33 =	vand.u32 $0xFFFFFC00, v58  }
0x1b3: {  	v59 =	vshll.u32 v34, $0x3;
	v32 =	vor.u32 v32, v33  }
0x1b4: {  	v34 =	vand.u32 $0x7F, v34;
	v33 =	vand.u32 $0xFFFFFC00, v59;
	v35 =	vadd.s32 v0, v32  }
0x1b5: {  	v32 =	vadd.s32 v1, v32;
	v33 =	vor.u32 v34, v33  }
0x1b6: {  	v34 =	vadd.s32 v0, v33  }
0x1b7: {  	[sflag:s7] =	ssyncset.done $0x0;
	v33 =	vadd.s32 v1, v33  }
0x1b8: {  	[sflag:s7] =	ssyncadd.s32 $0xFFFFF000  }
0x1b9: {  	s17 =	spop (v2sf);
	v35 =	vld.idx.msk [tilespmem:v35+s11+$0x0], $0xffff  }
0x1ba: {  	s16 =	sand.u32 $0x1FFFFF80, s17;
	v32 =	vld.idx.msk [tilespmem:v32+s11+$0x0], $0xffff  }
0x1bb: {  	s18 =	simm.s32 $0x2400;
	s16 =	sadd.s32 s2, s16;
	v34 =	vld.idx.msk [tilespmem:v34+s15+$0x0], $0xffff  }
0x1bc: {  	v33 =	vld.idx.msk [tilespmem:v33+s15+$0x0], $0xffff;
	[tilespmem:s18], [sflag:$0x7] =	stream.linear.gather [hbm4b:s16+s4], $0x400, $0x38  }
0x1bd: {  	s20 =	simm.s32 $0x4400;
	s19 =	sadd.s32 $0xF4280, s16  }
0x1be: {  	[tilespmem:s20], [sflag:$0x7] =	stream.linear.gather [hbm4b:s19+s4], $0x400, $0x38;
	[tilespmem:$0x10E00] =	vst v63  }
0x1bf: {  	s18 =	sadd.s32 $0x1E8500, s16;
	s19 =	simm.s32 $0x6400  }
0x1c0: {  	[tilespmem:s19], [sflag:$0x7] =	stream.linear.gather [hbm4b:s18+s4], $0x400, $0x38;
	[tilespmem:$0x10E00] =	vst v63  }
0x1c1: {  	s16 =	sadd.s32 $0x2DC780, s16;
	s20 =	simm.s32 $0x8400;
	s17 =	spop (v2sf)  }
0x1c2: {  	[tilespmem:s20], [sflag:$0x7] =	stream.linear.gather [hbm4b:s16+s4], $0x400, $0x38;
	[tilespmem:$0x10E00] =	vst v63  }
0x1c3: {  	s16 =	sand.u32 $0x1FFFFF80, s17  }
0x1c4: {  	s18 =	simm.s32 $0xA400;
	s16 =	sadd.s32 s3, s16  }
0x1c5: {  	[tilespmem:s18], [sflag:$0xF] =	stream.linear.gather [hbm4b:s16+s4], $0x400, $0x38;
	[tilespmem:$0x10E00] =	vst v63  }
0x1c6: {  	s20 =	simm.s32 $0xC400;
	s19 =	sadd.s32 $0xF4280, s16  }
0x1c7: {  	[tilespmem:s20], [sflag:$0xF] =	stream.linear.gather [hbm4b:s19+s4], $0x400, $0x38;
	[tilespmem:$0x10E00] =	vst v63  }
0x1c8: {  	s19 =	sadd.s32 $0x1E8500, s16;
	s20 =	simm.s32 $0xE400  }
0x1c9: {  	[tilespmem:s20], [sflag:$0xF] =	stream.linear.gather [hbm4b:s19+s4], $0x400, $0x38;
	[tilespmem:$0x10E00] =	vst v63  }
0x1ca: {  	s18 =	simm.s32 $0x10400;
	s16 =	sadd.s32 $0x2DC780, s16  }
0x1cb: {  	[tilespmem:s18], [sflag:$0xF] =	stream.linear.gather [hbm4b:s16+s4], $0x400, $0x38;
	[tilespmem:$0x10E00] =	vst v63  }
0x1cc: {  	_ =	swait.ge [sflag:s8], $0x1000  }
0x1cd: {  	[sflag:s8] =	ssyncset.done $0x0  }
0x1ce: {  	[sflag:s8] =	ssyncadd.s32 $0xFFFFF000  }
0x1cf: {  	_ =	swait.ge [sflag:s9], $0x1000  }
0x1d0: {  	(v2sf) =	vpush v2, $0x7;
	_ =	sdelay $0x1  }
0x1d1: {  	(v2sf) =	vpush v3, $0x7;
	_ =	sdelay $0x5  }
0x1d2: {  	(v2sf) =	vpush v7, $0xF;
	_ =	sdelay $0x6  }
0x1d3: {  	s19 =	spop (v2sf)  }
0x1d4: {  	s16 =	sadd.s32 $0x380, s19  }
0x1d5: {  	s20 =	spop (v2sf);
	v60 =	vmov s16  }
0x1d6: {  	s17 =	sadd.s32 $0x380, s20;
	v36 =	vshll.u32 v60, $0x3  }
0x1d7: {  	v37 =	vmov s17;
	v7 =	vand.u32 $0x7F, v60;
	v36 =	vand.u32 $0xFFFFFC00, v36  }
0x1d8: {  	v61 =	vshll.u32 v37, $0x3;
	v7 =	vor.u32 v7, v36  }
0x1d9: {  	v37 =	vand.u32 $0x7F, v37;
	v36 =	vand.u32 $0xFFFFFC00, v61;
	v38 =	vadd.s32 v0, v7  }
0x1da: {  	v62 =	vmul.f32 v10, v62;
	v7 =	vadd.s32 v1, v7;
	v36 =	vor.u32 v37, v36  }
0x1db: {  	v63 =	vmul.f32 v63, v9;
	s18 =	spop (v2sf);
	(v2sf) =	vpush v6, $0xF;
	v37 =	vadd.s32 v0, v36  }
0x1dc: {  	v39 =	vmul.f32 v14, v12;
	v40 =	vmul.f32 v15, v13;
	[sflag:s9] =	ssyncset.done $0x0;
	v36 =	vadd.s32 v1, v36  }
0x1dd: {  	v41 =	vmul.f32 v18, v16;
	v42 =	vmul.f32 v19, v17;
	[sflag:s9] =	ssyncadd.s32 $0xFFFFF000  }
0x1de: {  	v9 =	vadd.f32 v40, v39;
	v6 =	vadd.f32 v63, v62;
	v38 =	vld.idx.msk [tilespmem:v38+s11+$0x0], $0xffff  }
0x1df: {  	v43 =	vmul.f32 v22, v20;
	v44 =	vmul.f32 v23, v21;
	v45 =	vadd.f32 v42, v41;
	v7 =	vld.idx.msk [tilespmem:v7+s11+$0x0], $0xffff  }
0x1e0: {  	v46 =	vmul.f32 v26, v47;
	v47 =	vmul.f32 v49, v48;
	(xrf2) =	vadd.scan.msk.f32 $0xffff, v6;
	v37 =	vld.idx.msk [tilespmem:v37+s15+$0x0], $0xffff  }
0x1e1: {  	v48 =	vadd.f32 v44, v43;
	(xrf2) =	vadd.scan.msk.f32 $0xffff, v9;
	v36 =	vld.idx.msk [tilespmem:v36+s15+$0x0], $0xffff  }
0x1e2: {  	v51 =	vadd.f32 v47, v46;
	v49 =	vmul.f32 v30, v54;
	v50 =	vmul.f32 v56, v55;
	(xrf2) =	vadd.scan.msk.f32 $0xffff, v45  }
0x1e3: {  	s16 =	sand.u32 $0x1FFFFF80, s18;
	(xrf2) =	vadd.scan.msk.f32 $0xffff, v48  }
0x1e4: {  	v54 =	vadd.f32 v50, v49;
	v52 =	vmul.f32 v34, v35;
	v53 =	vmul.f32 v33, v32;
	s16 =	sadd.s32 s2, s16;
	(xrf2) =	vadd.scan.msk.f32 $0xffff, v51  }
0x1e5: {  	[tilespmem:s21], [sflag:$0x8] =	stream.linear.gather [hbm4b:s16+s4], $0x400, $0x38;
	[tilespmem:$0x10E00] =	vst v63  }
0x1e6: {  	v56 =	vadd.f32 v53, v52;
	s19 =	sadd.s32 $0xF4280, s16;
	(xrf2) =	vadd.scan.msk.f32 $0xffff, v54;
	v55 =	vmul.f32 v37, v38;
	v7 =	vmul.f32 v36, v7  }
0x1e7: {  	[tilespmem:s25], [sflag:$0x8] =	stream.linear.gather [hbm4b:s19+s4], $0x400, $0x38;
	[tilespmem:$0x10E00] =	vst v63  }
0x1e8: {  	s20 =	sadd.s32 $0x1E8500, s16;
	(xrf2) =	vadd.scan.msk.f32 $0xffff, v56;
	v7 =	vadd.f32 v7, v55  }
0x1e9: {  	[tilespmem:s28], [sflag:$0x8] =	stream.linear.gather [hbm4b:s20+s4], $0x400, $0x38;
	[tilespmem:$0x10E00] =	vst v63  }
0x1ea: {  	s16 =	sadd.s32 $0x2DC780, s16;
	s17 =	spop (v2sf);
	(xrf2) =	vadd.scan.msk.f32 $0xffff, v7  }
0x1eb: {  	[tilespmem:s30], [sflag:$0x8] =	stream.linear.gather [hbm4b:s16+s4], $0x400, $0x38;
	[tilespmem:$0x10E00] =	vst v63  }
0x1ec: {  	s16 =	sand.u32 $0x1FFFFF80, s17  }
0x1ed: {  	v9, _, _ =	vpop (xrf2);
	s16 =	sadd.s32 s3, s16  }
0x1ee: {  	v57, _, _ =	vpop (xrf2);
	[tilespmem:s1], [sflag:$0x10] =	stream.linear.gather [hbm4b:s16+s4], $0x400, $0x38;
	[tilespmem:$0x10E00] =	vst v63  }
0x1ef: {  	v58, _, _ =	vpop (xrf2);
	s19 =	sadd.s32 $0xF4280, s16  }
0x1f0: {  	v59, _, _ =	vpop (xrf2);
	[tilespmem:s10], [sflag:$0x10] =	stream.linear.gather [hbm4b:s19+s4], $0x400, $0x38;
	[tilespmem:$0x10E00] =	vst v63  }
0x1f1: {  	v60, _, _ =	vpop (xrf2);
	s20 =	sadd.s32 $0x1E8500, s16  }
0x1f2: {  	v61, _, _ =	vpop (xrf2);
	[tilespmem:s22], [sflag:$0x10] =	stream.linear.gather [hbm4b:s20+s4], $0x400, $0x38;
	[tilespmem:$0x10E00] =	vst v63  }
0x1f3: {  	s18 =	simm.s32 $0x1;
	v62, _, _ =	vpop (xrf2);
	s16 =	sadd.s32 $0x2DC780, s16  }
0x1f4: {  	[tilespmem:s23], [sflag:$0x10] =	stream.linear.gather [hbm4b:s16+s4], $0x400, $0x38;
	v63, _, _ =	vpop (xrf2);
	[tilespmem:$0x10E00] =	vst v63  }
0x1f5: {  	_ =	swait.ge [sflag:s18], $0x1000  }
0x1f6: {  	[sflag:s18] =	ssyncset.done $0x0  }
0x1f7: {  	[sflag:s18] =	ssyncadd.s32 $0xFFFFF000  }
0x1f8: {  	p0 =	seq.s32 s12, $0x600;
	_ =	swait.ge [sflag:s24], $0x1000  }
0x1f9: {  	(v2sf) =	vpush @!p0 v5, $0x0  }
0x1fa: {  	v20 =	vbroadcast v2, $0x8;
	(v2sf) =	vpush @!p0 v4, $0x0;
	_ =	sdelay $0x1  }
0x1fb: {  	v21 =	vbroadcast v3, $0x8;
	v22 =	vshll.u32 v20, $0x3  }
0x1fc: {  	v14 =	vand.u32 $0x7F, v20;
	v16 =	vand.u32 $0xFFFFFC00, v22  }
0x1fd: {  	v23 =	vshll.u32 v21, $0x3;
	v14 =	vor.u32 v14, v16  }
0x1fe: {  	v15 =	vand.u32 $0x7F, v21;
	v16 =	vand.u32 $0xFFFFFC00, v23;
	v24 =	vadd.s32 v0, v14  }
0x1ff: {  	v14 =	vadd.s32 v1, v14;
	v15 =	vor.u32 v15, v16  }
0x200: {  	v16 =	vadd.s32 v0, v15  }
0x201: {  	v15 =	vadd.s32 v1, v15;
	[sflag:s24] =	ssyncset.done $0x0  }
0x202: {  	[sflag:s24] =	ssyncadd.s32 $0xFFFFF000  }
0x203: {  	v17 =	vld.idx.msk [tilespmem:v24+s11+$0x0], $0xffff  }
0x204: {  	v14 =	vld.idx.msk [tilespmem:v14+s11+$0x0], $0xffff  }
0x205: {  	v16 =	vld.idx.msk [tilespmem:v16+s15+$0x0], $0xffff  }
0x206: {  	v15 =	vld.idx.msk [tilespmem:v15+s15+$0x0], $0xffff  }
0x207: {  	s17 =	spop @!p0 (v2sf)  }
0x208: {  	s16 =	spop @!p0 (v2sf)  }
0x209: {  	s16 =	sshll.u32 @!p0 s16, $0x7  }
0x20a: {  	s19 =	simm.s32 @!p0 $0xC00;
	s16 =	sand.u32 @!p0 $0x1FFFFF80, s16  }
0x20b: {  	v16 =	vmul.f32 v16, v17;
	v14 =	vmul.f32 v15, v14;
	s17 =	sshll.u32 @!p0 s17, $0x7;
	s18 =	sadd.s32 @!p0 s2, s16;
	s16 =	simm.s32 @!p0 $0x0  }
0x20c: {  	[tilespmem:s19], [sflag:$0x1] =	stream.linear.gather @!p0 [hbm4b:s18+s16], $0x400, $0x38;
	[tilespmem:$0x10E00] =	vst v63  }
0x20d: {  	s20 =	simm.s32 @!p0 $0x2C00;
	v14 =	vadd.f32 v14, v16;
	s17 =	sand.u32 @!p0 $0x1FFFFF80, s17;
	s19 =	sadd.s32 @!p0 $0xF4280, s18  }
0x20e: {  	[tilespmem:s20], [sflag:$0x1] =	stream.linear.gather @!p0 [hbm4b:s19+s16], $0x400, $0x38;
	[tilespmem:$0x10E00] =	vst v63  }
0x20f: {  	(xrf2) =	vadd.scan.msk.f32 $0xffff, v14;
	s19 =	sadd.s32 @!p0 $0x1E8500, s18;
	s20 =	simm.s32 @!p0 $0x4C00  }
0x210: {  	[tilespmem:s20], [sflag:$0x1] =	stream.linear.gather @!p0 [hbm4b:s19+s16], $0x400, $0x38;
	[tilespmem:$0x10E00] =	vst v63  }
0x211: {  	s18 =	sadd.s32 @!p0 $0x2DC780, s18;
	s19 =	simm.s32 @!p0 $0x6C00  }
0x212: {  	[tilespmem:s19], [sflag:$0x1] =	stream.linear.gather @!p0 [hbm4b:s18+s16], $0x400, $0x38;
	[tilespmem:$0x10E00] =	vst v63  }
0x213: {  	s17 =	sadd.s32 @!p0 s3, s17;
	s18 =	simm.s32 @!p0 $0x8C00  }
0x214: {  	[tilespmem:s18], [sflag:$0x9] =	stream.linear.gather @!p0 [hbm4b:s17+s16], $0x400, $0x38;
	[tilespmem:$0x10E00] =	vst v63  }
0x215: {  	s19 =	simm.s32 @!p0 $0xAC00;
	s18 =	sadd.s32 @!p0 $0xF4280, s17  }
0x216: {  	[tilespmem:s19], [sflag:$0x9] =	stream.linear.gather @!p0 [hbm4b:s18+s16], $0x400, $0x38;
	[tilespmem:$0x10E00] =	vst v63  }
0x217: {  	s18 =	sadd.s32 @!p0 $0x1E8500, s17;
	s19 =	simm.s32 @!p0 $0xCC00  }
0x218: {  	[tilespmem:s19], [sflag:$0x9] =	stream.linear.gather @!p0 [hbm4b:s18+s16], $0x400, $0x38;
	[tilespmem:$0x10E00] =	vst v63  }
0x219: {  	s21 =	simm.s32 $0x2;
	s17 =	sadd.s32 @!p0 $0x2DC780, s17;
	s18 =	simm.s32 @!p0 $0xEC00  }
0x21a: {  	v14, _, _ =	vpop (xrf2);
	[tilespmem:s18], [sflag:$0x9] =	stream.linear.gather @!p0 [hbm4b:s17+s16], $0x400, $0x38;
	[tilespmem:$0x10E00] =	vst v63  }
0x21b: {  	_ =	swait.ge [sflag:s21], $0x1000  }
0x21c: {  	[sflag:s21] =	ssyncset.done $0x0  }
0x21d: {  	[sflag:s21] =	ssyncadd.s32 $0xFFFFF000  }
0x21e: {  	_ =	swait.ge [sflag:s26], $0x1000  }
0x21f: {  	(v2sf) =	vpush v2, $0x9;
	_ =	sdelay $0x1  }
0x220: {  	(v2sf) =	vpush v3, $0x9;
	_ =	sdelay $0xa  }
0x221: {  	(v2sf) =	vpush @!p0 v5, $0x1  }
0x222: {  	(v2sf) =	vpush @!p0 v4, $0x1  }
0x223: {  	s18 =	spop (v2sf)  }
0x224: {  	s17 =	sadd.s32 $0x80, s18  }
0x225: {  	s19 =	spop (v2sf);
	v25 =	vmov s17  }
0x226: {  	s20 =	sadd.s32 $0x80, s19;
	v26 =	vshll.u32 v25, $0x3  }
0x227: {  	v27 =	vmov s20;
	v15 =	vand.u32 $0x7F, v25;
	v16 =	vand.u32 $0xFFFFFC00, v26  }
0x228: {  	v28 =	vshll.u32 v27, $0x3;
	v15 =	vor.u32 v15, v16  }
0x229: {  	v17 =	vand.u32 $0x7F, v27;
	v16 =	vand.u32 $0xFFFFFC00, v28;
	v29 =	vadd.s32 v0, v15  }
0x22a: {  	v15 =	vadd.s32 v1, v15;
	v16 =	vor.u32 v17, v16  }
0x22b: {  	v17 =	vadd.s32 v0, v16  }
0x22c: {  	[sflag:s26] =	ssyncset.done $0x0;
	v16 =	vadd.s32 v1, v16  }
0x22d: {  	[sflag:s26] =	ssyncadd.s32 $0xFFFFF000  }
0x22e: {  	v18 =	vld.idx.msk [tilespmem:v29+s11+$0x0], $0xffff  }
0x22f: {  	v15 =	vld.idx.msk [tilespmem:v15+s11+$0x0], $0xffff  }
0x230: {  	s17 =	spop @!p0 (v2sf);
	v17 =	vld.idx.msk [tilespmem:v17+s15+$0x0], $0xffff  }
0x231: {  	s18 =	spop @!p0 (v2sf);
	v16 =	vld.idx.msk [tilespmem:v16+s15+$0x0], $0xffff  }
0x232: {  	s18 =	sshll.u32 @!p0 s18, $0x7  }
0x233: {  	s18 =	sand.u32 @!p0 $0x1FFFFF80, s18  }
0x234: {  	s19 =	simm.s32 @!p0 $0x1000;
	s18 =	sadd.s32 @!p0 s2, s18  }
0x235: {  	[tilespmem:s19], [sflag:$0x2] =	stream.linear.gather @!p0 [hbm4b:s18+s16], $0x400, $0x38;
	[tilespmem:$0x10E00] =	vst v63  }
0x236: {  	s20 =	simm.s32 @!p0 $0x3000;
	s19 =	sadd.s32 @!p0 $0xF4280, s18;
	v17 =	vmul.f32 v17, v18;
	v15 =	vmul.f32 v16, v15  }
0x237: {  	[tilespmem:s20], [sflag:$0x2] =	stream.linear.gather @!p0 [hbm4b:s19+s16], $0x400, $0x38;
	[tilespmem:$0x10E00] =	vst v63  }
0x238: {  	s17 =	sshll.u32 @!p0 s17, $0x7;
	s19 =	sadd.s32 @!p0 $0x1E8500, s18;
	s20 =	simm.s32 @!p0 $0x5000;
	v15 =	vadd.f32 v15, v17  }
0x239: {  	[tilespmem:s20], [sflag:$0x2] =	stream.linear.gather @!p0 [hbm4b:s19+s16], $0x400, $0x38;
	[tilespmem:$0x10E00] =	vst v63  }
0x23a: {  	s17 =	sand.u32 @!p0 $0x1FFFFF80, s17;
	(xrf2) =	vadd.scan.msk.f32 $0xffff, v15  }
0x23b: {  	s18 =	sadd.s32 @!p0 $0x2DC780, s18;
	s19 =	simm.s32 @!p0 $0x7000  }
0x23c: {  	[tilespmem:s19], [sflag:$0x2] =	stream.linear.gather @!p0 [hbm4b:s18+s16], $0x400, $0x38;
	[tilespmem:$0x10E00] =	vst v63  }
0x23d: {  	s17 =	sadd.s32 @!p0 s3, s17;
	s18 =	simm.s32 @!p0 $0x9000  }
0x23e: {  	[tilespmem:s18], [sflag:$0xA] =	stream.linear.gather @!p0 [hbm4b:s17+s16], $0x400, $0x38;
	[tilespmem:$0x10E00] =	vst v63  }
0x23f: {  	s19 =	simm.s32 @!p0 $0xB000;
	s18 =	sadd.s32 @!p0 $0xF4280, s17  }
0x240: {  	[tilespmem:s19], [sflag:$0xA] =	stream.linear.gather @!p0 [hbm4b:s18+s16], $0x400, $0x38;
	[tilespmem:$0x10E00] =	vst v63  }
0x241: {  	s18 =	sadd.s32 @!p0 $0x1E8500, s17;
	s19 =	simm.s32 @!p0 $0xD000  }
0x242: {  	[tilespmem:s19], [sflag:$0xA] =	stream.linear.gather @!p0 [hbm4b:s18+s16], $0x400, $0x38;
	[tilespmem:$0x10E00] =	vst v63  }
0x243: {  	s24 =	simm.s32 $0x3;
	s17 =	sadd.s32 @!p0 $0x2DC780, s17;
	s18 =	simm.s32 @!p0 $0xF000  }
0x244: {  	[tilespmem:s18], [sflag:$0xA] =	stream.linear.gather @!p0 [hbm4b:s17+s16], $0x400, $0x38;
	v15, _, _ =	vpop (xrf2);
	[tilespmem:$0x10E00] =	vst v63  }
0x245: {  	_ =	swait.ge [sflag:s24], $0x1000  }
0x246: {  	[sflag:s24] =	ssyncset.done $0x0  }
0x247: {  	[sflag:s24] =	ssyncadd.s32 $0xFFFFF000  }
0x248: {  	_ =	swait.ge [sflag:s29], $0x1000  }
0x249: {  	(v2sf) =	vpush v2, $0xA;
	_ =	sdelay $0x1  }
0x24a: {  	(v2sf) =	vpush v3, $0xA;
	_ =	sdelay $0xa  }
0x24b: {  	(v2sf) =	vpush @!p0 v5, $0x2  }
0x24c: {  	(v2sf) =	vpush @!p0 v4, $0x2  }
0x24d: {  	s24 =	spop (v2sf)  }
0x24e: {  	s17 =	sadd.s32 $0x100, s24  }
0x24f: {  	s26 =	spop (v2sf);
	v30 =	vmov s17  }
0x250: {  	s19 =	sadd.s32 $0x100, s26;
	v31 =	vshll.u32 v30, $0x3  }
0x251: {  	v32 =	vmov s19;
	v16 =	vand.u32 $0x7F, v30;
	v17 =	vand.u32 $0xFFFFFC00, v31  }
0x252: {  	v33 =	vshll.u32 v32, $0x3;
	v16 =	vor.u32 v16, v17  }
0x253: {  	v18 =	vand.u32 $0x7F, v32;
	v17 =	vand.u32 $0xFFFFFC00, v33;
	v34 =	vadd.s32 v0, v16  }
0x254: {  	v16 =	vadd.s32 v1, v16;
	v17 =	vor.u32 v18, v17  }
0x255: {  	v18 =	vadd.s32 v0, v17  }
0x256: {  	[sflag:s29] =	ssyncset.done $0x0;
	v17 =	vadd.s32 v1, v17  }
0x257: {  	[sflag:s29] =	ssyncadd.s32 $0xFFFFF000  }
0x258: {  	v19 =	vld.idx.msk [tilespmem:v34+s11+$0x0], $0xffff  }
0x259: {  	v16 =	vld.idx.msk [tilespmem:v16+s11+$0x0], $0xffff  }
0x25a: {  	s17 =	spop @!p0 (v2sf);
	v18 =	vld.idx.msk [tilespmem:v18+s15+$0x0], $0xffff  }
0x25b: {  	s18 =	spop @!p0 (v2sf);
	v17 =	vld.idx.msk [tilespmem:v17+s15+$0x0], $0xffff  }
0x25c: {  	s18 =	sshll.u32 @!p0 s18, $0x7  }
0x25d: {  	s18 =	sand.u32 @!p0 $0x1FFFFF80, s18  }
0x25e: {  	s19 =	simm.s32 @!p0 $0x1400;
	s18 =	sadd.s32 @!p0 s2, s18  }
0x25f: {  	[tilespmem:s19], [sflag:$0x3] =	stream.linear.gather @!p0 [hbm4b:s18+s16], $0x400, $0x38;
	[tilespmem:$0x10E00] =	vst v63  }
0x260: {  	s20 =	simm.s32 @!p0 $0x3400;
	s19 =	sadd.s32 @!p0 $0xF4280, s18;
	v18 =	vmul.f32 v18, v19;
	v16 =	vmul.f32 v17, v16  }
0x261: {  	[tilespmem:s20], [sflag:$0x3] =	stream.linear.gather @!p0 [hbm4b:s19+s16], $0x400, $0x38;
	[tilespmem:$0x10E00] =	vst v63  }
0x262: {  	s17 =	sshll.u32 @!p0 s17, $0x7;
	s19 =	sadd.s32 @!p0 $0x1E8500, s18;
	s20 =	simm.s32 @!p0 $0x5400;
	v16 =	vadd.f32 v16, v18  }
0x263: {  	[tilespmem:s20], [sflag:$0x3] =	stream.linear.gather @!p0 [hbm4b:s19+s16], $0x400, $0x38;
	[tilespmem:$0x10E00] =	vst v63  }
0x264: {  	s17 =	sand.u32 @!p0 $0x1FFFFF80, s17;
	(xrf2) =	vadd.scan.msk.f32 $0xffff, v16  }
0x265: {  	s18 =	sadd.s32 @!p0 $0x2DC780, s18;
	s19 =	simm.s32 @!p0 $0x7400  }
0x266: {  	[tilespmem:s19], [sflag:$0x3] =	stream.linear.gather @!p0 [hbm4b:s18+s16], $0x400, $0x38;
	[tilespmem:$0x10E00] =	vst v63  }
0x267: {  	s17 =	sadd.s32 @!p0 s3, s17;
	s18 =	simm.s32 @!p0 $0x9400  }
0x268: {  	[tilespmem:s18], [sflag:$0xB] =	stream.linear.gather @!p0 [hbm4b:s17+s16], $0x400, $0x38;
	[tilespmem:$0x10E00] =	vst v63  }
0x269: {  	s19 =	simm.s32 @!p0 $0xB400;
	s18 =	sadd.s32 @!p0 $0xF4280, s17  }
0x26a: {  	[tilespmem:s19], [sflag:$0xB] =	stream.linear.gather @!p0 [hbm4b:s18+s16], $0x400, $0x38;
	[tilespmem:$0x10E00] =	vst v63  }
0x26b: {  	s18 =	sadd.s32 @!p0 $0x1E8500, s17;
	s19 =	simm.s32 @!p0 $0xD400  }
0x26c: {  	[tilespmem:s19], [sflag:$0xB] =	stream.linear.gather @!p0 [hbm4b:s18+s16], $0x400, $0x38;
	[tilespmem:$0x10E00] =	vst v63  }
0x26d: {  	s21 =	simm.s32 $0x4;
	s17 =	sadd.s32 @!p0 $0x2DC780, s17;
	s18 =	simm.s32 @!p0 $0xF400  }
0x26e: {  	[tilespmem:s18], [sflag:$0xB] =	stream.linear.gather @!p0 [hbm4b:s17+s16], $0x400, $0x38;
	v16, _, _ =	vpop (xrf2);
	[tilespmem:$0x10E00] =	vst v63  }
0x26f: {  	_ =	swait.ge [sflag:s21], $0x1000  }
0x270: {  	[sflag:s21] =	ssyncset.done $0x0  }
0x271: {  	[sflag:s21] =	ssyncadd.s32 $0xFFFFF000  }
0x272: {  	_ =	swait.ge [sflag:s31], $0x1000  }
0x273: {  	(v2sf) =	vpush v2, $0xB;
	_ =	sdelay $0x1  }
0x274: {  	(v2sf) =	vpush v3, $0xB;
	_ =	sdelay $0xa  }
0x275: {  	(v2sf) =	vpush @!p0 v5, $0x3  }
0x276: {  	(v2sf) =	vpush @!p0 v4, $0x3  }
0x277: {  	s20 =	spop (v2sf)  }
0x278: {  	s17 =	sadd.s32 $0x180, s20  }
0x279: {  	s21 =	spop (v2sf);
	v35 =	vmov s17  }
0x27a: {  	s24 =	sadd.s32 $0x180, s21;
	v36 =	vshll.u32 v35, $0x3  }
0x27b: {  	v37 =	vmov s24;
	v17 =	vand.u32 $0x7F, v35;
	v18 =	vand.u32 $0xFFFFFC00, v36  }
0x27c: {  	v38 =	vshll.u32 v37, $0x3;
	v17 =	vor.u32 v17, v18  }
0x27d: {  	v19 =	vand.u32 $0x7F, v37;
	v18 =	vand.u32 $0xFFFFFC00, v38;
	v39 =	vadd.s32 v0, v17  }
0x27e: {  	v17 =	vadd.s32 v1, v17;
	v18 =	vor.u32 v19, v18  }
0x27f: {  	v19 =	vadd.s32 v0, v18  }
0x280: {  	[sflag:s31] =	ssyncset.done $0x0;
	v18 =	vadd.s32 v1, v18  }
0x281: {  	[sflag:s31] =	ssyncadd.s32 $0xFFFFF000  }
0x282: {  	v20 =	vld.idx.msk [tilespmem:v39+s11+$0x0], $0xffff  }
0x283: {  	v17 =	vld.idx.msk [tilespmem:v17+s11+$0x0], $0xffff  }
0x284: {  	s17 =	spop @!p0 (v2sf);
	v19 =	vld.idx.msk [tilespmem:v19+s15+$0x0], $0xffff  }
0x285: {  	s18 =	spop @!p0 (v2sf);
	v18 =	vld.idx.msk [tilespmem:v18+s15+$0x0], $0xffff  }
0x286: {  	s18 =	sshll.u32 @!p0 s18, $0x7  }
0x287: {  	s18 =	sand.u32 @!p0 $0x1FFFFF80, s18  }
0x288: {  	s19 =	simm.s32 @!p0 $0x1800;
	s18 =	sadd.s32 @!p0 s2, s18  }
0x289: {  	[tilespmem:s19], [sflag:$0x4] =	stream.linear.gather @!p0 [hbm4b:s18+s16], $0x400, $0x38;
	[tilespmem:$0x10E00] =	vst v63  }
0x28a: {  	s20 =	simm.s32 @!p0 $0x3800;
	s19 =	sadd.s32 @!p0 $0xF4280, s18;
	v19 =	vmul.f32 v19, v20;
	v17 =	vmul.f32 v18, v17  }
0x28b: {  	[tilespmem:s20], [sflag:$0x4] =	stream.linear.gather @!p0 [hbm4b:s19+s16], $0x400, $0x38;
	[tilespmem:$0x10E00] =	vst v63  }
0x28c: {  	s17 =	sshll.u32 @!p0 s17, $0x7;
	s19 =	sadd.s32 @!p0 $0x1E8500, s18;
	s20 =	simm.s32 @!p0 $0x5800;
	v17 =	vadd.f32 v17, v19  }
0x28d: {  	[tilespmem:s20], [sflag:$0x4] =	stream.linear.gather @!p0 [hbm4b:s19+s16], $0x400, $0x38;
	[tilespmem:$0x10E00] =	vst v63  }
0x28e: {  	s17 =	sand.u32 @!p0 $0x1FFFFF80, s17;
	(xrf2) =	vadd.scan.msk.f32 $0xffff, v17  }
0x28f: {  	s18 =	sadd.s32 @!p0 $0x2DC780, s18;
	s19 =	simm.s32 @!p0 $0x7800  }
0x290: {  	[tilespmem:s19], [sflag:$0x4] =	stream.linear.gather @!p0 [hbm4b:s18+s16], $0x400, $0x38;
	[tilespmem:$0x10E00] =	vst v63  }
0x291: {  	s17 =	sadd.s32 @!p0 s3, s17;
	s18 =	simm.s32 @!p0 $0x9800  }
0x292: {  	[tilespmem:s18], [sflag:$0xC] =	stream.linear.gather @!p0 [hbm4b:s17+s16], $0x400, $0x38;
	[tilespmem:$0x10E00] =	vst v63  }
0x293: {  	s19 =	simm.s32 @!p0 $0xB800;
	s18 =	sadd.s32 @!p0 $0xF4280, s17  }
0x294: {  	[tilespmem:s19], [sflag:$0xC] =	stream.linear.gather @!p0 [hbm4b:s18+s16], $0x400, $0x38;
	[tilespmem:$0x10E00] =	vst v63  }
0x295: {  	s18 =	sadd.s32 @!p0 $0x1E8500, s17;
	s19 =	simm.s32 @!p0 $0xD800  }
0x296: {  	[tilespmem:s19], [sflag:$0xC] =	stream.linear.gather @!p0 [hbm4b:s18+s16], $0x400, $0x38;
	[tilespmem:$0x10E00] =	vst v63  }
0x297: {  	s1 =	simm.s32 $0x5;
	s17 =	sadd.s32 @!p0 $0x2DC780, s17;
	s18 =	simm.s32 @!p0 $0xF800  }
0x298: {  	[tilespmem:s18], [sflag:$0xC] =	stream.linear.gather @!p0 [hbm4b:s17+s16], $0x400, $0x38;
	v17, _, _ =	vpop (xrf2);
	[tilespmem:$0x10E00] =	vst v63  }
0x299: {  	_ =	swait.ge [sflag:s1], $0x1000  }
0x29a: {  	[sflag:s1] =	ssyncset.done $0x0  }
0x29b: {  	[sflag:s1] =	ssyncadd.s32 $0xFFFFF000  }
0x29c: {  	_ =	swait.ge [sflag:s0], $0x1000  }
0x29d: {  	(v2sf) =	vpush v2, $0xC;
	_ =	sdelay $0x1  }
0x29e: {  	(v2sf) =	vpush v3, $0xC;
	_ =	sdelay $0xa  }
0x29f: {  	(v2sf) =	vpush @!p0 v5, $0x4  }
0x2a0: {  	(v2sf) =	vpush @!p0 v4, $0x4  }
0x2a1: {  	s26 =	spop (v2sf)  }
0x2a2: {  	s17 =	sadd.s32 $0x200, s26  }
0x2a3: {  	s29 =	spop (v2sf);
	v40 =	vmov s17  }
0x2a4: {  	s31 =	sadd.s32 $0x200, s29;
	v41 =	vshll.u32 v40, $0x3  }
0x2a5: {  	v42 =	vmov s31;
	v18 =	vand.u32 $0x7F, v40;
	v19 =	vand.u32 $0xFFFFFC00, v41  }
0x2a6: {  	v43 =	vshll.u32 v42, $0x3;
	v18 =	vor.u32 v18, v19  }
0x2a7: {  	v20 =	vand.u32 $0x7F, v42;
	v19 =	vand.u32 $0xFFFFFC00, v43;
	v44 =	vadd.s32 v0, v18  }
0x2a8: {  	v18 =	vadd.s32 v1, v18;
	v19 =	vor.u32 v20, v19  }
0x2a9: {  	v20 =	vadd.s32 v0, v19  }
0x2aa: {  	[sflag:s0] =	ssyncset.done $0x0;
	v19 =	vadd.s32 v1, v19  }
0x2ab: {  	[sflag:s0] =	ssyncadd.s32 $0xFFFFF000  }
0x2ac: {  	v21 =	vld.idx.msk [tilespmem:v44+s11+$0x0], $0xffff  }
0x2ad: {  	v18 =	vld.idx.msk [tilespmem:v18+s11+$0x0], $0xffff  }
0x2ae: {  	s17 =	spop @!p0 (v2sf);
	v20 =	vld.idx.msk [tilespmem:v20+s15+$0x0], $0xffff  }
0x2af: {  	s18 =	spop @!p0 (v2sf);
	v19 =	vld.idx.msk [tilespmem:v19+s15+$0x0], $0xffff  }
0x2b0: {  	s18 =	sshll.u32 @!p0 s18, $0x7  }
0x2b1: {  	s18 =	sand.u32 @!p0 $0x1FFFFF80, s18  }
0x2b2: {  	s19 =	simm.s32 @!p0 $0x1C00;
	s18 =	sadd.s32 @!p0 s2, s18  }
0x2b3: {  	[tilespmem:s19], [sflag:$0x5] =	stream.linear.gather @!p0 [hbm4b:s18+s16], $0x400, $0x38;
	[tilespmem:$0x10E00] =	vst v63  }
0x2b4: {  	s20 =	simm.s32 @!p0 $0x3C00;
	s19 =	sadd.s32 @!p0 $0xF4280, s18;
	v20 =	vmul.f32 v20, v21;
	v18 =	vmul.f32 v19, v18  }
0x2b5: {  	[tilespmem:s20], [sflag:$0x5] =	stream.linear.gather @!p0 [hbm4b:s19+s16], $0x400, $0x38;
	[tilespmem:$0x10E00] =	vst v63  }
0x2b6: {  	s17 =	sshll.u32 @!p0 s17, $0x7;
	s19 =	sadd.s32 @!p0 $0x1E8500, s18;
	s20 =	simm.s32 @!p0 $0x5C00;
	v18 =	vadd.f32 v18, v20  }
0x2b7: {  	[tilespmem:s20], [sflag:$0x5] =	stream.linear.gather @!p0 [hbm4b:s19+s16], $0x400, $0x38;
	[tilespmem:$0x10E00] =	vst v63  }
0x2b8: {  	s17 =	sand.u32 @!p0 $0x1FFFFF80, s17;
	(xrf2) =	vadd.scan.msk.f32 $0xffff, v18  }
0x2b9: {  	s18 =	sadd.s32 @!p0 $0x2DC780, s18;
	s19 =	simm.s32 @!p0 $0x7C00  }
0x2ba: {  	[tilespmem:s19], [sflag:$0x5] =	stream.linear.gather @!p0 [hbm4b:s18+s16], $0x400, $0x38;
	[tilespmem:$0x10E00] =	vst v63  }
0x2bb: {  	s17 =	sadd.s32 @!p0 s3, s17;
	s18 =	simm.s32 @!p0 $0x9C00  }
0x2bc: {  	[tilespmem:s18], [sflag:$0xD] =	stream.linear.gather @!p0 [hbm4b:s17+s16], $0x400, $0x38;
	[tilespmem:$0x10E00] =	vst v63  }
0x2bd: {  	s19 =	simm.s32 @!p0 $0xBC00;
	s18 =	sadd.s32 @!p0 $0xF4280, s17  }
0x2be: {  	[tilespmem:s19], [sflag:$0xD] =	stream.linear.gather @!p0 [hbm4b:s18+s16], $0x400, $0x38;
	[tilespmem:$0x10E00] =	vst v63  }
0x2bf: {  	s18 =	sadd.s32 @!p0 $0x1E8500, s17;
	s19 =	simm.s32 @!p0 $0xDC00  }
0x2c0: {  	[tilespmem:s19], [sflag:$0xD] =	stream.linear.gather @!p0 [hbm4b:s18+s16], $0x400, $0x38;
	[tilespmem:$0x10E00] =	vst v63  }
0x2c1: {  	s1 =	simm.s32 $0x6;
	s17 =	sadd.s32 @!p0 $0x2DC780, s17;
	s18 =	simm.s32 @!p0 $0xFC00  }
0x2c2: {  	[tilespmem:s18], [sflag:$0xD] =	stream.linear.gather @!p0 [hbm4b:s17+s16], $0x400, $0x38;
	v18, _, _ =	vpop (xrf2);
	[tilespmem:$0x10E00] =	vst v63  }
0x2c3: {  	_ =	swait.ge [sflag:s1], $0x1000  }
0x2c4: {  	[sflag:s1] =	ssyncset.done $0x0  }
0x2c5: {  	[sflag:s1] =	ssyncadd.s32 $0xFFFFF000  }
0x2c6: {  	_ =	swait.ge [sflag:s5], $0x1000  }
0x2c7: {  	(v2sf) =	vpush v2, $0xD;
	_ =	sdelay $0x1  }
0x2c8: {  	(v2sf) =	vpush v3, $0xD;
	_ =	sdelay $0xa  }
0x2c9: {  	(v2sf) =	vpush @!p0 v5, $0x5  }
0x2ca: {  	(v2sf) =	vpush @!p0 v4, $0x5  }
0x2cb: {  	s18 =	spop (v2sf)  }
0x2cc: {  	s17 =	sadd.s32 $0x280, s18  }
0x2cd: {  	s19 =	spop (v2sf);
	v45 =	vmov s17  }
0x2ce: {  	s20 =	sadd.s32 $0x280, s19;
	v46 =	vshll.u32 v45, $0x3  }
0x2cf: {  	v47 =	vmov s20;
	v19 =	vand.u32 $0x7F, v45;
	v20 =	vand.u32 $0xFFFFFC00, v46  }
0x2d0: {  	v48 =	vshll.u32 v47, $0x3;
	v19 =	vor.u32 v19, v20  }
0x2d1: {  	v21 =	vand.u32 $0x7F, v47;
	v20 =	vand.u32 $0xFFFFFC00, v48;
	v49 =	vadd.s32 v0, v19  }
0x2d2: {  	v19 =	vadd.s32 v1, v19;
	v20 =	vor.u32 v21, v20  }
0x2d3: {  	v21 =	vadd.s32 v0, v20  }
0x2d4: {  	[sflag:s5] =	ssyncset.done $0x0;
	v20 =	vadd.s32 v1, v20  }
0x2d5: {  	[sflag:s5] =	ssyncadd.s32 $0xFFFFF000  }
0x2d6: {  	v22 =	vld.idx.msk [tilespmem:v49+s11+$0x0], $0xffff  }
0x2d7: {  	v19 =	vld.idx.msk [tilespmem:v19+s11+$0x0], $0xffff  }
0x2d8: {  	s17 =	spop @!p0 (v2sf);
	v21 =	vld.idx.msk [tilespmem:v21+s15+$0x0], $0xffff  }
0x2d9: {  	s18 =	spop @!p0 (v2sf);
	v20 =	vld.idx.msk [tilespmem:v20+s15+$0x0], $0xffff  }
0x2da: {  	s18 =	sshll.u32 @!p0 s18, $0x7  }
0x2db: {  	s18 =	sand.u32 @!p0 $0x1FFFFF80, s18  }
0x2dc: {  	s19 =	simm.s32 @!p0 $0x2000;
	s18 =	sadd.s32 @!p0 s2, s18  }
0x2dd: {  	[tilespmem:s19], [sflag:$0x6] =	stream.linear.gather @!p0 [hbm4b:s18+s16], $0x400, $0x38;
	[tilespmem:$0x10E00] =	vst v63  }
0x2de: {  	s20 =	simm.s32 @!p0 $0x4000;
	s19 =	sadd.s32 @!p0 $0xF4280, s18;
	v21 =	vmul.f32 v21, v22;
	v19 =	vmul.f32 v20, v19  }
0x2df: {  	[tilespmem:s20], [sflag:$0x6] =	stream.linear.gather @!p0 [hbm4b:s19+s16], $0x400, $0x38;
	[tilespmem:$0x10E00] =	vst v63  }
0x2e0: {  	s17 =	sshll.u32 @!p0 s17, $0x7;
	s19 =	sadd.s32 @!p0 $0x1E8500, s18;
	s20 =	simm.s32 @!p0 $0x6000;
	v19 =	vadd.f32 v19, v21  }
0x2e1: {  	[tilespmem:s20], [sflag:$0x6] =	stream.linear.gather @!p0 [hbm4b:s19+s16], $0x400, $0x38;
	[tilespmem:$0x10E00] =	vst v63  }
0x2e2: {  	s17 =	sand.u32 @!p0 $0x1FFFFF80, s17;
	(xrf2) =	vadd.scan.msk.f32 $0xffff, v19  }
0x2e3: {  	s18 =	sadd.s32 @!p0 $0x2DC780, s18;
	s19 =	simm.s32 @!p0 $0x8000  }
0x2e4: {  	[tilespmem:s19], [sflag:$0x6] =	stream.linear.gather @!p0 [hbm4b:s18+s16], $0x400, $0x38;
	[tilespmem:$0x10E00] =	vst v63  }
0x2e5: {  	s17 =	sadd.s32 @!p0 s3, s17;
	s18 =	simm.s32 @!p0 $0xA000  }
0x2e6: {  	[tilespmem:s18], [sflag:$0xE] =	stream.linear.gather @!p0 [hbm4b:s17+s16], $0x400, $0x38;
	[tilespmem:$0x10E00] =	vst v63  }
0x2e7: {  	s19 =	simm.s32 @!p0 $0xC000;
	s18 =	sadd.s32 @!p0 $0xF4280, s17  }
0x2e8: {  	[tilespmem:s19], [sflag:$0xE] =	stream.linear.gather @!p0 [hbm4b:s18+s16], $0x400, $0x38;
	[tilespmem:$0x10E00] =	vst v63  }
0x2e9: {  	s18 =	sadd.s32 @!p0 $0x1E8500, s17;
	s19 =	simm.s32 @!p0 $0xE000  }
0x2ea: {  	[tilespmem:s19], [sflag:$0xE] =	stream.linear.gather @!p0 [hbm4b:s18+s16], $0x400, $0x38;
	[tilespmem:$0x10E00] =	vst v63  }
0x2eb: {  	s17 =	sadd.s32 @!p0 $0x2DC780, s17;
	s18 =	simm.s32 @!p0 $0x10000  }
0x2ec: {  	[tilespmem:s18], [sflag:$0xE] =	stream.linear.gather @!p0 [hbm4b:s17+s16], $0x400, $0x38;
	v19, _, _ =	vpop (xrf2);
	[tilespmem:$0x10E00] =	vst v63  }
0x2ed: {  	_ =	swait.ge [sflag:s6], $0x1000  }
0x2ee: {  	[sflag:s6] =	ssyncset.done $0x0  }
0x2ef: {  	[sflag:s6] =	ssyncadd.s32 $0xFFFFF000  }
0x2f0: {  	_ =	swait.ge [sflag:s7], $0x1000  }
0x2f1: {  	(v2sf) =	vpush v2, $0xE;
	_ =	sdelay $0x1  }
0x2f2: {  	(v2sf) =	vpush v3, $0xE;
	_ =	sdelay $0xa  }
0x2f3: {  	(v2sf) =	vpush @!p0 v5, $0x6  }
0x2f4: {  	(v2sf) =	vpush @!p0 v4, $0x6  }
0x2f5: {  	s21 =	spop (v2sf)  }
0x2f6: {  	s17 =	sadd.s32 $0x300, s21  }
0x2f7: {  	s24 =	spop (v2sf);
	v50 =	vmov s17  }
0x2f8: {  	s26 =	sadd.s32 $0x300, s24;
	v51 =	vshll.u32 v50, $0x3  }
0x2f9: {  	v52 =	vmov s26;
	v4 =	vand.u32 $0x7F, v50;
	v5 =	vand.u32 $0xFFFFFC00, v51  }
0x2fa: {  	v53 =	vshll.u32 v52, $0x3;
	v4 =	vor.u32 v4, v5  }
0x2fb: {  	v20 =	vand.u32 $0x7F, v52;
	v5 =	vand.u32 $0xFFFFFC00, v53;
	v54 =	vadd.s32 v0, v4  }
0x2fc: {  	v4 =	vadd.s32 v1, v4;
	v5 =	vor.u32 v20, v5  }
0x2fd: {  	v20 =	vadd.s32 v0, v5  }
0x2fe: {  	[sflag:s7] =	ssyncset.done $0x0;
	v5 =	vadd.s32 v1, v5  }
0x2ff: {  	[sflag:s7] =	ssyncadd.s32 $0xFFFFF000  }
0x300: {  	v21 =	vld.idx.msk [tilespmem:v54+s11+$0x0], $0xffff  }
0x301: {  	v4 =	vld.idx.msk [tilespmem:v4+s11+$0x0], $0xffff  }
0x302: {  	s17 =	spop @!p0 (v2sf);
	v20 =	vld.idx.msk [tilespmem:v20+s15+$0x0], $0xffff  }
0x303: {  	s18 =	spop @!p0 (v2sf);
	v5 =	vld.idx.msk [tilespmem:v5+s15+$0x0], $0xffff  }
0x304: {  	s18 =	sshll.u32 @!p0 s18, $0x7  }
0x305: {  	s18 =	sand.u32 @!p0 $0x1FFFFF80, s18  }
0x306: {  	s19 =	simm.s32 @!p0 $0x2400;
	s18 =	sadd.s32 @!p0 s2, s18  }
0x307: {  	[tilespmem:s19], [sflag:$0x7] =	stream.linear.gather @!p0 [hbm4b:s18+s16], $0x400, $0x38;
	[tilespmem:$0x10E00] =	vst v63  }
0x308: {  	s20 =	simm.s32 @!p0 $0x4400;
	s19 =	sadd.s32 @!p0 $0xF4280, s18;
	v20 =	vmul.f32 v20, v21;
	v4 =	vmul.f32 v5, v4  }
0x309: {  	[tilespmem:s20], [sflag:$0x7] =	stream.linear.gather @!p0 [hbm4b:s19+s16], $0x400, $0x38;
	[tilespmem:$0x10E00] =	vst v63  }
0x30a: {  	s17 =	sshll.u32 @!p0 s17, $0x7;
	s19 =	sadd.s32 @!p0 $0x1E8500, s18;
	s20 =	simm.s32 @!p0 $0x6400;
	v4 =	vadd.f32 v4, v20  }
0x30b: {  	[tilespmem:s20], [sflag:$0x7] =	stream.linear.gather @!p0 [hbm4b:s19+s16], $0x400, $0x38;
	[tilespmem:$0x10E00] =	vst v63  }
0x30c: {  	s17 =	sand.u32 @!p0 $0x1FFFFF80, s17;
	(xrf2) =	vadd.scan.msk.f32 $0xffff, v4  }
0x30d: {  	s18 =	sadd.s32 @!p0 $0x2DC780, s18;
	s19 =	simm.s32 @!p0 $0x8400  }
0x30e: {  	[tilespmem:s19], [sflag:$0x7] =	stream.linear.gather @!p0 [hbm4b:s18+s16], $0x400, $0x38;
	[tilespmem:$0x10E00] =	vst v63  }
0x30f: {  	s17 =	sadd.s32 @!p0 s3, s17;
	s18 =	simm.s32 @!p0 $0xA400  }
0x310: {  	[tilespmem:s18], [sflag:$0xF] =	stream.linear.gather @!p0 [hbm4b:s17+s16], $0x400, $0x38;
	[tilespmem:$0x10E00] =	vst v63  }
0x311: {  	s19 =	simm.s32 @!p0 $0xC400;
	s18 =	sadd.s32 @!p0 $0xF4280, s17  }
0x312: {  	[tilespmem:s19], [sflag:$0xF] =	stream.linear.gather @!p0 [hbm4b:s18+s16], $0x400, $0x38;
	[tilespmem:$0x10E00] =	vst v63  }
0x313: {  	s18 =	sadd.s32 @!p0 $0x1E8500, s17;
	s19 =	simm.s32 @!p0 $0xE400  }
0x314: {  	[tilespmem:s19], [sflag:$0xF] =	stream.linear.gather @!p0 [hbm4b:s18+s16], $0x400, $0x38;
	[tilespmem:$0x10E00] =	vst v63  }
0x315: {  	s17 =	sadd.s32 @!p0 $0x2DC780, s17;
	s18 =	simm.s32 @!p0 $0x10400  }
0x316: {  	[tilespmem:s18], [sflag:$0xF] =	stream.linear.gather @!p0 [hbm4b:s17+s16], $0x400, $0x38;
	v4, _, _ =	vpop (xrf2);
	[tilespmem:$0x10E00] =	vst v63  }
0x317: {  	_ =	swait.ge [sflag:s8], $0x1000  }
0x318: {  	[sflag:s8] =	ssyncset.done $0x0  }
0x319: {  	[sflag:s8] =	ssyncadd.s32 $0xFFFFF000  }
0x31a: {  	_ =	swait.ge [sflag:s9], $0x1000  }
0x31b: {  	(v2sf) =	vpush v2, $0xF;
	_ =	sdelay $0x1  }
0x31c: {  	(v2sf) =	vpush v3, $0xF;
	_ =	sdelay $0xc  }
0x31d: {  	s29 =	spop (v2sf)  }
0x31e: {  	s16 =	sadd.s32 $0x380, s29  }
0x31f: {  	s31 =	spop (v2sf);
	v2 =	vmov s16  }
0x320: {  	s16 =	sadd.s32 $0x380, s31;
	v3 =	vshll.u32 v2, $0x3  }
0x321: {  	v55 =	vmov s16;
	v2 =	vand.u32 $0x7F, v2;
	v3 =	vand.u32 $0xFFFFFC00, v3  }
0x322: {  	v2 =	vor.u32 v2, v3;
	v3 =	vshll.u32 v55, $0x3  }
0x323: {  	v5 =	vand.u32 $0x7F, v55;
	v56 =	vadd.s32 v0, v2;
	v3 =	vand.u32 $0xFFFFFC00, v3  }
0x324: {  	v2 =	vadd.s32 v1, v2;
	v3 =	vor.u32 v5, v3  }
0x325: {  	v5 =	vadd.s32 v0, v3  }
0x326: {  	[sflag:s9] =	ssyncset.done $0x0;
	v3 =	vadd.s32 v1, v3  }
0x327: {  	[sflag:s9] =	ssyncadd.s32 $0xFFFFF000  }
0x328: {  	v20 =	vld.idx.msk [tilespmem:v56+s11+$0x0], $0xffff  }
0x329: {  	v2 =	vld.idx.msk [tilespmem:v2+s11+$0x0], $0xffff  }
0x32a: {  	v5 =	vld.idx.msk [tilespmem:v5+s15+$0x0], $0xffff  }
0x32b: {  	v3 =	vld.idx.msk [tilespmem:v3+s15+$0x0], $0xffff;
	_ =	sdelay $0x2  }
0x32c: {  	v9 =	vbroadcast v9, $0xF;
	v12 =	vbroadcast v57, $0xF  }
0x32d: {  	v13 =	vbroadcast v58, $0xF;
	v57 =	vbroadcast v59, $0xF  }
0x32e: {  	v5 =	vmul.f32 v5, v20;
	v2 =	vmul.f32 v3, v2;
	v3 =	vsel vm6, v9, v12  }
0x32f: {  	v58 =	vbroadcast v60, $0xF;
	v3 =	vsel vm7, v3, v13  }
0x330: {  	v59 =	vbroadcast v61, $0xF;
	v2 =	vadd.f32 v2, v5;
	v3 =	vsel vm8, v3, v57  }
0x331: {  	v60 =	vbroadcast v62, $0xF;
	v3 =	vsel vm9, v3, v58  }
0x332: {  	(xrf2) =	vadd.scan.msk.f32 $0xffff, v2;
	v2 =	vsel vm10, v3, v59;
	v3 =	vbroadcast v63, $0xF  }
0x333: {  	v61 =	vbroadcast v14, $0xF;
	v2 =	vsel vm11, v2, v60  }
0x334: {  	v2 =	vsel vm12, v2, v3;
	v3 =	vbroadcast v15, $0xF  }
0x335: {  	v62 =	vbroadcast v16, $0xF;
	v2 =	vsel vm13, v2, v61  }
0x336: {  	v2 =	vsel vm0, v3, v2;
	v3 =	vbroadcast v17, $0xF  }
0x337: {  	v2 =	vsel vm1, v62, v2  }
0x338: {  	s12 =	sadd.s32 $0x40, s12;
	v63 =	vbroadcast v18, $0xF;
	v2 =	vsel vm2, v3, v2;
	v3 =	vbroadcast v19, $0xF  }
0x339: {  	p0 =	sne.s32 s12, $0x640  }
.Ltmp1:
0x33a: {  	v4 =	vbroadcast v4, $0xF;
	v2 =	vsel vm3, v63, v2;
	(pc) =	sbr.rel @p0 .LBB2_4-.Ltmp1, $4  }
0x33b: {  	v2 =	vsel vm4, v3, v2  }
0x33c: {  	v2 =	vsel vm5, v4, v2;
	v3, _, _ =	vpop (xrf2)  }
0x33d: {  	s13 =	sadd.s32 $0x1, s13;
	v2 =	vsel vm14, v2, v3  }
0x33e: {  	s20 =	simm.s32 $0x6C00;
	s19 =	simm.s32 $0x4C00;
	s18 =	simm.s32 $0x2C00;
	[tilespmem:s14+$0x10C00] =	vst v2  }
0x33f: {  	s12 =	rddreg [dreg:$0x7];
	s13 =	simm.s32 $0x10C00  }
0x340: {  	[hbm4b:s12+s4] =	stream.linear.scatter [tilespmem:s13], [sflag:$0x11], $0x190, $0x38;
	[tilespmem:$0x10E00] =	vst v63  }
0x341: {  	s13 =	simm.s32 $0x11  }
0x342: {  	_ =	swait.ge [sflag:s13], $0x190  }
0x343: {  	s14 =	rddreg [dreg:$0x9]  }
0x344: {  	s31 =	rddreg [dreg:$0x8];
	s14 =	sadd.s32 $0x1, s14  }
0x345: {  	p0 =	sne.s32 s14, s31  }
.Ltmp2:
0x346: {  	_ = 	snop;
	(pc) =	sbr.rel @p0 .LBB2_1-.Ltmp2, $3  }
0x347: {  	_ =	sdelay $0x1  }
0x348: {  	[sflag:s13] =	ssyncset.done $0x0  }
0x349: {  	s16 =	simm.s32 $0xAC00;
	s17 =	simm.s32 $0xCC00;
	[sflag:s13] =	ssyncadd.s32 $0xFFFFFE70  }
0x34a: {  	_ =	sfence.sel $0x180000  }
0x34b: {  	[bflag:$0x0] =	sbarrier.arrive $0xFFFF  }
0x34c: {  	_ =	strace $0x90000047  }
0x34d: {  	s0 =	stileid.u32;
	[bflag:$0x2] =	sbarrier.arrive $0xFFFF  }
0x34e: {  	p0 =	sne.s32 s0, $0x0;
	s0 =	rddreg [dreg:$0x4]  }
0x34f: {  	s0 =	sadd.s32 @!p0 $0x100000, s0  }
0x350: {  	[sflag:s0] =	ssyncadd.tile.s32 @!p0 $0x1;
	_ =	shalt  }
.Lfunc_end2:
_tile_overlayer_lowered:
.L_overlay_start_2:
0x351: {  	(tag) =	ssettag $0x2  }
0x352: {  	s0 =	rddreg [dreg:$0x0];
	s2 =	stileid.u32  }
0x353: {  	s1 =	rddreg [dreg:$0x1];
	p0 =	sne.s32 s2, $0x0  }
0x354: {  	s3 =	rddreg [dreg:$0x2];
	[bflag:$0x3] =	sbarrier.arrive $0xFFFF;
	s2 =	simm.s32 @!p0 $0x1C11  }
0x355: {  	[timem:s3], [sflag:s2] =	dma.local @!p0 [hbm:s0], s1  }
0x356: {  	s0 =	simm.s32 @!p0 $0x11  }
0x357: {  	_ =	swait.ge @!p0 [sflag:s0], s1  }
0x358: {  	s1 =	ssub.s32 @!p0 $0x0, s1;
	[sflag:s0] =	ssyncset.done @!p0 $0x0  }
0x359: {  	[sflag:s0] =	ssyncadd.s32 @!p0 s1  }
0x35a: {  	[bflag:$0x3] =	sbarrier.arrive $0xFFFF  }
0x35b: {  	_ =	shalt  }

</sc_bundles>
